<compile_context>
chip_gen: v7x
topology: tpu7x:2x2x1
jax: 0.10.2.dev20260603
libtpu: 0.0.44.dev20260713+nightly
codegen_flags: <defaults>
</compile_context>

<pallas_src>
import functools

import jax
import jax.numpy as jnp
from jax import lax
from jax.experimental import pallas as pl
from jax.experimental.pallas import tpu as pltpu
from jax.experimental.pallas import tpu_sc as plsc

VOCAB = 100000
EMB = 128
NCLS = 6
B = 4096
L = 200

PW = 16
NC, NS = 2, 16
NW = NC * NS
BPW = B // NW
CH = 16
NCHUNK = BPW // CH
IDX_PER_CH = CH * L
DMA_ROWS = 128
NDMA = IDX_PER_CH // DMA_ROWS
TC_BLK = 4000

_UNROLL = 40


TC_BLK2 = 4096
VOCAB_PAD = 102400


def _tc_project_body(emb_ref, w1_ref, b1_ref, w2p_ref, b2p_ref, p_ref):
    hi = lax.Precision.HIGHEST
    wc = lax.dot_general(w2p_ref[...], w1_ref[...], (((1,), (0,)), ((), ())),
                         precision=hi, preferred_element_type=jnp.float32)
    c = lax.dot_general(b1_ref[...], w2p_ref[...], (((1,), (1,)), ((), ())),
                        precision=hi, preferred_element_type=jnp.float32)
    c = c + b2p_ref[...]
    wcp = jnp.concatenate(
        [jnp.transpose(wc), jnp.zeros((EMB, 128 - PW), jnp.float32)], axis=1)
    cp = jnp.concatenate([c, jnp.zeros((1, 128 - PW), jnp.float32)], axis=1)
    p = lax.dot_general(emb_ref[...], wcp, (((1,), (0,)), ((), ())),
                        preferred_element_type=jnp.float32)
    p_ref[...] = (p + cp) * (1.0 / L)


def _project_table(emb_table, w1, b1, w2p, b2p):
    grid = VOCAB_PAD // TC_BLK2
    return pl.pallas_call(
        _tc_project_body,
        grid=(grid,),
        in_specs=[
            pl.BlockSpec((TC_BLK2, EMB), lambda i: (i, 0)),
            pl.BlockSpec((50, EMB), lambda i: (0, 0)),
            pl.BlockSpec((1, 50), lambda i: (0, 0)),
            pl.BlockSpec((PW, 50), lambda i: (0, 0)),
            pl.BlockSpec((1, PW), lambda i: (0, 0)),
        ],
        out_specs=pl.BlockSpec((TC_BLK2, 128), lambda i: (i, 0)),
        out_shape=jax.ShapeDtypeStruct((VOCAB_PAD, 128), jnp.float32),
    )(emb_table, w1, b1, w2p, b2p)


def _sc_body(text_hbm, p_hbm, out_hbm, idx0, idx1, g0, g1, obuf,
             gsem0, gsem1, isem):
    wid = lax.axis_index("s") * NC + lax.axis_index("c")
    ibufs = (idx0, idx1)
    gbufs = (g0, g1)
    gsems = (gsem0, gsem1)

    def start_idx(k):
        return pltpu.async_copy(text_hbm.at[wid, k], ibufs[k % 2], isem)

    def start_gather(k):
        return pltpu.async_copy(p_hbm.at[ibufs[k % 2]], gbufs[k % 2],
                                gsems[k % 2])

    def accum_chunk(gb, k):
        def body_b(b, carry):
            base = b * L

            def body_t(tt, accs):
                i = base + tt * _UNROLL
                a0, a1, a2, a3 = accs
                for u in range(0, _UNROLL, 4):
                    a0 = a0 + gb[i + u]
                    a1 = a1 + gb[i + u + 1]
                    a2 = a2 + gb[i + u + 2]
                    a3 = a3 + gb[i + u + 3]
                return (a0, a1, a2, a3)

            z = jnp.zeros((PW,), jnp.float32)
            a0, a1, a2, a3 = lax.fori_loop(0, L // _UNROLL, body_t,
                                           (z, z, z, z))
            obuf[k * CH + b] = (a0 + a1) + (a2 + a3)
            return carry

        lax.fori_loop(0, CH, body_b, 0)

    idescs = [None, None]
    gdescs = [None, None]
    idescs[0] = start_idx(0)
    idescs[0].wait()
    gdescs[0] = start_gather(0)
    idescs[1] = start_idx(1)
    for k in range(NCHUNK):
        p = k % 2
        if k + 1 < NCHUNK:
            idescs[1 - p].wait()
            gdescs[1 - p] = start_gather(k + 1)
        gdescs[p].wait()
        if k + 2 < NCHUNK:
            idescs[p] = start_idx(k + 2)
        accum_chunk(gbufs[p], k)

    pltpu.sync_copy(obuf, out_hbm.at[pl.ds(wid * BPW, BPW)])


_sc_gather_sum = functools.partial(
    pl.kernel,
    out_type=jax.ShapeDtypeStruct((B, PW), jnp.float32),
    mesh=plsc.VectorSubcoreMesh(core_axis_name="c", subcore_axis_name="s"),
    compiler_params=pltpu.CompilerParams(use_tc_tiling_on_sc=False),
    scratch_types=[
        pltpu.VMEM((IDX_PER_CH,), jnp.int32),
        pltpu.VMEM((IDX_PER_CH,), jnp.int32),
        pltpu.VMEM((IDX_PER_CH, PW), jnp.float32),
        pltpu.VMEM((IDX_PER_CH, PW), jnp.float32),
        pltpu.VMEM((BPW, PW), jnp.float32),
        pltpu.SemaphoreType.DMA,
        pltpu.SemaphoreType.DMA,
        pltpu.SemaphoreType.DMA,
    ],
)(_sc_body)


def kernel(text, emb_table, W1, b1, W2, b2):
    w2p = jnp.zeros((PW, 50), jnp.float32).at[:NCLS].set(W2)
    b2p = jnp.zeros((1, PW), jnp.float32).at[0, :NCLS].set(b2)
    p_wide = _project_table(emb_table, W1, b1.reshape(1, 50), w2p, b2p)
    p_table = p_wide.reshape(8 * VOCAB_PAD, PW)
    text_lin = lax.optimization_barrier(
        text.astype(jnp.int32).reshape(-1) * 8)
    text_r = text_lin.reshape(NW, NCHUNK, IDX_PER_CH)
    out = _sc_gather_sum(text_r, p_table)
    return out[:, :NCLS]

# --- scband reference (transcript-rebuilt; emitter-appended) ---
"""Pipeline reference for scband-emotions-classification-model-71829033058787 (READ-ONLY COPY).

The authoritative reference and input builder live on the scoring server;
editing this copy changes nothing except your own understanding.
"""

import jax, jax.numpy as jnp
import numpy as np

VOCAB = 100000
EMB = 128
NCLS = 6
B = 4096
L = 200

def setup_inputs(seed: int = 0) -> dict:
    key = jax.random.key(seed)
    k_text, k_emb, k_w1, k_b1, k_w2, k_b2 = jax.random.split(key, 6)
    text = jax.random.randint(k_text, (B, L), 0, VOCAB, dtype=jnp.int64) if jax.config.jax_enable_x64 else jax.random.randint(k_text, (B, L), 0, VOCAB, dtype=jnp.int32)
    emb_table = jax.random.normal(k_emb, (VOCAB, EMB), dtype=jnp.float32) * 0.02
    # torch nn.Linear: weight shape [out, in], y = x @ W.T + b
    W1 = jax.random.normal(k_w1, (50, EMB), dtype=jnp.float32) * (1.0 / np.sqrt(EMB))
    b1 = jnp.zeros((50,), dtype=jnp.float32)
    W2 = jax.random.normal(k_w2, (NCLS, 50), dtype=jnp.float32) * (1.0 / np.sqrt(50))
    b2 = jnp.zeros((NCLS,), dtype=jnp.float32)
    return {"text": text, "emb_table": emb_table, "W1": W1, "b1": b1, "W2": W2, "b2": b2}

def reference(text, emb_table, W1, b1, W2, b2):
    embedded = jnp.take(emb_table, text, axis=0)          # [B, L, EMB]
    sentence_embeddings = jnp.mean(embedded, axis=1)      # [B, EMB]
    h = sentence_embeddings @ W1.T + b1                   # [B, 50]
    out = h @ W2.T + b2                                   # [B, NCLS]
    return out

if __name__ == "__main__":
    import jax
    _d = setup_inputs()
    print(jax.jit(kernel)(*tuple(_d.values())))

</pallas_src>

<mosaic_0001>
#map = affine_map<(d0, d1) -> (0, 0, 0)>
#map1 = affine_map<(d0, d1) -> (0, 0)>
module attributes {stable_mosaic.version = 14 : i64} {
  func.func @_sc_body(%arg0: i32, %arg1: i32, %arg2: memref<32x8x3200xi32, #tpu.memory_space<hbm>>, %arg3: memref<819200x16xf32, #tpu.memory_space<hbm>>, %arg4: memref<4096x16xf32, #tpu.memory_space<hbm>>, %arg5: memref<3200xi32, #tpu.memory_space<vmem>>, %arg6: memref<3200xi32, #tpu.memory_space<vmem>>, %arg7: memref<3200x16xf32, #tpu.memory_space<vmem>>, %arg8: memref<3200x16xf32, #tpu.memory_space<vmem>>, %arg9: memref<128x16xf32, #tpu.memory_space<vmem>>, %arg10: memref<!tpu.dma_semaphore, #tpu.memory_space<semaphore_mem>>, %arg11: memref<!tpu.dma_semaphore, #tpu.memory_space<semaphore_mem>>, %arg12: memref<!tpu.dma_semaphore, #tpu.memory_space<semaphore_mem>>) attributes {dimension_semantics = [#tpu.dimension_semantics<core_parallel>, #tpu.dimension_semantics<subcore_parallel>], iteration_bounds = array<i64: 2, 16>, scalar_prefetch = 0 : i64, scratch_operands = 8 : i64, tpu.core_type = #tpu.core_type<sc_vector_subcore>, window_params = [{transform_indices = #map}, {transform_indices = #map1}, {transform_indices = #map1}]} {
    %mul3A = arith.constant 2 : i32
    %mul3A_0 = arith.muli %arg1, %mul3A : i32
    %add3A = arith.addi %mul3A_0, %arg0 : i32
    %dma_start3A = arith.constant 0 : i32
    %dma_start3A_1 = arith.constant 0 : i32
    %dma_start3A_2 = tpu.memref_slice %arg2[%add3A, %dma_start3A, %dma_start3A_1] : memref<32x8x3200xi32, #tpu.memory_space<hbm>> -> memref<1x1x3200xi32, #tpu.memory_space<hbm>>
    %dma_start3A_3 = tpu.memref_squeeze %dma_start3A_2 : memref<1x1x3200xi32, #tpu.memory_space<hbm>> -> memref<3200xi32, #tpu.memory_space<hbm>>
    %dma_start3A_4 = arith.constant 0 : i32
    %dma_start3A_5 = tpu.memref_slice %arg2[%add3A, %dma_start3A, %dma_start3A_4] : memref<32x8x3200xi32, #tpu.memory_space<hbm>> -> memref<1x1x3200xi32, #tpu.memory_space<hbm>>
    %dma_start3A_6 = tpu.memref_squeeze %dma_start3A_5 : memref<1x1x3200xi32, #tpu.memory_space<hbm>> -> memref<3200xi32, #tpu.memory_space<hbm>>
    tpu.enqueue_dma source(%dma_start3A_6 : memref<3200xi32, #tpu.memory_space<hbm>>) target(%arg5 : memref<3200xi32, #tpu.memory_space<vmem>>) target_semaphore(%arg12 : memref<!tpu.dma_semaphore, #tpu.memory_space<semaphore_mem>>)
    %dma_wait3A = arith.constant 0 : i32
    %dma_wait3A_7 = arith.constant 0 : i32
    %dma_wait3A_8 = tpu.memref_slice %arg2[%add3A, %dma_wait3A, %dma_wait3A_7] : memref<32x8x3200xi32, #tpu.memory_space<hbm>> -> memref<1x1x3200xi32, #tpu.memory_space<hbm>>
    %dma_wait3A_9 = tpu.memref_squeeze %dma_wait3A_8 : memref<1x1x3200xi32, #tpu.memory_space<hbm>> -> memref<3200xi32, #tpu.memory_space<hbm>>
    %dma_wait3A_10 = arith.constant 0 : i32
    %dma_wait3A_11 = tpu.memref_slice %arg2[%add3A, %dma_wait3A, %dma_wait3A_10] : memref<32x8x3200xi32, #tpu.memory_space<hbm>> -> memref<1x1x3200xi32, #tpu.memory_space<hbm>>
    %dma_wait3A_12 = tpu.memref_squeeze %dma_wait3A_11 : memref<1x1x3200xi32, #tpu.memory_space<hbm>> -> memref<3200xi32, #tpu.memory_space<hbm>>
    tpu.wait_dma2 semaphore(%arg12 : memref<!tpu.dma_semaphore, #tpu.memory_space<semaphore_mem>>) src(%dma_wait3A_12 : memref<3200xi32, #tpu.memory_space<hbm>>) dst(%arg5 : memref<3200xi32, #tpu.memory_space<vmem>>)
    %dma_start3A_13 = arith.constant 0 : i32
    %dma_start3A_14 = arith.constant 0 : i32
    %dma_start3A_15 = tpu.memref_slice %arg3[%dma_start3A_13, %dma_start3A_14] : memref<819200x16xf32, #tpu.memory_space<hbm>> -> memref<819200x16xf32, #tpu.memory_space<hbm>>
    tpu.enqueue_indirect_dma source(%dma_start3A_15 : memref<819200x16xf32, #tpu.memory_space<hbm>>) target(%arg7 : memref<3200x16xf32, #tpu.memory_space<vmem>>) offsets(%arg5 : memref<3200xi32, #tpu.memory_space<vmem>>) semaphore(%arg10 : memref<!tpu.dma_semaphore, #tpu.memory_space<semaphore_mem>>)
    %dma_start3A_16 = arith.constant 1 : i32
    %dma_start3A_17 = arith.constant 0 : i32
    %dma_start3A_18 = tpu.memref_slice %arg2[%add3A, %dma_start3A_16, %dma_start3A_17] : memref<32x8x3200xi32, #tpu.memory_space<hbm>> -> memref<1x1x3200xi32, #tpu.memory_space<hbm>>
    %dma_start3A_19 = tpu.memref_squeeze %dma_start3A_18 : memref<1x1x3200xi32, #tpu.memory_space<hbm>> -> memref<3200xi32, #tpu.memory_space<hbm>>
    %dma_start3A_20 = arith.constant 0 : i32
    %dma_start3A_21 = tpu.memref_slice %arg2[%add3A, %dma_start3A_16, %dma_start3A_20] : memref<32x8x3200xi32, #tpu.memory_space<hbm>> -> memref<1x1x3200xi32, #tpu.memory_space<hbm>>
    %dma_start3A_22 = tpu.memref_squeeze %dma_start3A_21 : memref<1x1x3200xi32, #tpu.memory_space<hbm>> -> memref<3200xi32, #tpu.memory_space<hbm>>
    tpu.enqueue_dma source(%dma_start3A_22 : memref<3200xi32, #tpu.memory_space<hbm>>) target(%arg6 : memref<3200xi32, #tpu.memory_space<vmem>>) target_semaphore(%arg12 : memref<!tpu.dma_semaphore, #tpu.memory_space<semaphore_mem>>)
    %dma_wait3A_23 = arith.constant 1 : i32
    %dma_wait3A_24 = arith.constant 0 : i32
    %dma_wait3A_25 = tpu.memref_slice %arg2[%add3A, %dma_wait3A_23, %dma_wait3A_24] : memref<32x8x3200xi32, #tpu.memory_space<hbm>> -> memref<1x1x3200xi32, #tpu.memory_space<hbm>>
    %dma_wait3A_26 = tpu.memref_squeeze %dma_wait3A_25 : memref<1x1x3200xi32, #tpu.memory_space<hbm>> -> memref<3200xi32, #tpu.memory_space<hbm>>
    %dma_wait3A_27 = arith.constant 0 : i32
    %dma_wait3A_28 = tpu.memref_slice %arg2[%add3A, %dma_wait3A_23, %dma_wait3A_27] : memref<32x8x3200xi32, #tpu.memory_space<hbm>> -> memref<1x1x3200xi32, #tpu.memory_space<hbm>>
    %dma_wait3A_29 = tpu.memref_squeeze %dma_wait3A_28 : memref<1x1x3200xi32, #tpu.memory_space<hbm>> -> memref<3200xi32, #tpu.memory_space<hbm>>
    tpu.wait_dma2 semaphore(%arg12 : memref<!tpu.dma_semaphore, #tpu.memory_space<semaphore_mem>>) src(%dma_wait3A_29 : memref<3200xi32, #tpu.memory_space<hbm>>) dst(%arg6 : memref<3200xi32, #tpu.memory_space<vmem>>)
    %dma_start3A_30 = arith.constant 0 : i32
    %dma_start3A_31 = arith.constant 0 : i32
    %dma_start3A_32 = tpu.memref_slice %arg3[%dma_start3A_30, %dma_start3A_31] : memref<819200x16xf32, #tpu.memory_space<hbm>> -> memref<819200x16xf32, #tpu.memory_space<hbm>>
    tpu.enqueue_indirect_dma source(%dma_start3A_32 : memref<819200x16xf32, #tpu.memory_space<hbm>>) target(%arg8 : memref<3200x16xf32, #tpu.memory_space<vmem>>) offsets(%arg6 : memref<3200xi32, #tpu.memory_space<vmem>>) semaphore(%arg11 : memref<!tpu.dma_semaphore, #tpu.memory_space<semaphore_mem>>)
    %dma_wait3A_33 = arith.constant 0 : i32
    %dma_wait3A_34 = arith.constant 0 : i32
    %dma_wait3A_35 = tpu.memref_slice %arg3[%dma_wait3A_33, %dma_wait3A_34] : memref<819200x16xf32, #tpu.memory_space<hbm>> -> memref<819200x16xf32, #tpu.memory_space<hbm>>
    tpu.wait_indirect_dma semaphore(%arg10 : memref<!tpu.dma_semaphore, #tpu.memory_space<semaphore_mem>>) src(%dma_wait3A_35 : memref<819200x16xf32, #tpu.memory_space<hbm>>) dst(%arg7 : memref<3200x16xf32, #tpu.memory_space<vmem>>)
    %dma_start3A_36 = arith.constant 2 : i32
    %dma_start3A_37 = arith.constant 0 : i32
    %dma_start3A_38 = tpu.memref_slice %arg2[%add3A, %dma_start3A_36, %dma_start3A_37] : memref<32x8x3200xi32, #tpu.memory_space<hbm>> -> memref<1x1x3200xi32, #tpu.memory_space<hbm>>
    %dma_start3A_39 = tpu.memref_squeeze %dma_start3A_38 : memref<1x1x3200xi32, #tpu.memory_space<hbm>> -> memref<3200xi32, #tpu.memory_space<hbm>>
    %dma_start3A_40 = arith.constant 0 : i32
    %dma_start3A_41 = tpu.memref_slice %arg2[%add3A, %dma_start3A_36, %dma_start3A_40] : memref<32x8x3200xi32, #tpu.memory_space<hbm>> -> memref<1x1x3200xi32, #tpu.memory_space<hbm>>
    %dma_start3A_42 = tpu.memref_squeeze %dma_start3A_41 : memref<1x1x3200xi32, #tpu.memory_space<hbm>> -> memref<3200xi32, #tpu.memory_space<hbm>>
    tpu.enqueue_dma source(%dma_start3A_42 : memref<3200xi32, #tpu.memory_space<hbm>>) target(%arg5 : memref<3200xi32, #tpu.memory_space<vmem>>) target_semaphore(%arg12 : memref<!tpu.dma_semaphore, #tpu.memory_space<semaphore_mem>>)
    %scan3A = arith.constant 0 : i32
    %scan3A_43 = arith.constant 0 : i32
    %scan3A_44 = arith.constant 16 : i32
    %scan3A_45 = arith.addi %scan3A_43, %scan3A_44 : i32
    %scan3A_46 = arith.constant 1 : i32
    scf.for %scan3A_208 = %scan3A_43 to %scan3A_45 step %scan3A_46  : i32 {
      %mul3A_209 = arith.constant 200 : i32
      %mul3A_210 = arith.muli %scan3A_208, %mul3A_209 : i32
      %broadcast_in_dim3A = arith.constant 0.000000e+00 : f32
      %broadcast_in_dim3A_211 = vector.broadcast %broadcast_in_dim3A : f32 to vector<16xf32>
      %scan3A_212 = arith.constant 0 : i32
      %scan3A_213 = arith.constant 5 : i32
      %scan3A_214 = arith.addi %scan3A_212, %scan3A_213 : i32
      %scan3A_215 = arith.constant 1 : i32
      %scan3A_216:4 = scf.for %scan3A_227 = %scan3A_212 to %scan3A_214 step %scan3A_215 iter_args(%scan3A_228 = %broadcast_in_dim3A_211, %scan3A_229 = %broadcast_in_dim3A_211, %scan3A_230 = %broadcast_in_dim3A_211, %scan3A_231 = %broadcast_in_dim3A_211) -> (vector<16xf32>, vector<16xf32>, vector<16xf32>, vector<16xf32>)  : i32 {
        %mul3A_232 = arith.constant 40 : i32
        %mul3A_233 = arith.muli %scan3A_227, %mul3A_232 : i32
        %add3A_234 = arith.addi %mul3A_210, %mul3A_233 : i32
        %add3A_235 = arith.constant 0 : i32
        %add3A_236 = arith.addi %add3A_234, %add3A_235 : i32
        %get3A = arith.index_cast %add3A_236 : i32 to index
        %get3A_237 = arith.constant 0 : index
        %get3A_238 = tpu.vector_load %arg7[%get3A, %get3A_237] {strides = array<i32>} : memref<3200x16xf32, #tpu.memory_space<vmem>>, vector<1x16xf32>,
        %get3A_239 = vector.shape_cast %get3A_238 : vector<1x16xf32> to vector<16xf32>
        %add3A_240 = arith.addf %scan3A_228, %get3A_239 : vector<16xf32>
        %add3A_241 = arith.constant 0 : i32
        %add3A_242 = arith.addi %add3A_234, %add3A_241 : i32
        %add3A_243 = arith.constant 1 : i32
        %add3A_244 = arith.addi %add3A_242, %add3A_243 : i32
        %get3A_245 = arith.index_cast %add3A_244 : i32 to index
        %get3A_246 = arith.constant 0 : index
        %get3A_247 = tpu.vector_load %arg7[%get3A_245, %get3A_246] {strides = array<i32>} : memref<3200x16xf32, #tpu.memory_space<vmem>>, vector<1x16xf32>,
        %get3A_248 = vector.shape_cast %get3A_247 : vector<1x16xf32> to vector<16xf32>
        %add3A_249 = arith.addf %scan3A_229, %get3A_248 : vector<16xf32>
        %add3A_250 = arith.constant 0 : i32
        %add3A_251 = arith.addi %add3A_234, %add3A_250 : i32
        %add3A_252 = arith.constant 2 : i32
        %add3A_253 = arith.addi %add3A_251, %add3A_252 : i32
        %get3A_254 = arith.index_cast %add3A_253 : i32 to index
        %get3A_255 = arith.constant 0 : index
        %get3A_256 = tpu.vector_load %arg7[%get3A_254, %get3A_255] {strides = array<i32>} : memref<3200x16xf32, #tpu.memory_space<vmem>>, vector<1x16xf32>,
        %get3A_257 = vector.shape_cast %get3A_256 : vector<1x16xf32> to vector<16xf32>
        %add3A_258 = arith.addf %scan3A_230, %get3A_257 : vector<16xf32>
        %add3A_259 = arith.constant 0 : i32
        %add3A_260 = arith.addi %add3A_234, %add3A_259 : i32
        %add3A_261 = arith.constant 3 : i32
        %add3A_262 = arith.addi %add3A_260, %add3A_261 : i32
        %get3A_263 = arith.index_cast %add3A_262 : i32 to index
        %get3A_264 = arith.constant 0 : index
        %get3A_265 = tpu.vector_load %arg7[%get3A_263, %get3A_264] {strides = array<i32>} : memref<3200x16xf32, #tpu.memory_space<vmem>>, vector<1x16xf32>,
        %get3A_266 = vector.shape_cast %get3A_265 : vector<1x16xf32> to vector<16xf32>
        %add3A_267 = arith.addf %scan3A_231, %get3A_266 : vector<16xf32>
        %add3A_268 = arith.constant 4 : i32
        %add3A_269 = arith.addi %add3A_234, %add3A_268 : i32
        %get3A_270 = arith.index_cast %add3A_269 : i32 to index
        %get3A_271 = arith.constant 0 : index
        %get3A_272 = tpu.vector_load %arg7[%get3A_270, %get3A_271] {strides = array<i32>} : memref<3200x16xf32, #tpu.memory_space<vmem>>, vector<1x16xf32>,
        %get3A_273 = vector.shape_cast %get3A_272 : vector<1x16xf32> to vector<16xf32>
        %add3A_274 = arith.addf %add3A_240, %get3A_273 : vector<16xf32>
        %add3A_275 = arith.constant 4 : i32
        %add3A_276 = arith.addi %add3A_234, %add3A_275 : i32
        %add3A_277 = arith.constant 1 : i32
        %add3A_278 = arith.addi %add3A_276, %add3A_277 : i32
        %get3A_279 = arith.index_cast %add3A_278 : i32 to index
        %get3A_280 = arith.constant 0 : index
        %get3A_281 = tpu.vector_load %arg7[%get3A_279, %get3A_280] {strides = array<i32>} : memref<3200x16xf32, #tpu.memory_space<vmem>>, vector<1x16xf32>,
        %get3A_282 = vector.shape_cast %get3A_281 : vector<1x16xf32> to vector<16xf32>
        %add3A_283 = arith.addf %add3A_249, %get3A_282 : vector<16xf32>
        %add3A_284 = arith.constant 4 : i32
        %add3A_285 = arith.addi %add3A_234, %add3A_284 : i32
        %add3A_286 = arith.constant 2 : i32
        %add3A_287 = arith.addi %add3A_285, %add3A_286 : i32
        %get3A_288 = arith.index_cast %add3A_287 : i32 to index
        %get3A_289 = arith.constant 0 : index
        %get3A_290 = tpu.vector_load %arg7[%get3A_288, %get3A_289] {strides = array<i32>} : memref<3200x16xf32, #tpu.memory_space<vmem>>, vector<1x16xf32>,
        %get3A_291 = vector.shape_cast %get3A_290 : vector<1x16xf32> to vector<16xf32>
        %add3A_292 = arith.addf %add3A_258, %get3A_291 : vector<16xf32>
        %add3A_293 = arith.constant 4 : i32
        %add3A_294 = arith.addi %add3A_234, %add3A_293 : i32
        %add3A_295 = arith.constant 3 : i32
        %add3A_296 = arith.addi %add3A_294, %add3A_295 : i32
        %get3A_297 = arith.index_cast %add3A_296 : i32 to index
        %get3A_298 = arith.constant 0 : index
        %get3A_299 = tpu.vector_load %arg7[%get3A_297, %get3A_298] {strides = array<i32>} : memref<3200x16xf32, #tpu.memory_space<vmem>>, vector<1x16xf32>,
        %get3A_300 = vector.shape_cast %get3A_299 : vector<1x16xf32> to vector<16xf32>
        %add3A_301 = arith.addf %add3A_267, %get3A_300 : vector<16xf32>
        %add3A_302 = arith.constant 8 : i32
        %add3A_303 = arith.addi %add3A_234, %add3A_302 : i32
        %get3A_304 = arith.index_cast %add3A_303 : i32 to index
        %get3A_305 = arith.constant 0 : index
        %get3A_306 = tpu.vector_load %arg7[%get3A_304, %get3A_305] {strides = array<i32>} : memref<3200x16xf32, #tpu.memory_space<vmem>>, vector<1x16xf32>,
        %get3A_307 = vector.shape_cast %get3A_306 : vector<1x16xf32> to vector<16xf32>
        %add3A_308 = arith.addf %add3A_274, %get3A_307 : vector<16xf32>
        %add3A_309 = arith.constant 8 : i32
        %add3A_310 = arith.addi %add3A_234, %add3A_309 : i32
        %add3A_311 = arith.constant 1 : i32
        %add3A_312 = arith.addi %add3A_310, %add3A_311 : i32
        %get3A_313 = arith.index_cast %add3A_312 : i32 to index
        %get3A_314 = arith.constant 0 : index
        %get3A_315 = tpu.vector_load %arg7[%get3A_313, %get3A_314] {strides = array<i32>} : memref<3200x16xf32, #tpu.memory_space<vmem>>, vector<1x16xf32>,
        %get3A_316 = vector.shape_cast %get3A_315 : vector<1x16xf32> to vector<16xf32>
        %add3A_317 = arith.addf %add3A_283, %get3A_316 : vector<16xf32>
        %add3A_318 = arith.constant 8 : i32
        %add3A_319 = arith.addi %add3A_234, %add3A_318 : i32
        %add3A_320 = arith.constant 2 : i32
        %add3A_321 = arith.addi %add3A_319, %add3A_320 : i32
        %get3A_322 = arith.index_cast %add3A_321 : i32 to index
        %get3A_323 = arith.constant 0 : index
        %get3A_324 = tpu.vector_load %arg7[%get3A_322, %get3A_323] {strides = array<i32>} : memref<3200x16xf32, #tpu.memory_space<vmem>>, vector<1x16xf32>,
        %get3A_325 = vector.shape_cast %get3A_324 : vector<1x16xf32> to vector<16xf32>
        %add3A_326 = arith.addf %add3A_292, %get3A_325 : vector<16xf32>
        %add3A_327 = arith.constant 8 : i32
        %add3A_328 = arith.addi %add3A_234, %add3A_327 : i32
        %add3A_329 = arith.constant 3 : i32
        %add3A_330 = arith.addi %add3A_328, %add3A_329 : i32
        %get3A_331 = arith.index_cast %add3A_330 : i32 to index
        %get3A_332 = arith.constant 0 : index
        %get3A_333 = tpu.vector_load %arg7[%get3A_331, %get3A_332] {strides = array<i32>} : memref<3200x16xf32, #tpu.memory_space<vmem>>, vector<1x16xf32>,
        %get3A_334 = vector.shape_cast %get3A_333 : vector<1x16xf32> to vector<16xf32>
        %add3A_335 = arith.addf %add3A_301, %get3A_334 : vector<16xf32>
        %add3A_336 = arith.constant 12 : i32
        %add3A_337 = arith.addi %add3A_234, %add3A_336 : i32
        %get3A_338 = arith.index_cast %add3A_337 : i32 to index
        %get3A_339 = arith.constant 0 : index
        %get3A_340 = tpu.vector_load %arg7[%get3A_338, %get3A_339] {strides = array<i32>} : memref<3200x16xf32, #tpu.memory_space<vmem>>, vector<1x16xf32>,
        %get3A_341 = vector.shape_cast %get3A_340 : vector<1x16xf32> to vector<16xf32>
        %add3A_342 = arith.addf %add3A_308, %get3A_341 : vector<16xf32>
        %add3A_343 = arith.constant 12 : i32
        %add3A_344 = arith.addi %add3A_234, %add3A_343 : i32
        %add3A_345 = arith.constant 1 : i32
        %add3A_346 = arith.addi %add3A_344, %add3A_345 : i32
        %get3A_347 = arith.index_cast %add3A_346 : i32 to index
        %get3A_348 = arith.constant 0 : index
        %get3A_349 = tpu.vector_load %arg7[%get3A_347, %get3A_348] {strides = array<i32>} : memref<3200x16xf32, #tpu.memory_space<vmem>>, vector<1x16xf32>,
        %get3A_350 = vector.shape_cast %get3A_349 : vector<1x16xf32> to vector<16xf32>
        %add3A_351 = arith.addf %add3A_317, %get3A_350 : vector<16xf32>
        %add3A_352 = arith.constant 12 : i32
        %add3A_353 = arith.addi %add3A_234, %add3A_352 : i32
        %add3A_354 = arith.constant 2 : i32
        %add3A_355 = arith.addi %add3A_353, %add3A_354 : i32
        %get3A_356 = arith.index_cast %add3A_355 : i32 to index
        %get3A_357 = arith.constant 0 : index
        %get3A_358 = tpu.vector_load %arg7[%get3A_356, %get3A_357] {strides = array<i32>} : memref<3200x16xf32, #tpu.memory_space<vmem>>, vector<1x16xf32>,
        %get3A_359 = vector.shape_cast %get3A_358 : vector<1x16xf32> to vector<16xf32>
        %add3A_360 = arith.addf %add3A_326, %get3A_359 : vector<16xf32>
        %add3A_361 = arith.constant 12 : i32
        %add3A_362 = arith.addi %add3A_234, %add3A_361 : i32
        %add3A_363 = arith.constant 3 : i32
        %add3A_364 = arith.addi %add3A_362, %add3A_363 : i32
        %get3A_365 = arith.index_cast %add3A_364 : i32 to index
        %get3A_366 = arith.constant 0 : index
        %get3A_367 = tpu.vector_load %arg7[%get3A_365, %get3A_366] {strides = array<i32>} : memref<3200x16xf32, #tpu.memory_space<vmem>>, vector<1x16xf32>,
        %get3A_368 = vector.shape_cast %get3A_367 : vector<1x16xf32> to vector<16xf32>
        %add3A_369 = arith.addf %add3A_335, %get3A_368 : vector<16xf32>
        %add3A_370 = arith.constant 16 : i32
        %add3A_371 = arith.addi %add3A_234, %add3A_370 : i32
        %get3A_372 = arith.index_cast %add3A_371 : i32 to index
        %get3A_373 = arith.constant 0 : index
        %get3A_374 = tpu.vector_load %arg7[%get3A_372, %get3A_373] {strides = array<i32>} : memref<3200x16xf32, #tpu.memory_space<vmem>>, vector<1x16xf32>,
        %get3A_375 = vector.shape_cast %get3A_374 : vector<1x16xf32> to vector<16xf32>
        %add3A_376 = arith.addf %add3A_342, %get3A_375 : vector<16xf32>
        %add3A_377 = arith.constant 16 : i32
        %add3A_378 = arith.addi %add3A_234, %add3A_377 : i32
        %add3A_379 = arith.constant 1 : i32
        %add3A_380 = arith.addi %add3A_378, %add3A_379 : i32
        %get3A_381 = arith.index_cast %add3A_380 : i32 to index
        %get3A_382 = arith.constant 0 : index
        %get3A_383 = tpu.vector_load %arg7[%get3A_381, %get3A_382] {strides = array<i32>} : memref<3200x16xf32, #tpu.memory_space<vmem>>, vector<1x16xf32>,
        %get3A_384 = vector.shape_cast %get3A_383 : vector<1x16xf32> to vector<16xf32>
        %add3A_385 = arith.addf %add3A_351, %get3A_384 : vector<16xf32>
        %add3A_386 = arith.constant 16 : i32
        %add3A_387 = arith.addi %add3A_234, %add3A_386 : i32
        %add3A_388 = arith.constant 2 : i32
        %add3A_389 = arith.addi %add3A_387, %add3A_388 : i32
        %get3A_390 = arith.index_cast %add3A_389 : i32 to index
        %get3A_391 = arith.constant 0 : index
        %get3A_392 = tpu.vector_load %arg7[%get3A_390, %get3A_391] {strides = array<i32>} : memref<3200x16xf32, #tpu.memory_space<vmem>>, vector<1x16xf32>,
        %get3A_393 = vector.shape_cast %get3A_392 : vector<1x16xf32> to vector<16xf32>
        %add3A_394 = arith.addf %add3A_360, %get3A_393 : vector<16xf32>
        %add3A_395 = arith.constant 16 : i32
        %add3A_396 = arith.addi %add3A_234, %add3A_395 : i32
        %add3A_397 = arith.constant 3 : i32
        %add3A_398 = arith.addi %add3A_396, %add3A_397 : i32
        %get3A_399 = arith.index_cast %add3A_398 : i32 to index
        %get3A_400 = arith.constant 0 : index
        %get3A_401 = tpu.vector_load %arg7[%get3A_399, %get3A_400] {strides = array<i32>} : memref<3200x16xf32, #tpu.memory_space<vmem>>, vector<1x16xf32>,
        %get3A_402 = vector.shape_cast %get3A_401 : vector<1x16xf32> to vector<16xf32>
        %add3A_403 = arith.addf %add3A_369, %get3A_402 : vector<16xf32>
        %add3A_404 = arith.constant 20 : i32
        %add3A_405 = arith.addi %add3A_234, %add3A_404 : i32
        %get3A_406 = arith.index_cast %add3A_405 : i32 to index
        %get3A_407 = arith.constant 0 : index
        %get3A_408 = tpu.vector_load %arg7[%get3A_406, %get3A_407] {strides = array<i32>} : memref<3200x16xf32, #tpu.memory_space<vmem>>, vector<1x16xf32>,
        %get3A_409 = vector.shape_cast %get3A_408 : vector<1x16xf32> to vector<16xf32>
        %add3A_410 = arith.addf %add3A_376, %get3A_409 : vector<16xf32>
        %add3A_411 = arith.constant 20 : i32
        %add3A_412 = arith.addi %add3A_234, %add3A_411 : i32
        %add3A_413 = arith.constant 1 : i32
        %add3A_414 = arith.addi %add3A_412, %add3A_413 : i32
        %get3A_415 = arith.index_cast %add3A_414 : i32 to index
        %get3A_416 = arith.constant 0 : index
        %get3A_417 = tpu.vector_load %arg7[%get3A_415, %get3A_416] {strides = array<i32>} : memref<3200x16xf32, #tpu.memory_space<vmem>>, vector<1x16xf32>,
        %get3A_418 = vector.shape_cast %get3A_417 : vector<1x16xf32> to vector<16xf32>
        %add3A_419 = arith.addf %add3A_385, %get3A_418 : vector<16xf32>
        %add3A_420 = arith.constant 20 : i32
        %add3A_421 = arith.addi %add3A_234, %add3A_420 : i32
        %add3A_422 = arith.constant 2 : i32
        %add3A_423 = arith.addi %add3A_421, %add3A_422 : i32
        %get3A_424 = arith.index_cast %add3A_423 : i32 to index
        %get3A_425 = arith.constant 0 : index
        %get3A_426 = tpu.vector_load %arg7[%get3A_424, %get3A_425] {strides = array<i32>} : memref<3200x16xf32, #tpu.memory_space<vmem>>, vector<1x16xf32>,
        %get3A_427 = vector.shape_cast %get3A_426 : vector<1x16xf32> to vector<16xf32>
        %add3A_428 = arith.addf %add3A_394, %get3A_427 : vector<16xf32>
        %add3A_429 = arith.constant 20 : i32
        %add3A_430 = arith.addi %add3A_234, %add3A_429 : i32
        %add3A_431 = arith.constant 3 : i32
        %add3A_432 = arith.addi %add3A_430, %add3A_431 : i32
        %get3A_433 = arith.index_cast %add3A_432 : i32 to index
        %get3A_434 = arith.constant 0 : index
        %get3A_435 = tpu.vector_load %arg7[%get3A_433, %get3A_434] {strides = array<i32>} : memref<3200x16xf32, #tpu.memory_space<vmem>>, vector<1x16xf32>,
        %get3A_436 = vector.shape_cast %get3A_435 : vector<1x16xf32> to vector<16xf32>
        %add3A_437 = arith.addf %add3A_403, %get3A_436 : vector<16xf32>
        %add3A_438 = arith.constant 24 : i32
        %add3A_439 = arith.addi %add3A_234, %add3A_438 : i32
        %get3A_440 = arith.index_cast %add3A_439 : i32 to index
        %get3A_441 = arith.constant 0 : index
        %get3A_442 = tpu.vector_load %arg7[%get3A_440, %get3A_441] {strides = array<i32>} : memref<3200x16xf32, #tpu.memory_space<vmem>>, vector<1x16xf32>,
        %get3A_443 = vector.shape_cast %get3A_442 : vector<1x16xf32> to vector<16xf32>
        %add3A_444 = arith.addf %add3A_410, %get3A_443 : vector<16xf32>
        %add3A_445 = arith.constant 24 : i32
        %add3A_446 = arith.addi %add3A_234, %add3A_445 : i32
        %add3A_447 = arith.constant 1 : i32
        %add3A_448 = arith.addi %add3A_446, %add3A_447 : i32
        %get3A_449 = arith.index_cast %add3A_448 : i32 to index
        %get3A_450 = arith.constant 0 : index
        %get3A_451 = tpu.vector_load %arg7[%get3A_449, %get3A_450] {strides = array<i32>} : memref<3200x16xf32, #tpu.memory_space<vmem>>, vector<1x16xf32>,
        %get3A_452 = vector.shape_cast %get3A_451 : vector<1x16xf32> to vector<16xf32>
        %add3A_453 = arith.addf %add3A_419, %get3A_452 : vector<16xf32>
        %add3A_454 = arith.constant 24 : i32
        %add3A_455 = arith.addi %add3A_234, %add3A_454 : i32
        %add3A_456 = arith.constant 2 : i32
        %add3A_457 = arith.addi %add3A_455, %add3A_456 : i32
        %get3A_458 = arith.index_cast %add3A_457 : i32 to index
        %get3A_459 = arith.constant 0 : index
        %get3A_460 = tpu.vector_load %arg7[%get3A_458, %get3A_459] {strides = array<i32>} : memref<3200x16xf32, #tpu.memory_space<vmem>>, vector<1x16xf32>,
        %get3A_461 = vector.shape_cast %get3A_460 : vector<1x16xf32> to vector<16xf32>
        %add3A_462 = arith.addf %add3A_428, %get3A_461 : vector<16xf32>
        %add3A_463 = arith.constant 24 : i32
        %add3A_464 = arith.addi %add3A_234, %add3A_463 : i32
        %add3A_465 = arith.constant 3 : i32
        %add3A_466 = arith.addi %add3A_464, %add3A_465 : i32
        %get3A_467 = arith.index_cast %add3A_466 : i32 to index
        %get3A_468 = arith.constant 0 : index
        %get3A_469 = tpu.vector_load %arg7[%get3A_467, %get3A_468] {strides = array<i32>} : memref<3200x16xf32, #tpu.memory_space<vmem>>, vector<1x16xf32>,
        %get3A_470 = vector.shape_cast %get3A_469 : vector<1x16xf32> to vector<16xf32>
        %add3A_471 = arith.addf %add3A_437, %get3A_470 : vector<16xf32>
        %add3A_472 = arith.constant 28 : i32
        %add3A_473 = arith.addi %add3A_234, %add3A_472 : i32
        %get3A_474 = arith.index_cast %add3A_473 : i32 to index
        %get3A_475 = arith.constant 0 : index
        %get3A_476 = tpu.vector_load %arg7[%get3A_474, %get3A_475] {strides = array<i32>} : memref<3200x16xf32, #tpu.memory_space<vmem>>, vector<1x16xf32>,
        %get3A_477 = vector.shape_cast %get3A_476 : vector<1x16xf32> to vector<16xf32>
        %add3A_478 = arith.addf %add3A_444, %get3A_477 : vector<16xf32>
        %add3A_479 = arith.constant 28 : i32
        %add3A_480 = arith.addi %add3A_234, %add3A_479 : i32
        %add3A_481 = arith.constant 1 : i32
        %add3A_482 = arith.addi %add3A_480, %add3A_481 : i32
        %get3A_483 = arith.index_cast %add3A_482 : i32 to index
        %get3A_484 = arith.constant 0 : index
        %get3A_485 = tpu.vector_load %arg7[%get3A_483, %get3A_484] {strides = array<i32>} : memref<3200x16xf32, #tpu.memory_space<vmem>>, vector<1x16xf32>,
        %get3A_486 = vector.shape_cast %get3A_485 : vector<1x16xf32> to vector<16xf32>
        %add3A_487 = arith.addf %add3A_453, %get3A_486 : vector<16xf32>
        %add3A_488 = arith.constant 28 : i32
        %add3A_489 = arith.addi %add3A_234, %add3A_488 : i32
        %add3A_490 = arith.constant 2 : i32
        %add3A_491 = arith.addi %add3A_489, %add3A_490 : i32
        %get3A_492 = arith.index_cast %add3A_491 : i32 to index
        %get3A_493 = arith.constant 0 : index
        %get3A_494 = tpu.vector_load %arg7[%get3A_492, %get3A_493] {strides = array<i32>} : memref<3200x16xf32, #tpu.memory_space<vmem>>, vector<1x16xf32>,
        %get3A_495 = vector.shape_cast %get3A_494 : vector<1x16xf32> to vector<16xf32>
        %add3A_496 = arith.addf %add3A_462, %get3A_495 : vector<16xf32>
        %add3A_497 = arith.constant 28 : i32
        %add3A_498 = arith.addi %add3A_234, %add3A_497 : i32
        %add3A_499 = arith.constant 3 : i32
        %add3A_500 = arith.addi %add3A_498, %add3A_499 : i32
        %get3A_501 = arith.index_cast %add3A_500 : i32 to index
        %get3A_502 = arith.constant 0 : index
        %get3A_503 = tpu.vector_load %arg7[%get3A_501, %get3A_502] {strides = array<i32>} : memref<3200x16xf32, #tpu.memory_space<vmem>>, vector<1x16xf32>,
        %get3A_504 = vector.shape_cast %get3A_503 : vector<1x16xf32> to vector<16xf32>
        %add3A_505 = arith.addf %add3A_471, %get3A_504 : vector<16xf32>
        %add3A_506 = arith.constant 32 : i32
        %add3A_507 = arith.addi %add3A_234, %add3A_506 : i32
        %get3A_508 = arith.index_cast %add3A_507 : i32 to index
        %get3A_509 = arith.constant 0 : index
        %get3A_510 = tpu.vector_load %arg7[%get3A_508, %get3A_509] {strides = array<i32>} : memref<3200x16xf32, #tpu.memory_space<vmem>>, vector<1x16xf32>,
        %get3A_511 = vector.shape_cast %get3A_510 : vector<1x16xf32> to vector<16xf32>
        %add3A_512 = arith.addf %add3A_478, %get3A_511 : vector<16xf32>
        %add3A_513 = arith.constant 32 : i32
        %add3A_514 = arith.addi %add3A_234, %add3A_513 : i32
        %add3A_515 = arith.constant 1 : i32
        %add3A_516 = arith.addi %add3A_514, %add3A_515 : i32
        %get3A_517 = arith.index_cast %add3A_516 : i32 to index
        %get3A_518 = arith.constant 0 : index
        %get3A_519 = tpu.vector_load %arg7[%get3A_517, %get3A_518] {strides = array<i32>} : memref<3200x16xf32, #tpu.memory_space<vmem>>, vector<1x16xf32>,
        %get3A_520 = vector.shape_cast %get3A_519 : vector<1x16xf32> to vector<16xf32>
        %add3A_521 = arith.addf %add3A_487, %get3A_520 : vector<16xf32>
        %add3A_522 = arith.constant 32 : i32
        %add3A_523 = arith.addi %add3A_234, %add3A_522 : i32
        %add3A_524 = arith.constant 2 : i32
        %add3A_525 = arith.addi %add3A_523, %add3A_524 : i32
        %get3A_526 = arith.index_cast %add3A_525 : i32 to index
        %get3A_527 = arith.constant 0 : index
        %get3A_528 = tpu.vector_load %arg7[%get3A_526, %get3A_527] {strides = array<i32>} : memref<3200x16xf32, #tpu.memory_space<vmem>>, vector<1x16xf32>,
        %get3A_529 = vector.shape_cast %get3A_528 : vector<1x16xf32> to vector<16xf32>
        %add3A_530 = arith.addf %add3A_496, %get3A_529 : vector<16xf32>
        %add3A_531 = arith.constant 32 : i32
        %add3A_532 = arith.addi %add3A_234, %add3A_531 : i32
        %add3A_533 = arith.constant 3 : i32
        %add3A_534 = arith.addi %add3A_532, %add3A_533 : i32
        %get3A_535 = arith.index_cast %add3A_534 : i32 to index
        %get3A_536 = arith.constant 0 : index
        %get3A_537 = tpu.vector_load %arg7[%get3A_535, %get3A_536] {strides = array<i32>} : memref<3200x16xf32, #tpu.memory_space<vmem>>, vector<1x16xf32>,
        %get3A_538 = vector.shape_cast %get3A_537 : vector<1x16xf32> to vector<16xf32>
        %add3A_539 = arith.addf %add3A_505, %get3A_538 : vector<16xf32>
        %add3A_540 = arith.constant 36 : i32
        %add3A_541 = arith.addi %add3A_234, %add3A_540 : i32
        %get3A_542 = arith.index_cast %add3A_541 : i32 to index
        %get3A_543 = arith.constant 0 : index
        %get3A_544 = tpu.vector_load %arg7[%get3A_542, %get3A_543] {strides = array<i32>} : memref<3200x16xf32, #tpu.memory_space<vmem>>, vector<1x16xf32>,
        %get3A_545 = vector.shape_cast %get3A_544 : vector<1x16xf32> to vector<16xf32>
        %add3A_546 = arith.addf %add3A_512, %get3A_545 : vector<16xf32>
        %add3A_547 = arith.constant 36 : i32
        %add3A_548 = arith.addi %add3A_234, %add3A_547 : i32
        %add3A_549 = arith.constant 1 : i32
        %add3A_550 = arith.addi %add3A_548, %add3A_549 : i32
        %get3A_551 = arith.index_cast %add3A_550 : i32 to index
        %get3A_552 = arith.constant 0 : index
        %get3A_553 = tpu.vector_load %arg7[%get3A_551, %get3A_552] {strides = array<i32>} : memref<3200x16xf32, #tpu.memory_space<vmem>>, vector<1x16xf32>,
        %get3A_554 = vector.shape_cast %get3A_553 : vector<1x16xf32> to vector<16xf32>
        %add3A_555 = arith.addf %add3A_521, %get3A_554 : vector<16xf32>
        %add3A_556 = arith.constant 36 : i32
        %add3A_557 = arith.addi %add3A_234, %add3A_556 : i32
        %add3A_558 = arith.constant 2 : i32
        %add3A_559 = arith.addi %add3A_557, %add3A_558 : i32
        %get3A_560 = arith.index_cast %add3A_559 : i32 to index
        %get3A_561 = arith.constant 0 : index
        %get3A_562 = tpu.vector_load %arg7[%get3A_560, %get3A_561] {strides = array<i32>} : memref<3200x16xf32, #tpu.memory_space<vmem>>, vector<1x16xf32>,
        %get3A_563 = vector.shape_cast %get3A_562 : vector<1x16xf32> to vector<16xf32>
        %add3A_564 = arith.addf %add3A_530, %get3A_563 : vector<16xf32>
        %add3A_565 = arith.constant 36 : i32
        %add3A_566 = arith.addi %add3A_234, %add3A_565 : i32
        %add3A_567 = arith.constant 3 : i32
        %add3A_568 = arith.addi %add3A_566, %add3A_567 : i32
        %get3A_569 = arith.index_cast %add3A_568 : i32 to index
        %get3A_570 = arith.constant 0 : index
        %get3A_571 = tpu.vector_load %arg7[%get3A_569, %get3A_570] {strides = array<i32>} : memref<3200x16xf32, #tpu.memory_space<vmem>>, vector<1x16xf32>,
        %get3A_572 = vector.shape_cast %get3A_571 : vector<1x16xf32> to vector<16xf32>
        %add3A_573 = arith.addf %add3A_539, %get3A_572 : vector<16xf32>
        scf.yield %add3A_546, %add3A_555, %add3A_564, %add3A_573 : vector<16xf32>, vector<16xf32>, vector<16xf32>, vector<16xf32>
      }
      %scan3A_217 = arith.constant 5 : i32
      %add3A_218 = arith.addf %scan3A_216#0, %scan3A_216#1 : vector<16xf32>
      %add3A_219 = arith.addf %scan3A_216#2, %scan3A_216#3 : vector<16xf32>
      %add3A_220 = arith.addf %add3A_218, %add3A_219 : vector<16xf32>
      %add3A_221 = arith.constant 0 : i32
      %add3A_222 = arith.addi %add3A_221, %scan3A_208 : i32
      %swap3A = arith.index_cast %add3A_222 : i32 to index
      %swap3A_223 = arith.constant 0 : index
      %swap3A_224 = tpu.vector_load %arg9[%swap3A, %swap3A_223] {strides = array<i32>} : memref<128x16xf32, #tpu.memory_space<vmem>>, vector<1x16xf32>,
      %swap3A_225 = vector.shape_cast %swap3A_224 : vector<1x16xf32> to vector<16xf32>
      %swap3A_226 = vector.shape_cast %add3A_220 : vector<16xf32> to vector<1x16xf32>
      tpu.vector_store %arg9[%swap3A, %swap3A_223], %swap3A_226 {strides = array<i32>} : memref<128x16xf32, #tpu.memory_space<vmem>>, vector<1x16xf32>,
    }
    %scan3A_47 = arith.constant 16 : i32
    %dma_wait3A_48 = arith.constant 2 : i32
    %dma_wait3A_49 = arith.constant 0 : i32
    %dma_wait3A_50 = tpu.memref_slice %arg2[%add3A, %dma_wait3A_48, %dma_wait3A_49] : memref<32x8x3200xi32, #tpu.memory_space<hbm>> -> memref<1x1x3200xi32, #tpu.memory_space<hbm>>
    %dma_wait3A_51 = tpu.memref_squeeze %dma_wait3A_50 : memref<1x1x3200xi32, #tpu.memory_space<hbm>> -> memref<3200xi32, #tpu.memory_space<hbm>>
    %dma_wait3A_52 = arith.constant 0 : i32
    %dma_wait3A_53 = tpu.memref_slice %arg2[%add3A, %dma_wait3A_48, %dma_wait3A_52] : memref<32x8x3200xi32, #tpu.memory_space<hbm>> -> memref<1x1x3200xi32, #tpu.memory_space<hbm>>
    %dma_wait3A_54 = tpu.memref_squeeze %dma_wait3A_53 : memref<1x1x3200xi32, #tpu.memory_space<hbm>> -> memref<3200xi32, #tpu.memory_space<hbm>>
    tpu.wait_dma2 semaphore(%arg12 : memref<!tpu.dma_semaphore, #tpu.memory_space<semaphore_mem>>) src(%dma_wait3A_54 : memref<3200xi32, #tpu.memory_space<hbm>>) dst(%arg5 : memref<3200xi32, #tpu.memory_space<vmem>>)
    %dma_start3A_55 = arith.constant 0 : i32
    %dma_start3A_56 = arith.constant 0 : i32
    %dma_start3A_57 = tpu.memref_slice %arg3[%dma_start3A_55, %dma_start3A_56] : memref<819200x16xf32, #tpu.memory_space<hbm>> -> memref<819200x16xf32, #tpu.memory_space<hbm>>
    tpu.enqueue_indirect_dma source(%dma_start3A_57 : memref<819200x16xf32, #tpu.memory_space<hbm>>) target(%arg7 : memref<3200x16xf32, #tpu.memory_space<vmem>>) offsets(%arg5 : memref<3200xi32, #tpu.memory_space<vmem>>) semaphore(%arg10 : memref<!tpu.dma_semaphore, #tpu.memory_space<semaphore_mem>>)
    %dma_wait3A_58 = arith.constant 0 : i32
    %dma_wait3A_59 = arith.constant 0 : i32
    %dma_wait3A_60 = tpu.memref_slice %arg3[%dma_wait3A_58, %dma_wait3A_59] : memref<819200x16xf32, #tpu.memory_space<hbm>> -> memref<819200x16xf32, #tpu.memory_space<hbm>>
    tpu.wait_indirect_dma semaphore(%arg11 : memref<!tpu.dma_semaphore, #tpu.memory_space<semaphore_mem>>) src(%dma_wait3A_60 : memref<819200x16xf32, #tpu.memory_space<hbm>>) dst(%arg8 : memref<3200x16xf32, #tpu.memory_space<vmem>>)
    %dma_start3A_61 = arith.constant 3 : i32
    %dma_start3A_62 = arith.constant 0 : i32
    %dma_start3A_63 = tpu.memref_slice %arg2[%add3A, %dma_start3A_61, %dma_start3A_62] : memref<32x8x3200xi32, #tpu.memory_space<hbm>> -> memref<1x1x3200xi32, #tpu.memory_space<hbm>>
    %dma_start3A_64 = tpu.memref_squeeze %dma_start3A_63 : memref<1x1x3200xi32, #tpu.memory_space<hbm>> -> memref<3200xi32, #tpu.memory_space<hbm>>
    %dma_start3A_65 = arith.constant 0 : i32
    %dma_start3A_66 = tpu.memref_slice %arg2[%add3A, %dma_start3A_61, %dma_start3A_65] : memref<32x8x3200xi32, #tpu.memory_space<hbm>> -> memref<1x1x3200xi32, #tpu.memory_space<hbm>>
    %dma_start3A_67 = tpu.memref_squeeze %dma_start3A_66 : memref<1x1x3200xi32, #tpu.memory_space<hbm>> -> memref<3200xi32, #tpu.memory_space<hbm>>
    tpu.enqueue_dma source(%dma_start3A_67 : memref<3200xi32, #tpu.memory_space<hbm>>) target(%arg6 : memref<3200xi32, #tpu.memory_space<vmem>>) target_semaphore(%arg12 : memref<!tpu.dma_semaphore, #tpu.memory_space<semaphore_mem>>)
    %scan3A_68 = arith.constant 0 : i32
    %scan3A_69 = arith.constant 0 : i32
    %scan3A_70 = arith.constant 16 : i32
    %scan3A_71 = arith.addi %scan3A_69, %scan3A_70 : i32
    %scan3A_72 = arith.constant 1 : i32
    scf.for %scan3A_208 = %scan3A_69 to %scan3A_71 step %scan3A_72  : i32 {
      %mul3A_209 = arith.constant 200 : i32
      %mul3A_210 = arith.muli %scan3A_208, %mul3A_209 : i32
      %broadcast_in_dim3A = arith.constant 0.000000e+00 : f32
      %broadcast_in_dim3A_211 = vector.broadcast %broadcast_in_dim3A : f32 to vector<16xf32>
      %scan3A_212 = arith.constant 0 : i32
      %scan3A_213 = arith.constant 5 : i32
      %scan3A_214 = arith.addi %scan3A_212, %scan3A_213 : i32
      %scan3A_215 = arith.constant 1 : i32
      %scan3A_216:4 = scf.for %scan3A_227 = %scan3A_212 to %scan3A_214 step %scan3A_215 iter_args(%scan3A_228 = %broadcast_in_dim3A_211, %scan3A_229 = %broadcast_in_dim3A_211, %scan3A_230 = %broadcast_in_dim3A_211, %scan3A_231 = %broadcast_in_dim3A_211) -> (vector<16xf32>, vector<16xf32>, vector<16xf32>, vector<16xf32>)  : i32 {
        %mul3A_232 = arith.constant 40 : i32
        %mul3A_233 = arith.muli %scan3A_227, %mul3A_232 : i32
        %add3A_234 = arith.addi %mul3A_210, %mul3A_233 : i32
        %add3A_235 = arith.constant 0 : i32
        %add3A_236 = arith.addi %add3A_234, %add3A_235 : i32
        %get3A = arith.index_cast %add3A_236 : i32 to index
        %get3A_237 = arith.constant 0 : index
        %get3A_238 = tpu.vector_load %arg8[%get3A, %get3A_237] {strides = array<i32>} : memref<3200x16xf32, #tpu.memory_space<vmem>>, vector<1x16xf32>,
        %get3A_239 = vector.shape_cast %get3A_238 : vector<1x16xf32> to vector<16xf32>
        %add3A_240 = arith.addf %scan3A_228, %get3A_239 : vector<16xf32>
        %add3A_241 = arith.constant 0 : i32
        %add3A_242 = arith.addi %add3A_234, %add3A_241 : i32
        %add3A_243 = arith.constant 1 : i32
        %add3A_244 = arith.addi %add3A_242, %add3A_243 : i32
        %get3A_245 = arith.index_cast %add3A_244 : i32 to index
        %get3A_246 = arith.constant 0 : index
        %get3A_247 = tpu.vector_load %arg8[%get3A_245, %get3A_246] {strides = array<i32>} : memref<3200x16xf32, #tpu.memory_space<vmem>>, vector<1x16xf32>,
        %get3A_248 = vector.shape_cast %get3A_247 : vector<1x16xf32> to vector<16xf32>
        %add3A_249 = arith.addf %scan3A_229, %get3A_248 : vector<16xf32>
        %add3A_250 = arith.constant 0 : i32
        %add3A_251 = arith.addi %add3A_234, %add3A_250 : i32
        %add3A_252 = arith.constant 2 : i32
        %add3A_253 = arith.addi %add3A_251, %add3A_252 : i32
        %get3A_254 = arith.index_cast %add3A_253 : i32 to index
        %get3A_255 = arith.constant 0 : index
        %get3A_256 = tpu.vector_load %arg8[%get3A_254, %get3A_255] {strides = array<i32>} : memref<3200x16xf32, #tpu.memory_space<vmem>>, vector<1x16xf32>,
        %get3A_257 = vector.shape_cast %get3A_256 : vector<1x16xf32> to vector<16xf32>
        %add3A_258 = arith.addf %scan3A_230, %get3A_257 : vector<16xf32>
        %add3A_259 = arith.constant 0 : i32
        %add3A_260 = arith.addi %add3A_234, %add3A_259 : i32
        %add3A_261 = arith.constant 3 : i32
        %add3A_262 = arith.addi %add3A_260, %add3A_261 : i32
        %get3A_263 = arith.index_cast %add3A_262 : i32 to index
        %get3A_264 = arith.constant 0 : index
        %get3A_265 = tpu.vector_load %arg8[%get3A_263, %get3A_264] {strides = array<i32>} : memref<3200x16xf32, #tpu.memory_space<vmem>>, vector<1x16xf32>,
        %get3A_266 = vector.shape_cast %get3A_265 : vector<1x16xf32> to vector<16xf32>
        %add3A_267 = arith.addf %scan3A_231, %get3A_266 : vector<16xf32>
        %add3A_268 = arith.constant 4 : i32
        %add3A_269 = arith.addi %add3A_234, %add3A_268 : i32
        %get3A_270 = arith.index_cast %add3A_269 : i32 to index
        %get3A_271 = arith.constant 0 : index
        %get3A_272 = tpu.vector_load %arg8[%get3A_270, %get3A_271] {strides = array<i32>} : memref<3200x16xf32, #tpu.memory_space<vmem>>, vector<1x16xf32>,
        %get3A_273 = vector.shape_cast %get3A_272 : vector<1x16xf32> to vector<16xf32>
        %add3A_274 = arith.addf %add3A_240, %get3A_273 : vector<16xf32>
        %add3A_275 = arith.constant 4 : i32
        %add3A_276 = arith.addi %add3A_234, %add3A_275 : i32
        %add3A_277 = arith.constant 1 : i32
        %add3A_278 = arith.addi %add3A_276, %add3A_277 : i32
        %get3A_279 = arith.index_cast %add3A_278 : i32 to index
        %get3A_280 = arith.constant 0 : index
        %get3A_281 = tpu.vector_load %arg8[%get3A_279, %get3A_280] {strides = array<i32>} : memref<3200x16xf32, #tpu.memory_space<vmem>>, vector<1x16xf32>,
        %get3A_282 = vector.shape_cast %get3A_281 : vector<1x16xf32> to vector<16xf32>
        %add3A_283 = arith.addf %add3A_249, %get3A_282 : vector<16xf32>
        %add3A_284 = arith.constant 4 : i32
        %add3A_285 = arith.addi %add3A_234, %add3A_284 : i32
        %add3A_286 = arith.constant 2 : i32
        %add3A_287 = arith.addi %add3A_285, %add3A_286 : i32
        %get3A_288 = arith.index_cast %add3A_287 : i32 to index
        %get3A_289 = arith.constant 0 : index
        %get3A_290 = tpu.vector_load %arg8[%get3A_288, %get3A_289] {strides = array<i32>} : memref<3200x16xf32, #tpu.memory_space<vmem>>, vector<1x16xf32>,
        %get3A_291 = vector.shape_cast %get3A_290 : vector<1x16xf32> to vector<16xf32>
        %add3A_292 = arith.addf %add3A_258, %get3A_291 : vector<16xf32>
        %add3A_293 = arith.constant 4 : i32
        %add3A_294 = arith.addi %add3A_234, %add3A_293 : i32
        %add3A_295 = arith.constant 3 : i32
        %add3A_296 = arith.addi %add3A_294, %add3A_295 : i32
        %get3A_297 = arith.index_cast %add3A_296 : i32 to index
        %get3A_298 = arith.constant 0 : index
        %get3A_299 = tpu.vector_load %arg8[%get3A_297, %get3A_298] {strides = array<i32>} : memref<3200x16xf32, #tpu.memory_space<vmem>>, vector<1x16xf32>,
        %get3A_300 = vector.shape_cast %get3A_299 : vector<1x16xf32> to vector<16xf32>
        %add3A_301 = arith.addf %add3A_267, %get3A_300 : vector<16xf32>
        %add3A_302 = arith.constant 8 : i32
        %add3A_303 = arith.addi %add3A_234, %add3A_302 : i32
        %get3A_304 = arith.index_cast %add3A_303 : i32 to index
        %get3A_305 = arith.constant 0 : index
        %get3A_306 = tpu.vector_load %arg8[%get3A_304, %get3A_305] {strides = array<i32>} : memref<3200x16xf32, #tpu.memory_space<vmem>>, vector<1x16xf32>,
        %get3A_307 = vector.shape_cast %get3A_306 : vector<1x16xf32> to vector<16xf32>
        %add3A_308 = arith.addf %add3A_274, %get3A_307 : vector<16xf32>
        %add3A_309 = arith.constant 8 : i32
        %add3A_310 = arith.addi %add3A_234, %add3A_309 : i32
        %add3A_311 = arith.constant 1 : i32
        %add3A_312 = arith.addi %add3A_310, %add3A_311 : i32
        %get3A_313 = arith.index_cast %add3A_312 : i32 to index
        %get3A_314 = arith.constant 0 : index
        %get3A_315 = tpu.vector_load %arg8[%get3A_313, %get3A_314] {strides = array<i32>} : memref<3200x16xf32, #tpu.memory_space<vmem>>, vector<1x16xf32>,
        %get3A_316 = vector.shape_cast %get3A_315 : vector<1x16xf32> to vector<16xf32>
        %add3A_317 = arith.addf %add3A_283, %get3A_316 : vector<16xf32>
        %add3A_318 = arith.constant 8 : i32
        %add3A_319 = arith.addi %add3A_234, %add3A_318 : i32
        %add3A_320 = arith.constant 2 : i32
        %add3A_321 = arith.addi %add3A_319, %add3A_320 : i32
        %get3A_322 = arith.index_cast %add3A_321 : i32 to index
        %get3A_323 = arith.constant 0 : index
        %get3A_324 = tpu.vector_load %arg8[%get3A_322, %get3A_323] {strides = array<i32>} : memref<3200x16xf32, #tpu.memory_space<vmem>>, vector<1x16xf32>,
        %get3A_325 = vector.shape_cast %get3A_324 : vector<1x16xf32> to vector<16xf32>
        %add3A_326 = arith.addf %add3A_292, %get3A_325 : vector<16xf32>
        %add3A_327 = arith.constant 8 : i32
        %add3A_328 = arith.addi %add3A_234, %add3A_327 : i32
        %add3A_329 = arith.constant 3 : i32
        %add3A_330 = arith.addi %add3A_328, %add3A_329 : i32
        %get3A_331 = arith.index_cast %add3A_330 : i32 to index
        %get3A_332 = arith.constant 0 : index
        %get3A_333 = tpu.vector_load %arg8[%get3A_331, %get3A_332] {strides = array<i32>} : memref<3200x16xf32, #tpu.memory_space<vmem>>, vector<1x16xf32>,
        %get3A_334 = vector.shape_cast %get3A_333 : vector<1x16xf32> to vector<16xf32>
        %add3A_335 = arith.addf %add3A_301, %get3A_334 : vector<16xf32>
        %add3A_336 = arith.constant 12 : i32
        %add3A_337 = arith.addi %add3A_234, %add3A_336 : i32
        %get3A_338 = arith.index_cast %add3A_337 : i32 to index
        %get3A_339 = arith.constant 0 : index
        %get3A_340 = tpu.vector_load %arg8[%get3A_338, %get3A_339] {strides = array<i32>} : memref<3200x16xf32, #tpu.memory_space<vmem>>, vector<1x16xf32>,
        %get3A_341 = vector.shape_cast %get3A_340 : vector<1x16xf32> to vector<16xf32>
        %add3A_342 = arith.addf %add3A_308, %get3A_341 : vector<16xf32>
        %add3A_343 = arith.constant 12 : i32
        %add3A_344 = arith.addi %add3A_234, %add3A_343 : i32
        %add3A_345 = arith.constant 1 : i32
        %add3A_346 = arith.addi %add3A_344, %add3A_345 : i32
        %get3A_347 = arith.index_cast %add3A_346 : i32 to index
        %get3A_348 = arith.constant 0 : index
        %get3A_349 = tpu.vector_load %arg8[%get3A_347, %get3A_348] {strides = array<i32>} : memref<3200x16xf32, #tpu.memory_space<vmem>>, vector<1x16xf32>,
        %get3A_350 = vector.shape_cast %get3A_349 : vector<1x16xf32> to vector<16xf32>
        %add3A_351 = arith.addf %add3A_317, %get3A_350 : vector<16xf32>
        %add3A_352 = arith.constant 12 : i32
        %add3A_353 = arith.addi %add3A_234, %add3A_352 : i32
        %add3A_354 = arith.constant 2 : i32
        %add3A_355 = arith.addi %add3A_353, %add3A_354 : i32
        %get3A_356 = arith.index_cast %add3A_355 : i32 to index
        %get3A_357 = arith.constant 0 : index
        %get3A_358 = tpu.vector_load %arg8[%get3A_356, %get3A_357] {strides = array<i32>} : memref<3200x16xf32, #tpu.memory_space<vmem>>, vector<1x16xf32>,
        %get3A_359 = vector.shape_cast %get3A_358 : vector<1x16xf32> to vector<16xf32>
        %add3A_360 = arith.addf %add3A_326, %get3A_359 : vector<16xf32>
        %add3A_361 = arith.constant 12 : i32
        %add3A_362 = arith.addi %add3A_234, %add3A_361 : i32
        %add3A_363 = arith.constant 3 : i32
        %add3A_364 = arith.addi %add3A_362, %add3A_363 : i32
        %get3A_365 = arith.index_cast %add3A_364 : i32 to index
        %get3A_366 = arith.constant 0 : index
        %get3A_367 = tpu.vector_load %arg8[%get3A_365, %get3A_366] {strides = array<i32>} : memref<3200x16xf32, #tpu.memory_space<vmem>>, vector<1x16xf32>,
        %get3A_368 = vector.shape_cast %get3A_367 : vector<1x16xf32> to vector<16xf32>
        %add3A_369 = arith.addf %add3A_335, %get3A_368 : vector<16xf32>
        %add3A_370 = arith.constant 16 : i32
        %add3A_371 = arith.addi %add3A_234, %add3A_370 : i32
        %get3A_372 = arith.index_cast %add3A_371 : i32 to index
        %get3A_373 = arith.constant 0 : index
        %get3A_374 = tpu.vector_load %arg8[%get3A_372, %get3A_373] {strides = array<i32>} : memref<3200x16xf32, #tpu.memory_space<vmem>>, vector<1x16xf32>,
        %get3A_375 = vector.shape_cast %get3A_374 : vector<1x16xf32> to vector<16xf32>
        %add3A_376 = arith.addf %add3A_342, %get3A_375 : vector<16xf32>
        %add3A_377 = arith.constant 16 : i32
        %add3A_378 = arith.addi %add3A_234, %add3A_377 : i32
        %add3A_379 = arith.constant 1 : i32
        %add3A_380 = arith.addi %add3A_378, %add3A_379 : i32
        %get3A_381 = arith.index_cast %add3A_380 : i32 to index
        %get3A_382 = arith.constant 0 : index
        %get3A_383 = tpu.vector_load %arg8[%get3A_381, %get3A_382] {strides = array<i32>} : memref<3200x16xf32, #tpu.memory_space<vmem>>, vector<1x16xf32>,
        %get3A_384 = vector.shape_cast %get3A_383 : vector<1x16xf32> to vector<16xf32>
        %add3A_385 = arith.addf %add3A_351, %get3A_384 : vector<16xf32>
        %add3A_386 = arith.constant 16 : i32
        %add3A_387 = arith.addi %add3A_234, %add3A_386 : i32
        %add3A_388 = arith.constant 2 : i32
        %add3A_389 = arith.addi %add3A_387, %add3A_388 : i32
        %get3A_390 = arith.index_cast %add3A_389 : i32 to index
        %get3A_391 = arith.constant 0 : index
        %get3A_392 = tpu.vector_load %arg8[%get3A_390, %get3A_391] {strides = array<i32>} : memref<3200x16xf32, #tpu.memory_space<vmem>>, vector<1x16xf32>,
        %get3A_393 = vector.shape_cast %get3A_392 : vector<1x16xf32> to vector<16xf32>
        %add3A_394 = arith.addf %add3A_360, %get3A_393 : vector<16xf32>
        %add3A_395 = arith.constant 16 : i32
        %add3A_396 = arith.addi %add3A_234, %add3A_395 : i32
        %add3A_397 = arith.constant 3 : i32
        %add3A_398 = arith.addi %add3A_396, %add3A_397 : i32
        %get3A_399 = arith.index_cast %add3A_398 : i32 to index
        %get3A_400 = arith.constant 0 : index
        %get3A_401 = tpu.vector_load %arg8[%get3A_399, %get3A_400] {strides = array<i32>} : memref<3200x16xf32, #tpu.memory_space<vmem>>, vector<1x16xf32>,
        %get3A_402 = vector.shape_cast %get3A_401 : vector<1x16xf32> to vector<16xf32>
        %add3A_403 = arith.addf %add3A_369, %get3A_402 : vector<16xf32>
        %add3A_404 = arith.constant 20 : i32
        %add3A_405 = arith.addi %add3A_234, %add3A_404 : i32
        %get3A_406 = arith.index_cast %add3A_405 : i32 to index
        %get3A_407 = arith.constant 0 : index
        %get3A_408 = tpu.vector_load %arg8[%get3A_406, %get3A_407] {strides = array<i32>} : memref<3200x16xf32, #tpu.memory_space<vmem>>, vector<1x16xf32>,
        %get3A_409 = vector.shape_cast %get3A_408 : vector<1x16xf32> to vector<16xf32>
        %add3A_410 = arith.addf %add3A_376, %get3A_409 : vector<16xf32>
        %add3A_411 = arith.constant 20 : i32
        %add3A_412 = arith.addi %add3A_234, %add3A_411 : i32
        %add3A_413 = arith.constant 1 : i32
        %add3A_414 = arith.addi %add3A_412, %add3A_413 : i32
        %get3A_415 = arith.index_cast %add3A_414 : i32 to index
        %get3A_416 = arith.constant 0 : index
        %get3A_417 = tpu.vector_load %arg8[%get3A_415, %get3A_416] {strides = array<i32>} : memref<3200x16xf32, #tpu.memory_space<vmem>>, vector<1x16xf32>,
        %get3A_418 = vector.shape_cast %get3A_417 : vector<1x16xf32> to vector<16xf32>
        %add3A_419 = arith.addf %add3A_385, %get3A_418 : vector<16xf32>
        %add3A_420 = arith.constant 20 : i32
        %add3A_421 = arith.addi %add3A_234, %add3A_420 : i32
        %add3A_422 = arith.constant 2 : i32
        %add3A_423 = arith.addi %add3A_421, %add3A_422 : i32
        %get3A_424 = arith.index_cast %add3A_423 : i32 to index
        %get3A_425 = arith.constant 0 : index
        %get3A_426 = tpu.vector_load %arg8[%get3A_424, %get3A_425] {strides = array<i32>} : memref<3200x16xf32, #tpu.memory_space<vmem>>, vector<1x16xf32>,
        %get3A_427 = vector.shape_cast %get3A_426 : vector<1x16xf32> to vector<16xf32>
        %add3A_428 = arith.addf %add3A_394, %get3A_427 : vector<16xf32>
        %add3A_429 = arith.constant 20 : i32
        %add3A_430 = arith.addi %add3A_234, %add3A_429 : i32
        %add3A_431 = arith.constant 3 : i32
        %add3A_432 = arith.addi %add3A_430, %add3A_431 : i32
        %get3A_433 = arith.index_cast %add3A_432 : i32 to index
        %get3A_434 = arith.constant 0 : index
        %get3A_435 = tpu.vector_load %arg8[%get3A_433, %get3A_434] {strides = array<i32>} : memref<3200x16xf32, #tpu.memory_space<vmem>>, vector<1x16xf32>,
        %get3A_436 = vector.shape_cast %get3A_435 : vector<1x16xf32> to vector<16xf32>
        %add3A_437 = arith.addf %add3A_403, %get3A_436 : vector<16xf32>
        %add3A_438 = arith.constant 24 : i32
        %add3A_439 = arith.addi %add3A_234, %add3A_438 : i32
        %get3A_440 = arith.index_cast %add3A_439 : i32 to index
        %get3A_441 = arith.constant 0 : index
        %get3A_442 = tpu.vector_load %arg8[%get3A_440, %get3A_441] {strides = array<i32>} : memref<3200x16xf32, #tpu.memory_space<vmem>>, vector<1x16xf32>,
        %get3A_443 = vector.shape_cast %get3A_442 : vector<1x16xf32> to vector<16xf32>
        %add3A_444 = arith.addf %add3A_410, %get3A_443 : vector<16xf32>
        %add3A_445 = arith.constant 24 : i32
        %add3A_446 = arith.addi %add3A_234, %add3A_445 : i32
        %add3A_447 = arith.constant 1 : i32
        %add3A_448 = arith.addi %add3A_446, %add3A_447 : i32
        %get3A_449 = arith.index_cast %add3A_448 : i32 to index
        %get3A_450 = arith.constant 0 : index
        %get3A_451 = tpu.vector_load %arg8[%get3A_449, %get3A_450] {strides = array<i32>} : memref<3200x16xf32, #tpu.memory_space<vmem>>, vector<1x16xf32>,
        %get3A_452 = vector.shape_cast %get3A_451 : vector<1x16xf32> to vector<16xf32>
        %add3A_453 = arith.addf %add3A_419, %get3A_452 : vector<16xf32>
        %add3A_454 = arith.constant 24 : i32
        %add3A_455 = arith.addi %add3A_234, %add3A_454 : i32
        %add3A_456 = arith.constant 2 : i32
        %add3A_457 = arith.addi %add3A_455, %add3A_456 : i32
        %get3A_458 = arith.index_cast %add3A_457 : i32 to index
        %get3A_459 = arith.constant 0 : index
        %get3A_460 = tpu.vector_load %arg8[%get3A_458, %get3A_459] {strides = array<i32>} : memref<3200x16xf32, #tpu.memory_space<vmem>>, vector<1x16xf32>,
        %get3A_461 = vector.shape_cast %get3A_460 : vector<1x16xf32> to vector<16xf32>
        %add3A_462 = arith.addf %add3A_428, %get3A_461 : vector<16xf32>
        %add3A_463 = arith.constant 24 : i32
        %add3A_464 = arith.addi %add3A_234, %add3A_463 : i32
        %add3A_465 = arith.constant 3 : i32
        %add3A_466 = arith.addi %add3A_464, %add3A_465 : i32
        %get3A_467 = arith.index_cast %add3A_466 : i32 to index
        %get3A_468 = arith.constant 0 : index
        %get3A_469 = tpu.vector_load %arg8[%get3A_467, %get3A_468] {strides = array<i32>} : memref<3200x16xf32, #tpu.memory_space<vmem>>, vector<1x16xf32>,
        %get3A_470 = vector.shape_cast %get3A_469 : vector<1x16xf32> to vector<16xf32>
        %add3A_471 = arith.addf %add3A_437, %get3A_470 : vector<16xf32>
        %add3A_472 = arith.constant 28 : i32
        %add3A_473 = arith.addi %add3A_234, %add3A_472 : i32
        %get3A_474 = arith.index_cast %add3A_473 : i32 to index
        %get3A_475 = arith.constant 0 : index
        %get3A_476 = tpu.vector_load %arg8[%get3A_474, %get3A_475] {strides = array<i32>} : memref<3200x16xf32, #tpu.memory_space<vmem>>, vector<1x16xf32>,
        %get3A_477 = vector.shape_cast %get3A_476 : vector<1x16xf32> to vector<16xf32>
        %add3A_478 = arith.addf %add3A_444, %get3A_477 : vector<16xf32>
        %add3A_479 = arith.constant 28 : i32
        %add3A_480 = arith.addi %add3A_234, %add3A_479 : i32
        %add3A_481 = arith.constant 1 : i32
        %add3A_482 = arith.addi %add3A_480, %add3A_481 : i32
        %get3A_483 = arith.index_cast %add3A_482 : i32 to index
        %get3A_484 = arith.constant 0 : index
        %get3A_485 = tpu.vector_load %arg8[%get3A_483, %get3A_484] {strides = array<i32>} : memref<3200x16xf32, #tpu.memory_space<vmem>>, vector<1x16xf32>,
        %get3A_486 = vector.shape_cast %get3A_485 : vector<1x16xf32> to vector<16xf32>
        %add3A_487 = arith.addf %add3A_453, %get3A_486 : vector<16xf32>
        %add3A_488 = arith.constant 28 : i32
        %add3A_489 = arith.addi %add3A_234, %add3A_488 : i32
        %add3A_490 = arith.constant 2 : i32
        %add3A_491 = arith.addi %add3A_489, %add3A_490 : i32
        %get3A_492 = arith.index_cast %add3A_491 : i32 to index
        %get3A_493 = arith.constant 0 : index
        %get3A_494 = tpu.vector_load %arg8[%get3A_492, %get3A_493] {strides = array<i32>} : memref<3200x16xf32, #tpu.memory_space<vmem>>, vector<1x16xf32>,
        %get3A_495 = vector.shape_cast %get3A_494 : vector<1x16xf32> to vector<16xf32>
        %add3A_496 = arith.addf %add3A_462, %get3A_495 : vector<16xf32>
        %add3A_497 = arith.constant 28 : i32
        %add3A_498 = arith.addi %add3A_234, %add3A_497 : i32
        %add3A_499 = arith.constant 3 : i32
        %add3A_500 = arith.addi %add3A_498, %add3A_499 : i32
        %get3A_501 = arith.index_cast %add3A_500 : i32 to index
        %get3A_502 = arith.constant 0 : index
        %get3A_503 = tpu.vector_load %arg8[%get3A_501, %get3A_502] {strides = array<i32>} : memref<3200x16xf32, #tpu.memory_space<vmem>>, vector<1x16xf32>,
        %get3A_504 = vector.shape_cast %get3A_503 : vector<1x16xf32> to vector<16xf32>
        %add3A_505 = arith.addf %add3A_471, %get3A_504 : vector<16xf32>
        %add3A_506 = arith.constant 32 : i32
        %add3A_507 = arith.addi %add3A_234, %add3A_506 : i32
        %get3A_508 = arith.index_cast %add3A_507 : i32 to index
        %get3A_509 = arith.constant 0 : index
        %get3A_510 = tpu.vector_load %arg8[%get3A_508, %get3A_509] {strides = array<i32>} : memref<3200x16xf32, #tpu.memory_space<vmem>>, vector<1x16xf32>,
        %get3A_511 = vector.shape_cast %get3A_510 : vector<1x16xf32> to vector<16xf32>
        %add3A_512 = arith.addf %add3A_478, %get3A_511 : vector<16xf32>
        %add3A_513 = arith.constant 32 : i32
        %add3A_514 = arith.addi %add3A_234, %add3A_513 : i32
        %add3A_515 = arith.constant 1 : i32
        %add3A_516 = arith.addi %add3A_514, %add3A_515 : i32
        %get3A_517 = arith.index_cast %add3A_516 : i32 to index
        %get3A_518 = arith.constant 0 : index
        %get3A_519 = tpu.vector_load %arg8[%get3A_517, %get3A_518] {strides = array<i32>} : memref<3200x16xf32, #tpu.memory_space<vmem>>, vector<1x16xf32>,
        %get3A_520 = vector.shape_cast %get3A_519 : vector<1x16xf32> to vector<16xf32>
        %add3A_521 = arith.addf %add3A_487, %get3A_520 : vector<16xf32>
        %add3A_522 = arith.constant 32 : i32
        %add3A_523 = arith.addi %add3A_234, %add3A_522 : i32
        %add3A_524 = arith.constant 2 : i32
        %add3A_525 = arith.addi %add3A_523, %add3A_524 : i32
        %get3A_526 = arith.index_cast %add3A_525 : i32 to index
        %get3A_527 = arith.constant 0 : index
        %get3A_528 = tpu.vector_load %arg8[%get3A_526, %get3A_527] {strides = array<i32>} : memref<3200x16xf32, #tpu.memory_space<vmem>>, vector<1x16xf32>,
        %get3A_529 = vector.shape_cast %get3A_528 : vector<1x16xf32> to vector<16xf32>
        %add3A_530 = arith.addf %add3A_496, %get3A_529 : vector<16xf32>
        %add3A_531 = arith.constant 32 : i32
        %add3A_532 = arith.addi %add3A_234, %add3A_531 : i32
        %add3A_533 = arith.constant 3 : i32
        %add3A_534 = arith.addi %add3A_532, %add3A_533 : i32
        %get3A_535 = arith.index_cast %add3A_534 : i32 to index
        %get3A_536 = arith.constant 0 : index
        %get3A_537 = tpu.vector_load %arg8[%get3A_535, %get3A_536] {strides = array<i32>} : memref<3200x16xf32, #tpu.memory_space<vmem>>, vector<1x16xf32>,
        %get3A_538 = vector.shape_cast %get3A_537 : vector<1x16xf32> to vector<16xf32>
        %add3A_539 = arith.addf %add3A_505, %get3A_538 : vector<16xf32>
        %add3A_540 = arith.constant 36 : i32
        %add3A_541 = arith.addi %add3A_234, %add3A_540 : i32
        %get3A_542 = arith.index_cast %add3A_541 : i32 to index
        %get3A_543 = arith.constant 0 : index
        %get3A_544 = tpu.vector_load %arg8[%get3A_542, %get3A_543] {strides = array<i32>} : memref<3200x16xf32, #tpu.memory_space<vmem>>, vector<1x16xf32>,
        %get3A_545 = vector.shape_cast %get3A_544 : vector<1x16xf32> to vector<16xf32>
        %add3A_546 = arith.addf %add3A_512, %get3A_545 : vector<16xf32>
        %add3A_547 = arith.constant 36 : i32
        %add3A_548 = arith.addi %add3A_234, %add3A_547 : i32
        %add3A_549 = arith.constant 1 : i32
        %add3A_550 = arith.addi %add3A_548, %add3A_549 : i32
        %get3A_551 = arith.index_cast %add3A_550 : i32 to index
        %get3A_552 = arith.constant 0 : index
        %get3A_553 = tpu.vector_load %arg8[%get3A_551, %get3A_552] {strides = array<i32>} : memref<3200x16xf32, #tpu.memory_space<vmem>>, vector<1x16xf32>,
        %get3A_554 = vector.shape_cast %get3A_553 : vector<1x16xf32> to vector<16xf32>
        %add3A_555 = arith.addf %add3A_521, %get3A_554 : vector<16xf32>
        %add3A_556 = arith.constant 36 : i32
        %add3A_557 = arith.addi %add3A_234, %add3A_556 : i32
        %add3A_558 = arith.constant 2 : i32
        %add3A_559 = arith.addi %add3A_557, %add3A_558 : i32
        %get3A_560 = arith.index_cast %add3A_559 : i32 to index
        %get3A_561 = arith.constant 0 : index
        %get3A_562 = tpu.vector_load %arg8[%get3A_560, %get3A_561] {strides = array<i32>} : memref<3200x16xf32, #tpu.memory_space<vmem>>, vector<1x16xf32>,
        %get3A_563 = vector.shape_cast %get3A_562 : vector<1x16xf32> to vector<16xf32>
        %add3A_564 = arith.addf %add3A_530, %get3A_563 : vector<16xf32>
        %add3A_565 = arith.constant 36 : i32
        %add3A_566 = arith.addi %add3A_234, %add3A_565 : i32
        %add3A_567 = arith.constant 3 : i32
        %add3A_568 = arith.addi %add3A_566, %add3A_567 : i32
        %get3A_569 = arith.index_cast %add3A_568 : i32 to index
        %get3A_570 = arith.constant 0 : index
        %get3A_571 = tpu.vector_load %arg8[%get3A_569, %get3A_570] {strides = array<i32>} : memref<3200x16xf32, #tpu.memory_space<vmem>>, vector<1x16xf32>,
        %get3A_572 = vector.shape_cast %get3A_571 : vector<1x16xf32> to vector<16xf32>
        %add3A_573 = arith.addf %add3A_539, %get3A_572 : vector<16xf32>
        scf.yield %add3A_546, %add3A_555, %add3A_564, %add3A_573 : vector<16xf32>, vector<16xf32>, vector<16xf32>, vector<16xf32>
      }
      %scan3A_217 = arith.constant 5 : i32
      %add3A_218 = arith.addf %scan3A_216#0, %scan3A_216#1 : vector<16xf32>
      %add3A_219 = arith.addf %scan3A_216#2, %scan3A_216#3 : vector<16xf32>
      %add3A_220 = arith.addf %add3A_218, %add3A_219 : vector<16xf32>
      %add3A_221 = arith.constant 16 : i32
      %add3A_222 = arith.addi %add3A_221, %scan3A_208 : i32
      %swap3A = arith.index_cast %add3A_222 : i32 to index
      %swap3A_223 = arith.constant 0 : index
      %swap3A_224 = tpu.vector_load %arg9[%swap3A, %swap3A_223] {strides = array<i32>} : memref<128x16xf32, #tpu.memory_space<vmem>>, vector<1x16xf32>,
      %swap3A_225 = vector.shape_cast %swap3A_224 : vector<1x16xf32> to vector<16xf32>
      %swap3A_226 = vector.shape_cast %add3A_220 : vector<16xf32> to vector<1x16xf32>
      tpu.vector_store %arg9[%swap3A, %swap3A_223], %swap3A_226 {strides = array<i32>} : memref<128x16xf32, #tpu.memory_space<vmem>>, vector<1x16xf32>,
    }
    %scan3A_73 = arith.constant 16 : i32
    %dma_wait3A_74 = arith.constant 3 : i32
    %dma_wait3A_75 = arith.constant 0 : i32
    %dma_wait3A_76 = tpu.memref_slice %arg2[%add3A, %dma_wait3A_74, %dma_wait3A_75] : memref<32x8x3200xi32, #tpu.memory_space<hbm>> -> memref<1x1x3200xi32, #tpu.memory_space<hbm>>
    %dma_wait3A_77 = tpu.memref_squeeze %dma_wait3A_76 : memref<1x1x3200xi32, #tpu.memory_space<hbm>> -> memref<3200xi32, #tpu.memory_space<hbm>>
    %dma_wait3A_78 = arith.constant 0 : i32
    %dma_wait3A_79 = tpu.memref_slice %arg2[%add3A, %dma_wait3A_74, %dma_wait3A_78] : memref<32x8x3200xi32, #tpu.memory_space<hbm>> -> memref<1x1x3200xi32, #tpu.memory_space<hbm>>
    %dma_wait3A_80 = tpu.memref_squeeze %dma_wait3A_79 : memref<1x1x3200xi32, #tpu.memory_space<hbm>> -> memref<3200xi32, #tpu.memory_space<hbm>>
    tpu.wait_dma2 semaphore(%arg12 : memref<!tpu.dma_semaphore, #tpu.memory_space<semaphore_mem>>) src(%dma_wait3A_80 : memref<3200xi32, #tpu.memory_space<hbm>>) dst(%arg6 : memref<3200xi32, #tpu.memory_space<vmem>>)
    %dma_start3A_81 = arith.constant 0 : i32
    %dma_start3A_82 = arith.constant 0 : i32
    %dma_start3A_83 = tpu.memref_slice %arg3[%dma_start3A_81, %dma_start3A_82] : memref<819200x16xf32, #tpu.memory_space<hbm>> -> memref<819200x16xf32, #tpu.memory_space<hbm>>
    tpu.enqueue_indirect_dma source(%dma_start3A_83 : memref<819200x16xf32, #tpu.memory_space<hbm>>) target(%arg8 : memref<3200x16xf32, #tpu.memory_space<vmem>>) offsets(%arg6 : memref<3200xi32, #tpu.memory_space<vmem>>) semaphore(%arg11 : memref<!tpu.dma_semaphore, #tpu.memory_space<semaphore_mem>>)
    %dma_wait3A_84 = arith.constant 0 : i32
    %dma_wait3A_85 = arith.constant 0 : i32
    %dma_wait3A_86 = tpu.memref_slice %arg3[%dma_wait3A_84, %dma_wait3A_85] : memref<819200x16xf32, #tpu.memory_space<hbm>> -> memref<819200x16xf32, #tpu.memory_space<hbm>>
    tpu.wait_indirect_dma semaphore(%arg10 : memref<!tpu.dma_semaphore, #tpu.memory_space<semaphore_mem>>) src(%dma_wait3A_86 : memref<819200x16xf32, #tpu.memory_space<hbm>>) dst(%arg7 : memref<3200x16xf32, #tpu.memory_space<vmem>>)
    %dma_start3A_87 = arith.constant 4 : i32
    %dma_start3A_88 = arith.constant 0 : i32
    %dma_start3A_89 = tpu.memref_slice %arg2[%add3A, %dma_start3A_87, %dma_start3A_88] : memref<32x8x3200xi32, #tpu.memory_space<hbm>> -> memref<1x1x3200xi32, #tpu.memory_space<hbm>>
    %dma_start3A_90 = tpu.memref_squeeze %dma_start3A_89 : memref<1x1x3200xi32, #tpu.memory_space<hbm>> -> memref<3200xi32, #tpu.memory_space<hbm>>
    %dma_start3A_91 = arith.constant 0 : i32
    %dma_start3A_92 = tpu.memref_slice %arg2[%add3A, %dma_start3A_87, %dma_start3A_91] : memref<32x8x3200xi32, #tpu.memory_space<hbm>> -> memref<1x1x3200xi32, #tpu.memory_space<hbm>>
    %dma_start3A_93 = tpu.memref_squeeze %dma_start3A_92 : memref<1x1x3200xi32, #tpu.memory_space<hbm>> -> memref<3200xi32, #tpu.memory_space<hbm>>
    tpu.enqueue_dma source(%dma_start3A_93 : memref<3200xi32, #tpu.memory_space<hbm>>) target(%arg5 : memref<3200xi32, #tpu.memory_space<vmem>>) target_semaphore(%arg12 : memref<!tpu.dma_semaphore, #tpu.memory_space<semaphore_mem>>)
    %scan3A_94 = arith.constant 0 : i32
    %scan3A_95 = arith.constant 0 : i32
    %scan3A_96 = arith.constant 16 : i32
    %scan3A_97 = arith.addi %scan3A_95, %scan3A_96 : i32
    %scan3A_98 = arith.constant 1 : i32
    scf.for %scan3A_208 = %scan3A_95 to %scan3A_97 step %scan3A_98  : i32 {
      %mul3A_209 = arith.constant 200 : i32
      %mul3A_210 = arith.muli %scan3A_208, %mul3A_209 : i32
      %broadcast_in_dim3A = arith.constant 0.000000e+00 : f32
      %broadcast_in_dim3A_211 = vector.broadcast %broadcast_in_dim3A : f32 to vector<16xf32>
      %scan3A_212 = arith.constant 0 : i32
      %scan3A_213 = arith.constant 5 : i32
      %scan3A_214 = arith.addi %scan3A_212, %scan3A_213 : i32
      %scan3A_215 = arith.constant 1 : i32
      %scan3A_216:4 = scf.for %scan3A_227 = %scan3A_212 to %scan3A_214 step %scan3A_215 iter_args(%scan3A_228 = %broadcast_in_dim3A_211, %scan3A_229 = %broadcast_in_dim3A_211, %scan3A_230 = %broadcast_in_dim3A_211, %scan3A_231 = %broadcast_in_dim3A_211) -> (vector<16xf32>, vector<16xf32>, vector<16xf32>, vector<16xf32>)  : i32 {
        %mul3A_232 = arith.constant 40 : i32
        %mul3A_233 = arith.muli %scan3A_227, %mul3A_232 : i32
        %add3A_234 = arith.addi %mul3A_210, %mul3A_233 : i32
        %add3A_235 = arith.constant 0 : i32
        %add3A_236 = arith.addi %add3A_234, %add3A_235 : i32
        %get3A = arith.index_cast %add3A_236 : i32 to index
        %get3A_237 = arith.constant 0 : index
        %get3A_238 = tpu.vector_load %arg7[%get3A, %get3A_237] {strides = array<i32>} : memref<3200x16xf32, #tpu.memory_space<vmem>>, vector<1x16xf32>,
        %get3A_239 = vector.shape_cast %get3A_238 : vector<1x16xf32> to vector<16xf32>
        %add3A_240 = arith.addf %scan3A_228, %get3A_239 : vector<16xf32>
        %add3A_241 = arith.constant 0 : i32
        %add3A_242 = arith.addi %add3A_234, %add3A_241 : i32
        %add3A_243 = arith.constant 1 : i32
        %add3A_244 = arith.addi %add3A_242, %add3A_243 : i32
        %get3A_245 = arith.index_cast %add3A_244 : i32 to index
        %get3A_246 = arith.constant 0 : index
        %get3A_247 = tpu.vector_load %arg7[%get3A_245, %get3A_246] {strides = array<i32>} : memref<3200x16xf32, #tpu.memory_space<vmem>>, vector<1x16xf32>,
        %get3A_248 = vector.shape_cast %get3A_247 : vector<1x16xf32> to vector<16xf32>
        %add3A_249 = arith.addf %scan3A_229, %get3A_248 : vector<16xf32>
        %add3A_250 = arith.constant 0 : i32
        %add3A_251 = arith.addi %add3A_234, %add3A_250 : i32
        %add3A_252 = arith.constant 2 : i32
        %add3A_253 = arith.addi %add3A_251, %add3A_252 : i32
        %get3A_254 = arith.index_cast %add3A_253 : i32 to index
        %get3A_255 = arith.constant 0 : index
        %get3A_256 = tpu.vector_load %arg7[%get3A_254, %get3A_255] {strides = array<i32>} : memref<3200x16xf32, #tpu.memory_space<vmem>>, vector<1x16xf32>,
        %get3A_257 = vector.shape_cast %get3A_256 : vector<1x16xf32> to vector<16xf32>
        %add3A_258 = arith.addf %scan3A_230, %get3A_257 : vector<16xf32>
        %add3A_259 = arith.constant 0 : i32
        %add3A_260 = arith.addi %add3A_234, %add3A_259 : i32
        %add3A_261 = arith.constant 3 : i32
        %add3A_262 = arith.addi %add3A_260, %add3A_261 : i32
        %get3A_263 = arith.index_cast %add3A_262 : i32 to index
        %get3A_264 = arith.constant 0 : index
        %get3A_265 = tpu.vector_load %arg7[%get3A_263, %get3A_264] {strides = array<i32>} : memref<3200x16xf32, #tpu.memory_space<vmem>>, vector<1x16xf32>,
        %get3A_266 = vector.shape_cast %get3A_265 : vector<1x16xf32> to vector<16xf32>
        %add3A_267 = arith.addf %scan3A_231, %get3A_266 : vector<16xf32>
        %add3A_268 = arith.constant 4 : i32
        %add3A_269 = arith.addi %add3A_234, %add3A_268 : i32
        %get3A_270 = arith.index_cast %add3A_269 : i32 to index
        %get3A_271 = arith.constant 0 : index
        %get3A_272 = tpu.vector_load %arg7[%get3A_270, %get3A_271] {strides = array<i32>} : memref<3200x16xf32, #tpu.memory_space<vmem>>, vector<1x16xf32>,
        %get3A_273 = vector.shape_cast %get3A_272 : vector<1x16xf32> to vector<16xf32>
        %add3A_274 = arith.addf %add3A_240, %get3A_273 : vector<16xf32>
        %add3A_275 = arith.constant 4 : i32
        %add3A_276 = arith.addi %add3A_234, %add3A_275 : i32
        %add3A_277 = arith.constant 1 : i32
        %add3A_278 = arith.addi %add3A_276, %add3A_277 : i32
        %get3A_279 = arith.index_cast %add3A_278 : i32 to index
        %get3A_280 = arith.constant 0 : index
        %get3A_281 = tpu.vector_load %arg7[%get3A_279, %get3A_280] {strides = array<i32>} : memref<3200x16xf32, #tpu.memory_space<vmem>>, vector<1x16xf32>,
        %get3A_282 = vector.shape_cast %get3A_281 : vector<1x16xf32> to vector<16xf32>
        %add3A_283 = arith.addf %add3A_249, %get3A_282 : vector<16xf32>
        %add3A_284 = arith.constant 4 : i32
        %add3A_285 = arith.addi %add3A_234, %add3A_284 : i32
        %add3A_286 = arith.constant 2 : i32
        %add3A_287 = arith.addi %add3A_285, %add3A_286 : i32
        %get3A_288 = arith.index_cast %add3A_287 : i32 to index
        %get3A_289 = arith.constant 0 : index
        %get3A_290 = tpu.vector_load %arg7[%get3A_288, %get3A_289] {strides = array<i32>} : memref<3200x16xf32, #tpu.memory_space<vmem>>, vector<1x16xf32>,
        %get3A_291 = vector.shape_cast %get3A_290 : vector<1x16xf32> to vector<16xf32>
        %add3A_292 = arith.addf %add3A_258, %get3A_291 : vector<16xf32>
        %add3A_293 = arith.constant 4 : i32
        %add3A_294 = arith.addi %add3A_234, %add3A_293 : i32
        %add3A_295 = arith.constant 3 : i32
        %add3A_296 = arith.addi %add3A_294, %add3A_295 : i32
        %get3A_297 = arith.index_cast %add3A_296 : i32 to index
        %get3A_298 = arith.constant 0 : index
        %get3A_299 = tpu.vector_load %arg7[%get3A_297, %get3A_298] {strides = array<i32>} : memref<3200x16xf32, #tpu.memory_space<vmem>>, vector<1x16xf32>,
        %get3A_300 = vector.shape_cast %get3A_299 : vector<1x16xf32> to vector<16xf32>
        %add3A_301 = arith.addf %add3A_267, %get3A_300 : vector<16xf32>
        %add3A_302 = arith.constant 8 : i32
        %add3A_303 = arith.addi %add3A_234, %add3A_302 : i32
        %get3A_304 = arith.index_cast %add3A_303 : i32 to index
        %get3A_305 = arith.constant 0 : index
        %get3A_306 = tpu.vector_load %arg7[%get3A_304, %get3A_305] {strides = array<i32>} : memref<3200x16xf32, #tpu.memory_space<vmem>>, vector<1x16xf32>,
        %get3A_307 = vector.shape_cast %get3A_306 : vector<1x16xf32> to vector<16xf32>
        %add3A_308 = arith.addf %add3A_274, %get3A_307 : vector<16xf32>
        %add3A_309 = arith.constant 8 : i32
        %add3A_310 = arith.addi %add3A_234, %add3A_309 : i32
        %add3A_311 = arith.constant 1 : i32
        %add3A_312 = arith.addi %add3A_310, %add3A_311 : i32
        %get3A_313 = arith.index_cast %add3A_312 : i32 to index
        %get3A_314 = arith.constant 0 : index
        %get3A_315 = tpu.vector_load %arg7[%get3A_313, %get3A_314] {strides = array<i32>} : memref<3200x16xf32, #tpu.memory_space<vmem>>, vector<1x16xf32>,
        %get3A_316 = vector.shape_cast %get3A_315 : vector<1x16xf32> to vector<16xf32>
        %add3A_317 = arith.addf %add3A_283, %get3A_316 : vector<16xf32>
        %add3A_318 = arith.constant 8 : i32
        %add3A_319 = arith.addi %add3A_234, %add3A_318 : i32
        %add3A_320 = arith.constant 2 : i32
        %add3A_321 = arith.addi %add3A_319, %add3A_320 : i32
        %get3A_322 = arith.index_cast %add3A_321 : i32 to index
        %get3A_323 = arith.constant 0 : index
        %get3A_324 = tpu.vector_load %arg7[%get3A_322, %get3A_323] {strides = array<i32>} : memref<3200x16xf32, #tpu.memory_space<vmem>>, vector<1x16xf32>,
        %get3A_325 = vector.shape_cast %get3A_324 : vector<1x16xf32> to vector<16xf32>
        %add3A_326 = arith.addf %add3A_292, %get3A_325 : vector<16xf32>
        %add3A_327 = arith.constant 8 : i32
        %add3A_328 = arith.addi %add3A_234, %add3A_327 : i32
        %add3A_329 = arith.constant 3 : i32
        %add3A_330 = arith.addi %add3A_328, %add3A_329 : i32
        %get3A_331 = arith.index_cast %add3A_330 : i32 to index
        %get3A_332 = arith.constant 0 : index
        %get3A_333 = tpu.vector_load %arg7[%get3A_331, %get3A_332] {strides = array<i32>} : memref<3200x16xf32, #tpu.memory_space<vmem>>, vector<1x16xf32>,
        %get3A_334 = vector.shape_cast %get3A_333 : vector<1x16xf32> to vector<16xf32>
        %add3A_335 = arith.addf %add3A_301, %get3A_334 : vector<16xf32>
        %add3A_336 = arith.constant 12 : i32
        %add3A_337 = arith.addi %add3A_234, %add3A_336 : i32
        %get3A_338 = arith.index_cast %add3A_337 : i32 to index
        %get3A_339 = arith.constant 0 : index
        %get3A_340 = tpu.vector_load %arg7[%get3A_338, %get3A_339] {strides = array<i32>} : memref<3200x16xf32, #tpu.memory_space<vmem>>, vector<1x16xf32>,
        %get3A_341 = vector.shape_cast %get3A_340 : vector<1x16xf32> to vector<16xf32>
        %add3A_342 = arith.addf %add3A_308, %get3A_341 : vector<16xf32>
        %add3A_343 = arith.constant 12 : i32
        %add3A_344 = arith.addi %add3A_234, %add3A_343 : i32
        %add3A_345 = arith.constant 1 : i32
        %add3A_346 = arith.addi %add3A_344, %add3A_345 : i32
        %get3A_347 = arith.index_cast %add3A_346 : i32 to index
        %get3A_348 = arith.constant 0 : index
        %get3A_349 = tpu.vector_load %arg7[%get3A_347, %get3A_348] {strides = array<i32>} : memref<3200x16xf32, #tpu.memory_space<vmem>>, vector<1x16xf32>,
        %get3A_350 = vector.shape_cast %get3A_349 : vector<1x16xf32> to vector<16xf32>
        %add3A_351 = arith.addf %add3A_317, %get3A_350 : vector<16xf32>
        %add3A_352 = arith.constant 12 : i32
        %add3A_353 = arith.addi %add3A_234, %add3A_352 : i32
        %add3A_354 = arith.constant 2 : i32
        %add3A_355 = arith.addi %add3A_353, %add3A_354 : i32
        %get3A_356 = arith.index_cast %add3A_355 : i32 to index
        %get3A_357 = arith.constant 0 : index
        %get3A_358 = tpu.vector_load %arg7[%get3A_356, %get3A_357] {strides = array<i32>} : memref<3200x16xf32, #tpu.memory_space<vmem>>, vector<1x16xf32>,
        %get3A_359 = vector.shape_cast %get3A_358 : vector<1x16xf32> to vector<16xf32>
        %add3A_360 = arith.addf %add3A_326, %get3A_359 : vector<16xf32>
        %add3A_361 = arith.constant 12 : i32
        %add3A_362 = arith.addi %add3A_234, %add3A_361 : i32
        %add3A_363 = arith.constant 3 : i32
        %add3A_364 = arith.addi %add3A_362, %add3A_363 : i32
        %get3A_365 = arith.index_cast %add3A_364 : i32 to index
        %get3A_366 = arith.constant 0 : index
        %get3A_367 = tpu.vector_load %arg7[%get3A_365, %get3A_366] {strides = array<i32>} : memref<3200x16xf32, #tpu.memory_space<vmem>>, vector<1x16xf32>,
        %get3A_368 = vector.shape_cast %get3A_367 : vector<1x16xf32> to vector<16xf32>
        %add3A_369 = arith.addf %add3A_335, %get3A_368 : vector<16xf32>
        %add3A_370 = arith.constant 16 : i32
        %add3A_371 = arith.addi %add3A_234, %add3A_370 : i32
        %get3A_372 = arith.index_cast %add3A_371 : i32 to index
        %get3A_373 = arith.constant 0 : index
        %get3A_374 = tpu.vector_load %arg7[%get3A_372, %get3A_373] {strides = array<i32>} : memref<3200x16xf32, #tpu.memory_space<vmem>>, vector<1x16xf32>,
        %get3A_375 = vector.shape_cast %get3A_374 : vector<1x16xf32> to vector<16xf32>
        %add3A_376 = arith.addf %add3A_342, %get3A_375 : vector<16xf32>
        %add3A_377 = arith.constant 16 : i32
        %add3A_378 = arith.addi %add3A_234, %add3A_377 : i32
        %add3A_379 = arith.constant 1 : i32
        %add3A_380 = arith.addi %add3A_378, %add3A_379 : i32
        %get3A_381 = arith.index_cast %add3A_380 : i32 to index
        %get3A_382 = arith.constant 0 : index
        %get3A_383 = tpu.vector_load %arg7[%get3A_381, %get3A_382] {strides = array<i32>} : memref<3200x16xf32, #tpu.memory_space<vmem>>, vector<1x16xf32>,
        %get3A_384 = vector.shape_cast %get3A_383 : vector<1x16xf32> to vector<16xf32>
        %add3A_385 = arith.addf %add3A_351, %get3A_384 : vector<16xf32>
        %add3A_386 = arith.constant 16 : i32
        %add3A_387 = arith.addi %add3A_234, %add3A_386 : i32
        %add3A_388 = arith.constant 2 : i32
        %add3A_389 = arith.addi %add3A_387, %add3A_388 : i32
        %get3A_390 = arith.index_cast %add3A_389 : i32 to index
        %get3A_391 = arith.constant 0 : index
        %get3A_392 = tpu.vector_load %arg7[%get3A_390, %get3A_391] {strides = array<i32>} : memref<3200x16xf32, #tpu.memory_space<vmem>>, vector<1x16xf32>,
        %get3A_393 = vector.shape_cast %get3A_392 : vector<1x16xf32> to vector<16xf32>
        %add3A_394 = arith.addf %add3A_360, %get3A_393 : vector<16xf32>
        %add3A_395 = arith.constant 16 : i32
        %add3A_396 = arith.addi %add3A_234, %add3A_395 : i32
        %add3A_397 = arith.constant 3 : i32
        %add3A_398 = arith.addi %add3A_396, %add3A_397 : i32
        %get3A_399 = arith.index_cast %add3A_398 : i32 to index
        %get3A_400 = arith.constant 0 : index
        %get3A_401 = tpu.vector_load %arg7[%get3A_399, %get3A_400] {strides = array<i32>} : memref<3200x16xf32, #tpu.memory_space<vmem>>, vector<1x16xf32>,
        %get3A_402 = vector.shape_cast %get3A_401 : vector<1x16xf32> to vector<16xf32>
        %add3A_403 = arith.addf %add3A_369, %get3A_402 : vector<16xf32>
        %add3A_404 = arith.constant 20 : i32
        %add3A_405 = arith.addi %add3A_234, %add3A_404 : i32
        %get3A_406 = arith.index_cast %add3A_405 : i32 to index
        %get3A_407 = arith.constant 0 : index
        %get3A_408 = tpu.vector_load %arg7[%get3A_406, %get3A_407] {strides = array<i32>} : memref<3200x16xf32, #tpu.memory_space<vmem>>, vector<1x16xf32>,
        %get3A_409 = vector.shape_cast %get3A_408 : vector<1x16xf32> to vector<16xf32>
        %add3A_410 = arith.addf %add3A_376, %get3A_409 : vector<16xf32>
        %add3A_411 = arith.constant 20 : i32
        %add3A_412 = arith.addi %add3A_234, %add3A_411 : i32
        %add3A_413 = arith.constant 1 : i32
        %add3A_414 = arith.addi %add3A_412, %add3A_413 : i32
        %get3A_415 = arith.index_cast %add3A_414 : i32 to index
        %get3A_416 = arith.constant 0 : index
        %get3A_417 = tpu.vector_load %arg7[%get3A_415, %get3A_416] {strides = array<i32>} : memref<3200x16xf32, #tpu.memory_space<vmem>>, vector<1x16xf32>,
        %get3A_418 = vector.shape_cast %get3A_417 : vector<1x16xf32> to vector<16xf32>
        %add3A_419 = arith.addf %add3A_385, %get3A_418 : vector<16xf32>
        %add3A_420 = arith.constant 20 : i32
        %add3A_421 = arith.addi %add3A_234, %add3A_420 : i32
        %add3A_422 = arith.constant 2 : i32
        %add3A_423 = arith.addi %add3A_421, %add3A_422 : i32
        %get3A_424 = arith.index_cast %add3A_423 : i32 to index
        %get3A_425 = arith.constant 0 : index
        %get3A_426 = tpu.vector_load %arg7[%get3A_424, %get3A_425] {strides = array<i32>} : memref<3200x16xf32, #tpu.memory_space<vmem>>, vector<1x16xf32>,
        %get3A_427 = vector.shape_cast %get3A_426 : vector<1x16xf32> to vector<16xf32>
        %add3A_428 = arith.addf %add3A_394, %get3A_427 : vector<16xf32>
        %add3A_429 = arith.constant 20 : i32
        %add3A_430 = arith.addi %add3A_234, %add3A_429 : i32
        %add3A_431 = arith.constant 3 : i32
        %add3A_432 = arith.addi %add3A_430, %add3A_431 : i32
        %get3A_433 = arith.index_cast %add3A_432 : i32 to index
        %get3A_434 = arith.constant 0 : index
        %get3A_435 = tpu.vector_load %arg7[%get3A_433, %get3A_434] {strides = array<i32>} : memref<3200x16xf32, #tpu.memory_space<vmem>>, vector<1x16xf32>,
        %get3A_436 = vector.shape_cast %get3A_435 : vector<1x16xf32> to vector<16xf32>
        %add3A_437 = arith.addf %add3A_403, %get3A_436 : vector<16xf32>
        %add3A_438 = arith.constant 24 : i32
        %add3A_439 = arith.addi %add3A_234, %add3A_438 : i32
        %get3A_440 = arith.index_cast %add3A_439 : i32 to index
        %get3A_441 = arith.constant 0 : index
        %get3A_442 = tpu.vector_load %arg7[%get3A_440, %get3A_441] {strides = array<i32>} : memref<3200x16xf32, #tpu.memory_space<vmem>>, vector<1x16xf32>,
        %get3A_443 = vector.shape_cast %get3A_442 : vector<1x16xf32> to vector<16xf32>
        %add3A_444 = arith.addf %add3A_410, %get3A_443 : vector<16xf32>
        %add3A_445 = arith.constant 24 : i32
        %add3A_446 = arith.addi %add3A_234, %add3A_445 : i32
        %add3A_447 = arith.constant 1 : i32
        %add3A_448 = arith.addi %add3A_446, %add3A_447 : i32
        %get3A_449 = arith.index_cast %add3A_448 : i32 to index
        %get3A_450 = arith.constant 0 : index
        %get3A_451 = tpu.vector_load %arg7[%get3A_449, %get3A_450] {strides = array<i32>} : memref<3200x16xf32, #tpu.memory_space<vmem>>, vector<1x16xf32>,
        %get3A_452 = vector.shape_cast %get3A_451 : vector<1x16xf32> to vector<16xf32>
        %add3A_453 = arith.addf %add3A_419, %get3A_452 : vector<16xf32>
        %add3A_454 = arith.constant 24 : i32
        %add3A_455 = arith.addi %add3A_234, %add3A_454 : i32
        %add3A_456 = arith.constant 2 : i32
        %add3A_457 = arith.addi %add3A_455, %add3A_456 : i32
        %get3A_458 = arith.index_cast %add3A_457 : i32 to index
        %get3A_459 = arith.constant 0 : index
        %get3A_460 = tpu.vector_load %arg7[%get3A_458, %get3A_459] {strides = array<i32>} : memref<3200x16xf32, #tpu.memory_space<vmem>>, vector<1x16xf32>,
        %get3A_461 = vector.shape_cast %get3A_460 : vector<1x16xf32> to vector<16xf32>
        %add3A_462 = arith.addf %add3A_428, %get3A_461 : vector<16xf32>
        %add3A_463 = arith.constant 24 : i32
        %add3A_464 = arith.addi %add3A_234, %add3A_463 : i32
        %add3A_465 = arith.constant 3 : i32
        %add3A_466 = arith.addi %add3A_464, %add3A_465 : i32
        %get3A_467 = arith.index_cast %add3A_466 : i32 to index
        %get3A_468 = arith.constant 0 : index
        %get3A_469 = tpu.vector_load %arg7[%get3A_467, %get3A_468] {strides = array<i32>} : memref<3200x16xf32, #tpu.memory_space<vmem>>, vector<1x16xf32>,
        %get3A_470 = vector.shape_cast %get3A_469 : vector<1x16xf32> to vector<16xf32>
        %add3A_471 = arith.addf %add3A_437, %get3A_470 : vector<16xf32>
        %add3A_472 = arith.constant 28 : i32
        %add3A_473 = arith.addi %add3A_234, %add3A_472 : i32
        %get3A_474 = arith.index_cast %add3A_473 : i32 to index
        %get3A_475 = arith.constant 0 : index
        %get3A_476 = tpu.vector_load %arg7[%get3A_474, %get3A_475] {strides = array<i32>} : memref<3200x16xf32, #tpu.memory_space<vmem>>, vector<1x16xf32>,
        %get3A_477 = vector.shape_cast %get3A_476 : vector<1x16xf32> to vector<16xf32>
        %add3A_478 = arith.addf %add3A_444, %get3A_477 : vector<16xf32>
        %add3A_479 = arith.constant 28 : i32
        %add3A_480 = arith.addi %add3A_234, %add3A_479 : i32
        %add3A_481 = arith.constant 1 : i32
        %add3A_482 = arith.addi %add3A_480, %add3A_481 : i32
        %get3A_483 = arith.index_cast %add3A_482 : i32 to index
        %get3A_484 = arith.constant 0 : index
        %get3A_485 = tpu.vector_load %arg7[%get3A_483, %get3A_484] {strides = array<i32>} : memref<3200x16xf32, #tpu.memory_space<vmem>>, vector<1x16xf32>,
        %get3A_486 = vector.shape_cast %get3A_485 : vector<1x16xf32> to vector<16xf32>
        %add3A_487 = arith.addf %add3A_453, %get3A_486 : vector<16xf32>
        %add3A_488 = arith.constant 28 : i32
        %add3A_489 = arith.addi %add3A_234, %add3A_488 : i32
        %add3A_490 = arith.constant 2 : i32
        %add3A_491 = arith.addi %add3A_489, %add3A_490 : i32
        %get3A_492 = arith.index_cast %add3A_491 : i32 to index
        %get3A_493 = arith.constant 0 : index
        %get3A_494 = tpu.vector_load %arg7[%get3A_492, %get3A_493] {strides = array<i32>} : memref<3200x16xf32, #tpu.memory_space<vmem>>, vector<1x16xf32>,
        %get3A_495 = vector.shape_cast %get3A_494 : vector<1x16xf32> to vector<16xf32>
        %add3A_496 = arith.addf %add3A_462, %get3A_495 : vector<16xf32>
        %add3A_497 = arith.constant 28 : i32
        %add3A_498 = arith.addi %add3A_234, %add3A_497 : i32
        %add3A_499 = arith.constant 3 : i32
        %add3A_500 = arith.addi %add3A_498, %add3A_499 : i32
        %get3A_501 = arith.index_cast %add3A_500 : i32 to index
        %get3A_502 = arith.constant 0 : index
        %get3A_503 = tpu.vector_load %arg7[%get3A_501, %get3A_502] {strides = array<i32>} : memref<3200x16xf32, #tpu.memory_space<vmem>>, vector<1x16xf32>,
        %get3A_504 = vector.shape_cast %get3A_503 : vector<1x16xf32> to vector<16xf32>
        %add3A_505 = arith.addf %add3A_471, %get3A_504 : vector<16xf32>
        %add3A_506 = arith.constant 32 : i32
        %add3A_507 = arith.addi %add3A_234, %add3A_506 : i32
        %get3A_508 = arith.index_cast %add3A_507 : i32 to index
        %get3A_509 = arith.constant 0 : index
        %get3A_510 = tpu.vector_load %arg7[%get3A_508, %get3A_509] {strides = array<i32>} : memref<3200x16xf32, #tpu.memory_space<vmem>>, vector<1x16xf32>,
        %get3A_511 = vector.shape_cast %get3A_510 : vector<1x16xf32> to vector<16xf32>
        %add3A_512 = arith.addf %add3A_478, %get3A_511 : vector<16xf32>
        %add3A_513 = arith.constant 32 : i32
        %add3A_514 = arith.addi %add3A_234, %add3A_513 : i32
        %add3A_515 = arith.constant 1 : i32
        %add3A_516 = arith.addi %add3A_514, %add3A_515 : i32
        %get3A_517 = arith.index_cast %add3A_516 : i32 to index
        %get3A_518 = arith.constant 0 : index
        %get3A_519 = tpu.vector_load %arg7[%get3A_517, %get3A_518] {strides = array<i32>} : memref<3200x16xf32, #tpu.memory_space<vmem>>, vector<1x16xf32>,
        %get3A_520 = vector.shape_cast %get3A_519 : vector<1x16xf32> to vector<16xf32>
        %add3A_521 = arith.addf %add3A_487, %get3A_520 : vector<16xf32>
        %add3A_522 = arith.constant 32 : i32
        %add3A_523 = arith.addi %add3A_234, %add3A_522 : i32
        %add3A_524 = arith.constant 2 : i32
        %add3A_525 = arith.addi %add3A_523, %add3A_524 : i32
        %get3A_526 = arith.index_cast %add3A_525 : i32 to index
        %get3A_527 = arith.constant 0 : index
        %get3A_528 = tpu.vector_load %arg7[%get3A_526, %get3A_527] {strides = array<i32>} : memref<3200x16xf32, #tpu.memory_space<vmem>>, vector<1x16xf32>,
        %get3A_529 = vector.shape_cast %get3A_528 : vector<1x16xf32> to vector<16xf32>
        %add3A_530 = arith.addf %add3A_496, %get3A_529 : vector<16xf32>
        %add3A_531 = arith.constant 32 : i32
        %add3A_532 = arith.addi %add3A_234, %add3A_531 : i32
        %add3A_533 = arith.constant 3 : i32
        %add3A_534 = arith.addi %add3A_532, %add3A_533 : i32
        %get3A_535 = arith.index_cast %add3A_534 : i32 to index
        %get3A_536 = arith.constant 0 : index
        %get3A_537 = tpu.vector_load %arg7[%get3A_535, %get3A_536] {strides = array<i32>} : memref<3200x16xf32, #tpu.memory_space<vmem>>, vector<1x16xf32>,
        %get3A_538 = vector.shape_cast %get3A_537 : vector<1x16xf32> to vector<16xf32>
        %add3A_539 = arith.addf %add3A_505, %get3A_538 : vector<16xf32>
        %add3A_540 = arith.constant 36 : i32
        %add3A_541 = arith.addi %add3A_234, %add3A_540 : i32
        %get3A_542 = arith.index_cast %add3A_541 : i32 to index
        %get3A_543 = arith.constant 0 : index
        %get3A_544 = tpu.vector_load %arg7[%get3A_542, %get3A_543] {strides = array<i32>} : memref<3200x16xf32, #tpu.memory_space<vmem>>, vector<1x16xf32>,
        %get3A_545 = vector.shape_cast %get3A_544 : vector<1x16xf32> to vector<16xf32>
        %add3A_546 = arith.addf %add3A_512, %get3A_545 : vector<16xf32>
        %add3A_547 = arith.constant 36 : i32
        %add3A_548 = arith.addi %add3A_234, %add3A_547 : i32
        %add3A_549 = arith.constant 1 : i32
        %add3A_550 = arith.addi %add3A_548, %add3A_549 : i32
        %get3A_551 = arith.index_cast %add3A_550 : i32 to index
        %get3A_552 = arith.constant 0 : index
        %get3A_553 = tpu.vector_load %arg7[%get3A_551, %get3A_552] {strides = array<i32>} : memref<3200x16xf32, #tpu.memory_space<vmem>>, vector<1x16xf32>,
        %get3A_554 = vector.shape_cast %get3A_553 : vector<1x16xf32> to vector<16xf32>
        %add3A_555 = arith.addf %add3A_521, %get3A_554 : vector<16xf32>
        %add3A_556 = arith.constant 36 : i32
        %add3A_557 = arith.addi %add3A_234, %add3A_556 : i32
        %add3A_558 = arith.constant 2 : i32
        %add3A_559 = arith.addi %add3A_557, %add3A_558 : i32
        %get3A_560 = arith.index_cast %add3A_559 : i32 to index
        %get3A_561 = arith.constant 0 : index
        %get3A_562 = tpu.vector_load %arg7[%get3A_560, %get3A_561] {strides = array<i32>} : memref<3200x16xf32, #tpu.memory_space<vmem>>, vector<1x16xf32>,
        %get3A_563 = vector.shape_cast %get3A_562 : vector<1x16xf32> to vector<16xf32>
        %add3A_564 = arith.addf %add3A_530, %get3A_563 : vector<16xf32>
        %add3A_565 = arith.constant 36 : i32
        %add3A_566 = arith.addi %add3A_234, %add3A_565 : i32
        %add3A_567 = arith.constant 3 : i32
        %add3A_568 = arith.addi %add3A_566, %add3A_567 : i32
        %get3A_569 = arith.index_cast %add3A_568 : i32 to index
        %get3A_570 = arith.constant 0 : index
        %get3A_571 = tpu.vector_load %arg7[%get3A_569, %get3A_570] {strides = array<i32>} : memref<3200x16xf32, #tpu.memory_space<vmem>>, vector<1x16xf32>,
        %get3A_572 = vector.shape_cast %get3A_571 : vector<1x16xf32> to vector<16xf32>
        %add3A_573 = arith.addf %add3A_539, %get3A_572 : vector<16xf32>
        scf.yield %add3A_546, %add3A_555, %add3A_564, %add3A_573 : vector<16xf32>, vector<16xf32>, vector<16xf32>, vector<16xf32>
      }
      %scan3A_217 = arith.constant 5 : i32
      %add3A_218 = arith.addf %scan3A_216#0, %scan3A_216#1 : vector<16xf32>
      %add3A_219 = arith.addf %scan3A_216#2, %scan3A_216#3 : vector<16xf32>
      %add3A_220 = arith.addf %add3A_218, %add3A_219 : vector<16xf32>
      %add3A_221 = arith.constant 32 : i32
      %add3A_222 = arith.addi %add3A_221, %scan3A_208 : i32
      %swap3A = arith.index_cast %add3A_222 : i32 to index
      %swap3A_223 = arith.constant 0 : index
      %swap3A_224 = tpu.vector_load %arg9[%swap3A, %swap3A_223] {strides = array<i32>} : memref<128x16xf32, #tpu.memory_space<vmem>>, vector<1x16xf32>,
      %swap3A_225 = vector.shape_cast %swap3A_224 : vector<1x16xf32> to vector<16xf32>
      %swap3A_226 = vector.shape_cast %add3A_220 : vector<16xf32> to vector<1x16xf32>
      tpu.vector_store %arg9[%swap3A, %swap3A_223], %swap3A_226 {strides = array<i32>} : memref<128x16xf32, #tpu.memory_space<vmem>>, vector<1x16xf32>,
    }
    %scan3A_99 = arith.constant 16 : i32
    %dma_wait3A_100 = arith.constant 4 : i32
    %dma_wait3A_101 = arith.constant 0 : i32
    %dma_wait3A_102 = tpu.memref_slice %arg2[%add3A, %dma_wait3A_100, %dma_wait3A_101] : memref<32x8x3200xi32, #tpu.memory_space<hbm>> -> memref<1x1x3200xi32, #tpu.memory_space<hbm>>
    %dma_wait3A_103 = tpu.memref_squeeze %dma_wait3A_102 : memref<1x1x3200xi32, #tpu.memory_space<hbm>> -> memref<3200xi32, #tpu.memory_space<hbm>>
    %dma_wait3A_104 = arith.constant 0 : i32
    %dma_wait3A_105 = tpu.memref_slice %arg2[%add3A, %dma_wait3A_100, %dma_wait3A_104] : memref<32x8x3200xi32, #tpu.memory_space<hbm>> -> memref<1x1x3200xi32, #tpu.memory_space<hbm>>
    %dma_wait3A_106 = tpu.memref_squeeze %dma_wait3A_105 : memref<1x1x3200xi32, #tpu.memory_space<hbm>> -> memref<3200xi32, #tpu.memory_space<hbm>>
    tpu.wait_dma2 semaphore(%arg12 : memref<!tpu.dma_semaphore, #tpu.memory_space<semaphore_mem>>) src(%dma_wait3A_106 : memref<3200xi32, #tpu.memory_space<hbm>>) dst(%arg5 : memref<3200xi32, #tpu.memory_space<vmem>>)
    %dma_start3A_107 = arith.constant 0 : i32
    %dma_start3A_108 = arith.constant 0 : i32
    %dma_start3A_109 = tpu.memref_slice %arg3[%dma_start3A_107, %dma_start3A_108] : memref<819200x16xf32, #tpu.memory_space<hbm>> -> memref<819200x16xf32, #tpu.memory_space<hbm>>
    tpu.enqueue_indirect_dma source(%dma_start3A_109 : memref<819200x16xf32, #tpu.memory_space<hbm>>) target(%arg7 : memref<3200x16xf32, #tpu.memory_space<vmem>>) offsets(%arg5 : memref<3200xi32, #tpu.memory_space<vmem>>) semaphore(%arg10 : memref<!tpu.dma_semaphore, #tpu.memory_space<semaphore_mem>>)
    %dma_wait3A_110 = arith.constant 0 : i32
    %dma_wait3A_111 = arith.constant 0 : i32
    %dma_wait3A_112 = tpu.memref_slice %arg3[%dma_wait3A_110, %dma_wait3A_111] : memref<819200x16xf32, #tpu.memory_space<hbm>> -> memref<819200x16xf32, #tpu.memory_space<hbm>>
    tpu.wait_indirect_dma semaphore(%arg11 : memref<!tpu.dma_semaphore, #tpu.memory_space<semaphore_mem>>) src(%dma_wait3A_112 : memref<819200x16xf32, #tpu.memory_space<hbm>>) dst(%arg8 : memref<3200x16xf32, #tpu.memory_space<vmem>>)
    %dma_start3A_113 = arith.constant 5 : i32
    %dma_start3A_114 = arith.constant 0 : i32
    %dma_start3A_115 = tpu.memref_slice %arg2[%add3A, %dma_start3A_113, %dma_start3A_114] : memref<32x8x3200xi32, #tpu.memory_space<hbm>> -> memref<1x1x3200xi32, #tpu.memory_space<hbm>>
    %dma_start3A_116 = tpu.memref_squeeze %dma_start3A_115 : memref<1x1x3200xi32, #tpu.memory_space<hbm>> -> memref<3200xi32, #tpu.memory_space<hbm>>
    %dma_start3A_117 = arith.constant 0 : i32
    %dma_start3A_118 = tpu.memref_slice %arg2[%add3A, %dma_start3A_113, %dma_start3A_117] : memref<32x8x3200xi32, #tpu.memory_space<hbm>> -> memref<1x1x3200xi32, #tpu.memory_space<hbm>>
    %dma_start3A_119 = tpu.memref_squeeze %dma_start3A_118 : memref<1x1x3200xi32, #tpu.memory_space<hbm>> -> memref<3200xi32, #tpu.memory_space<hbm>>
    tpu.enqueue_dma source(%dma_start3A_119 : memref<3200xi32, #tpu.memory_space<hbm>>) target(%arg6 : memref<3200xi32, #tpu.memory_space<vmem>>) target_semaphore(%arg12 : memref<!tpu.dma_semaphore, #tpu.memory_space<semaphore_mem>>)
    %scan3A_120 = arith.constant 0 : i32
    %scan3A_121 = arith.constant 0 : i32
    %scan3A_122 = arith.constant 16 : i32
    %scan3A_123 = arith.addi %scan3A_121, %scan3A_122 : i32
    %scan3A_124 = arith.constant 1 : i32
    scf.for %scan3A_208 = %scan3A_121 to %scan3A_123 step %scan3A_124  : i32 {
      %mul3A_209 = arith.constant 200 : i32
      %mul3A_210 = arith.muli %scan3A_208, %mul3A_209 : i32
      %broadcast_in_dim3A = arith.constant 0.000000e+00 : f32
      %broadcast_in_dim3A_211 = vector.broadcast %broadcast_in_dim3A : f32 to vector<16xf32>
      %scan3A_212 = arith.constant 0 : i32
      %scan3A_213 = arith.constant 5 : i32
      %scan3A_214 = arith.addi %scan3A_212, %scan3A_213 : i32
      %scan3A_215 = arith.constant 1 : i32
      %scan3A_216:4 = scf.for %scan3A_227 = %scan3A_212 to %scan3A_214 step %scan3A_215 iter_args(%scan3A_228 = %broadcast_in_dim3A_211, %scan3A_229 = %broadcast_in_dim3A_211, %scan3A_230 = %broadcast_in_dim3A_211, %scan3A_231 = %broadcast_in_dim3A_211) -> (vector<16xf32>, vector<16xf32>, vector<16xf32>, vector<16xf32>)  : i32 {
        %mul3A_232 = arith.constant 40 : i32
        %mul3A_233 = arith.muli %scan3A_227, %mul3A_232 : i32
        %add3A_234 = arith.addi %mul3A_210, %mul3A_233 : i32
        %add3A_235 = arith.constant 0 : i32
        %add3A_236 = arith.addi %add3A_234, %add3A_235 : i32
        %get3A = arith.index_cast %add3A_236 : i32 to index
        %get3A_237 = arith.constant 0 : index
        %get3A_238 = tpu.vector_load %arg8[%get3A, %get3A_237] {strides = array<i32>} : memref<3200x16xf32, #tpu.memory_space<vmem>>, vector<1x16xf32>,
        %get3A_239 = vector.shape_cast %get3A_238 : vector<1x16xf32> to vector<16xf32>
        %add3A_240 = arith.addf %scan3A_228, %get3A_239 : vector<16xf32>
        %add3A_241 = arith.constant 0 : i32
        %add3A_242 = arith.addi %add3A_234, %add3A_241 : i32
        %add3A_243 = arith.constant 1 : i32
        %add3A_244 = arith.addi %add3A_242, %add3A_243 : i32
        %get3A_245 = arith.index_cast %add3A_244 : i32 to index
        %get3A_246 = arith.constant 0 : index
        %get3A_247 = tpu.vector_load %arg8[%get3A_245, %get3A_246] {strides = array<i32>} : memref<3200x16xf32, #tpu.memory_space<vmem>>, vector<1x16xf32>,
        %get3A_248 = vector.shape_cast %get3A_247 : vector<1x16xf32> to vector<16xf32>
        %add3A_249 = arith.addf %scan3A_229, %get3A_248 : vector<16xf32>
        %add3A_250 = arith.constant 0 : i32
        %add3A_251 = arith.addi %add3A_234, %add3A_250 : i32
        %add3A_252 = arith.constant 2 : i32
        %add3A_253 = arith.addi %add3A_251, %add3A_252 : i32
        %get3A_254 = arith.index_cast %add3A_253 : i32 to index
        %get3A_255 = arith.constant 0 : index
        %get3A_256 = tpu.vector_load %arg8[%get3A_254, %get3A_255] {strides = array<i32>} : memref<3200x16xf32, #tpu.memory_space<vmem>>, vector<1x16xf32>,
        %get3A_257 = vector.shape_cast %get3A_256 : vector<1x16xf32> to vector<16xf32>
        %add3A_258 = arith.addf %scan3A_230, %get3A_257 : vector<16xf32>
        %add3A_259 = arith.constant 0 : i32
        %add3A_260 = arith.addi %add3A_234, %add3A_259 : i32
        %add3A_261 = arith.constant 3 : i32
        %add3A_262 = arith.addi %add3A_260, %add3A_261 : i32
        %get3A_263 = arith.index_cast %add3A_262 : i32 to index
        %get3A_264 = arith.constant 0 : index
        %get3A_265 = tpu.vector_load %arg8[%get3A_263, %get3A_264] {strides = array<i32>} : memref<3200x16xf32, #tpu.memory_space<vmem>>, vector<1x16xf32>,
        %get3A_266 = vector.shape_cast %get3A_265 : vector<1x16xf32> to vector<16xf32>
        %add3A_267 = arith.addf %scan3A_231, %get3A_266 : vector<16xf32>
        %add3A_268 = arith.constant 4 : i32
        %add3A_269 = arith.addi %add3A_234, %add3A_268 : i32
        %get3A_270 = arith.index_cast %add3A_269 : i32 to index
        %get3A_271 = arith.constant 0 : index
        %get3A_272 = tpu.vector_load %arg8[%get3A_270, %get3A_271] {strides = array<i32>} : memref<3200x16xf32, #tpu.memory_space<vmem>>, vector<1x16xf32>,
        %get3A_273 = vector.shape_cast %get3A_272 : vector<1x16xf32> to vector<16xf32>
        %add3A_274 = arith.addf %add3A_240, %get3A_273 : vector<16xf32>
        %add3A_275 = arith.constant 4 : i32
        %add3A_276 = arith.addi %add3A_234, %add3A_275 : i32
        %add3A_277 = arith.constant 1 : i32
        %add3A_278 = arith.addi %add3A_276, %add3A_277 : i32
        %get3A_279 = arith.index_cast %add3A_278 : i32 to index
        %get3A_280 = arith.constant 0 : index
        %get3A_281 = tpu.vector_load %arg8[%get3A_279, %get3A_280] {strides = array<i32>} : memref<3200x16xf32, #tpu.memory_space<vmem>>, vector<1x16xf32>,
        %get3A_282 = vector.shape_cast %get3A_281 : vector<1x16xf32> to vector<16xf32>
        %add3A_283 = arith.addf %add3A_249, %get3A_282 : vector<16xf32>
        %add3A_284 = arith.constant 4 : i32
        %add3A_285 = arith.addi %add3A_234, %add3A_284 : i32
        %add3A_286 = arith.constant 2 : i32
        %add3A_287 = arith.addi %add3A_285, %add3A_286 : i32
        %get3A_288 = arith.index_cast %add3A_287 : i32 to index
        %get3A_289 = arith.constant 0 : index
        %get3A_290 = tpu.vector_load %arg8[%get3A_288, %get3A_289] {strides = array<i32>} : memref<3200x16xf32, #tpu.memory_space<vmem>>, vector<1x16xf32>,
        %get3A_291 = vector.shape_cast %get3A_290 : vector<1x16xf32> to vector<16xf32>
        %add3A_292 = arith.addf %add3A_258, %get3A_291 : vector<16xf32>
        %add3A_293 = arith.constant 4 : i32
        %add3A_294 = arith.addi %add3A_234, %add3A_293 : i32
        %add3A_295 = arith.constant 3 : i32
        %add3A_296 = arith.addi %add3A_294, %add3A_295 : i32
        %get3A_297 = arith.index_cast %add3A_296 : i32 to index
        %get3A_298 = arith.constant 0 : index
        %get3A_299 = tpu.vector_load %arg8[%get3A_297, %get3A_298] {strides = array<i32>} : memref<3200x16xf32, #tpu.memory_space<vmem>>, vector<1x16xf32>,
        %get3A_300 = vector.shape_cast %get3A_299 : vector<1x16xf32> to vector<16xf32>
        %add3A_301 = arith.addf %add3A_267, %get3A_300 : vector<16xf32>
        %add3A_302 = arith.constant 8 : i32
        %add3A_303 = arith.addi %add3A_234, %add3A_302 : i32
        %get3A_304 = arith.index_cast %add3A_303 : i32 to index
        %get3A_305 = arith.constant 0 : index
        %get3A_306 = tpu.vector_load %arg8[%get3A_304, %get3A_305] {strides = array<i32>} : memref<3200x16xf32, #tpu.memory_space<vmem>>, vector<1x16xf32>,
        %get3A_307 = vector.shape_cast %get3A_306 : vector<1x16xf32> to vector<16xf32>
        %add3A_308 = arith.addf %add3A_274, %get3A_307 : vector<16xf32>
        %add3A_309 = arith.constant 8 : i32
        %add3A_310 = arith.addi %add3A_234, %add3A_309 : i32
        %add3A_311 = arith.constant 1 : i32
        %add3A_312 = arith.addi %add3A_310, %add3A_311 : i32
        %get3A_313 = arith.index_cast %add3A_312 : i32 to index
        %get3A_314 = arith.constant 0 : index
        %get3A_315 = tpu.vector_load %arg8[%get3A_313, %get3A_314] {strides = array<i32>} : memref<3200x16xf32, #tpu.memory_space<vmem>>, vector<1x16xf32>,
        %get3A_316 = vector.shape_cast %get3A_315 : vector<1x16xf32> to vector<16xf32>
        %add3A_317 = arith.addf %add3A_283, %get3A_316 : vector<16xf32>
        %add3A_318 = arith.constant 8 : i32
        %add3A_319 = arith.addi %add3A_234, %add3A_318 : i32
        %add3A_320 = arith.constant 2 : i32
        %add3A_321 = arith.addi %add3A_319, %add3A_320 : i32
        %get3A_322 = arith.index_cast %add3A_321 : i32 to index
        %get3A_323 = arith.constant 0 : index
        %get3A_324 = tpu.vector_load %arg8[%get3A_322, %get3A_323] {strides = array<i32>} : memref<3200x16xf32, #tpu.memory_space<vmem>>, vector<1x16xf32>,
        %get3A_325 = vector.shape_cast %get3A_324 : vector<1x16xf32> to vector<16xf32>
        %add3A_326 = arith.addf %add3A_292, %get3A_325 : vector<16xf32>
        %add3A_327 = arith.constant 8 : i32
        %add3A_328 = arith.addi %add3A_234, %add3A_327 : i32
        %add3A_329 = arith.constant 3 : i32
        %add3A_330 = arith.addi %add3A_328, %add3A_329 : i32
        %get3A_331 = arith.index_cast %add3A_330 : i32 to index
        %get3A_332 = arith.constant 0 : index
        %get3A_333 = tpu.vector_load %arg8[%get3A_331, %get3A_332] {strides = array<i32>} : memref<3200x16xf32, #tpu.memory_space<vmem>>, vector<1x16xf32>,
        %get3A_334 = vector.shape_cast %get3A_333 : vector<1x16xf32> to vector<16xf32>
        %add3A_335 = arith.addf %add3A_301, %get3A_334 : vector<16xf32>
        %add3A_336 = arith.constant 12 : i32
        %add3A_337 = arith.addi %add3A_234, %add3A_336 : i32
        %get3A_338 = arith.index_cast %add3A_337 : i32 to index
        %get3A_339 = arith.constant 0 : index
        %get3A_340 = tpu.vector_load %arg8[%get3A_338, %get3A_339] {strides = array<i32>} : memref<3200x16xf32, #tpu.memory_space<vmem>>, vector<1x16xf32>,
        %get3A_341 = vector.shape_cast %get3A_340 : vector<1x16xf32> to vector<16xf32>
        %add3A_342 = arith.addf %add3A_308, %get3A_341 : vector<16xf32>
        %add3A_343 = arith.constant 12 : i32
        %add3A_344 = arith.addi %add3A_234, %add3A_343 : i32
        %add3A_345 = arith.constant 1 : i32
        %add3A_346 = arith.addi %add3A_344, %add3A_345 : i32
        %get3A_347 = arith.index_cast %add3A_346 : i32 to index
        %get3A_348 = arith.constant 0 : index
        %get3A_349 = tpu.vector_load %arg8[%get3A_347, %get3A_348] {strides = array<i32>} : memref<3200x16xf32, #tpu.memory_space<vmem>>, vector<1x16xf32>,
        %get3A_350 = vector.shape_cast %get3A_349 : vector<1x16xf32> to vector<16xf32>
        %add3A_351 = arith.addf %add3A_317, %get3A_350 : vector<16xf32>
        %add3A_352 = arith.constant 12 : i32
        %add3A_353 = arith.addi %add3A_234, %add3A_352 : i32
        %add3A_354 = arith.constant 2 : i32
        %add3A_355 = arith.addi %add3A_353, %add3A_354 : i32
        %get3A_356 = arith.index_cast %add3A_355 : i32 to index
        %get3A_357 = arith.constant 0 : index
        %get3A_358 = tpu.vector_load %arg8[%get3A_356, %get3A_357] {strides = array<i32>} : memref<3200x16xf32, #tpu.memory_space<vmem>>, vector<1x16xf32>,
        %get3A_359 = vector.shape_cast %get3A_358 : vector<1x16xf32> to vector<16xf32>
        %add3A_360 = arith.addf %add3A_326, %get3A_359 : vector<16xf32>
        %add3A_361 = arith.constant 12 : i32
        %add3A_362 = arith.addi %add3A_234, %add3A_361 : i32
        %add3A_363 = arith.constant 3 : i32
        %add3A_364 = arith.addi %add3A_362, %add3A_363 : i32
        %get3A_365 = arith.index_cast %add3A_364 : i32 to index
        %get3A_366 = arith.constant 0 : index
        %get3A_367 = tpu.vector_load %arg8[%get3A_365, %get3A_366] {strides = array<i32>} : memref<3200x16xf32, #tpu.memory_space<vmem>>, vector<1x16xf32>,
        %get3A_368 = vector.shape_cast %get3A_367 : vector<1x16xf32> to vector<16xf32>
        %add3A_369 = arith.addf %add3A_335, %get3A_368 : vector<16xf32>
        %add3A_370 = arith.constant 16 : i32
        %add3A_371 = arith.addi %add3A_234, %add3A_370 : i32
        %get3A_372 = arith.index_cast %add3A_371 : i32 to index
        %get3A_373 = arith.constant 0 : index
        %get3A_374 = tpu.vector_load %arg8[%get3A_372, %get3A_373] {strides = array<i32>} : memref<3200x16xf32, #tpu.memory_space<vmem>>, vector<1x16xf32>,
        %get3A_375 = vector.shape_cast %get3A_374 : vector<1x16xf32> to vector<16xf32>
        %add3A_376 = arith.addf %add3A_342, %get3A_375 : vector<16xf32>
        %add3A_377 = arith.constant 16 : i32
        %add3A_378 = arith.addi %add3A_234, %add3A_377 : i32
        %add3A_379 = arith.constant 1 : i32
        %add3A_380 = arith.addi %add3A_378, %add3A_379 : i32
        %get3A_381 = arith.index_cast %add3A_380 : i32 to index
        %get3A_382 = arith.constant 0 : index
        %get3A_383 = tpu.vector_load %arg8[%get3A_381, %get3A_382] {strides = array<i32>} : memref<3200x16xf32, #tpu.memory_space<vmem>>, vector<1x16xf32>,
        %get3A_384 = vector.shape_cast %get3A_383 : vector<1x16xf32> to vector<16xf32>
        %add3A_385 = arith.addf %add3A_351, %get3A_384 : vector<16xf32>
        %add3A_386 = arith.constant 16 : i32
        %add3A_387 = arith.addi %add3A_234, %add3A_386 : i32
        %add3A_388 = arith.constant 2 : i32
        %add3A_389 = arith.addi %add3A_387, %add3A_388 : i32
        %get3A_390 = arith.index_cast %add3A_389 : i32 to index
        %get3A_391 = arith.constant 0 : index
        %get3A_392 = tpu.vector_load %arg8[%get3A_390, %get3A_391] {strides = array<i32>} : memref<3200x16xf32, #tpu.memory_space<vmem>>, vector<1x16xf32>,
        %get3A_393 = vector.shape_cast %get3A_392 : vector<1x16xf32> to vector<16xf32>
        %add3A_394 = arith.addf %add3A_360, %get3A_393 : vector<16xf32>
        %add3A_395 = arith.constant 16 : i32
        %add3A_396 = arith.addi %add3A_234, %add3A_395 : i32
        %add3A_397 = arith.constant 3 : i32
        %add3A_398 = arith.addi %add3A_396, %add3A_397 : i32
        %get3A_399 = arith.index_cast %add3A_398 : i32 to index
        %get3A_400 = arith.constant 0 : index
        %get3A_401 = tpu.vector_load %arg8[%get3A_399, %get3A_400] {strides = array<i32>} : memref<3200x16xf32, #tpu.memory_space<vmem>>, vector<1x16xf32>,
        %get3A_402 = vector.shape_cast %get3A_401 : vector<1x16xf32> to vector<16xf32>
        %add3A_403 = arith.addf %add3A_369, %get3A_402 : vector<16xf32>
        %add3A_404 = arith.constant 20 : i32
        %add3A_405 = arith.addi %add3A_234, %add3A_404 : i32
        %get3A_406 = arith.index_cast %add3A_405 : i32 to index
        %get3A_407 = arith.constant 0 : index
        %get3A_408 = tpu.vector_load %arg8[%get3A_406, %get3A_407] {strides = array<i32>} : memref<3200x16xf32, #tpu.memory_space<vmem>>, vector<1x16xf32>,
        %get3A_409 = vector.shape_cast %get3A_408 : vector<1x16xf32> to vector<16xf32>
        %add3A_410 = arith.addf %add3A_376, %get3A_409 : vector<16xf32>
        %add3A_411 = arith.constant 20 : i32
        %add3A_412 = arith.addi %add3A_234, %add3A_411 : i32
        %add3A_413 = arith.constant 1 : i32
        %add3A_414 = arith.addi %add3A_412, %add3A_413 : i32
        %get3A_415 = arith.index_cast %add3A_414 : i32 to index
        %get3A_416 = arith.constant 0 : index
        %get3A_417 = tpu.vector_load %arg8[%get3A_415, %get3A_416] {strides = array<i32>} : memref<3200x16xf32, #tpu.memory_space<vmem>>, vector<1x16xf32>,
        %get3A_418 = vector.shape_cast %get3A_417 : vector<1x16xf32> to vector<16xf32>
        %add3A_419 = arith.addf %add3A_385, %get3A_418 : vector<16xf32>
        %add3A_420 = arith.constant 20 : i32
        %add3A_421 = arith.addi %add3A_234, %add3A_420 : i32
        %add3A_422 = arith.constant 2 : i32
        %add3A_423 = arith.addi %add3A_421, %add3A_422 : i32
        %get3A_424 = arith.index_cast %add3A_423 : i32 to index
        %get3A_425 = arith.constant 0 : index
        %get3A_426 = tpu.vector_load %arg8[%get3A_424, %get3A_425] {strides = array<i32>} : memref<3200x16xf32, #tpu.memory_space<vmem>>, vector<1x16xf32>,
        %get3A_427 = vector.shape_cast %get3A_426 : vector<1x16xf32> to vector<16xf32>
        %add3A_428 = arith.addf %add3A_394, %get3A_427 : vector<16xf32>
        %add3A_429 = arith.constant 20 : i32
        %add3A_430 = arith.addi %add3A_234, %add3A_429 : i32
        %add3A_431 = arith.constant 3 : i32
        %add3A_432 = arith.addi %add3A_430, %add3A_431 : i32
        %get3A_433 = arith.index_cast %add3A_432 : i32 to index
        %get3A_434 = arith.constant 0 : index
        %get3A_435 = tpu.vector_load %arg8[%get3A_433, %get3A_434] {strides = array<i32>} : memref<3200x16xf32, #tpu.memory_space<vmem>>, vector<1x16xf32>,
        %get3A_436 = vector.shape_cast %get3A_435 : vector<1x16xf32> to vector<16xf32>
        %add3A_437 = arith.addf %add3A_403, %get3A_436 : vector<16xf32>
        %add3A_438 = arith.constant 24 : i32
        %add3A_439 = arith.addi %add3A_234, %add3A_438 : i32
        %get3A_440 = arith.index_cast %add3A_439 : i32 to index
        %get3A_441 = arith.constant 0 : index
        %get3A_442 = tpu.vector_load %arg8[%get3A_440, %get3A_441] {strides = array<i32>} : memref<3200x16xf32, #tpu.memory_space<vmem>>, vector<1x16xf32>,
        %get3A_443 = vector.shape_cast %get3A_442 : vector<1x16xf32> to vector<16xf32>
        %add3A_444 = arith.addf %add3A_410, %get3A_443 : vector<16xf32>
        %add3A_445 = arith.constant 24 : i32
        %add3A_446 = arith.addi %add3A_234, %add3A_445 : i32
        %add3A_447 = arith.constant 1 : i32
        %add3A_448 = arith.addi %add3A_446, %add3A_447 : i32
        %get3A_449 = arith.index_cast %add3A_448 : i32 to index
        %get3A_450 = arith.constant 0 : index
        %get3A_451 = tpu.vector_load %arg8[%get3A_449, %get3A_450] {strides = array<i32>} : memref<3200x16xf32, #tpu.memory_space<vmem>>, vector<1x16xf32>,
        %get3A_452 = vector.shape_cast %get3A_451 : vector<1x16xf32> to vector<16xf32>
        %add3A_453 = arith.addf %add3A_419, %get3A_452 : vector<16xf32>
        %add3A_454 = arith.constant 24 : i32
        %add3A_455 = arith.addi %add3A_234, %add3A_454 : i32
        %add3A_456 = arith.constant 2 : i32
        %add3A_457 = arith.addi %add3A_455, %add3A_456 : i32
        %get3A_458 = arith.index_cast %add3A_457 : i32 to index
        %get3A_459 = arith.constant 0 : index
        %get3A_460 = tpu.vector_load %arg8[%get3A_458, %get3A_459] {strides = array<i32>} : memref<3200x16xf32, #tpu.memory_space<vmem>>, vector<1x16xf32>,
        %get3A_461 = vector.shape_cast %get3A_460 : vector<1x16xf32> to vector<16xf32>
        %add3A_462 = arith.addf %add3A_428, %get3A_461 : vector<16xf32>
        %add3A_463 = arith.constant 24 : i32
        %add3A_464 = arith.addi %add3A_234, %add3A_463 : i32
        %add3A_465 = arith.constant 3 : i32
        %add3A_466 = arith.addi %add3A_464, %add3A_465 : i32
        %get3A_467 = arith.index_cast %add3A_466 : i32 to index
        %get3A_468 = arith.constant 0 : index
        %get3A_469 = tpu.vector_load %arg8[%get3A_467, %get3A_468] {strides = array<i32>} : memref<3200x16xf32, #tpu.memory_space<vmem>>, vector<1x16xf32>,
        %get3A_470 = vector.shape_cast %get3A_469 : vector<1x16xf32> to vector<16xf32>
        %add3A_471 = arith.addf %add3A_437, %get3A_470 : vector<16xf32>
        %add3A_472 = arith.constant 28 : i32
        %add3A_473 = arith.addi %add3A_234, %add3A_472 : i32
        %get3A_474 = arith.index_cast %add3A_473 : i32 to index
        %get3A_475 = arith.constant 0 : index
        %get3A_476 = tpu.vector_load %arg8[%get3A_474, %get3A_475] {strides = array<i32>} : memref<3200x16xf32, #tpu.memory_space<vmem>>, vector<1x16xf32>,
        %get3A_477 = vector.shape_cast %get3A_476 : vector<1x16xf32> to vector<16xf32>
        %add3A_478 = arith.addf %add3A_444, %get3A_477 : vector<16xf32>
        %add3A_479 = arith.constant 28 : i32
        %add3A_480 = arith.addi %add3A_234, %add3A_479 : i32
        %add3A_481 = arith.constant 1 : i32
        %add3A_482 = arith.addi %add3A_480, %add3A_481 : i32
        %get3A_483 = arith.index_cast %add3A_482 : i32 to index
        %get3A_484 = arith.constant 0 : index
        %get3A_485 = tpu.vector_load %arg8[%get3A_483, %get3A_484] {strides = array<i32>} : memref<3200x16xf32, #tpu.memory_space<vmem>>, vector<1x16xf32>,
        %get3A_486 = vector.shape_cast %get3A_485 : vector<1x16xf32> to vector<16xf32>
        %add3A_487 = arith.addf %add3A_453, %get3A_486 : vector<16xf32>
        %add3A_488 = arith.constant 28 : i32
        %add3A_489 = arith.addi %add3A_234, %add3A_488 : i32
        %add3A_490 = arith.constant 2 : i32
        %add3A_491 = arith.addi %add3A_489, %add3A_490 : i32
        %get3A_492 = arith.index_cast %add3A_491 : i32 to index
        %get3A_493 = arith.constant 0 : index
        %get3A_494 = tpu.vector_load %arg8[%get3A_492, %get3A_493] {strides = array<i32>} : memref<3200x16xf32, #tpu.memory_space<vmem>>, vector<1x16xf32>,
        %get3A_495 = vector.shape_cast %get3A_494 : vector<1x16xf32> to vector<16xf32>
        %add3A_496 = arith.addf %add3A_462, %get3A_495 : vector<16xf32>
        %add3A_497 = arith.constant 28 : i32
        %add3A_498 = arith.addi %add3A_234, %add3A_497 : i32
        %add3A_499 = arith.constant 3 : i32
        %add3A_500 = arith.addi %add3A_498, %add3A_499 : i32
        %get3A_501 = arith.index_cast %add3A_500 : i32 to index
        %get3A_502 = arith.constant 0 : index
        %get3A_503 = tpu.vector_load %arg8[%get3A_501, %get3A_502] {strides = array<i32>} : memref<3200x16xf32, #tpu.memory_space<vmem>>, vector<1x16xf32>,
        %get3A_504 = vector.shape_cast %get3A_503 : vector<1x16xf32> to vector<16xf32>
        %add3A_505 = arith.addf %add3A_471, %get3A_504 : vector<16xf32>
        %add3A_506 = arith.constant 32 : i32
        %add3A_507 = arith.addi %add3A_234, %add3A_506 : i32
        %get3A_508 = arith.index_cast %add3A_507 : i32 to index
        %get3A_509 = arith.constant 0 : index
        %get3A_510 = tpu.vector_load %arg8[%get3A_508, %get3A_509] {strides = array<i32>} : memref<3200x16xf32, #tpu.memory_space<vmem>>, vector<1x16xf32>,
        %get3A_511 = vector.shape_cast %get3A_510 : vector<1x16xf32> to vector<16xf32>
        %add3A_512 = arith.addf %add3A_478, %get3A_511 : vector<16xf32>
        %add3A_513 = arith.constant 32 : i32
        %add3A_514 = arith.addi %add3A_234, %add3A_513 : i32
        %add3A_515 = arith.constant 1 : i32
        %add3A_516 = arith.addi %add3A_514, %add3A_515 : i32
        %get3A_517 = arith.index_cast %add3A_516 : i32 to index
        %get3A_518 = arith.constant 0 : index
        %get3A_519 = tpu.vector_load %arg8[%get3A_517, %get3A_518] {strides = array<i32>} : memref<3200x16xf32, #tpu.memory_space<vmem>>, vector<1x16xf32>,
        %get3A_520 = vector.shape_cast %get3A_519 : vector<1x16xf32> to vector<16xf32>
        %add3A_521 = arith.addf %add3A_487, %get3A_520 : vector<16xf32>
        %add3A_522 = arith.constant 32 : i32
        %add3A_523 = arith.addi %add3A_234, %add3A_522 : i32
        %add3A_524 = arith.constant 2 : i32
        %add3A_525 = arith.addi %add3A_523, %add3A_524 : i32
        %get3A_526 = arith.index_cast %add3A_525 : i32 to index
        %get3A_527 = arith.constant 0 : index
        %get3A_528 = tpu.vector_load %arg8[%get3A_526, %get3A_527] {strides = array<i32>} : memref<3200x16xf32, #tpu.memory_space<vmem>>, vector<1x16xf32>,
        %get3A_529 = vector.shape_cast %get3A_528 : vector<1x16xf32> to vector<16xf32>
        %add3A_530 = arith.addf %add3A_496, %get3A_529 : vector<16xf32>
        %add3A_531 = arith.constant 32 : i32
        %add3A_532 = arith.addi %add3A_234, %add3A_531 : i32
        %add3A_533 = arith.constant 3 : i32
        %add3A_534 = arith.addi %add3A_532, %add3A_533 : i32
        %get3A_535 = arith.index_cast %add3A_534 : i32 to index
        %get3A_536 = arith.constant 0 : index
        %get3A_537 = tpu.vector_load %arg8[%get3A_535, %get3A_536] {strides = array<i32>} : memref<3200x16xf32, #tpu.memory_space<vmem>>, vector<1x16xf32>,
        %get3A_538 = vector.shape_cast %get3A_537 : vector<1x16xf32> to vector<16xf32>
        %add3A_539 = arith.addf %add3A_505, %get3A_538 : vector<16xf32>
        %add3A_540 = arith.constant 36 : i32
        %add3A_541 = arith.addi %add3A_234, %add3A_540 : i32
        %get3A_542 = arith.index_cast %add3A_541 : i32 to index
        %get3A_543 = arith.constant 0 : index
        %get3A_544 = tpu.vector_load %arg8[%get3A_542, %get3A_543] {strides = array<i32>} : memref<3200x16xf32, #tpu.memory_space<vmem>>, vector<1x16xf32>,
        %get3A_545 = vector.shape_cast %get3A_544 : vector<1x16xf32> to vector<16xf32>
        %add3A_546 = arith.addf %add3A_512, %get3A_545 : vector<16xf32>
        %add3A_547 = arith.constant 36 : i32
        %add3A_548 = arith.addi %add3A_234, %add3A_547 : i32
        %add3A_549 = arith.constant 1 : i32
        %add3A_550 = arith.addi %add3A_548, %add3A_549 : i32
        %get3A_551 = arith.index_cast %add3A_550 : i32 to index
        %get3A_552 = arith.constant 0 : index
        %get3A_553 = tpu.vector_load %arg8[%get3A_551, %get3A_552] {strides = array<i32>} : memref<3200x16xf32, #tpu.memory_space<vmem>>, vector<1x16xf32>,
        %get3A_554 = vector.shape_cast %get3A_553 : vector<1x16xf32> to vector<16xf32>
        %add3A_555 = arith.addf %add3A_521, %get3A_554 : vector<16xf32>
        %add3A_556 = arith.constant 36 : i32
        %add3A_557 = arith.addi %add3A_234, %add3A_556 : i32
        %add3A_558 = arith.constant 2 : i32
        %add3A_559 = arith.addi %add3A_557, %add3A_558 : i32
        %get3A_560 = arith.index_cast %add3A_559 : i32 to index
        %get3A_561 = arith.constant 0 : index
        %get3A_562 = tpu.vector_load %arg8[%get3A_560, %get3A_561] {strides = array<i32>} : memref<3200x16xf32, #tpu.memory_space<vmem>>, vector<1x16xf32>,
        %get3A_563 = vector.shape_cast %get3A_562 : vector<1x16xf32> to vector<16xf32>
        %add3A_564 = arith.addf %add3A_530, %get3A_563 : vector<16xf32>
        %add3A_565 = arith.constant 36 : i32
        %add3A_566 = arith.addi %add3A_234, %add3A_565 : i32
        %add3A_567 = arith.constant 3 : i32
        %add3A_568 = arith.addi %add3A_566, %add3A_567 : i32
        %get3A_569 = arith.index_cast %add3A_568 : i32 to index
        %get3A_570 = arith.constant 0 : index
        %get3A_571 = tpu.vector_load %arg8[%get3A_569, %get3A_570] {strides = array<i32>} : memref<3200x16xf32, #tpu.memory_space<vmem>>, vector<1x16xf32>,
        %get3A_572 = vector.shape_cast %get3A_571 : vector<1x16xf32> to vector<16xf32>
        %add3A_573 = arith.addf %add3A_539, %get3A_572 : vector<16xf32>
        scf.yield %add3A_546, %add3A_555, %add3A_564, %add3A_573 : vector<16xf32>, vector<16xf32>, vector<16xf32>, vector<16xf32>
      }
      %scan3A_217 = arith.constant 5 : i32
      %add3A_218 = arith.addf %scan3A_216#0, %scan3A_216#1 : vector<16xf32>
      %add3A_219 = arith.addf %scan3A_216#2, %scan3A_216#3 : vector<16xf32>
      %add3A_220 = arith.addf %add3A_218, %add3A_219 : vector<16xf32>
      %add3A_221 = arith.constant 48 : i32
      %add3A_222 = arith.addi %add3A_221, %scan3A_208 : i32
      %swap3A = arith.index_cast %add3A_222 : i32 to index
      %swap3A_223 = arith.constant 0 : index
      %swap3A_224 = tpu.vector_load %arg9[%swap3A, %swap3A_223] {strides = array<i32>} : memref<128x16xf32, #tpu.memory_space<vmem>>, vector<1x16xf32>,
      %swap3A_225 = vector.shape_cast %swap3A_224 : vector<1x16xf32> to vector<16xf32>
      %swap3A_226 = vector.shape_cast %add3A_220 : vector<16xf32> to vector<1x16xf32>
      tpu.vector_store %arg9[%swap3A, %swap3A_223], %swap3A_226 {strides = array<i32>} : memref<128x16xf32, #tpu.memory_space<vmem>>, vector<1x16xf32>,
    }
    %scan3A_125 = arith.constant 16 : i32
    %dma_wait3A_126 = arith.constant 5 : i32
    %dma_wait3A_127 = arith.constant 0 : i32
    %dma_wait3A_128 = tpu.memref_slice %arg2[%add3A, %dma_wait3A_126, %dma_wait3A_127] : memref<32x8x3200xi32, #tpu.memory_space<hbm>> -> memref<1x1x3200xi32, #tpu.memory_space<hbm>>
    %dma_wait3A_129 = tpu.memref_squeeze %dma_wait3A_128 : memref<1x1x3200xi32, #tpu.memory_space<hbm>> -> memref<3200xi32, #tpu.memory_space<hbm>>
    %dma_wait3A_130 = arith.constant 0 : i32
    %dma_wait3A_131 = tpu.memref_slice %arg2[%add3A, %dma_wait3A_126, %dma_wait3A_130] : memref<32x8x3200xi32, #tpu.memory_space<hbm>> -> memref<1x1x3200xi32, #tpu.memory_space<hbm>>
    %dma_wait3A_132 = tpu.memref_squeeze %dma_wait3A_131 : memref<1x1x3200xi32, #tpu.memory_space<hbm>> -> memref<3200xi32, #tpu.memory_space<hbm>>
    tpu.wait_dma2 semaphore(%arg12 : memref<!tpu.dma_semaphore, #tpu.memory_space<semaphore_mem>>) src(%dma_wait3A_132 : memref<3200xi32, #tpu.memory_space<hbm>>) dst(%arg6 : memref<3200xi32, #tpu.memory_space<vmem>>)
    %dma_start3A_133 = arith.constant 0 : i32
    %dma_start3A_134 = arith.constant 0 : i32
    %dma_start3A_135 = tpu.memref_slice %arg3[%dma_start3A_133, %dma_start3A_134] : memref<819200x16xf32, #tpu.memory_space<hbm>> -> memref<819200x16xf32, #tpu.memory_space<hbm>>
    tpu.enqueue_indirect_dma source(%dma_start3A_135 : memref<819200x16xf32, #tpu.memory_space<hbm>>) target(%arg8 : memref<3200x16xf32, #tpu.memory_space<vmem>>) offsets(%arg6 : memref<3200xi32, #tpu.memory_space<vmem>>) semaphore(%arg11 : memref<!tpu.dma_semaphore, #tpu.memory_space<semaphore_mem>>)
    %dma_wait3A_136 = arith.constant 0 : i32
    %dma_wait3A_137 = arith.constant 0 : i32
    %dma_wait3A_138 = tpu.memref_slice %arg3[%dma_wait3A_136, %dma_wait3A_137] : memref<819200x16xf32, #tpu.memory_space<hbm>> -> memref<819200x16xf32, #tpu.memory_space<hbm>>
    tpu.wait_indirect_dma semaphore(%arg10 : memref<!tpu.dma_semaphore, #tpu.memory_space<semaphore_mem>>) src(%dma_wait3A_138 : memref<819200x16xf32, #tpu.memory_space<hbm>>) dst(%arg7 : memref<3200x16xf32, #tpu.memory_space<vmem>>)
    %dma_start3A_139 = arith.constant 6 : i32
    %dma_start3A_140 = arith.constant 0 : i32
    %dma_start3A_141 = tpu.memref_slice %arg2[%add3A, %dma_start3A_139, %dma_start3A_140] : memref<32x8x3200xi32, #tpu.memory_space<hbm>> -> memref<1x1x3200xi32, #tpu.memory_space<hbm>>
    %dma_start3A_142 = tpu.memref_squeeze %dma_start3A_141 : memref<1x1x3200xi32, #tpu.memory_space<hbm>> -> memref<3200xi32, #tpu.memory_space<hbm>>
    %dma_start3A_143 = arith.constant 0 : i32
    %dma_start3A_144 = tpu.memref_slice %arg2[%add3A, %dma_start3A_139, %dma_start3A_143] : memref<32x8x3200xi32, #tpu.memory_space<hbm>> -> memref<1x1x3200xi32, #tpu.memory_space<hbm>>
    %dma_start3A_145 = tpu.memref_squeeze %dma_start3A_144 : memref<1x1x3200xi32, #tpu.memory_space<hbm>> -> memref<3200xi32, #tpu.memory_space<hbm>>
    tpu.enqueue_dma source(%dma_start3A_145 : memref<3200xi32, #tpu.memory_space<hbm>>) target(%arg5 : memref<3200xi32, #tpu.memory_space<vmem>>) target_semaphore(%arg12 : memref<!tpu.dma_semaphore, #tpu.memory_space<semaphore_mem>>)
    %scan3A_146 = arith.constant 0 : i32
    %scan3A_147 = arith.constant 0 : i32
    %scan3A_148 = arith.constant 16 : i32
    %scan3A_149 = arith.addi %scan3A_147, %scan3A_148 : i32
    %scan3A_150 = arith.constant 1 : i32
    scf.for %scan3A_208 = %scan3A_147 to %scan3A_149 step %scan3A_150  : i32 {
      %mul3A_209 = arith.constant 200 : i32
      %mul3A_210 = arith.muli %scan3A_208, %mul3A_209 : i32
      %broadcast_in_dim3A = arith.constant 0.000000e+00 : f32
      %broadcast_in_dim3A_211 = vector.broadcast %broadcast_in_dim3A : f32 to vector<16xf32>
      %scan3A_212 = arith.constant 0 : i32
      %scan3A_213 = arith.constant 5 : i32
      %scan3A_214 = arith.addi %scan3A_212, %scan3A_213 : i32
      %scan3A_215 = arith.constant 1 : i32
      %scan3A_216:4 = scf.for %scan3A_227 = %scan3A_212 to %scan3A_214 step %scan3A_215 iter_args(%scan3A_228 = %broadcast_in_dim3A_211, %scan3A_229 = %broadcast_in_dim3A_211, %scan3A_230 = %broadcast_in_dim3A_211, %scan3A_231 = %broadcast_in_dim3A_211) -> (vector<16xf32>, vector<16xf32>, vector<16xf32>, vector<16xf32>)  : i32 {
        %mul3A_232 = arith.constant 40 : i32
        %mul3A_233 = arith.muli %scan3A_227, %mul3A_232 : i32
        %add3A_234 = arith.addi %mul3A_210, %mul3A_233 : i32
        %add3A_235 = arith.constant 0 : i32
        %add3A_236 = arith.addi %add3A_234, %add3A_235 : i32
        %get3A = arith.index_cast %add3A_236 : i32 to index
        %get3A_237 = arith.constant 0 : index
        %get3A_238 = tpu.vector_load %arg7[%get3A, %get3A_237] {strides = array<i32>} : memref<3200x16xf32, #tpu.memory_space<vmem>>, vector<1x16xf32>,
        %get3A_239 = vector.shape_cast %get3A_238 : vector<1x16xf32> to vector<16xf32>
        %add3A_240 = arith.addf %scan3A_228, %get3A_239 : vector<16xf32>
        %add3A_241 = arith.constant 0 : i32
        %add3A_242 = arith.addi %add3A_234, %add3A_241 : i32
        %add3A_243 = arith.constant 1 : i32
        %add3A_244 = arith.addi %add3A_242, %add3A_243 : i32
        %get3A_245 = arith.index_cast %add3A_244 : i32 to index
        %get3A_246 = arith.constant 0 : index
        %get3A_247 = tpu.vector_load %arg7[%get3A_245, %get3A_246] {strides = array<i32>} : memref<3200x16xf32, #tpu.memory_space<vmem>>, vector<1x16xf32>,
        %get3A_248 = vector.shape_cast %get3A_247 : vector<1x16xf32> to vector<16xf32>
        %add3A_249 = arith.addf %scan3A_229, %get3A_248 : vector<16xf32>
        %add3A_250 = arith.constant 0 : i32
        %add3A_251 = arith.addi %add3A_234, %add3A_250 : i32
        %add3A_252 = arith.constant 2 : i32
        %add3A_253 = arith.addi %add3A_251, %add3A_252 : i32
        %get3A_254 = arith.index_cast %add3A_253 : i32 to index
        %get3A_255 = arith.constant 0 : index
        %get3A_256 = tpu.vector_load %arg7[%get3A_254, %get3A_255] {strides = array<i32>} : memref<3200x16xf32, #tpu.memory_space<vmem>>, vector<1x16xf32>,
        %get3A_257 = vector.shape_cast %get3A_256 : vector<1x16xf32> to vector<16xf32>
        %add3A_258 = arith.addf %scan3A_230, %get3A_257 : vector<16xf32>
        %add3A_259 = arith.constant 0 : i32
        %add3A_260 = arith.addi %add3A_234, %add3A_259 : i32
        %add3A_261 = arith.constant 3 : i32
        %add3A_262 = arith.addi %add3A_260, %add3A_261 : i32
        %get3A_263 = arith.index_cast %add3A_262 : i32 to index
        %get3A_264 = arith.constant 0 : index
        %get3A_265 = tpu.vector_load %arg7[%get3A_263, %get3A_264] {strides = array<i32>} : memref<3200x16xf32, #tpu.memory_space<vmem>>, vector<1x16xf32>,
        %get3A_266 = vector.shape_cast %get3A_265 : vector<1x16xf32> to vector<16xf32>
        %add3A_267 = arith.addf %scan3A_231, %get3A_266 : vector<16xf32>
        %add3A_268 = arith.constant 4 : i32
        %add3A_269 = arith.addi %add3A_234, %add3A_268 : i32
        %get3A_270 = arith.index_cast %add3A_269 : i32 to index
        %get3A_271 = arith.constant 0 : index
        %get3A_272 = tpu.vector_load %arg7[%get3A_270, %get3A_271] {strides = array<i32>} : memref<3200x16xf32, #tpu.memory_space<vmem>>, vector<1x16xf32>,
        %get3A_273 = vector.shape_cast %get3A_272 : vector<1x16xf32> to vector<16xf32>
        %add3A_274 = arith.addf %add3A_240, %get3A_273 : vector<16xf32>
        %add3A_275 = arith.constant 4 : i32
        %add3A_276 = arith.addi %add3A_234, %add3A_275 : i32
        %add3A_277 = arith.constant 1 : i32
        %add3A_278 = arith.addi %add3A_276, %add3A_277 : i32
        %get3A_279 = arith.index_cast %add3A_278 : i32 to index
        %get3A_280 = arith.constant 0 : index
        %get3A_281 = tpu.vector_load %arg7[%get3A_279, %get3A_280] {strides = array<i32>} : memref<3200x16xf32, #tpu.memory_space<vmem>>, vector<1x16xf32>,
        %get3A_282 = vector.shape_cast %get3A_281 : vector<1x16xf32> to vector<16xf32>
        %add3A_283 = arith.addf %add3A_249, %get3A_282 : vector<16xf32>
        %add3A_284 = arith.constant 4 : i32
        %add3A_285 = arith.addi %add3A_234, %add3A_284 : i32
        %add3A_286 = arith.constant 2 : i32
        %add3A_287 = arith.addi %add3A_285, %add3A_286 : i32
        %get3A_288 = arith.index_cast %add3A_287 : i32 to index
        %get3A_289 = arith.constant 0 : index
        %get3A_290 = tpu.vector_load %arg7[%get3A_288, %get3A_289] {strides = array<i32>} : memref<3200x16xf32, #tpu.memory_space<vmem>>, vector<1x16xf32>,
        %get3A_291 = vector.shape_cast %get3A_290 : vector<1x16xf32> to vector<16xf32>
        %add3A_292 = arith.addf %add3A_258, %get3A_291 : vector<16xf32>
        %add3A_293 = arith.constant 4 : i32
        %add3A_294 = arith.addi %add3A_234, %add3A_293 : i32
        %add3A_295 = arith.constant 3 : i32
        %add3A_296 = arith.addi %add3A_294, %add3A_295 : i32
        %get3A_297 = arith.index_cast %add3A_296 : i32 to index
        %get3A_298 = arith.constant 0 : index
        %get3A_299 = tpu.vector_load %arg7[%get3A_297, %get3A_298] {strides = array<i32>} : memref<3200x16xf32, #tpu.memory_space<vmem>>, vector<1x16xf32>,
        %get3A_300 = vector.shape_cast %get3A_299 : vector<1x16xf32> to vector<16xf32>
        %add3A_301 = arith.addf %add3A_267, %get3A_300 : vector<16xf32>
        %add3A_302 = arith.constant 8 : i32
        %add3A_303 = arith.addi %add3A_234, %add3A_302 : i32
        %get3A_304 = arith.index_cast %add3A_303 : i32 to index
        %get3A_305 = arith.constant 0 : index
        %get3A_306 = tpu.vector_load %arg7[%get3A_304, %get3A_305] {strides = array<i32>} : memref<3200x16xf32, #tpu.memory_space<vmem>>, vector<1x16xf32>,
        %get3A_307 = vector.shape_cast %get3A_306 : vector<1x16xf32> to vector<16xf32>
        %add3A_308 = arith.addf %add3A_274, %get3A_307 : vector<16xf32>
        %add3A_309 = arith.constant 8 : i32
        %add3A_310 = arith.addi %add3A_234, %add3A_309 : i32
        %add3A_311 = arith.constant 1 : i32
        %add3A_312 = arith.addi %add3A_310, %add3A_311 : i32
        %get3A_313 = arith.index_cast %add3A_312 : i32 to index
        %get3A_314 = arith.constant 0 : index
        %get3A_315 = tpu.vector_load %arg7[%get3A_313, %get3A_314] {strides = array<i32>} : memref<3200x16xf32, #tpu.memory_space<vmem>>, vector<1x16xf32>,
        %get3A_316 = vector.shape_cast %get3A_315 : vector<1x16xf32> to vector<16xf32>
        %add3A_317 = arith.addf %add3A_283, %get3A_316 : vector<16xf32>
        %add3A_318 = arith.constant 8 : i32
        %add3A_319 = arith.addi %add3A_234, %add3A_318 : i32
        %add3A_320 = arith.constant 2 : i32
        %add3A_321 = arith.addi %add3A_319, %add3A_320 : i32
        %get3A_322 = arith.index_cast %add3A_321 : i32 to index
        %get3A_323 = arith.constant 0 : index
        %get3A_324 = tpu.vector_load %arg7[%get3A_322, %get3A_323] {strides = array<i32>} : memref<3200x16xf32, #tpu.memory_space<vmem>>, vector<1x16xf32>,
        %get3A_325 = vector.shape_cast %get3A_324 : vector<1x16xf32> to vector<16xf32>
        %add3A_326 = arith.addf %add3A_292, %get3A_325 : vector<16xf32>
        %add3A_327 = arith.constant 8 : i32
        %add3A_328 = arith.addi %add3A_234, %add3A_327 : i32
        %add3A_329 = arith.constant 3 : i32
        %add3A_330 = arith.addi %add3A_328, %add3A_329 : i32
        %get3A_331 = arith.index_cast %add3A_330 : i32 to index
        %get3A_332 = arith.constant 0 : index
        %get3A_333 = tpu.vector_load %arg7[%get3A_331, %get3A_332] {strides = array<i32>} : memref<3200x16xf32, #tpu.memory_space<vmem>>, vector<1x16xf32>,
        %get3A_334 = vector.shape_cast %get3A_333 : vector<1x16xf32> to vector<16xf32>
        %add3A_335 = arith.addf %add3A_301, %get3A_334 : vector<16xf32>
        %add3A_336 = arith.constant 12 : i32
        %add3A_337 = arith.addi %add3A_234, %add3A_336 : i32
        %get3A_338 = arith.index_cast %add3A_337 : i32 to index
        %get3A_339 = arith.constant 0 : index
        %get3A_340 = tpu.vector_load %arg7[%get3A_338, %get3A_339] {strides = array<i32>} : memref<3200x16xf32, #tpu.memory_space<vmem>>, vector<1x16xf32>,
        %get3A_341 = vector.shape_cast %get3A_340 : vector<1x16xf32> to vector<16xf32>
        %add3A_342 = arith.addf %add3A_308, %get3A_341 : vector<16xf32>
        %add3A_343 = arith.constant 12 : i32
        %add3A_344 = arith.addi %add3A_234, %add3A_343 : i32
        %add3A_345 = arith.constant 1 : i32
        %add3A_346 = arith.addi %add3A_344, %add3A_345 : i32
        %get3A_347 = arith.index_cast %add3A_346 : i32 to index
        %get3A_348 = arith.constant 0 : index
        %get3A_349 = tpu.vector_load %arg7[%get3A_347, %get3A_348] {strides = array<i32>} : memref<3200x16xf32, #tpu.memory_space<vmem>>, vector<1x16xf32>,
        %get3A_350 = vector.shape_cast %get3A_349 : vector<1x16xf32> to vector<16xf32>
        %add3A_351 = arith.addf %add3A_317, %get3A_350 : vector<16xf32>
        %add3A_352 = arith.constant 12 : i32
        %add3A_353 = arith.addi %add3A_234, %add3A_352 : i32
        %add3A_354 = arith.constant 2 : i32
        %add3A_355 = arith.addi %add3A_353, %add3A_354 : i32
        %get3A_356 = arith.index_cast %add3A_355 : i32 to index
        %get3A_357 = arith.constant 0 : index
        %get3A_358 = tpu.vector_load %arg7[%get3A_356, %get3A_357] {strides = array<i32>} : memref<3200x16xf32, #tpu.memory_space<vmem>>, vector<1x16xf32>,
        %get3A_359 = vector.shape_cast %get3A_358 : vector<1x16xf32> to vector<16xf32>
        %add3A_360 = arith.addf %add3A_326, %get3A_359 : vector<16xf32>
        %add3A_361 = arith.constant 12 : i32
        %add3A_362 = arith.addi %add3A_234, %add3A_361 : i32
        %add3A_363 = arith.constant 3 : i32
        %add3A_364 = arith.addi %add3A_362, %add3A_363 : i32
        %get3A_365 = arith.index_cast %add3A_364 : i32 to index
        %get3A_366 = arith.constant 0 : index
        %get3A_367 = tpu.vector_load %arg7[%get3A_365, %get3A_366] {strides = array<i32>} : memref<3200x16xf32, #tpu.memory_space<vmem>>, vector<1x16xf32>,
        %get3A_368 = vector.shape_cast %get3A_367 : vector<1x16xf32> to vector<16xf32>
        %add3A_369 = arith.addf %add3A_335, %get3A_368 : vector<16xf32>
        %add3A_370 = arith.constant 16 : i32
        %add3A_371 = arith.addi %add3A_234, %add3A_370 : i32
        %get3A_372 = arith.index_cast %add3A_371 : i32 to index
        %get3A_373 = arith.constant 0 : index
        %get3A_374 = tpu.vector_load %arg7[%get3A_372, %get3A_373] {strides = array<i32>} : memref<3200x16xf32, #tpu.memory_space<vmem>>, vector<1x16xf32>,
        %get3A_375 = vector.shape_cast %get3A_374 : vector<1x16xf32> to vector<16xf32>
        %add3A_376 = arith.addf %add3A_342, %get3A_375 : vector<16xf32>
        %add3A_377 = arith.constant 16 : i32
        %add3A_378 = arith.addi %add3A_234, %add3A_377 : i32
        %add3A_379 = arith.constant 1 : i32
        %add3A_380 = arith.addi %add3A_378, %add3A_379 : i32
        %get3A_381 = arith.index_cast %add3A_380 : i32 to index
        %get3A_382 = arith.constant 0 : index
        %get3A_383 = tpu.vector_load %arg7[%get3A_381, %get3A_382] {strides = array<i32>} : memref<3200x16xf32, #tpu.memory_space<vmem>>, vector<1x16xf32>,
        %get3A_384 = vector.shape_cast %get3A_383 : vector<1x16xf32> to vector<16xf32>
        %add3A_385 = arith.addf %add3A_351, %get3A_384 : vector<16xf32>
        %add3A_386 = arith.constant 16 : i32
        %add3A_387 = arith.addi %add3A_234, %add3A_386 : i32
        %add3A_388 = arith.constant 2 : i32
        %add3A_389 = arith.addi %add3A_387, %add3A_388 : i32
        %get3A_390 = arith.index_cast %add3A_389 : i32 to index
        %get3A_391 = arith.constant 0 : index
        %get3A_392 = tpu.vector_load %arg7[%get3A_390, %get3A_391] {strides = array<i32>} : memref<3200x16xf32, #tpu.memory_space<vmem>>, vector<1x16xf32>,
        %get3A_393 = vector.shape_cast %get3A_392 : vector<1x16xf32> to vector<16xf32>
        %add3A_394 = arith.addf %add3A_360, %get3A_393 : vector<16xf32>
        %add3A_395 = arith.constant 16 : i32
        %add3A_396 = arith.addi %add3A_234, %add3A_395 : i32
        %add3A_397 = arith.constant 3 : i32
        %add3A_398 = arith.addi %add3A_396, %add3A_397 : i32
        %get3A_399 = arith.index_cast %add3A_398 : i32 to index
        %get3A_400 = arith.constant 0 : index
        %get3A_401 = tpu.vector_load %arg7[%get3A_399, %get3A_400] {strides = array<i32>} : memref<3200x16xf32, #tpu.memory_space<vmem>>, vector<1x16xf32>,
        %get3A_402 = vector.shape_cast %get3A_401 : vector<1x16xf32> to vector<16xf32>
        %add3A_403 = arith.addf %add3A_369, %get3A_402 : vector<16xf32>
        %add3A_404 = arith.constant 20 : i32
        %add3A_405 = arith.addi %add3A_234, %add3A_404 : i32
        %get3A_406 = arith.index_cast %add3A_405 : i32 to index
        %get3A_407 = arith.constant 0 : index
        %get3A_408 = tpu.vector_load %arg7[%get3A_406, %get3A_407] {strides = array<i32>} : memref<3200x16xf32, #tpu.memory_space<vmem>>, vector<1x16xf32>,
        %get3A_409 = vector.shape_cast %get3A_408 : vector<1x16xf32> to vector<16xf32>
        %add3A_410 = arith.addf %add3A_376, %get3A_409 : vector<16xf32>
        %add3A_411 = arith.constant 20 : i32
        %add3A_412 = arith.addi %add3A_234, %add3A_411 : i32
        %add3A_413 = arith.constant 1 : i32
        %add3A_414 = arith.addi %add3A_412, %add3A_413 : i32
        %get3A_415 = arith.index_cast %add3A_414 : i32 to index
        %get3A_416 = arith.constant 0 : index
        %get3A_417 = tpu.vector_load %arg7[%get3A_415, %get3A_416] {strides = array<i32>} : memref<3200x16xf32, #tpu.memory_space<vmem>>, vector<1x16xf32>,
        %get3A_418 = vector.shape_cast %get3A_417 : vector<1x16xf32> to vector<16xf32>
        %add3A_419 = arith.addf %add3A_385, %get3A_418 : vector<16xf32>
        %add3A_420 = arith.constant 20 : i32
        %add3A_421 = arith.addi %add3A_234, %add3A_420 : i32
        %add3A_422 = arith.constant 2 : i32
        %add3A_423 = arith.addi %add3A_421, %add3A_422 : i32
        %get3A_424 = arith.index_cast %add3A_423 : i32 to index
        %get3A_425 = arith.constant 0 : index
        %get3A_426 = tpu.vector_load %arg7[%get3A_424, %get3A_425] {strides = array<i32>} : memref<3200x16xf32, #tpu.memory_space<vmem>>, vector<1x16xf32>,
        %get3A_427 = vector.shape_cast %get3A_426 : vector<1x16xf32> to vector<16xf32>
        %add3A_428 = arith.addf %add3A_394, %get3A_427 : vector<16xf32>
        %add3A_429 = arith.constant 20 : i32
        %add3A_430 = arith.addi %add3A_234, %add3A_429 : i32
        %add3A_431 = arith.constant 3 : i32
        %add3A_432 = arith.addi %add3A_430, %add3A_431 : i32
        %get3A_433 = arith.index_cast %add3A_432 : i32 to index
        %get3A_434 = arith.constant 0 : index
        %get3A_435 = tpu.vector_load %arg7[%get3A_433, %get3A_434] {strides = array<i32>} : memref<3200x16xf32, #tpu.memory_space<vmem>>, vector<1x16xf32>,
        %get3A_436 = vector.shape_cast %get3A_435 : vector<1x16xf32> to vector<16xf32>
        %add3A_437 = arith.addf %add3A_403, %get3A_436 : vector<16xf32>
        %add3A_438 = arith.constant 24 : i32
        %add3A_439 = arith.addi %add3A_234, %add3A_438 : i32
        %get3A_440 = arith.index_cast %add3A_439 : i32 to index
        %get3A_441 = arith.constant 0 : index
        %get3A_442 = tpu.vector_load %arg7[%get3A_440, %get3A_441] {strides = array<i32>} : memref<3200x16xf32, #tpu.memory_space<vmem>>, vector<1x16xf32>,
        %get3A_443 = vector.shape_cast %get3A_442 : vector<1x16xf32> to vector<16xf32>
        %add3A_444 = arith.addf %add3A_410, %get3A_443 : vector<16xf32>
        %add3A_445 = arith.constant 24 : i32
        %add3A_446 = arith.addi %add3A_234, %add3A_445 : i32
        %add3A_447 = arith.constant 1 : i32
        %add3A_448 = arith.addi %add3A_446, %add3A_447 : i32
        %get3A_449 = arith.index_cast %add3A_448 : i32 to index
        %get3A_450 = arith.constant 0 : index
        %get3A_451 = tpu.vector_load %arg7[%get3A_449, %get3A_450] {strides = array<i32>} : memref<3200x16xf32, #tpu.memory_space<vmem>>, vector<1x16xf32>,
        %get3A_452 = vector.shape_cast %get3A_451 : vector<1x16xf32> to vector<16xf32>
        %add3A_453 = arith.addf %add3A_419, %get3A_452 : vector<16xf32>
        %add3A_454 = arith.constant 24 : i32
        %add3A_455 = arith.addi %add3A_234, %add3A_454 : i32
        %add3A_456 = arith.constant 2 : i32
        %add3A_457 = arith.addi %add3A_455, %add3A_456 : i32
        %get3A_458 = arith.index_cast %add3A_457 : i32 to index
        %get3A_459 = arith.constant 0 : index
        %get3A_460 = tpu.vector_load %arg7[%get3A_458, %get3A_459] {strides = array<i32>} : memref<3200x16xf32, #tpu.memory_space<vmem>>, vector<1x16xf32>,
        %get3A_461 = vector.shape_cast %get3A_460 : vector<1x16xf32> to vector<16xf32>
        %add3A_462 = arith.addf %add3A_428, %get3A_461 : vector<16xf32>
        %add3A_463 = arith.constant 24 : i32
        %add3A_464 = arith.addi %add3A_234, %add3A_463 : i32
        %add3A_465 = arith.constant 3 : i32
        %add3A_466 = arith.addi %add3A_464, %add3A_465 : i32
        %get3A_467 = arith.index_cast %add3A_466 : i32 to index
        %get3A_468 = arith.constant 0 : index
        %get3A_469 = tpu.vector_load %arg7[%get3A_467, %get3A_468] {strides = array<i32>} : memref<3200x16xf32, #tpu.memory_space<vmem>>, vector<1x16xf32>,
        %get3A_470 = vector.shape_cast %get3A_469 : vector<1x16xf32> to vector<16xf32>
        %add3A_471 = arith.addf %add3A_437, %get3A_470 : vector<16xf32>
        %add3A_472 = arith.constant 28 : i32
        %add3A_473 = arith.addi %add3A_234, %add3A_472 : i32
        %get3A_474 = arith.index_cast %add3A_473 : i32 to index
        %get3A_475 = arith.constant 0 : index
        %get3A_476 = tpu.vector_load %arg7[%get3A_474, %get3A_475] {strides = array<i32>} : memref<3200x16xf32, #tpu.memory_space<vmem>>, vector<1x16xf32>,
        %get3A_477 = vector.shape_cast %get3A_476 : vector<1x16xf32> to vector<16xf32>
        %add3A_478 = arith.addf %add3A_444, %get3A_477 : vector<16xf32>
        %add3A_479 = arith.constant 28 : i32
        %add3A_480 = arith.addi %add3A_234, %add3A_479 : i32
        %add3A_481 = arith.constant 1 : i32
        %add3A_482 = arith.addi %add3A_480, %add3A_481 : i32
        %get3A_483 = arith.index_cast %add3A_482 : i32 to index
        %get3A_484 = arith.constant 0 : index
        %get3A_485 = tpu.vector_load %arg7[%get3A_483, %get3A_484] {strides = array<i32>} : memref<3200x16xf32, #tpu.memory_space<vmem>>, vector<1x16xf32>,
        %get3A_486 = vector.shape_cast %get3A_485 : vector<1x16xf32> to vector<16xf32>
        %add3A_487 = arith.addf %add3A_453, %get3A_486 : vector<16xf32>
        %add3A_488 = arith.constant 28 : i32
        %add3A_489 = arith.addi %add3A_234, %add3A_488 : i32
        %add3A_490 = arith.constant 2 : i32
        %add3A_491 = arith.addi %add3A_489, %add3A_490 : i32
        %get3A_492 = arith.index_cast %add3A_491 : i32 to index
        %get3A_493 = arith.constant 0 : index
        %get3A_494 = tpu.vector_load %arg7[%get3A_492, %get3A_493] {strides = array<i32>} : memref<3200x16xf32, #tpu.memory_space<vmem>>, vector<1x16xf32>,
        %get3A_495 = vector.shape_cast %get3A_494 : vector<1x16xf32> to vector<16xf32>
        %add3A_496 = arith.addf %add3A_462, %get3A_495 : vector<16xf32>
        %add3A_497 = arith.constant 28 : i32
        %add3A_498 = arith.addi %add3A_234, %add3A_497 : i32
        %add3A_499 = arith.constant 3 : i32
        %add3A_500 = arith.addi %add3A_498, %add3A_499 : i32
        %get3A_501 = arith.index_cast %add3A_500 : i32 to index
        %get3A_502 = arith.constant 0 : index
        %get3A_503 = tpu.vector_load %arg7[%get3A_501, %get3A_502] {strides = array<i32>} : memref<3200x16xf32, #tpu.memory_space<vmem>>, vector<1x16xf32>,
        %get3A_504 = vector.shape_cast %get3A_503 : vector<1x16xf32> to vector<16xf32>
        %add3A_505 = arith.addf %add3A_471, %get3A_504 : vector<16xf32>
        %add3A_506 = arith.constant 32 : i32
        %add3A_507 = arith.addi %add3A_234, %add3A_506 : i32
        %get3A_508 = arith.index_cast %add3A_507 : i32 to index
        %get3A_509 = arith.constant 0 : index
        %get3A_510 = tpu.vector_load %arg7[%get3A_508, %get3A_509] {strides = array<i32>} : memref<3200x16xf32, #tpu.memory_space<vmem>>, vector<1x16xf32>,
        %get3A_511 = vector.shape_cast %get3A_510 : vector<1x16xf32> to vector<16xf32>
        %add3A_512 = arith.addf %add3A_478, %get3A_511 : vector<16xf32>
        %add3A_513 = arith.constant 32 : i32
        %add3A_514 = arith.addi %add3A_234, %add3A_513 : i32
        %add3A_515 = arith.constant 1 : i32
        %add3A_516 = arith.addi %add3A_514, %add3A_515 : i32
        %get3A_517 = arith.index_cast %add3A_516 : i32 to index
        %get3A_518 = arith.constant 0 : index
        %get3A_519 = tpu.vector_load %arg7[%get3A_517, %get3A_518] {strides = array<i32>} : memref<3200x16xf32, #tpu.memory_space<vmem>>, vector<1x16xf32>,
        %get3A_520 = vector.shape_cast %get3A_519 : vector<1x16xf32> to vector<16xf32>
        %add3A_521 = arith.addf %add3A_487, %get3A_520 : vector<16xf32>
        %add3A_522 = arith.constant 32 : i32
        %add3A_523 = arith.addi %add3A_234, %add3A_522 : i32
        %add3A_524 = arith.constant 2 : i32
        %add3A_525 = arith.addi %add3A_523, %add3A_524 : i32
        %get3A_526 = arith.index_cast %add3A_525 : i32 to index
        %get3A_527 = arith.constant 0 : index
        %get3A_528 = tpu.vector_load %arg7[%get3A_526, %get3A_527] {strides = array<i32>} : memref<3200x16xf32, #tpu.memory_space<vmem>>, vector<1x16xf32>,
        %get3A_529 = vector.shape_cast %get3A_528 : vector<1x16xf32> to vector<16xf32>
        %add3A_530 = arith.addf %add3A_496, %get3A_529 : vector<16xf32>
        %add3A_531 = arith.constant 32 : i32
        %add3A_532 = arith.addi %add3A_234, %add3A_531 : i32
        %add3A_533 = arith.constant 3 : i32
        %add3A_534 = arith.addi %add3A_532, %add3A_533 : i32
        %get3A_535 = arith.index_cast %add3A_534 : i32 to index
        %get3A_536 = arith.constant 0 : index
        %get3A_537 = tpu.vector_load %arg7[%get3A_535, %get3A_536] {strides = array<i32>} : memref<3200x16xf32, #tpu.memory_space<vmem>>, vector<1x16xf32>,
        %get3A_538 = vector.shape_cast %get3A_537 : vector<1x16xf32> to vector<16xf32>
        %add3A_539 = arith.addf %add3A_505, %get3A_538 : vector<16xf32>
        %add3A_540 = arith.constant 36 : i32
        %add3A_541 = arith.addi %add3A_234, %add3A_540 : i32
        %get3A_542 = arith.index_cast %add3A_541 : i32 to index
        %get3A_543 = arith.constant 0 : index
        %get3A_544 = tpu.vector_load %arg7[%get3A_542, %get3A_543] {strides = array<i32>} : memref<3200x16xf32, #tpu.memory_space<vmem>>, vector<1x16xf32>,
        %get3A_545 = vector.shape_cast %get3A_544 : vector<1x16xf32> to vector<16xf32>
        %add3A_546 = arith.addf %add3A_512, %get3A_545 : vector<16xf32>
        %add3A_547 = arith.constant 36 : i32
        %add3A_548 = arith.addi %add3A_234, %add3A_547 : i32
        %add3A_549 = arith.constant 1 : i32
        %add3A_550 = arith.addi %add3A_548, %add3A_549 : i32
        %get3A_551 = arith.index_cast %add3A_550 : i32 to index
        %get3A_552 = arith.constant 0 : index
        %get3A_553 = tpu.vector_load %arg7[%get3A_551, %get3A_552] {strides = array<i32>} : memref<3200x16xf32, #tpu.memory_space<vmem>>, vector<1x16xf32>,
        %get3A_554 = vector.shape_cast %get3A_553 : vector<1x16xf32> to vector<16xf32>
        %add3A_555 = arith.addf %add3A_521, %get3A_554 : vector<16xf32>
        %add3A_556 = arith.constant 36 : i32
        %add3A_557 = arith.addi %add3A_234, %add3A_556 : i32
        %add3A_558 = arith.constant 2 : i32
        %add3A_559 = arith.addi %add3A_557, %add3A_558 : i32
        %get3A_560 = arith.index_cast %add3A_559 : i32 to index
        %get3A_561 = arith.constant 0 : index
        %get3A_562 = tpu.vector_load %arg7[%get3A_560, %get3A_561] {strides = array<i32>} : memref<3200x16xf32, #tpu.memory_space<vmem>>, vector<1x16xf32>,
        %get3A_563 = vector.shape_cast %get3A_562 : vector<1x16xf32> to vector<16xf32>
        %add3A_564 = arith.addf %add3A_530, %get3A_563 : vector<16xf32>
        %add3A_565 = arith.constant 36 : i32
        %add3A_566 = arith.addi %add3A_234, %add3A_565 : i32
        %add3A_567 = arith.constant 3 : i32
        %add3A_568 = arith.addi %add3A_566, %add3A_567 : i32
        %get3A_569 = arith.index_cast %add3A_568 : i32 to index
        %get3A_570 = arith.constant 0 : index
        %get3A_571 = tpu.vector_load %arg7[%get3A_569, %get3A_570] {strides = array<i32>} : memref<3200x16xf32, #tpu.memory_space<vmem>>, vector<1x16xf32>,
        %get3A_572 = vector.shape_cast %get3A_571 : vector<1x16xf32> to vector<16xf32>
        %add3A_573 = arith.addf %add3A_539, %get3A_572 : vector<16xf32>
        scf.yield %add3A_546, %add3A_555, %add3A_564, %add3A_573 : vector<16xf32>, vector<16xf32>, vector<16xf32>, vector<16xf32>
      }
      %scan3A_217 = arith.constant 5 : i32
      %add3A_218 = arith.addf %scan3A_216#0, %scan3A_216#1 : vector<16xf32>
      %add3A_219 = arith.addf %scan3A_216#2, %scan3A_216#3 : vector<16xf32>
      %add3A_220 = arith.addf %add3A_218, %add3A_219 : vector<16xf32>
      %add3A_221 = arith.constant 64 : i32
      %add3A_222 = arith.addi %add3A_221, %scan3A_208 : i32
      %swap3A = arith.index_cast %add3A_222 : i32 to index
      %swap3A_223 = arith.constant 0 : index
      %swap3A_224 = tpu.vector_load %arg9[%swap3A, %swap3A_223] {strides = array<i32>} : memref<128x16xf32, #tpu.memory_space<vmem>>, vector<1x16xf32>,
      %swap3A_225 = vector.shape_cast %swap3A_224 : vector<1x16xf32> to vector<16xf32>
      %swap3A_226 = vector.shape_cast %add3A_220 : vector<16xf32> to vector<1x16xf32>
      tpu.vector_store %arg9[%swap3A, %swap3A_223], %swap3A_226 {strides = array<i32>} : memref<128x16xf32, #tpu.memory_space<vmem>>, vector<1x16xf32>,
    }
    %scan3A_151 = arith.constant 16 : i32
    %dma_wait3A_152 = arith.constant 6 : i32
    %dma_wait3A_153 = arith.constant 0 : i32
    %dma_wait3A_154 = tpu.memref_slice %arg2[%add3A, %dma_wait3A_152, %dma_wait3A_153] : memref<32x8x3200xi32, #tpu.memory_space<hbm>> -> memref<1x1x3200xi32, #tpu.memory_space<hbm>>
    %dma_wait3A_155 = tpu.memref_squeeze %dma_wait3A_154 : memref<1x1x3200xi32, #tpu.memory_space<hbm>> -> memref<3200xi32, #tpu.memory_space<hbm>>
    %dma_wait3A_156 = arith.constant 0 : i32
    %dma_wait3A_157 = tpu.memref_slice %arg2[%add3A, %dma_wait3A_152, %dma_wait3A_156] : memref<32x8x3200xi32, #tpu.memory_space<hbm>> -> memref<1x1x3200xi32, #tpu.memory_space<hbm>>
    %dma_wait3A_158 = tpu.memref_squeeze %dma_wait3A_157 : memref<1x1x3200xi32, #tpu.memory_space<hbm>> -> memref<3200xi32, #tpu.memory_space<hbm>>
    tpu.wait_dma2 semaphore(%arg12 : memref<!tpu.dma_semaphore, #tpu.memory_space<semaphore_mem>>) src(%dma_wait3A_158 : memref<3200xi32, #tpu.memory_space<hbm>>) dst(%arg5 : memref<3200xi32, #tpu.memory_space<vmem>>)
    %dma_start3A_159 = arith.constant 0 : i32
    %dma_start3A_160 = arith.constant 0 : i32
    %dma_start3A_161 = tpu.memref_slice %arg3[%dma_start3A_159, %dma_start3A_160] : memref<819200x16xf32, #tpu.memory_space<hbm>> -> memref<819200x16xf32, #tpu.memory_space<hbm>>
    tpu.enqueue_indirect_dma source(%dma_start3A_161 : memref<819200x16xf32, #tpu.memory_space<hbm>>) target(%arg7 : memref<3200x16xf32, #tpu.memory_space<vmem>>) offsets(%arg5 : memref<3200xi32, #tpu.memory_space<vmem>>) semaphore(%arg10 : memref<!tpu.dma_semaphore, #tpu.memory_space<semaphore_mem>>)
    %dma_wait3A_162 = arith.constant 0 : i32
    %dma_wait3A_163 = arith.constant 0 : i32
    %dma_wait3A_164 = tpu.memref_slice %arg3[%dma_wait3A_162, %dma_wait3A_163] : memref<819200x16xf32, #tpu.memory_space<hbm>> -> memref<819200x16xf32, #tpu.memory_space<hbm>>
    tpu.wait_indirect_dma semaphore(%arg11 : memref<!tpu.dma_semaphore, #tpu.memory_space<semaphore_mem>>) src(%dma_wait3A_164 : memref<819200x16xf32, #tpu.memory_space<hbm>>) dst(%arg8 : memref<3200x16xf32, #tpu.memory_space<vmem>>)
    %dma_start3A_165 = arith.constant 7 : i32
    %dma_start3A_166 = arith.constant 0 : i32
    %dma_start3A_167 = tpu.memref_slice %arg2[%add3A, %dma_start3A_165, %dma_start3A_166] : memref<32x8x3200xi32, #tpu.memory_space<hbm>> -> memref<1x1x3200xi32, #tpu.memory_space<hbm>>
    %dma_start3A_168 = tpu.memref_squeeze %dma_start3A_167 : memref<1x1x3200xi32, #tpu.memory_space<hbm>> -> memref<3200xi32, #tpu.memory_space<hbm>>
    %dma_start3A_169 = arith.constant 0 : i32
    %dma_start3A_170 = tpu.memref_slice %arg2[%add3A, %dma_start3A_165, %dma_start3A_169] : memref<32x8x3200xi32, #tpu.memory_space<hbm>> -> memref<1x1x3200xi32, #tpu.memory_space<hbm>>
    %dma_start3A_171 = tpu.memref_squeeze %dma_start3A_170 : memref<1x1x3200xi32, #tpu.memory_space<hbm>> -> memref<3200xi32, #tpu.memory_space<hbm>>
    tpu.enqueue_dma source(%dma_start3A_171 : memref<3200xi32, #tpu.memory_space<hbm>>) target(%arg6 : memref<3200xi32, #tpu.memory_space<vmem>>) target_semaphore(%arg12 : memref<!tpu.dma_semaphore, #tpu.memory_space<semaphore_mem>>)
    %scan3A_172 = arith.constant 0 : i32
    %scan3A_173 = arith.constant 0 : i32
    %scan3A_174 = arith.constant 16 : i32
    %scan3A_175 = arith.addi %scan3A_173, %scan3A_174 : i32
    %scan3A_176 = arith.constant 1 : i32
    scf.for %scan3A_208 = %scan3A_173 to %scan3A_175 step %scan3A_176  : i32 {
      %mul3A_209 = arith.constant 200 : i32
      %mul3A_210 = arith.muli %scan3A_208, %mul3A_209 : i32
      %broadcast_in_dim3A = arith.constant 0.000000e+00 : f32
      %broadcast_in_dim3A_211 = vector.broadcast %broadcast_in_dim3A : f32 to vector<16xf32>
      %scan3A_212 = arith.constant 0 : i32
      %scan3A_213 = arith.constant 5 : i32
      %scan3A_214 = arith.addi %scan3A_212, %scan3A_213 : i32
      %scan3A_215 = arith.constant 1 : i32
      %scan3A_216:4 = scf.for %scan3A_227 = %scan3A_212 to %scan3A_214 step %scan3A_215 iter_args(%scan3A_228 = %broadcast_in_dim3A_211, %scan3A_229 = %broadcast_in_dim3A_211, %scan3A_230 = %broadcast_in_dim3A_211, %scan3A_231 = %broadcast_in_dim3A_211) -> (vector<16xf32>, vector<16xf32>, vector<16xf32>, vector<16xf32>)  : i32 {
        %mul3A_232 = arith.constant 40 : i32
        %mul3A_233 = arith.muli %scan3A_227, %mul3A_232 : i32
        %add3A_234 = arith.addi %mul3A_210, %mul3A_233 : i32
        %add3A_235 = arith.constant 0 : i32
        %add3A_236 = arith.addi %add3A_234, %add3A_235 : i32
        %get3A = arith.index_cast %add3A_236 : i32 to index
        %get3A_237 = arith.constant 0 : index
        %get3A_238 = tpu.vector_load %arg8[%get3A, %get3A_237] {strides = array<i32>} : memref<3200x16xf32, #tpu.memory_space<vmem>>, vector<1x16xf32>,
        %get3A_239 = vector.shape_cast %get3A_238 : vector<1x16xf32> to vector<16xf32>
        %add3A_240 = arith.addf %scan3A_228, %get3A_239 : vector<16xf32>
        %add3A_241 = arith.constant 0 : i32
        %add3A_242 = arith.addi %add3A_234, %add3A_241 : i32
        %add3A_243 = arith.constant 1 : i32
        %add3A_244 = arith.addi %add3A_242, %add3A_243 : i32
        %get3A_245 = arith.index_cast %add3A_244 : i32 to index
        %get3A_246 = arith.constant 0 : index
        %get3A_247 = tpu.vector_load %arg8[%get3A_245, %get3A_246] {strides = array<i32>} : memref<3200x16xf32, #tpu.memory_space<vmem>>, vector<1x16xf32>,
        %get3A_248 = vector.shape_cast %get3A_247 : vector<1x16xf32> to vector<16xf32>
        %add3A_249 = arith.addf %scan3A_229, %get3A_248 : vector<16xf32>
        %add3A_250 = arith.constant 0 : i32
        %add3A_251 = arith.addi %add3A_234, %add3A_250 : i32
        %add3A_252 = arith.constant 2 : i32
        %add3A_253 = arith.addi %add3A_251, %add3A_252 : i32
        %get3A_254 = arith.index_cast %add3A_253 : i32 to index
        %get3A_255 = arith.constant 0 : index
        %get3A_256 = tpu.vector_load %arg8[%get3A_254, %get3A_255] {strides = array<i32>} : memref<3200x16xf32, #tpu.memory_space<vmem>>, vector<1x16xf32>,
        %get3A_257 = vector.shape_cast %get3A_256 : vector<1x16xf32> to vector<16xf32>
        %add3A_258 = arith.addf %scan3A_230, %get3A_257 : vector<16xf32>
        %add3A_259 = arith.constant 0 : i32
        %add3A_260 = arith.addi %add3A_234, %add3A_259 : i32
        %add3A_261 = arith.constant 3 : i32
        %add3A_262 = arith.addi %add3A_260, %add3A_261 : i32
        %get3A_263 = arith.index_cast %add3A_262 : i32 to index
        %get3A_264 = arith.constant 0 : index
        %get3A_265 = tpu.vector_load %arg8[%get3A_263, %get3A_264] {strides = array<i32>} : memref<3200x16xf32, #tpu.memory_space<vmem>>, vector<1x16xf32>,
        %get3A_266 = vector.shape_cast %get3A_265 : vector<1x16xf32> to vector<16xf32>
        %add3A_267 = arith.addf %scan3A_231, %get3A_266 : vector<16xf32>
        %add3A_268 = arith.constant 4 : i32
        %add3A_269 = arith.addi %add3A_234, %add3A_268 : i32
        %get3A_270 = arith.index_cast %add3A_269 : i32 to index
        %get3A_271 = arith.constant 0 : index
        %get3A_272 = tpu.vector_load %arg8[%get3A_270, %get3A_271] {strides = array<i32>} : memref<3200x16xf32, #tpu.memory_space<vmem>>, vector<1x16xf32>,
        %get3A_273 = vector.shape_cast %get3A_272 : vector<1x16xf32> to vector<16xf32>
        %add3A_274 = arith.addf %add3A_240, %get3A_273 : vector<16xf32>
        %add3A_275 = arith.constant 4 : i32
        %add3A_276 = arith.addi %add3A_234, %add3A_275 : i32
        %add3A_277 = arith.constant 1 : i32
        %add3A_278 = arith.addi %add3A_276, %add3A_277 : i32
        %get3A_279 = arith.index_cast %add3A_278 : i32 to index
        %get3A_280 = arith.constant 0 : index
        %get3A_281 = tpu.vector_load %arg8[%get3A_279, %get3A_280] {strides = array<i32>} : memref<3200x16xf32, #tpu.memory_space<vmem>>, vector<1x16xf32>,
        %get3A_282 = vector.shape_cast %get3A_281 : vector<1x16xf32> to vector<16xf32>
        %add3A_283 = arith.addf %add3A_249, %get3A_282 : vector<16xf32>
        %add3A_284 = arith.constant 4 : i32
        %add3A_285 = arith.addi %add3A_234, %add3A_284 : i32
        %add3A_286 = arith.constant 2 : i32
        %add3A_287 = arith.addi %add3A_285, %add3A_286 : i32
        %get3A_288 = arith.index_cast %add3A_287 : i32 to index
        %get3A_289 = arith.constant 0 : index
        %get3A_290 = tpu.vector_load %arg8[%get3A_288, %get3A_289] {strides = array<i32>} : memref<3200x16xf32, #tpu.memory_space<vmem>>, vector<1x16xf32>,
        %get3A_291 = vector.shape_cast %get3A_290 : vector<1x16xf32> to vector<16xf32>
        %add3A_292 = arith.addf %add3A_258, %get3A_291 : vector<16xf32>
        %add3A_293 = arith.constant 4 : i32
        %add3A_294 = arith.addi %add3A_234, %add3A_293 : i32
        %add3A_295 = arith.constant 3 : i32
        %add3A_296 = arith.addi %add3A_294, %add3A_295 : i32
        %get3A_297 = arith.index_cast %add3A_296 : i32 to index
        %get3A_298 = arith.constant 0 : index
        %get3A_299 = tpu.vector_load %arg8[%get3A_297, %get3A_298] {strides = array<i32>} : memref<3200x16xf32, #tpu.memory_space<vmem>>, vector<1x16xf32>,
        %get3A_300 = vector.shape_cast %get3A_299 : vector<1x16xf32> to vector<16xf32>
        %add3A_301 = arith.addf %add3A_267, %get3A_300 : vector<16xf32>
        %add3A_302 = arith.constant 8 : i32
        %add3A_303 = arith.addi %add3A_234, %add3A_302 : i32
        %get3A_304 = arith.index_cast %add3A_303 : i32 to index
        %get3A_305 = arith.constant 0 : index
        %get3A_306 = tpu.vector_load %arg8[%get3A_304, %get3A_305] {strides = array<i32>} : memref<3200x16xf32, #tpu.memory_space<vmem>>, vector<1x16xf32>,
        %get3A_307 = vector.shape_cast %get3A_306 : vector<1x16xf32> to vector<16xf32>
        %add3A_308 = arith.addf %add3A_274, %get3A_307 : vector<16xf32>
        %add3A_309 = arith.constant 8 : i32
        %add3A_310 = arith.addi %add3A_234, %add3A_309 : i32
        %add3A_311 = arith.constant 1 : i32
        %add3A_312 = arith.addi %add3A_310, %add3A_311 : i32
        %get3A_313 = arith.index_cast %add3A_312 : i32 to index
        %get3A_314 = arith.constant 0 : index
        %get3A_315 = tpu.vector_load %arg8[%get3A_313, %get3A_314] {strides = array<i32>} : memref<3200x16xf32, #tpu.memory_space<vmem>>, vector<1x16xf32>,
        %get3A_316 = vector.shape_cast %get3A_315 : vector<1x16xf32> to vector<16xf32>
        %add3A_317 = arith.addf %add3A_283, %get3A_316 : vector<16xf32>
        %add3A_318 = arith.constant 8 : i32
        %add3A_319 = arith.addi %add3A_234, %add3A_318 : i32
        %add3A_320 = arith.constant 2 : i32
        %add3A_321 = arith.addi %add3A_319, %add3A_320 : i32
        %get3A_322 = arith.index_cast %add3A_321 : i32 to index
        %get3A_323 = arith.constant 0 : index
        %get3A_324 = tpu.vector_load %arg8[%get3A_322, %get3A_323] {strides = array<i32>} : memref<3200x16xf32, #tpu.memory_space<vmem>>, vector<1x16xf32>,
        %get3A_325 = vector.shape_cast %get3A_324 : vector<1x16xf32> to vector<16xf32>
        %add3A_326 = arith.addf %add3A_292, %get3A_325 : vector<16xf32>
        %add3A_327 = arith.constant 8 : i32
        %add3A_328 = arith.addi %add3A_234, %add3A_327 : i32
        %add3A_329 = arith.constant 3 : i32
        %add3A_330 = arith.addi %add3A_328, %add3A_329 : i32
        %get3A_331 = arith.index_cast %add3A_330 : i32 to index
        %get3A_332 = arith.constant 0 : index
        %get3A_333 = tpu.vector_load %arg8[%get3A_331, %get3A_332] {strides = array<i32>} : memref<3200x16xf32, #tpu.memory_space<vmem>>, vector<1x16xf32>,
        %get3A_334 = vector.shape_cast %get3A_333 : vector<1x16xf32> to vector<16xf32>
        %add3A_335 = arith.addf %add3A_301, %get3A_334 : vector<16xf32>
        %add3A_336 = arith.constant 12 : i32
        %add3A_337 = arith.addi %add3A_234, %add3A_336 : i32
        %get3A_338 = arith.index_cast %add3A_337 : i32 to index
        %get3A_339 = arith.constant 0 : index
        %get3A_340 = tpu.vector_load %arg8[%get3A_338, %get3A_339] {strides = array<i32>} : memref<3200x16xf32, #tpu.memory_space<vmem>>, vector<1x16xf32>,
        %get3A_341 = vector.shape_cast %get3A_340 : vector<1x16xf32> to vector<16xf32>
        %add3A_342 = arith.addf %add3A_308, %get3A_341 : vector<16xf32>
        %add3A_343 = arith.constant 12 : i32
        %add3A_344 = arith.addi %add3A_234, %add3A_343 : i32
        %add3A_345 = arith.constant 1 : i32
        %add3A_346 = arith.addi %add3A_344, %add3A_345 : i32
        %get3A_347 = arith.index_cast %add3A_346 : i32 to index
        %get3A_348 = arith.constant 0 : index
        %get3A_349 = tpu.vector_load %arg8[%get3A_347, %get3A_348] {strides = array<i32>} : memref<3200x16xf32, #tpu.memory_space<vmem>>, vector<1x16xf32>,
        %get3A_350 = vector.shape_cast %get3A_349 : vector<1x16xf32> to vector<16xf32>
        %add3A_351 = arith.addf %add3A_317, %get3A_350 : vector<16xf32>
        %add3A_352 = arith.constant 12 : i32
        %add3A_353 = arith.addi %add3A_234, %add3A_352 : i32
        %add3A_354 = arith.constant 2 : i32
        %add3A_355 = arith.addi %add3A_353, %add3A_354 : i32
        %get3A_356 = arith.index_cast %add3A_355 : i32 to index
        %get3A_357 = arith.constant 0 : index
        %get3A_358 = tpu.vector_load %arg8[%get3A_356, %get3A_357] {strides = array<i32>} : memref<3200x16xf32, #tpu.memory_space<vmem>>, vector<1x16xf32>,
        %get3A_359 = vector.shape_cast %get3A_358 : vector<1x16xf32> to vector<16xf32>
        %add3A_360 = arith.addf %add3A_326, %get3A_359 : vector<16xf32>
        %add3A_361 = arith.constant 12 : i32
        %add3A_362 = arith.addi %add3A_234, %add3A_361 : i32
        %add3A_363 = arith.constant 3 : i32
        %add3A_364 = arith.addi %add3A_362, %add3A_363 : i32
        %get3A_365 = arith.index_cast %add3A_364 : i32 to index
        %get3A_366 = arith.constant 0 : index
        %get3A_367 = tpu.vector_load %arg8[%get3A_365, %get3A_366] {strides = array<i32>} : memref<3200x16xf32, #tpu.memory_space<vmem>>, vector<1x16xf32>,
        %get3A_368 = vector.shape_cast %get3A_367 : vector<1x16xf32> to vector<16xf32>
        %add3A_369 = arith.addf %add3A_335, %get3A_368 : vector<16xf32>
        %add3A_370 = arith.constant 16 : i32
        %add3A_371 = arith.addi %add3A_234, %add3A_370 : i32
        %get3A_372 = arith.index_cast %add3A_371 : i32 to index
        %get3A_373 = arith.constant 0 : index
        %get3A_374 = tpu.vector_load %arg8[%get3A_372, %get3A_373] {strides = array<i32>} : memref<3200x16xf32, #tpu.memory_space<vmem>>, vector<1x16xf32>,
        %get3A_375 = vector.shape_cast %get3A_374 : vector<1x16xf32> to vector<16xf32>
        %add3A_376 = arith.addf %add3A_342, %get3A_375 : vector<16xf32>
        %add3A_377 = arith.constant 16 : i32
        %add3A_378 = arith.addi %add3A_234, %add3A_377 : i32
        %add3A_379 = arith.constant 1 : i32
        %add3A_380 = arith.addi %add3A_378, %add3A_379 : i32
        %get3A_381 = arith.index_cast %add3A_380 : i32 to index
        %get3A_382 = arith.constant 0 : index
        %get3A_383 = tpu.vector_load %arg8[%get3A_381, %get3A_382] {strides = array<i32>} : memref<3200x16xf32, #tpu.memory_space<vmem>>, vector<1x16xf32>,
        %get3A_384 = vector.shape_cast %get3A_383 : vector<1x16xf32> to vector<16xf32>
        %add3A_385 = arith.addf %add3A_351, %get3A_384 : vector<16xf32>
        %add3A_386 = arith.constant 16 : i32
        %add3A_387 = arith.addi %add3A_234, %add3A_386 : i32
        %add3A_388 = arith.constant 2 : i32
        %add3A_389 = arith.addi %add3A_387, %add3A_388 : i32
        %get3A_390 = arith.index_cast %add3A_389 : i32 to index
        %get3A_391 = arith.constant 0 : index
        %get3A_392 = tpu.vector_load %arg8[%get3A_390, %get3A_391] {strides = array<i32>} : memref<3200x16xf32, #tpu.memory_space<vmem>>, vector<1x16xf32>,
        %get3A_393 = vector.shape_cast %get3A_392 : vector<1x16xf32> to vector<16xf32>
        %add3A_394 = arith.addf %add3A_360, %get3A_393 : vector<16xf32>
        %add3A_395 = arith.constant 16 : i32
        %add3A_396 = arith.addi %add3A_234, %add3A_395 : i32
        %add3A_397 = arith.constant 3 : i32
        %add3A_398 = arith.addi %add3A_396, %add3A_397 : i32
        %get3A_399 = arith.index_cast %add3A_398 : i32 to index
        %get3A_400 = arith.constant 0 : index
        %get3A_401 = tpu.vector_load %arg8[%get3A_399, %get3A_400] {strides = array<i32>} : memref<3200x16xf32, #tpu.memory_space<vmem>>, vector<1x16xf32>,
        %get3A_402 = vector.shape_cast %get3A_401 : vector<1x16xf32> to vector<16xf32>
        %add3A_403 = arith.addf %add3A_369, %get3A_402 : vector<16xf32>
        %add3A_404 = arith.constant 20 : i32
        %add3A_405 = arith.addi %add3A_234, %add3A_404 : i32
        %get3A_406 = arith.index_cast %add3A_405 : i32 to index
        %get3A_407 = arith.constant 0 : index
        %get3A_408 = tpu.vector_load %arg8[%get3A_406, %get3A_407] {strides = array<i32>} : memref<3200x16xf32, #tpu.memory_space<vmem>>, vector<1x16xf32>,
        %get3A_409 = vector.shape_cast %get3A_408 : vector<1x16xf32> to vector<16xf32>
        %add3A_410 = arith.addf %add3A_376, %get3A_409 : vector<16xf32>
        %add3A_411 = arith.constant 20 : i32
        %add3A_412 = arith.addi %add3A_234, %add3A_411 : i32
        %add3A_413 = arith.constant 1 : i32
        %add3A_414 = arith.addi %add3A_412, %add3A_413 : i32
        %get3A_415 = arith.index_cast %add3A_414 : i32 to index
        %get3A_416 = arith.constant 0 : index
        %get3A_417 = tpu.vector_load %arg8[%get3A_415, %get3A_416] {strides = array<i32>} : memref<3200x16xf32, #tpu.memory_space<vmem>>, vector<1x16xf32>,
        %get3A_418 = vector.shape_cast %get3A_417 : vector<1x16xf32> to vector<16xf32>
        %add3A_419 = arith.addf %add3A_385, %get3A_418 : vector<16xf32>
        %add3A_420 = arith.constant 20 : i32
        %add3A_421 = arith.addi %add3A_234, %add3A_420 : i32
        %add3A_422 = arith.constant 2 : i32
        %add3A_423 = arith.addi %add3A_421, %add3A_422 : i32
        %get3A_424 = arith.index_cast %add3A_423 : i32 to index
        %get3A_425 = arith.constant 0 : index
        %get3A_426 = tpu.vector_load %arg8[%get3A_424, %get3A_425] {strides = array<i32>} : memref<3200x16xf32, #tpu.memory_space<vmem>>, vector<1x16xf32>,
        %get3A_427 = vector.shape_cast %get3A_426 : vector<1x16xf32> to vector<16xf32>
        %add3A_428 = arith.addf %add3A_394, %get3A_427 : vector<16xf32>
        %add3A_429 = arith.constant 20 : i32
        %add3A_430 = arith.addi %add3A_234, %add3A_429 : i32
        %add3A_431 = arith.constant 3 : i32
        %add3A_432 = arith.addi %add3A_430, %add3A_431 : i32
        %get3A_433 = arith.index_cast %add3A_432 : i32 to index
        %get3A_434 = arith.constant 0 : index
        %get3A_435 = tpu.vector_load %arg8[%get3A_433, %get3A_434] {strides = array<i32>} : memref<3200x16xf32, #tpu.memory_space<vmem>>, vector<1x16xf32>,
        %get3A_436 = vector.shape_cast %get3A_435 : vector<1x16xf32> to vector<16xf32>
        %add3A_437 = arith.addf %add3A_403, %get3A_436 : vector<16xf32>
        %add3A_438 = arith.constant 24 : i32
        %add3A_439 = arith.addi %add3A_234, %add3A_438 : i32
        %get3A_440 = arith.index_cast %add3A_439 : i32 to index
        %get3A_441 = arith.constant 0 : index
        %get3A_442 = tpu.vector_load %arg8[%get3A_440, %get3A_441] {strides = array<i32>} : memref<3200x16xf32, #tpu.memory_space<vmem>>, vector<1x16xf32>,
        %get3A_443 = vector.shape_cast %get3A_442 : vector<1x16xf32> to vector<16xf32>
        %add3A_444 = arith.addf %add3A_410, %get3A_443 : vector<16xf32>
        %add3A_445 = arith.constant 24 : i32
        %add3A_446 = arith.addi %add3A_234, %add3A_445 : i32
        %add3A_447 = arith.constant 1 : i32
        %add3A_448 = arith.addi %add3A_446, %add3A_447 : i32
        %get3A_449 = arith.index_cast %add3A_448 : i32 to index
        %get3A_450 = arith.constant 0 : index
        %get3A_451 = tpu.vector_load %arg8[%get3A_449, %get3A_450] {strides = array<i32>} : memref<3200x16xf32, #tpu.memory_space<vmem>>, vector<1x16xf32>,
        %get3A_452 = vector.shape_cast %get3A_451 : vector<1x16xf32> to vector<16xf32>
        %add3A_453 = arith.addf %add3A_419, %get3A_452 : vector<16xf32>
        %add3A_454 = arith.constant 24 : i32
        %add3A_455 = arith.addi %add3A_234, %add3A_454 : i32
        %add3A_456 = arith.constant 2 : i32
        %add3A_457 = arith.addi %add3A_455, %add3A_456 : i32
        %get3A_458 = arith.index_cast %add3A_457 : i32 to index
        %get3A_459 = arith.constant 0 : index
        %get3A_460 = tpu.vector_load %arg8[%get3A_458, %get3A_459] {strides = array<i32>} : memref<3200x16xf32, #tpu.memory_space<vmem>>, vector<1x16xf32>,
        %get3A_461 = vector.shape_cast %get3A_460 : vector<1x16xf32> to vector<16xf32>
        %add3A_462 = arith.addf %add3A_428, %get3A_461 : vector<16xf32>
        %add3A_463 = arith.constant 24 : i32
        %add3A_464 = arith.addi %add3A_234, %add3A_463 : i32
        %add3A_465 = arith.constant 3 : i32
        %add3A_466 = arith.addi %add3A_464, %add3A_465 : i32
        %get3A_467 = arith.index_cast %add3A_466 : i32 to index
        %get3A_468 = arith.constant 0 : index
        %get3A_469 = tpu.vector_load %arg8[%get3A_467, %get3A_468] {strides = array<i32>} : memref<3200x16xf32, #tpu.memory_space<vmem>>, vector<1x16xf32>,
        %get3A_470 = vector.shape_cast %get3A_469 : vector<1x16xf32> to vector<16xf32>
        %add3A_471 = arith.addf %add3A_437, %get3A_470 : vector<16xf32>
        %add3A_472 = arith.constant 28 : i32
        %add3A_473 = arith.addi %add3A_234, %add3A_472 : i32
        %get3A_474 = arith.index_cast %add3A_473 : i32 to index
        %get3A_475 = arith.constant 0 : index
        %get3A_476 = tpu.vector_load %arg8[%get3A_474, %get3A_475] {strides = array<i32>} : memref<3200x16xf32, #tpu.memory_space<vmem>>, vector<1x16xf32>,
        %get3A_477 = vector.shape_cast %get3A_476 : vector<1x16xf32> to vector<16xf32>
        %add3A_478 = arith.addf %add3A_444, %get3A_477 : vector<16xf32>
        %add3A_479 = arith.constant 28 : i32
        %add3A_480 = arith.addi %add3A_234, %add3A_479 : i32
        %add3A_481 = arith.constant 1 : i32
        %add3A_482 = arith.addi %add3A_480, %add3A_481 : i32
        %get3A_483 = arith.index_cast %add3A_482 : i32 to index
        %get3A_484 = arith.constant 0 : index
        %get3A_485 = tpu.vector_load %arg8[%get3A_483, %get3A_484] {strides = array<i32>} : memref<3200x16xf32, #tpu.memory_space<vmem>>, vector<1x16xf32>,
        %get3A_486 = vector.shape_cast %get3A_485 : vector<1x16xf32> to vector<16xf32>
        %add3A_487 = arith.addf %add3A_453, %get3A_486 : vector<16xf32>
        %add3A_488 = arith.constant 28 : i32
        %add3A_489 = arith.addi %add3A_234, %add3A_488 : i32
        %add3A_490 = arith.constant 2 : i32
        %add3A_491 = arith.addi %add3A_489, %add3A_490 : i32
        %get3A_492 = arith.index_cast %add3A_491 : i32 to index
        %get3A_493 = arith.constant 0 : index
        %get3A_494 = tpu.vector_load %arg8[%get3A_492, %get3A_493] {strides = array<i32>} : memref<3200x16xf32, #tpu.memory_space<vmem>>, vector<1x16xf32>,
        %get3A_495 = vector.shape_cast %get3A_494 : vector<1x16xf32> to vector<16xf32>
        %add3A_496 = arith.addf %add3A_462, %get3A_495 : vector<16xf32>
        %add3A_497 = arith.constant 28 : i32
        %add3A_498 = arith.addi %add3A_234, %add3A_497 : i32
        %add3A_499 = arith.constant 3 : i32
        %add3A_500 = arith.addi %add3A_498, %add3A_499 : i32
        %get3A_501 = arith.index_cast %add3A_500 : i32 to index
        %get3A_502 = arith.constant 0 : index
        %get3A_503 = tpu.vector_load %arg8[%get3A_501, %get3A_502] {strides = array<i32>} : memref<3200x16xf32, #tpu.memory_space<vmem>>, vector<1x16xf32>,
        %get3A_504 = vector.shape_cast %get3A_503 : vector<1x16xf32> to vector<16xf32>
        %add3A_505 = arith.addf %add3A_471, %get3A_504 : vector<16xf32>
        %add3A_506 = arith.constant 32 : i32
        %add3A_507 = arith.addi %add3A_234, %add3A_506 : i32
        %get3A_508 = arith.index_cast %add3A_507 : i32 to index
        %get3A_509 = arith.constant 0 : index
        %get3A_510 = tpu.vector_load %arg8[%get3A_508, %get3A_509] {strides = array<i32>} : memref<3200x16xf32, #tpu.memory_space<vmem>>, vector<1x16xf32>,
        %get3A_511 = vector.shape_cast %get3A_510 : vector<1x16xf32> to vector<16xf32>
        %add3A_512 = arith.addf %add3A_478, %get3A_511 : vector<16xf32>
        %add3A_513 = arith.constant 32 : i32
        %add3A_514 = arith.addi %add3A_234, %add3A_513 : i32
        %add3A_515 = arith.constant 1 : i32
        %add3A_516 = arith.addi %add3A_514, %add3A_515 : i32
        %get3A_517 = arith.index_cast %add3A_516 : i32 to index
        %get3A_518 = arith.constant 0 : index
        %get3A_519 = tpu.vector_load %arg8[%get3A_517, %get3A_518] {strides = array<i32>} : memref<3200x16xf32, #tpu.memory_space<vmem>>, vector<1x16xf32>,
        %get3A_520 = vector.shape_cast %get3A_519 : vector<1x16xf32> to vector<16xf32>
        %add3A_521 = arith.addf %add3A_487, %get3A_520 : vector<16xf32>
        %add3A_522 = arith.constant 32 : i32
        %add3A_523 = arith.addi %add3A_234, %add3A_522 : i32
        %add3A_524 = arith.constant 2 : i32
        %add3A_525 = arith.addi %add3A_523, %add3A_524 : i32
        %get3A_526 = arith.index_cast %add3A_525 : i32 to index
        %get3A_527 = arith.constant 0 : index
        %get3A_528 = tpu.vector_load %arg8[%get3A_526, %get3A_527] {strides = array<i32>} : memref<3200x16xf32, #tpu.memory_space<vmem>>, vector<1x16xf32>,
        %get3A_529 = vector.shape_cast %get3A_528 : vector<1x16xf32> to vector<16xf32>
        %add3A_530 = arith.addf %add3A_496, %get3A_529 : vector<16xf32>
        %add3A_531 = arith.constant 32 : i32
        %add3A_532 = arith.addi %add3A_234, %add3A_531 : i32
        %add3A_533 = arith.constant 3 : i32
        %add3A_534 = arith.addi %add3A_532, %add3A_533 : i32
        %get3A_535 = arith.index_cast %add3A_534 : i32 to index
        %get3A_536 = arith.constant 0 : index
        %get3A_537 = tpu.vector_load %arg8[%get3A_535, %get3A_536] {strides = array<i32>} : memref<3200x16xf32, #tpu.memory_space<vmem>>, vector<1x16xf32>,
        %get3A_538 = vector.shape_cast %get3A_537 : vector<1x16xf32> to vector<16xf32>
        %add3A_539 = arith.addf %add3A_505, %get3A_538 : vector<16xf32>
        %add3A_540 = arith.constant 36 : i32
        %add3A_541 = arith.addi %add3A_234, %add3A_540 : i32
        %get3A_542 = arith.index_cast %add3A_541 : i32 to index
        %get3A_543 = arith.constant 0 : index
        %get3A_544 = tpu.vector_load %arg8[%get3A_542, %get3A_543] {strides = array<i32>} : memref<3200x16xf32, #tpu.memory_space<vmem>>, vector<1x16xf32>,
        %get3A_545 = vector.shape_cast %get3A_544 : vector<1x16xf32> to vector<16xf32>
        %add3A_546 = arith.addf %add3A_512, %get3A_545 : vector<16xf32>
        %add3A_547 = arith.constant 36 : i32
        %add3A_548 = arith.addi %add3A_234, %add3A_547 : i32
        %add3A_549 = arith.constant 1 : i32
        %add3A_550 = arith.addi %add3A_548, %add3A_549 : i32
        %get3A_551 = arith.index_cast %add3A_550 : i32 to index
        %get3A_552 = arith.constant 0 : index
        %get3A_553 = tpu.vector_load %arg8[%get3A_551, %get3A_552] {strides = array<i32>} : memref<3200x16xf32, #tpu.memory_space<vmem>>, vector<1x16xf32>,
        %get3A_554 = vector.shape_cast %get3A_553 : vector<1x16xf32> to vector<16xf32>
        %add3A_555 = arith.addf %add3A_521, %get3A_554 : vector<16xf32>
        %add3A_556 = arith.constant 36 : i32
        %add3A_557 = arith.addi %add3A_234, %add3A_556 : i32
        %add3A_558 = arith.constant 2 : i32
        %add3A_559 = arith.addi %add3A_557, %add3A_558 : i32
        %get3A_560 = arith.index_cast %add3A_559 : i32 to index
        %get3A_561 = arith.constant 0 : index
        %get3A_562 = tpu.vector_load %arg8[%get3A_560, %get3A_561] {strides = array<i32>} : memref<3200x16xf32, #tpu.memory_space<vmem>>, vector<1x16xf32>,
        %get3A_563 = vector.shape_cast %get3A_562 : vector<1x16xf32> to vector<16xf32>
        %add3A_564 = arith.addf %add3A_530, %get3A_563 : vector<16xf32>
        %add3A_565 = arith.constant 36 : i32
        %add3A_566 = arith.addi %add3A_234, %add3A_565 : i32
        %add3A_567 = arith.constant 3 : i32
        %add3A_568 = arith.addi %add3A_566, %add3A_567 : i32
        %get3A_569 = arith.index_cast %add3A_568 : i32 to index
        %get3A_570 = arith.constant 0 : index
        %get3A_571 = tpu.vector_load %arg8[%get3A_569, %get3A_570] {strides = array<i32>} : memref<3200x16xf32, #tpu.memory_space<vmem>>, vector<1x16xf32>,
        %get3A_572 = vector.shape_cast %get3A_571 : vector<1x16xf32> to vector<16xf32>
        %add3A_573 = arith.addf %add3A_539, %get3A_572 : vector<16xf32>
        scf.yield %add3A_546, %add3A_555, %add3A_564, %add3A_573 : vector<16xf32>, vector<16xf32>, vector<16xf32>, vector<16xf32>
      }
      %scan3A_217 = arith.constant 5 : i32
      %add3A_218 = arith.addf %scan3A_216#0, %scan3A_216#1 : vector<16xf32>
      %add3A_219 = arith.addf %scan3A_216#2, %scan3A_216#3 : vector<16xf32>
      %add3A_220 = arith.addf %add3A_218, %add3A_219 : vector<16xf32>
      %add3A_221 = arith.constant 80 : i32
      %add3A_222 = arith.addi %add3A_221, %scan3A_208 : i32
      %swap3A = arith.index_cast %add3A_222 : i32 to index
      %swap3A_223 = arith.constant 0 : index
      %swap3A_224 = tpu.vector_load %arg9[%swap3A, %swap3A_223] {strides = array<i32>} : memref<128x16xf32, #tpu.memory_space<vmem>>, vector<1x16xf32>,
      %swap3A_225 = vector.shape_cast %swap3A_224 : vector<1x16xf32> to vector<16xf32>
      %swap3A_226 = vector.shape_cast %add3A_220 : vector<16xf32> to vector<1x16xf32>
      tpu.vector_store %arg9[%swap3A, %swap3A_223], %swap3A_226 {strides = array<i32>} : memref<128x16xf32, #tpu.memory_space<vmem>>, vector<1x16xf32>,
    }
    %scan3A_177 = arith.constant 16 : i32
    %dma_wait3A_178 = arith.constant 7 : i32
    %dma_wait3A_179 = arith.constant 0 : i32
    %dma_wait3A_180 = tpu.memref_slice %arg2[%add3A, %dma_wait3A_178, %dma_wait3A_179] : memref<32x8x3200xi32, #tpu.memory_space<hbm>> -> memref<1x1x3200xi32, #tpu.memory_space<hbm>>
    %dma_wait3A_181 = tpu.memref_squeeze %dma_wait3A_180 : memref<1x1x3200xi32, #tpu.memory_space<hbm>> -> memref<3200xi32, #tpu.memory_space<hbm>>
    %dma_wait3A_182 = arith.constant 0 : i32
    %dma_wait3A_183 = tpu.memref_slice %arg2[%add3A, %dma_wait3A_178, %dma_wait3A_182] : memref<32x8x3200xi32, #tpu.memory_space<hbm>> -> memref<1x1x3200xi32, #tpu.memory_space<hbm>>
    %dma_wait3A_184 = tpu.memref_squeeze %dma_wait3A_183 : memref<1x1x3200xi32, #tpu.memory_space<hbm>> -> memref<3200xi32, #tpu.memory_space<hbm>>
    tpu.wait_dma2 semaphore(%arg12 : memref<!tpu.dma_semaphore, #tpu.memory_space<semaphore_mem>>) src(%dma_wait3A_184 : memref<3200xi32, #tpu.memory_space<hbm>>) dst(%arg6 : memref<3200xi32, #tpu.memory_space<vmem>>)
    %dma_start3A_185 = arith.constant 0 : i32
    %dma_start3A_186 = arith.constant 0 : i32
    %dma_start3A_187 = tpu.memref_slice %arg3[%dma_start3A_185, %dma_start3A_186] : memref<819200x16xf32, #tpu.memory_space<hbm>> -> memref<819200x16xf32, #tpu.memory_space<hbm>>
    tpu.enqueue_indirect_dma source(%dma_start3A_187 : memref<819200x16xf32, #tpu.memory_space<hbm>>) target(%arg8 : memref<3200x16xf32, #tpu.memory_space<vmem>>) offsets(%arg6 : memref<3200xi32, #tpu.memory_space<vmem>>) semaphore(%arg11 : memref<!tpu.dma_semaphore, #tpu.memory_space<semaphore_mem>>)
    %dma_wait3A_188 = arith.constant 0 : i32
    %dma_wait3A_189 = arith.constant 0 : i32
    %dma_wait3A_190 = tpu.memref_slice %arg3[%dma_wait3A_188, %dma_wait3A_189] : memref<819200x16xf32, #tpu.memory_space<hbm>> -> memref<819200x16xf32, #tpu.memory_space<hbm>>
    tpu.wait_indirect_dma semaphore(%arg10 : memref<!tpu.dma_semaphore, #tpu.memory_space<semaphore_mem>>) src(%dma_wait3A_190 : memref<819200x16xf32, #tpu.memory_space<hbm>>) dst(%arg7 : memref<3200x16xf32, #tpu.memory_space<vmem>>)
    %scan3A_191 = arith.constant 0 : i32
    %scan3A_192 = arith.constant 0 : i32
    %scan3A_193 = arith.constant 16 : i32
    %scan3A_194 = arith.addi %scan3A_192, %scan3A_193 : i32
    %scan3A_195 = arith.constant 1 : i32
    scf.for %scan3A_208 = %scan3A_192 to %scan3A_194 step %scan3A_195  : i32 {
      %mul3A_209 = arith.constant 200 : i32
      %mul3A_210 = arith.muli %scan3A_208, %mul3A_209 : i32
      %broadcast_in_dim3A = arith.constant 0.000000e+00 : f32
      %broadcast_in_dim3A_211 = vector.broadcast %broadcast_in_dim3A : f32 to vector<16xf32>
      %scan3A_212 = arith.constant 0 : i32
      %scan3A_213 = arith.constant 5 : i32
      %scan3A_214 = arith.addi %scan3A_212, %scan3A_213 : i32
      %scan3A_215 = arith.constant 1 : i32
      %scan3A_216:4 = scf.for %scan3A_227 = %scan3A_212 to %scan3A_214 step %scan3A_215 iter_args(%scan3A_228 = %broadcast_in_dim3A_211, %scan3A_229 = %broadcast_in_dim3A_211, %scan3A_230 = %broadcast_in_dim3A_211, %scan3A_231 = %broadcast_in_dim3A_211) -> (vector<16xf32>, vector<16xf32>, vector<16xf32>, vector<16xf32>)  : i32 {
        %mul3A_232 = arith.constant 40 : i32
        %mul3A_233 = arith.muli %scan3A_227, %mul3A_232 : i32
        %add3A_234 = arith.addi %mul3A_210, %mul3A_233 : i32
        %add3A_235 = arith.constant 0 : i32
        %add3A_236 = arith.addi %add3A_234, %add3A_235 : i32
        %get3A = arith.index_cast %add3A_236 : i32 to index
        %get3A_237 = arith.constant 0 : index
        %get3A_238 = tpu.vector_load %arg7[%get3A, %get3A_237] {strides = array<i32>} : memref<3200x16xf32, #tpu.memory_space<vmem>>, vector<1x16xf32>,
        %get3A_239 = vector.shape_cast %get3A_238 : vector<1x16xf32> to vector<16xf32>
        %add3A_240 = arith.addf %scan3A_228, %get3A_239 : vector<16xf32>
        %add3A_241 = arith.constant 0 : i32
        %add3A_242 = arith.addi %add3A_234, %add3A_241 : i32
        %add3A_243 = arith.constant 1 : i32
        %add3A_244 = arith.addi %add3A_242, %add3A_243 : i32
        %get3A_245 = arith.index_cast %add3A_244 : i32 to index
        %get3A_246 = arith.constant 0 : index
        %get3A_247 = tpu.vector_load %arg7[%get3A_245, %get3A_246] {strides = array<i32>} : memref<3200x16xf32, #tpu.memory_space<vmem>>, vector<1x16xf32>,
        %get3A_248 = vector.shape_cast %get3A_247 : vector<1x16xf32> to vector<16xf32>
        %add3A_249 = arith.addf %scan3A_229, %get3A_248 : vector<16xf32>
        %add3A_250 = arith.constant 0 : i32
        %add3A_251 = arith.addi %add3A_234, %add3A_250 : i32
        %add3A_252 = arith.constant 2 : i32
        %add3A_253 = arith.addi %add3A_251, %add3A_252 : i32
        %get3A_254 = arith.index_cast %add3A_253 : i32 to index
        %get3A_255 = arith.constant 0 : index
        %get3A_256 = tpu.vector_load %arg7[%get3A_254, %get3A_255] {strides = array<i32>} : memref<3200x16xf32, #tpu.memory_space<vmem>>, vector<1x16xf32>,
        %get3A_257 = vector.shape_cast %get3A_256 : vector<1x16xf32> to vector<16xf32>
        %add3A_258 = arith.addf %scan3A_230, %get3A_257 : vector<16xf32>
        %add3A_259 = arith.constant 0 : i32
        %add3A_260 = arith.addi %add3A_234, %add3A_259 : i32
        %add3A_261 = arith.constant 3 : i32
        %add3A_262 = arith.addi %add3A_260, %add3A_261 : i32
        %get3A_263 = arith.index_cast %add3A_262 : i32 to index
        %get3A_264 = arith.constant 0 : index
        %get3A_265 = tpu.vector_load %arg7[%get3A_263, %get3A_264] {strides = array<i32>} : memref<3200x16xf32, #tpu.memory_space<vmem>>, vector<1x16xf32>,
        %get3A_266 = vector.shape_cast %get3A_265 : vector<1x16xf32> to vector<16xf32>
        %add3A_267 = arith.addf %scan3A_231, %get3A_266 : vector<16xf32>
        %add3A_268 = arith.constant 4 : i32
        %add3A_269 = arith.addi %add3A_234, %add3A_268 : i32
        %get3A_270 = arith.index_cast %add3A_269 : i32 to index
        %get3A_271 = arith.constant 0 : index
        %get3A_272 = tpu.vector_load %arg7[%get3A_270, %get3A_271] {strides = array<i32>} : memref<3200x16xf32, #tpu.memory_space<vmem>>, vector<1x16xf32>,
        %get3A_273 = vector.shape_cast %get3A_272 : vector<1x16xf32> to vector<16xf32>
        %add3A_274 = arith.addf %add3A_240, %get3A_273 : vector<16xf32>
        %add3A_275 = arith.constant 4 : i32
        %add3A_276 = arith.addi %add3A_234, %add3A_275 : i32
        %add3A_277 = arith.constant 1 : i32
        %add3A_278 = arith.addi %add3A_276, %add3A_277 : i32
        %get3A_279 = arith.index_cast %add3A_278 : i32 to index
        %get3A_280 = arith.constant 0 : index
        %get3A_281 = tpu.vector_load %arg7[%get3A_279, %get3A_280] {strides = array<i32>} : memref<3200x16xf32, #tpu.memory_space<vmem>>, vector<1x16xf32>,
        %get3A_282 = vector.shape_cast %get3A_281 : vector<1x16xf32> to vector<16xf32>
        %add3A_283 = arith.addf %add3A_249, %get3A_282 : vector<16xf32>
        %add3A_284 = arith.constant 4 : i32
        %add3A_285 = arith.addi %add3A_234, %add3A_284 : i32
        %add3A_286 = arith.constant 2 : i32
        %add3A_287 = arith.addi %add3A_285, %add3A_286 : i32
        %get3A_288 = arith.index_cast %add3A_287 : i32 to index
        %get3A_289 = arith.constant 0 : index
        %get3A_290 = tpu.vector_load %arg7[%get3A_288, %get3A_289] {strides = array<i32>} : memref<3200x16xf32, #tpu.memory_space<vmem>>, vector<1x16xf32>,
        %get3A_291 = vector.shape_cast %get3A_290 : vector<1x16xf32> to vector<16xf32>
        %add3A_292 = arith.addf %add3A_258, %get3A_291 : vector<16xf32>
        %add3A_293 = arith.constant 4 : i32
        %add3A_294 = arith.addi %add3A_234, %add3A_293 : i32
        %add3A_295 = arith.constant 3 : i32
        %add3A_296 = arith.addi %add3A_294, %add3A_295 : i32
        %get3A_297 = arith.index_cast %add3A_296 : i32 to index
        %get3A_298 = arith.constant 0 : index
        %get3A_299 = tpu.vector_load %arg7[%get3A_297, %get3A_298] {strides = array<i32>} : memref<3200x16xf32, #tpu.memory_space<vmem>>, vector<1x16xf32>,
        %get3A_300 = vector.shape_cast %get3A_299 : vector<1x16xf32> to vector<16xf32>
        %add3A_301 = arith.addf %add3A_267, %get3A_300 : vector<16xf32>
        %add3A_302 = arith.constant 8 : i32
        %add3A_303 = arith.addi %add3A_234, %add3A_302 : i32
        %get3A_304 = arith.index_cast %add3A_303 : i32 to index
        %get3A_305 = arith.constant 0 : index
        %get3A_306 = tpu.vector_load %arg7[%get3A_304, %get3A_305] {strides = array<i32>} : memref<3200x16xf32, #tpu.memory_space<vmem>>, vector<1x16xf32>,
        %get3A_307 = vector.shape_cast %get3A_306 : vector<1x16xf32> to vector<16xf32>
        %add3A_308 = arith.addf %add3A_274, %get3A_307 : vector<16xf32>
        %add3A_309 = arith.constant 8 : i32
        %add3A_310 = arith.addi %add3A_234, %add3A_309 : i32
        %add3A_311 = arith.constant 1 : i32
        %add3A_312 = arith.addi %add3A_310, %add3A_311 : i32
        %get3A_313 = arith.index_cast %add3A_312 : i32 to index
        %get3A_314 = arith.constant 0 : index
        %get3A_315 = tpu.vector_load %arg7[%get3A_313, %get3A_314] {strides = array<i32>} : memref<3200x16xf32, #tpu.memory_space<vmem>>, vector<1x16xf32>,
        %get3A_316 = vector.shape_cast %get3A_315 : vector<1x16xf32> to vector<16xf32>
        %add3A_317 = arith.addf %add3A_283, %get3A_316 : vector<16xf32>
        %add3A_318 = arith.constant 8 : i32
        %add3A_319 = arith.addi %add3A_234, %add3A_318 : i32
        %add3A_320 = arith.constant 2 : i32
        %add3A_321 = arith.addi %add3A_319, %add3A_320 : i32
        %get3A_322 = arith.index_cast %add3A_321 : i32 to index
        %get3A_323 = arith.constant 0 : index
        %get3A_324 = tpu.vector_load %arg7[%get3A_322, %get3A_323] {strides = array<i32>} : memref<3200x16xf32, #tpu.memory_space<vmem>>, vector<1x16xf32>,
        %get3A_325 = vector.shape_cast %get3A_324 : vector<1x16xf32> to vector<16xf32>
        %add3A_326 = arith.addf %add3A_292, %get3A_325 : vector<16xf32>
        %add3A_327 = arith.constant 8 : i32
        %add3A_328 = arith.addi %add3A_234, %add3A_327 : i32
        %add3A_329 = arith.constant 3 : i32
        %add3A_330 = arith.addi %add3A_328, %add3A_329 : i32
        %get3A_331 = arith.index_cast %add3A_330 : i32 to index
        %get3A_332 = arith.constant 0 : index
        %get3A_333 = tpu.vector_load %arg7[%get3A_331, %get3A_332] {strides = array<i32>} : memref<3200x16xf32, #tpu.memory_space<vmem>>, vector<1x16xf32>,
        %get3A_334 = vector.shape_cast %get3A_333 : vector<1x16xf32> to vector<16xf32>
        %add3A_335 = arith.addf %add3A_301, %get3A_334 : vector<16xf32>
        %add3A_336 = arith.constant 12 : i32
        %add3A_337 = arith.addi %add3A_234, %add3A_336 : i32
        %get3A_338 = arith.index_cast %add3A_337 : i32 to index
        %get3A_339 = arith.constant 0 : index
        %get3A_340 = tpu.vector_load %arg7[%get3A_338, %get3A_339] {strides = array<i32>} : memref<3200x16xf32, #tpu.memory_space<vmem>>, vector<1x16xf32>,
        %get3A_341 = vector.shape_cast %get3A_340 : vector<1x16xf32> to vector<16xf32>
        %add3A_342 = arith.addf %add3A_308, %get3A_341 : vector<16xf32>
        %add3A_343 = arith.constant 12 : i32
        %add3A_344 = arith.addi %add3A_234, %add3A_343 : i32
        %add3A_345 = arith.constant 1 : i32
        %add3A_346 = arith.addi %add3A_344, %add3A_345 : i32
        %get3A_347 = arith.index_cast %add3A_346 : i32 to index
        %get3A_348 = arith.constant 0 : index
        %get3A_349 = tpu.vector_load %arg7[%get3A_347, %get3A_348] {strides = array<i32>} : memref<3200x16xf32, #tpu.memory_space<vmem>>, vector<1x16xf32>,
        %get3A_350 = vector.shape_cast %get3A_349 : vector<1x16xf32> to vector<16xf32>
        %add3A_351 = arith.addf %add3A_317, %get3A_350 : vector<16xf32>
        %add3A_352 = arith.constant 12 : i32
        %add3A_353 = arith.addi %add3A_234, %add3A_352 : i32
        %add3A_354 = arith.constant 2 : i32
        %add3A_355 = arith.addi %add3A_353, %add3A_354 : i32
        %get3A_356 = arith.index_cast %add3A_355 : i32 to index
        %get3A_357 = arith.constant 0 : index
        %get3A_358 = tpu.vector_load %arg7[%get3A_356, %get3A_357] {strides = array<i32>} : memref<3200x16xf32, #tpu.memory_space<vmem>>, vector<1x16xf32>,
        %get3A_359 = vector.shape_cast %get3A_358 : vector<1x16xf32> to vector<16xf32>
        %add3A_360 = arith.addf %add3A_326, %get3A_359 : vector<16xf32>
        %add3A_361 = arith.constant 12 : i32
        %add3A_362 = arith.addi %add3A_234, %add3A_361 : i32
        %add3A_363 = arith.constant 3 : i32
        %add3A_364 = arith.addi %add3A_362, %add3A_363 : i32
        %get3A_365 = arith.index_cast %add3A_364 : i32 to index
        %get3A_366 = arith.constant 0 : index
        %get3A_367 = tpu.vector_load %arg7[%get3A_365, %get3A_366] {strides = array<i32>} : memref<3200x16xf32, #tpu.memory_space<vmem>>, vector<1x16xf32>,
        %get3A_368 = vector.shape_cast %get3A_367 : vector<1x16xf32> to vector<16xf32>
        %add3A_369 = arith.addf %add3A_335, %get3A_368 : vector<16xf32>
        %add3A_370 = arith.constant 16 : i32
        %add3A_371 = arith.addi %add3A_234, %add3A_370 : i32
        %get3A_372 = arith.index_cast %add3A_371 : i32 to index
        %get3A_373 = arith.constant 0 : index
        %get3A_374 = tpu.vector_load %arg7[%get3A_372, %get3A_373] {strides = array<i32>} : memref<3200x16xf32, #tpu.memory_space<vmem>>, vector<1x16xf32>,
        %get3A_375 = vector.shape_cast %get3A_374 : vector<1x16xf32> to vector<16xf32>
        %add3A_376 = arith.addf %add3A_342, %get3A_375 : vector<16xf32>
        %add3A_377 = arith.constant 16 : i32
        %add3A_378 = arith.addi %add3A_234, %add3A_377 : i32
        %add3A_379 = arith.constant 1 : i32
        %add3A_380 = arith.addi %add3A_378, %add3A_379 : i32
        %get3A_381 = arith.index_cast %add3A_380 : i32 to index
        %get3A_382 = arith.constant 0 : index
        %get3A_383 = tpu.vector_load %arg7[%get3A_381, %get3A_382] {strides = array<i32>} : memref<3200x16xf32, #tpu.memory_space<vmem>>, vector<1x16xf32>,
        %get3A_384 = vector.shape_cast %get3A_383 : vector<1x16xf32> to vector<16xf32>
        %add3A_385 = arith.addf %add3A_351, %get3A_384 : vector<16xf32>
        %add3A_386 = arith.constant 16 : i32
        %add3A_387 = arith.addi %add3A_234, %add3A_386 : i32
        %add3A_388 = arith.constant 2 : i32
        %add3A_389 = arith.addi %add3A_387, %add3A_388 : i32
        %get3A_390 = arith.index_cast %add3A_389 : i32 to index
        %get3A_391 = arith.constant 0 : index
        %get3A_392 = tpu.vector_load %arg7[%get3A_390, %get3A_391] {strides = array<i32>} : memref<3200x16xf32, #tpu.memory_space<vmem>>, vector<1x16xf32>,
        %get3A_393 = vector.shape_cast %get3A_392 : vector<1x16xf32> to vector<16xf32>
        %add3A_394 = arith.addf %add3A_360, %get3A_393 : vector<16xf32>
        %add3A_395 = arith.constant 16 : i32
        %add3A_396 = arith.addi %add3A_234, %add3A_395 : i32
        %add3A_397 = arith.constant 3 : i32
        %add3A_398 = arith.addi %add3A_396, %add3A_397 : i32
        %get3A_399 = arith.index_cast %add3A_398 : i32 to index
        %get3A_400 = arith.constant 0 : index
        %get3A_401 = tpu.vector_load %arg7[%get3A_399, %get3A_400] {strides = array<i32>} : memref<3200x16xf32, #tpu.memory_space<vmem>>, vector<1x16xf32>,
        %get3A_402 = vector.shape_cast %get3A_401 : vector<1x16xf32> to vector<16xf32>
        %add3A_403 = arith.addf %add3A_369, %get3A_402 : vector<16xf32>
        %add3A_404 = arith.constant 20 : i32
        %add3A_405 = arith.addi %add3A_234, %add3A_404 : i32
        %get3A_406 = arith.index_cast %add3A_405 : i32 to index
        %get3A_407 = arith.constant 0 : index
        %get3A_408 = tpu.vector_load %arg7[%get3A_406, %get3A_407] {strides = array<i32>} : memref<3200x16xf32, #tpu.memory_space<vmem>>, vector<1x16xf32>,
        %get3A_409 = vector.shape_cast %get3A_408 : vector<1x16xf32> to vector<16xf32>
        %add3A_410 = arith.addf %add3A_376, %get3A_409 : vector<16xf32>
        %add3A_411 = arith.constant 20 : i32
        %add3A_412 = arith.addi %add3A_234, %add3A_411 : i32
        %add3A_413 = arith.constant 1 : i32
        %add3A_414 = arith.addi %add3A_412, %add3A_413 : i32
        %get3A_415 = arith.index_cast %add3A_414 : i32 to index
        %get3A_416 = arith.constant 0 : index
        %get3A_417 = tpu.vector_load %arg7[%get3A_415, %get3A_416] {strides = array<i32>} : memref<3200x16xf32, #tpu.memory_space<vmem>>, vector<1x16xf32>,
        %get3A_418 = vector.shape_cast %get3A_417 : vector<1x16xf32> to vector<16xf32>
        %add3A_419 = arith.addf %add3A_385, %get3A_418 : vector<16xf32>
        %add3A_420 = arith.constant 20 : i32
        %add3A_421 = arith.addi %add3A_234, %add3A_420 : i32
        %add3A_422 = arith.constant 2 : i32
        %add3A_423 = arith.addi %add3A_421, %add3A_422 : i32
        %get3A_424 = arith.index_cast %add3A_423 : i32 to index
        %get3A_425 = arith.constant 0 : index
        %get3A_426 = tpu.vector_load %arg7[%get3A_424, %get3A_425] {strides = array<i32>} : memref<3200x16xf32, #tpu.memory_space<vmem>>, vector<1x16xf32>,
        %get3A_427 = vector.shape_cast %get3A_426 : vector<1x16xf32> to vector<16xf32>
        %add3A_428 = arith.addf %add3A_394, %get3A_427 : vector<16xf32>
        %add3A_429 = arith.constant 20 : i32
        %add3A_430 = arith.addi %add3A_234, %add3A_429 : i32
        %add3A_431 = arith.constant 3 : i32
        %add3A_432 = arith.addi %add3A_430, %add3A_431 : i32
        %get3A_433 = arith.index_cast %add3A_432 : i32 to index
        %get3A_434 = arith.constant 0 : index
        %get3A_435 = tpu.vector_load %arg7[%get3A_433, %get3A_434] {strides = array<i32>} : memref<3200x16xf32, #tpu.memory_space<vmem>>, vector<1x16xf32>,
        %get3A_436 = vector.shape_cast %get3A_435 : vector<1x16xf32> to vector<16xf32>
        %add3A_437 = arith.addf %add3A_403, %get3A_436 : vector<16xf32>
        %add3A_438 = arith.constant 24 : i32
        %add3A_439 = arith.addi %add3A_234, %add3A_438 : i32
        %get3A_440 = arith.index_cast %add3A_439 : i32 to index
        %get3A_441 = arith.constant 0 : index
        %get3A_442 = tpu.vector_load %arg7[%get3A_440, %get3A_441] {strides = array<i32>} : memref<3200x16xf32, #tpu.memory_space<vmem>>, vector<1x16xf32>,
        %get3A_443 = vector.shape_cast %get3A_442 : vector<1x16xf32> to vector<16xf32>
        %add3A_444 = arith.addf %add3A_410, %get3A_443 : vector<16xf32>
        %add3A_445 = arith.constant 24 : i32
        %add3A_446 = arith.addi %add3A_234, %add3A_445 : i32
        %add3A_447 = arith.constant 1 : i32
        %add3A_448 = arith.addi %add3A_446, %add3A_447 : i32
        %get3A_449 = arith.index_cast %add3A_448 : i32 to index
        %get3A_450 = arith.constant 0 : index
        %get3A_451 = tpu.vector_load %arg7[%get3A_449, %get3A_450] {strides = array<i32>} : memref<3200x16xf32, #tpu.memory_space<vmem>>, vector<1x16xf32>,
        %get3A_452 = vector.shape_cast %get3A_451 : vector<1x16xf32> to vector<16xf32>
        %add3A_453 = arith.addf %add3A_419, %get3A_452 : vector<16xf32>
        %add3A_454 = arith.constant 24 : i32
        %add3A_455 = arith.addi %add3A_234, %add3A_454 : i32
        %add3A_456 = arith.constant 2 : i32
        %add3A_457 = arith.addi %add3A_455, %add3A_456 : i32
        %get3A_458 = arith.index_cast %add3A_457 : i32 to index
        %get3A_459 = arith.constant 0 : index
        %get3A_460 = tpu.vector_load %arg7[%get3A_458, %get3A_459] {strides = array<i32>} : memref<3200x16xf32, #tpu.memory_space<vmem>>, vector<1x16xf32>,
        %get3A_461 = vector.shape_cast %get3A_460 : vector<1x16xf32> to vector<16xf32>
        %add3A_462 = arith.addf %add3A_428, %get3A_461 : vector<16xf32>
        %add3A_463 = arith.constant 24 : i32
        %add3A_464 = arith.addi %add3A_234, %add3A_463 : i32
        %add3A_465 = arith.constant 3 : i32
        %add3A_466 = arith.addi %add3A_464, %add3A_465 : i32
        %get3A_467 = arith.index_cast %add3A_466 : i32 to index
        %get3A_468 = arith.constant 0 : index
        %get3A_469 = tpu.vector_load %arg7[%get3A_467, %get3A_468] {strides = array<i32>} : memref<3200x16xf32, #tpu.memory_space<vmem>>, vector<1x16xf32>,
        %get3A_470 = vector.shape_cast %get3A_469 : vector<1x16xf32> to vector<16xf32>
        %add3A_471 = arith.addf %add3A_437, %get3A_470 : vector<16xf32>
        %add3A_472 = arith.constant 28 : i32
        %add3A_473 = arith.addi %add3A_234, %add3A_472 : i32
        %get3A_474 = arith.index_cast %add3A_473 : i32 to index
        %get3A_475 = arith.constant 0 : index
        %get3A_476 = tpu.vector_load %arg7[%get3A_474, %get3A_475] {strides = array<i32>} : memref<3200x16xf32, #tpu.memory_space<vmem>>, vector<1x16xf32>,
        %get3A_477 = vector.shape_cast %get3A_476 : vector<1x16xf32> to vector<16xf32>
        %add3A_478 = arith.addf %add3A_444, %get3A_477 : vector<16xf32>
        %add3A_479 = arith.constant 28 : i32
        %add3A_480 = arith.addi %add3A_234, %add3A_479 : i32
        %add3A_481 = arith.constant 1 : i32
        %add3A_482 = arith.addi %add3A_480, %add3A_481 : i32
        %get3A_483 = arith.index_cast %add3A_482 : i32 to index
        %get3A_484 = arith.constant 0 : index
        %get3A_485 = tpu.vector_load %arg7[%get3A_483, %get3A_484] {strides = array<i32>} : memref<3200x16xf32, #tpu.memory_space<vmem>>, vector<1x16xf32>,
        %get3A_486 = vector.shape_cast %get3A_485 : vector<1x16xf32> to vector<16xf32>
        %add3A_487 = arith.addf %add3A_453, %get3A_486 : vector<16xf32>
        %add3A_488 = arith.constant 28 : i32
        %add3A_489 = arith.addi %add3A_234, %add3A_488 : i32
        %add3A_490 = arith.constant 2 : i32
        %add3A_491 = arith.addi %add3A_489, %add3A_490 : i32
        %get3A_492 = arith.index_cast %add3A_491 : i32 to index
        %get3A_493 = arith.constant 0 : index
        %get3A_494 = tpu.vector_load %arg7[%get3A_492, %get3A_493] {strides = array<i32>} : memref<3200x16xf32, #tpu.memory_space<vmem>>, vector<1x16xf32>,
        %get3A_495 = vector.shape_cast %get3A_494 : vector<1x16xf32> to vector<16xf32>
        %add3A_496 = arith.addf %add3A_462, %get3A_495 : vector<16xf32>
        %add3A_497 = arith.constant 28 : i32
        %add3A_498 = arith.addi %add3A_234, %add3A_497 : i32
        %add3A_499 = arith.constant 3 : i32
        %add3A_500 = arith.addi %add3A_498, %add3A_499 : i32
        %get3A_501 = arith.index_cast %add3A_500 : i32 to index
        %get3A_502 = arith.constant 0 : index
        %get3A_503 = tpu.vector_load %arg7[%get3A_501, %get3A_502] {strides = array<i32>} : memref<3200x16xf32, #tpu.memory_space<vmem>>, vector<1x16xf32>,
        %get3A_504 = vector.shape_cast %get3A_503 : vector<1x16xf32> to vector<16xf32>
        %add3A_505 = arith.addf %add3A_471, %get3A_504 : vector<16xf32>
        %add3A_506 = arith.constant 32 : i32
        %add3A_507 = arith.addi %add3A_234, %add3A_506 : i32
        %get3A_508 = arith.index_cast %add3A_507 : i32 to index
        %get3A_509 = arith.constant 0 : index
        %get3A_510 = tpu.vector_load %arg7[%get3A_508, %get3A_509] {strides = array<i32>} : memref<3200x16xf32, #tpu.memory_space<vmem>>, vector<1x16xf32>,
        %get3A_511 = vector.shape_cast %get3A_510 : vector<1x16xf32> to vector<16xf32>
        %add3A_512 = arith.addf %add3A_478, %get3A_511 : vector<16xf32>
        %add3A_513 = arith.constant 32 : i32
        %add3A_514 = arith.addi %add3A_234, %add3A_513 : i32
        %add3A_515 = arith.constant 1 : i32
        %add3A_516 = arith.addi %add3A_514, %add3A_515 : i32
        %get3A_517 = arith.index_cast %add3A_516 : i32 to index
        %get3A_518 = arith.constant 0 : index
        %get3A_519 = tpu.vector_load %arg7[%get3A_517, %get3A_518] {strides = array<i32>} : memref<3200x16xf32, #tpu.memory_space<vmem>>, vector<1x16xf32>,
        %get3A_520 = vector.shape_cast %get3A_519 : vector<1x16xf32> to vector<16xf32>
        %add3A_521 = arith.addf %add3A_487, %get3A_520 : vector<16xf32>
        %add3A_522 = arith.constant 32 : i32
        %add3A_523 = arith.addi %add3A_234, %add3A_522 : i32
        %add3A_524 = arith.constant 2 : i32
        %add3A_525 = arith.addi %add3A_523, %add3A_524 : i32
        %get3A_526 = arith.index_cast %add3A_525 : i32 to index
        %get3A_527 = arith.constant 0 : index
        %get3A_528 = tpu.vector_load %arg7[%get3A_526, %get3A_527] {strides = array<i32>} : memref<3200x16xf32, #tpu.memory_space<vmem>>, vector<1x16xf32>,
        %get3A_529 = vector.shape_cast %get3A_528 : vector<1x16xf32> to vector<16xf32>
        %add3A_530 = arith.addf %add3A_496, %get3A_529 : vector<16xf32>
        %add3A_531 = arith.constant 32 : i32
        %add3A_532 = arith.addi %add3A_234, %add3A_531 : i32
        %add3A_533 = arith.constant 3 : i32
        %add3A_534 = arith.addi %add3A_532, %add3A_533 : i32
        %get3A_535 = arith.index_cast %add3A_534 : i32 to index
        %get3A_536 = arith.constant 0 : index
        %get3A_537 = tpu.vector_load %arg7[%get3A_535, %get3A_536] {strides = array<i32>} : memref<3200x16xf32, #tpu.memory_space<vmem>>, vector<1x16xf32>,
        %get3A_538 = vector.shape_cast %get3A_537 : vector<1x16xf32> to vector<16xf32>
        %add3A_539 = arith.addf %add3A_505, %get3A_538 : vector<16xf32>
        %add3A_540 = arith.constant 36 : i32
        %add3A_541 = arith.addi %add3A_234, %add3A_540 : i32
        %get3A_542 = arith.index_cast %add3A_541 : i32 to index
        %get3A_543 = arith.constant 0 : index
        %get3A_544 = tpu.vector_load %arg7[%get3A_542, %get3A_543] {strides = array<i32>} : memref<3200x16xf32, #tpu.memory_space<vmem>>, vector<1x16xf32>,
        %get3A_545 = vector.shape_cast %get3A_544 : vector<1x16xf32> to vector<16xf32>
        %add3A_546 = arith.addf %add3A_512, %get3A_545 : vector<16xf32>
        %add3A_547 = arith.constant 36 : i32
        %add3A_548 = arith.addi %add3A_234, %add3A_547 : i32
        %add3A_549 = arith.constant 1 : i32
        %add3A_550 = arith.addi %add3A_548, %add3A_549 : i32
        %get3A_551 = arith.index_cast %add3A_550 : i32 to index
        %get3A_552 = arith.constant 0 : index
        %get3A_553 = tpu.vector_load %arg7[%get3A_551, %get3A_552] {strides = array<i32>} : memref<3200x16xf32, #tpu.memory_space<vmem>>, vector<1x16xf32>,
        %get3A_554 = vector.shape_cast %get3A_553 : vector<1x16xf32> to vector<16xf32>
        %add3A_555 = arith.addf %add3A_521, %get3A_554 : vector<16xf32>
        %add3A_556 = arith.constant 36 : i32
        %add3A_557 = arith.addi %add3A_234, %add3A_556 : i32
        %add3A_558 = arith.constant 2 : i32
        %add3A_559 = arith.addi %add3A_557, %add3A_558 : i32
        %get3A_560 = arith.index_cast %add3A_559 : i32 to index
        %get3A_561 = arith.constant 0 : index
        %get3A_562 = tpu.vector_load %arg7[%get3A_560, %get3A_561] {strides = array<i32>} : memref<3200x16xf32, #tpu.memory_space<vmem>>, vector<1x16xf32>,
        %get3A_563 = vector.shape_cast %get3A_562 : vector<1x16xf32> to vector<16xf32>
        %add3A_564 = arith.addf %add3A_530, %get3A_563 : vector<16xf32>
        %add3A_565 = arith.constant 36 : i32
        %add3A_566 = arith.addi %add3A_234, %add3A_565 : i32
        %add3A_567 = arith.constant 3 : i32
        %add3A_568 = arith.addi %add3A_566, %add3A_567 : i32
        %get3A_569 = arith.index_cast %add3A_568 : i32 to index
        %get3A_570 = arith.constant 0 : index
        %get3A_571 = tpu.vector_load %arg7[%get3A_569, %get3A_570] {strides = array<i32>} : memref<3200x16xf32, #tpu.memory_space<vmem>>, vector<1x16xf32>,
        %get3A_572 = vector.shape_cast %get3A_571 : vector<1x16xf32> to vector<16xf32>
        %add3A_573 = arith.addf %add3A_539, %get3A_572 : vector<16xf32>
        scf.yield %add3A_546, %add3A_555, %add3A_564, %add3A_573 : vector<16xf32>, vector<16xf32>, vector<16xf32>, vector<16xf32>
      }
      %scan3A_217 = arith.constant 5 : i32
      %add3A_218 = arith.addf %scan3A_216#0, %scan3A_216#1 : vector<16xf32>
      %add3A_219 = arith.addf %scan3A_216#2, %scan3A_216#3 : vector<16xf32>
      %add3A_220 = arith.addf %add3A_218, %add3A_219 : vector<16xf32>
      %add3A_221 = arith.constant 96 : i32
      %add3A_222 = arith.addi %add3A_221, %scan3A_208 : i32
      %swap3A = arith.index_cast %add3A_222 : i32 to index
      %swap3A_223 = arith.constant 0 : index
      %swap3A_224 = tpu.vector_load %arg9[%swap3A, %swap3A_223] {strides = array<i32>} : memref<128x16xf32, #tpu.memory_space<vmem>>, vector<1x16xf32>,
      %swap3A_225 = vector.shape_cast %swap3A_224 : vector<1x16xf32> to vector<16xf32>
      %swap3A_226 = vector.shape_cast %add3A_220 : vector<16xf32> to vector<1x16xf32>
      tpu.vector_store %arg9[%swap3A, %swap3A_223], %swap3A_226 {strides = array<i32>} : memref<128x16xf32, #tpu.memory_space<vmem>>, vector<1x16xf32>,
    }
    %scan3A_196 = arith.constant 16 : i32
    %dma_wait3A_197 = arith.constant 0 : i32
    %dma_wait3A_198 = arith.constant 0 : i32
    %dma_wait3A_199 = tpu.memref_slice %arg3[%dma_wait3A_197, %dma_wait3A_198] : memref<819200x16xf32, #tpu.memory_space<hbm>> -> memref<819200x16xf32, #tpu.memory_space<hbm>>
    tpu.wait_indirect_dma semaphore(%arg11 : memref<!tpu.dma_semaphore, #tpu.memory_space<semaphore_mem>>) src(%dma_wait3A_199 : memref<819200x16xf32, #tpu.memory_space<hbm>>) dst(%arg8 : memref<3200x16xf32, #tpu.memory_space<vmem>>)
    %scan3A_200 = arith.constant 0 : i32
    %scan3A_201 = arith.constant 0 : i32
    %scan3A_202 = arith.constant 16 : i32
    %scan3A_203 = arith.addi %scan3A_201, %scan3A_202 : i32
    %scan3A_204 = arith.constant 1 : i32
    scf.for %scan3A_208 = %scan3A_201 to %scan3A_203 step %scan3A_204  : i32 {
      %mul3A_209 = arith.constant 200 : i32
      %mul3A_210 = arith.muli %scan3A_208, %mul3A_209 : i32
      %broadcast_in_dim3A = arith.constant 0.000000e+00 : f32
      %broadcast_in_dim3A_211 = vector.broadcast %broadcast_in_dim3A : f32 to vector<16xf32>
      %scan3A_212 = arith.constant 0 : i32
      %scan3A_213 = arith.constant 5 : i32
      %scan3A_214 = arith.addi %scan3A_212, %scan3A_213 : i32
      %scan3A_215 = arith.constant 1 : i32
      %scan3A_216:4 = scf.for %scan3A_227 = %scan3A_212 to %scan3A_214 step %scan3A_215 iter_args(%scan3A_228 = %broadcast_in_dim3A_211, %scan3A_229 = %broadcast_in_dim3A_211, %scan3A_230 = %broadcast_in_dim3A_211, %scan3A_231 = %broadcast_in_dim3A_211) -> (vector<16xf32>, vector<16xf32>, vector<16xf32>, vector<16xf32>)  : i32 {
        %mul3A_232 = arith.constant 40 : i32
        %mul3A_233 = arith.muli %scan3A_227, %mul3A_232 : i32
        %add3A_234 = arith.addi %mul3A_210, %mul3A_233 : i32
        %add3A_235 = arith.constant 0 : i32
        %add3A_236 = arith.addi %add3A_234, %add3A_235 : i32
        %get3A = arith.index_cast %add3A_236 : i32 to index
        %get3A_237 = arith.constant 0 : index
        %get3A_238 = tpu.vector_load %arg8[%get3A, %get3A_237] {strides = array<i32>} : memref<3200x16xf32, #tpu.memory_space<vmem>>, vector<1x16xf32>,
        %get3A_239 = vector.shape_cast %get3A_238 : vector<1x16xf32> to vector<16xf32>
        %add3A_240 = arith.addf %scan3A_228, %get3A_239 : vector<16xf32>
        %add3A_241 = arith.constant 0 : i32
        %add3A_242 = arith.addi %add3A_234, %add3A_241 : i32
        %add3A_243 = arith.constant 1 : i32
        %add3A_244 = arith.addi %add3A_242, %add3A_243 : i32
        %get3A_245 = arith.index_cast %add3A_244 : i32 to index
        %get3A_246 = arith.constant 0 : index
        %get3A_247 = tpu.vector_load %arg8[%get3A_245, %get3A_246] {strides = array<i32>} : memref<3200x16xf32, #tpu.memory_space<vmem>>, vector<1x16xf32>,
        %get3A_248 = vector.shape_cast %get3A_247 : vector<1x16xf32> to vector<16xf32>
        %add3A_249 = arith.addf %scan3A_229, %get3A_248 : vector<16xf32>
        %add3A_250 = arith.constant 0 : i32
        %add3A_251 = arith.addi %add3A_234, %add3A_250 : i32
        %add3A_252 = arith.constant 2 : i32
        %add3A_253 = arith.addi %add3A_251, %add3A_252 : i32
        %get3A_254 = arith.index_cast %add3A_253 : i32 to index
        %get3A_255 = arith.constant 0 : index
        %get3A_256 = tpu.vector_load %arg8[%get3A_254, %get3A_255] {strides = array<i32>} : memref<3200x16xf32, #tpu.memory_space<vmem>>, vector<1x16xf32>,
        %get3A_257 = vector.shape_cast %get3A_256 : vector<1x16xf32> to vector<16xf32>
        %add3A_258 = arith.addf %scan3A_230, %get3A_257 : vector<16xf32>
        %add3A_259 = arith.constant 0 : i32
        %add3A_260 = arith.addi %add3A_234, %add3A_259 : i32
        %add3A_261 = arith.constant 3 : i32
        %add3A_262 = arith.addi %add3A_260, %add3A_261 : i32
        %get3A_263 = arith.index_cast %add3A_262 : i32 to index
        %get3A_264 = arith.constant 0 : index
        %get3A_265 = tpu.vector_load %arg8[%get3A_263, %get3A_264] {strides = array<i32>} : memref<3200x16xf32, #tpu.memory_space<vmem>>, vector<1x16xf32>,
        %get3A_266 = vector.shape_cast %get3A_265 : vector<1x16xf32> to vector<16xf32>
        %add3A_267 = arith.addf %scan3A_231, %get3A_266 : vector<16xf32>
        %add3A_268 = arith.constant 4 : i32
        %add3A_269 = arith.addi %add3A_234, %add3A_268 : i32
        %get3A_270 = arith.index_cast %add3A_269 : i32 to index
        %get3A_271 = arith.constant 0 : index
        %get3A_272 = tpu.vector_load %arg8[%get3A_270, %get3A_271] {strides = array<i32>} : memref<3200x16xf32, #tpu.memory_space<vmem>>, vector<1x16xf32>,
        %get3A_273 = vector.shape_cast %get3A_272 : vector<1x16xf32> to vector<16xf32>
        %add3A_274 = arith.addf %add3A_240, %get3A_273 : vector<16xf32>
        %add3A_275 = arith.constant 4 : i32
        %add3A_276 = arith.addi %add3A_234, %add3A_275 : i32
        %add3A_277 = arith.constant 1 : i32
        %add3A_278 = arith.addi %add3A_276, %add3A_277 : i32
        %get3A_279 = arith.index_cast %add3A_278 : i32 to index
        %get3A_280 = arith.constant 0 : index
        %get3A_281 = tpu.vector_load %arg8[%get3A_279, %get3A_280] {strides = array<i32>} : memref<3200x16xf32, #tpu.memory_space<vmem>>, vector<1x16xf32>,
        %get3A_282 = vector.shape_cast %get3A_281 : vector<1x16xf32> to vector<16xf32>
        %add3A_283 = arith.addf %add3A_249, %get3A_282 : vector<16xf32>
        %add3A_284 = arith.constant 4 : i32
        %add3A_285 = arith.addi %add3A_234, %add3A_284 : i32
        %add3A_286 = arith.constant 2 : i32
        %add3A_287 = arith.addi %add3A_285, %add3A_286 : i32
        %get3A_288 = arith.index_cast %add3A_287 : i32 to index
        %get3A_289 = arith.constant 0 : index
        %get3A_290 = tpu.vector_load %arg8[%get3A_288, %get3A_289] {strides = array<i32>} : memref<3200x16xf32, #tpu.memory_space<vmem>>, vector<1x16xf32>,
        %get3A_291 = vector.shape_cast %get3A_290 : vector<1x16xf32> to vector<16xf32>
        %add3A_292 = arith.addf %add3A_258, %get3A_291 : vector<16xf32>
        %add3A_293 = arith.constant 4 : i32
        %add3A_294 = arith.addi %add3A_234, %add3A_293 : i32
        %add3A_295 = arith.constant 3 : i32
        %add3A_296 = arith.addi %add3A_294, %add3A_295 : i32
        %get3A_297 = arith.index_cast %add3A_296 : i32 to index
        %get3A_298 = arith.constant 0 : index
        %get3A_299 = tpu.vector_load %arg8[%get3A_297, %get3A_298] {strides = array<i32>} : memref<3200x16xf32, #tpu.memory_space<vmem>>, vector<1x16xf32>,
        %get3A_300 = vector.shape_cast %get3A_299 : vector<1x16xf32> to vector<16xf32>
        %add3A_301 = arith.addf %add3A_267, %get3A_300 : vector<16xf32>
        %add3A_302 = arith.constant 8 : i32
        %add3A_303 = arith.addi %add3A_234, %add3A_302 : i32
        %get3A_304 = arith.index_cast %add3A_303 : i32 to index
        %get3A_305 = arith.constant 0 : index
        %get3A_306 = tpu.vector_load %arg8[%get3A_304, %get3A_305] {strides = array<i32>} : memref<3200x16xf32, #tpu.memory_space<vmem>>, vector<1x16xf32>,
        %get3A_307 = vector.shape_cast %get3A_306 : vector<1x16xf32> to vector<16xf32>
        %add3A_308 = arith.addf %add3A_274, %get3A_307 : vector<16xf32>
        %add3A_309 = arith.constant 8 : i32
        %add3A_310 = arith.addi %add3A_234, %add3A_309 : i32
        %add3A_311 = arith.constant 1 : i32
        %add3A_312 = arith.addi %add3A_310, %add3A_311 : i32
        %get3A_313 = arith.index_cast %add3A_312 : i32 to index
        %get3A_314 = arith.constant 0 : index
        %get3A_315 = tpu.vector_load %arg8[%get3A_313, %get3A_314] {strides = array<i32>} : memref<3200x16xf32, #tpu.memory_space<vmem>>, vector<1x16xf32>,
        %get3A_316 = vector.shape_cast %get3A_315 : vector<1x16xf32> to vector<16xf32>
        %add3A_317 = arith.addf %add3A_283, %get3A_316 : vector<16xf32>
        %add3A_318 = arith.constant 8 : i32
        %add3A_319 = arith.addi %add3A_234, %add3A_318 : i32
        %add3A_320 = arith.constant 2 : i32
        %add3A_321 = arith.addi %add3A_319, %add3A_320 : i32
        %get3A_322 = arith.index_cast %add3A_321 : i32 to index
        %get3A_323 = arith.constant 0 : index
        %get3A_324 = tpu.vector_load %arg8[%get3A_322, %get3A_323] {strides = array<i32>} : memref<3200x16xf32, #tpu.memory_space<vmem>>, vector<1x16xf32>,
        %get3A_325 = vector.shape_cast %get3A_324 : vector<1x16xf32> to vector<16xf32>
        %add3A_326 = arith.addf %add3A_292, %get3A_325 : vector<16xf32>
        %add3A_327 = arith.constant 8 : i32
        %add3A_328 = arith.addi %add3A_234, %add3A_327 : i32
        %add3A_329 = arith.constant 3 : i32
        %add3A_330 = arith.addi %add3A_328, %add3A_329 : i32
        %get3A_331 = arith.index_cast %add3A_330 : i32 to index
        %get3A_332 = arith.constant 0 : index
        %get3A_333 = tpu.vector_load %arg8[%get3A_331, %get3A_332] {strides = array<i32>} : memref<3200x16xf32, #tpu.memory_space<vmem>>, vector<1x16xf32>,
        %get3A_334 = vector.shape_cast %get3A_333 : vector<1x16xf32> to vector<16xf32>
        %add3A_335 = arith.addf %add3A_301, %get3A_334 : vector<16xf32>
        %add3A_336 = arith.constant 12 : i32
        %add3A_337 = arith.addi %add3A_234, %add3A_336 : i32
        %get3A_338 = arith.index_cast %add3A_337 : i32 to index
        %get3A_339 = arith.constant 0 : index
        %get3A_340 = tpu.vector_load %arg8[%get3A_338, %get3A_339] {strides = array<i32>} : memref<3200x16xf32, #tpu.memory_space<vmem>>, vector<1x16xf32>,
        %get3A_341 = vector.shape_cast %get3A_340 : vector<1x16xf32> to vector<16xf32>
        %add3A_342 = arith.addf %add3A_308, %get3A_341 : vector<16xf32>
        %add3A_343 = arith.constant 12 : i32
        %add3A_344 = arith.addi %add3A_234, %add3A_343 : i32
        %add3A_345 = arith.constant 1 : i32
        %add3A_346 = arith.addi %add3A_344, %add3A_345 : i32
        %get3A_347 = arith.index_cast %add3A_346 : i32 to index
        %get3A_348 = arith.constant 0 : index
        %get3A_349 = tpu.vector_load %arg8[%get3A_347, %get3A_348] {strides = array<i32>} : memref<3200x16xf32, #tpu.memory_space<vmem>>, vector<1x16xf32>,
        %get3A_350 = vector.shape_cast %get3A_349 : vector<1x16xf32> to vector<16xf32>
        %add3A_351 = arith.addf %add3A_317, %get3A_350 : vector<16xf32>
        %add3A_352 = arith.constant 12 : i32
        %add3A_353 = arith.addi %add3A_234, %add3A_352 : i32
        %add3A_354 = arith.constant 2 : i32
        %add3A_355 = arith.addi %add3A_353, %add3A_354 : i32
        %get3A_356 = arith.index_cast %add3A_355 : i32 to index
        %get3A_357 = arith.constant 0 : index
        %get3A_358 = tpu.vector_load %arg8[%get3A_356, %get3A_357] {strides = array<i32>} : memref<3200x16xf32, #tpu.memory_space<vmem>>, vector<1x16xf32>,
        %get3A_359 = vector.shape_cast %get3A_358 : vector<1x16xf32> to vector<16xf32>
        %add3A_360 = arith.addf %add3A_326, %get3A_359 : vector<16xf32>
        %add3A_361 = arith.constant 12 : i32
        %add3A_362 = arith.addi %add3A_234, %add3A_361 : i32
        %add3A_363 = arith.constant 3 : i32
        %add3A_364 = arith.addi %add3A_362, %add3A_363 : i32
        %get3A_365 = arith.index_cast %add3A_364 : i32 to index
        %get3A_366 = arith.constant 0 : index
        %get3A_367 = tpu.vector_load %arg8[%get3A_365, %get3A_366] {strides = array<i32>} : memref<3200x16xf32, #tpu.memory_space<vmem>>, vector<1x16xf32>,
        %get3A_368 = vector.shape_cast %get3A_367 : vector<1x16xf32> to vector<16xf32>
        %add3A_369 = arith.addf %add3A_335, %get3A_368 : vector<16xf32>
        %add3A_370 = arith.constant 16 : i32
        %add3A_371 = arith.addi %add3A_234, %add3A_370 : i32
        %get3A_372 = arith.index_cast %add3A_371 : i32 to index
        %get3A_373 = arith.constant 0 : index
        %get3A_374 = tpu.vector_load %arg8[%get3A_372, %get3A_373] {strides = array<i32>} : memref<3200x16xf32, #tpu.memory_space<vmem>>, vector<1x16xf32>,
        %get3A_375 = vector.shape_cast %get3A_374 : vector<1x16xf32> to vector<16xf32>
        %add3A_376 = arith.addf %add3A_342, %get3A_375 : vector<16xf32>
        %add3A_377 = arith.constant 16 : i32
        %add3A_378 = arith.addi %add3A_234, %add3A_377 : i32
        %add3A_379 = arith.constant 1 : i32
        %add3A_380 = arith.addi %add3A_378, %add3A_379 : i32
        %get3A_381 = arith.index_cast %add3A_380 : i32 to index
        %get3A_382 = arith.constant 0 : index
        %get3A_383 = tpu.vector_load %arg8[%get3A_381, %get3A_382] {strides = array<i32>} : memref<3200x16xf32, #tpu.memory_space<vmem>>, vector<1x16xf32>,
        %get3A_384 = vector.shape_cast %get3A_383 : vector<1x16xf32> to vector<16xf32>
        %add3A_385 = arith.addf %add3A_351, %get3A_384 : vector<16xf32>
        %add3A_386 = arith.constant 16 : i32
        %add3A_387 = arith.addi %add3A_234, %add3A_386 : i32
        %add3A_388 = arith.constant 2 : i32
        %add3A_389 = arith.addi %add3A_387, %add3A_388 : i32
        %get3A_390 = arith.index_cast %add3A_389 : i32 to index
        %get3A_391 = arith.constant 0 : index
        %get3A_392 = tpu.vector_load %arg8[%get3A_390, %get3A_391] {strides = array<i32>} : memref<3200x16xf32, #tpu.memory_space<vmem>>, vector<1x16xf32>,
        %get3A_393 = vector.shape_cast %get3A_392 : vector<1x16xf32> to vector<16xf32>
        %add3A_394 = arith.addf %add3A_360, %get3A_393 : vector<16xf32>
        %add3A_395 = arith.constant 16 : i32
        %add3A_396 = arith.addi %add3A_234, %add3A_395 : i32
        %add3A_397 = arith.constant 3 : i32
        %add3A_398 = arith.addi %add3A_396, %add3A_397 : i32
        %get3A_399 = arith.index_cast %add3A_398 : i32 to index
        %get3A_400 = arith.constant 0 : index
        %get3A_401 = tpu.vector_load %arg8[%get3A_399, %get3A_400] {strides = array<i32>} : memref<3200x16xf32, #tpu.memory_space<vmem>>, vector<1x16xf32>,
        %get3A_402 = vector.shape_cast %get3A_401 : vector<1x16xf32> to vector<16xf32>
        %add3A_403 = arith.addf %add3A_369, %get3A_402 : vector<16xf32>
        %add3A_404 = arith.constant 20 : i32
        %add3A_405 = arith.addi %add3A_234, %add3A_404 : i32
        %get3A_406 = arith.index_cast %add3A_405 : i32 to index
        %get3A_407 = arith.constant 0 : index
        %get3A_408 = tpu.vector_load %arg8[%get3A_406, %get3A_407] {strides = array<i32>} : memref<3200x16xf32, #tpu.memory_space<vmem>>, vector<1x16xf32>,
        %get3A_409 = vector.shape_cast %get3A_408 : vector<1x16xf32> to vector<16xf32>
        %add3A_410 = arith.addf %add3A_376, %get3A_409 : vector<16xf32>
        %add3A_411 = arith.constant 20 : i32
        %add3A_412 = arith.addi %add3A_234, %add3A_411 : i32
        %add3A_413 = arith.constant 1 : i32
        %add3A_414 = arith.addi %add3A_412, %add3A_413 : i32
        %get3A_415 = arith.index_cast %add3A_414 : i32 to index
        %get3A_416 = arith.constant 0 : index
        %get3A_417 = tpu.vector_load %arg8[%get3A_415, %get3A_416] {strides = array<i32>} : memref<3200x16xf32, #tpu.memory_space<vmem>>, vector<1x16xf32>,
        %get3A_418 = vector.shape_cast %get3A_417 : vector<1x16xf32> to vector<16xf32>
        %add3A_419 = arith.addf %add3A_385, %get3A_418 : vector<16xf32>
        %add3A_420 = arith.constant 20 : i32
        %add3A_421 = arith.addi %add3A_234, %add3A_420 : i32
        %add3A_422 = arith.constant 2 : i32
        %add3A_423 = arith.addi %add3A_421, %add3A_422 : i32
        %get3A_424 = arith.index_cast %add3A_423 : i32 to index
        %get3A_425 = arith.constant 0 : index
        %get3A_426 = tpu.vector_load %arg8[%get3A_424, %get3A_425] {strides = array<i32>} : memref<3200x16xf32, #tpu.memory_space<vmem>>, vector<1x16xf32>,
        %get3A_427 = vector.shape_cast %get3A_426 : vector<1x16xf32> to vector<16xf32>
        %add3A_428 = arith.addf %add3A_394, %get3A_427 : vector<16xf32>
        %add3A_429 = arith.constant 20 : i32
        %add3A_430 = arith.addi %add3A_234, %add3A_429 : i32
        %add3A_431 = arith.constant 3 : i32
        %add3A_432 = arith.addi %add3A_430, %add3A_431 : i32
        %get3A_433 = arith.index_cast %add3A_432 : i32 to index
        %get3A_434 = arith.constant 0 : index
        %get3A_435 = tpu.vector_load %arg8[%get3A_433, %get3A_434] {strides = array<i32>} : memref<3200x16xf32, #tpu.memory_space<vmem>>, vector<1x16xf32>,
        %get3A_436 = vector.shape_cast %get3A_435 : vector<1x16xf32> to vector<16xf32>
        %add3A_437 = arith.addf %add3A_403, %get3A_436 : vector<16xf32>
        %add3A_438 = arith.constant 24 : i32
        %add3A_439 = arith.addi %add3A_234, %add3A_438 : i32
        %get3A_440 = arith.index_cast %add3A_439 : i32 to index
        %get3A_441 = arith.constant 0 : index
        %get3A_442 = tpu.vector_load %arg8[%get3A_440, %get3A_441] {strides = array<i32>} : memref<3200x16xf32, #tpu.memory_space<vmem>>, vector<1x16xf32>,
        %get3A_443 = vector.shape_cast %get3A_442 : vector<1x16xf32> to vector<16xf32>
        %add3A_444 = arith.addf %add3A_410, %get3A_443 : vector<16xf32>
        %add3A_445 = arith.constant 24 : i32
        %add3A_446 = arith.addi %add3A_234, %add3A_445 : i32
        %add3A_447 = arith.constant 1 : i32
        %add3A_448 = arith.addi %add3A_446, %add3A_447 : i32
        %get3A_449 = arith.index_cast %add3A_448 : i32 to index
        %get3A_450 = arith.constant 0 : index
        %get3A_451 = tpu.vector_load %arg8[%get3A_449, %get3A_450] {strides = array<i32>} : memref<3200x16xf32, #tpu.memory_space<vmem>>, vector<1x16xf32>,
        %get3A_452 = vector.shape_cast %get3A_451 : vector<1x16xf32> to vector<16xf32>
        %add3A_453 = arith.addf %add3A_419, %get3A_452 : vector<16xf32>
        %add3A_454 = arith.constant 24 : i32
        %add3A_455 = arith.addi %add3A_234, %add3A_454 : i32
        %add3A_456 = arith.constant 2 : i32
        %add3A_457 = arith.addi %add3A_455, %add3A_456 : i32
        %get3A_458 = arith.index_cast %add3A_457 : i32 to index
        %get3A_459 = arith.constant 0 : index
        %get3A_460 = tpu.vector_load %arg8[%get3A_458, %get3A_459] {strides = array<i32>} : memref<3200x16xf32, #tpu.memory_space<vmem>>, vector<1x16xf32>,
        %get3A_461 = vector.shape_cast %get3A_460 : vector<1x16xf32> to vector<16xf32>
        %add3A_462 = arith.addf %add3A_428, %get3A_461 : vector<16xf32>
        %add3A_463 = arith.constant 24 : i32
        %add3A_464 = arith.addi %add3A_234, %add3A_463 : i32
        %add3A_465 = arith.constant 3 : i32
        %add3A_466 = arith.addi %add3A_464, %add3A_465 : i32
        %get3A_467 = arith.index_cast %add3A_466 : i32 to index
        %get3A_468 = arith.constant 0 : index
        %get3A_469 = tpu.vector_load %arg8[%get3A_467, %get3A_468] {strides = array<i32>} : memref<3200x16xf32, #tpu.memory_space<vmem>>, vector<1x16xf32>,
        %get3A_470 = vector.shape_cast %get3A_469 : vector<1x16xf32> to vector<16xf32>
        %add3A_471 = arith.addf %add3A_437, %get3A_470 : vector<16xf32>
        %add3A_472 = arith.constant 28 : i32
        %add3A_473 = arith.addi %add3A_234, %add3A_472 : i32
        %get3A_474 = arith.index_cast %add3A_473 : i32 to index
        %get3A_475 = arith.constant 0 : index
        %get3A_476 = tpu.vector_load %arg8[%get3A_474, %get3A_475] {strides = array<i32>} : memref<3200x16xf32, #tpu.memory_space<vmem>>, vector<1x16xf32>,
        %get3A_477 = vector.shape_cast %get3A_476 : vector<1x16xf32> to vector<16xf32>
        %add3A_478 = arith.addf %add3A_444, %get3A_477 : vector<16xf32>
        %add3A_479 = arith.constant 28 : i32
        %add3A_480 = arith.addi %add3A_234, %add3A_479 : i32
        %add3A_481 = arith.constant 1 : i32
        %add3A_482 = arith.addi %add3A_480, %add3A_481 : i32
        %get3A_483 = arith.index_cast %add3A_482 : i32 to index
        %get3A_484 = arith.constant 0 : index
        %get3A_485 = tpu.vector_load %arg8[%get3A_483, %get3A_484] {strides = array<i32>} : memref<3200x16xf32, #tpu.memory_space<vmem>>, vector<1x16xf32>,
        %get3A_486 = vector.shape_cast %get3A_485 : vector<1x16xf32> to vector<16xf32>
        %add3A_487 = arith.addf %add3A_453, %get3A_486 : vector<16xf32>
        %add3A_488 = arith.constant 28 : i32
        %add3A_489 = arith.addi %add3A_234, %add3A_488 : i32
        %add3A_490 = arith.constant 2 : i32
        %add3A_491 = arith.addi %add3A_489, %add3A_490 : i32
        %get3A_492 = arith.index_cast %add3A_491 : i32 to index
        %get3A_493 = arith.constant 0 : index
        %get3A_494 = tpu.vector_load %arg8[%get3A_492, %get3A_493] {strides = array<i32>} : memref<3200x16xf32, #tpu.memory_space<vmem>>, vector<1x16xf32>,
        %get3A_495 = vector.shape_cast %get3A_494 : vector<1x16xf32> to vector<16xf32>
        %add3A_496 = arith.addf %add3A_462, %get3A_495 : vector<16xf32>
        %add3A_497 = arith.constant 28 : i32
        %add3A_498 = arith.addi %add3A_234, %add3A_497 : i32
        %add3A_499 = arith.constant 3 : i32
        %add3A_500 = arith.addi %add3A_498, %add3A_499 : i32
        %get3A_501 = arith.index_cast %add3A_500 : i32 to index
        %get3A_502 = arith.constant 0 : index
        %get3A_503 = tpu.vector_load %arg8[%get3A_501, %get3A_502] {strides = array<i32>} : memref<3200x16xf32, #tpu.memory_space<vmem>>, vector<1x16xf32>,
        %get3A_504 = vector.shape_cast %get3A_503 : vector<1x16xf32> to vector<16xf32>
        %add3A_505 = arith.addf %add3A_471, %get3A_504 : vector<16xf32>
        %add3A_506 = arith.constant 32 : i32
        %add3A_507 = arith.addi %add3A_234, %add3A_506 : i32
        %get3A_508 = arith.index_cast %add3A_507 : i32 to index
        %get3A_509 = arith.constant 0 : index
        %get3A_510 = tpu.vector_load %arg8[%get3A_508, %get3A_509] {strides = array<i32>} : memref<3200x16xf32, #tpu.memory_space<vmem>>, vector<1x16xf32>,
        %get3A_511 = vector.shape_cast %get3A_510 : vector<1x16xf32> to vector<16xf32>
        %add3A_512 = arith.addf %add3A_478, %get3A_511 : vector<16xf32>
        %add3A_513 = arith.constant 32 : i32
        %add3A_514 = arith.addi %add3A_234, %add3A_513 : i32
        %add3A_515 = arith.constant 1 : i32
        %add3A_516 = arith.addi %add3A_514, %add3A_515 : i32
        %get3A_517 = arith.index_cast %add3A_516 : i32 to index
        %get3A_518 = arith.constant 0 : index
        %get3A_519 = tpu.vector_load %arg8[%get3A_517, %get3A_518] {strides = array<i32>} : memref<3200x16xf32, #tpu.memory_space<vmem>>, vector<1x16xf32>,
        %get3A_520 = vector.shape_cast %get3A_519 : vector<1x16xf32> to vector<16xf32>
        %add3A_521 = arith.addf %add3A_487, %get3A_520 : vector<16xf32>
        %add3A_522 = arith.constant 32 : i32
        %add3A_523 = arith.addi %add3A_234, %add3A_522 : i32
        %add3A_524 = arith.constant 2 : i32
        %add3A_525 = arith.addi %add3A_523, %add3A_524 : i32
        %get3A_526 = arith.index_cast %add3A_525 : i32 to index
        %get3A_527 = arith.constant 0 : index
        %get3A_528 = tpu.vector_load %arg8[%get3A_526, %get3A_527] {strides = array<i32>} : memref<3200x16xf32, #tpu.memory_space<vmem>>, vector<1x16xf32>,
        %get3A_529 = vector.shape_cast %get3A_528 : vector<1x16xf32> to vector<16xf32>
        %add3A_530 = arith.addf %add3A_496, %get3A_529 : vector<16xf32>
        %add3A_531 = arith.constant 32 : i32
        %add3A_532 = arith.addi %add3A_234, %add3A_531 : i32
        %add3A_533 = arith.constant 3 : i32
        %add3A_534 = arith.addi %add3A_532, %add3A_533 : i32
        %get3A_535 = arith.index_cast %add3A_534 : i32 to index
        %get3A_536 = arith.constant 0 : index
        %get3A_537 = tpu.vector_load %arg8[%get3A_535, %get3A_536] {strides = array<i32>} : memref<3200x16xf32, #tpu.memory_space<vmem>>, vector<1x16xf32>,
        %get3A_538 = vector.shape_cast %get3A_537 : vector<1x16xf32> to vector<16xf32>
        %add3A_539 = arith.addf %add3A_505, %get3A_538 : vector<16xf32>
        %add3A_540 = arith.constant 36 : i32
        %add3A_541 = arith.addi %add3A_234, %add3A_540 : i32
        %get3A_542 = arith.index_cast %add3A_541 : i32 to index
        %get3A_543 = arith.constant 0 : index
        %get3A_544 = tpu.vector_load %arg8[%get3A_542, %get3A_543] {strides = array<i32>} : memref<3200x16xf32, #tpu.memory_space<vmem>>, vector<1x16xf32>,
        %get3A_545 = vector.shape_cast %get3A_544 : vector<1x16xf32> to vector<16xf32>
        %add3A_546 = arith.addf %add3A_512, %get3A_545 : vector<16xf32>
        %add3A_547 = arith.constant 36 : i32
        %add3A_548 = arith.addi %add3A_234, %add3A_547 : i32
        %add3A_549 = arith.constant 1 : i32
        %add3A_550 = arith.addi %add3A_548, %add3A_549 : i32
        %get3A_551 = arith.index_cast %add3A_550 : i32 to index
        %get3A_552 = arith.constant 0 : index
        %get3A_553 = tpu.vector_load %arg8[%get3A_551, %get3A_552] {strides = array<i32>} : memref<3200x16xf32, #tpu.memory_space<vmem>>, vector<1x16xf32>,
        %get3A_554 = vector.shape_cast %get3A_553 : vector<1x16xf32> to vector<16xf32>
        %add3A_555 = arith.addf %add3A_521, %get3A_554 : vector<16xf32>
        %add3A_556 = arith.constant 36 : i32
        %add3A_557 = arith.addi %add3A_234, %add3A_556 : i32
        %add3A_558 = arith.constant 2 : i32
        %add3A_559 = arith.addi %add3A_557, %add3A_558 : i32
        %get3A_560 = arith.index_cast %add3A_559 : i32 to index
        %get3A_561 = arith.constant 0 : index
        %get3A_562 = tpu.vector_load %arg8[%get3A_560, %get3A_561] {strides = array<i32>} : memref<3200x16xf32, #tpu.memory_space<vmem>>, vector<1x16xf32>,
        %get3A_563 = vector.shape_cast %get3A_562 : vector<1x16xf32> to vector<16xf32>
        %add3A_564 = arith.addf %add3A_530, %get3A_563 : vector<16xf32>
        %add3A_565 = arith.constant 36 : i32
        %add3A_566 = arith.addi %add3A_234, %add3A_565 : i32
        %add3A_567 = arith.constant 3 : i32
        %add3A_568 = arith.addi %add3A_566, %add3A_567 : i32
        %get3A_569 = arith.index_cast %add3A_568 : i32 to index
        %get3A_570 = arith.constant 0 : index
        %get3A_571 = tpu.vector_load %arg8[%get3A_569, %get3A_570] {strides = array<i32>} : memref<3200x16xf32, #tpu.memory_space<vmem>>, vector<1x16xf32>,
        %get3A_572 = vector.shape_cast %get3A_571 : vector<1x16xf32> to vector<16xf32>
        %add3A_573 = arith.addf %add3A_539, %get3A_572 : vector<16xf32>
        scf.yield %add3A_546, %add3A_555, %add3A_564, %add3A_573 : vector<16xf32>, vector<16xf32>, vector<16xf32>, vector<16xf32>
      }
      %scan3A_217 = arith.constant 5 : i32
      %add3A_218 = arith.addf %scan3A_216#0, %scan3A_216#1 : vector<16xf32>
      %add3A_219 = arith.addf %scan3A_216#2, %scan3A_216#3 : vector<16xf32>
      %add3A_220 = arith.addf %add3A_218, %add3A_219 : vector<16xf32>
      %add3A_221 = arith.constant 112 : i32
      %add3A_222 = arith.addi %add3A_221, %scan3A_208 : i32
      %swap3A = arith.index_cast %add3A_222 : i32 to index
      %swap3A_223 = arith.constant 0 : index
      %swap3A_224 = tpu.vector_load %arg9[%swap3A, %swap3A_223] {strides = array<i32>} : memref<128x16xf32, #tpu.memory_space<vmem>>, vector<1x16xf32>,
      %swap3A_225 = vector.shape_cast %swap3A_224 : vector<1x16xf32> to vector<16xf32>
      %swap3A_226 = vector.shape_cast %add3A_220 : vector<16xf32> to vector<1x16xf32>
      tpu.vector_store %arg9[%swap3A, %swap3A_223], %swap3A_226 {strides = array<i32>} : memref<128x16xf32, #tpu.memory_space<vmem>>, vector<1x16xf32>,
    }
    %scan3A_205 = arith.constant 16 : i32
    %mul3A_206 = arith.constant 128 : i32
    %mul3A_207 = arith.muli %add3A, %mul3A_206 : i32
    "tpu.region"() ({
      %run_scoped3A = tpu.sem_alloc : memref<!tpu.dma_semaphore, #tpu.memory_space<semaphore_mem>>
      %dma_start3A_208 = arith.constant 0 : i32
      %dma_start3A_209 = tpu.memref_slice %arg4[%mul3A_207, %dma_start3A_208] : memref<4096x16xf32, #tpu.memory_space<hbm>> -> memref<128x16xf32, #tpu.memory_space<hbm>>
      %dma_start3A_210 = arith.constant 0 : i32
      %dma_start3A_211 = tpu.memref_slice %arg4[%mul3A_207, %dma_start3A_210] : memref<4096x16xf32, #tpu.memory_space<hbm>> -> memref<128x16xf32, #tpu.memory_space<hbm>>
      tpu.enqueue_dma source(%arg9 : memref<128x16xf32, #tpu.memory_space<vmem>>) target(%dma_start3A_211 : memref<128x16xf32, #tpu.memory_space<hbm>>) target_semaphore(%run_scoped3A : memref<!tpu.dma_semaphore, #tpu.memory_space<semaphore_mem>>)
      %dma_wait3A_212 = arith.constant 0 : i32
      %dma_wait3A_213 = tpu.memref_slice %arg4[%mul3A_207, %dma_wait3A_212] : memref<4096x16xf32, #tpu.memory_space<hbm>> -> memref<128x16xf32, #tpu.memory_space<hbm>>
      %dma_wait3A_214 = arith.constant 0 : i32
      %dma_wait3A_215 = tpu.memref_slice %arg4[%mul3A_207, %dma_wait3A_214] : memref<4096x16xf32, #tpu.memory_space<hbm>> -> memref<128x16xf32, #tpu.memory_space<hbm>>
      tpu.wait_dma2 semaphore(%run_scoped3A : memref<!tpu.dma_semaphore, #tpu.memory_space<semaphore_mem>>) src(%arg9 : memref<128x16xf32, #tpu.memory_space<vmem>>) dst(%dma_wait3A_215 : memref<128x16xf32, #tpu.memory_space<hbm>>)
      tpu.yield
    }) : () -> ()
    return
  }
}

module attributes {stable_mosaic.version = 14 : i64} {
  func.func @_tc_project_body(%arg0: i32, %arg1: memref<4096x128xf32, #tpu.memory_space<vmem>>, %arg2: memref<50x128xf32, #tpu.memory_space<vmem>>, %arg3: memref<1x50xf32, #tpu.memory_space<vmem>>, %arg4: memref<16x50xf32, #tpu.memory_space<vmem>>, %arg5: memref<1x16xf32, #tpu.memory_space<vmem>>, %arg6: memref<4096x128xf32, #tpu.memory_space<vmem>>) attributes {dimension_semantics = [#tpu.dimension_semantics<arbitrary>], iteration_bounds = array<i64: 25>, scalar_prefetch = 0 : i64, scratch_operands = 0 : i64, tpu.core_type = #tpu.core_type<tc>, window_params = [{transform_indices = @transform_0, window_bounds = array<i64: 4096, 128>}, {pipeline_mode = #tpu.pipeline_mode<synchronous>, transform_indices = @transform_1, window_bounds = array<i64: 50, 128>}, {pipeline_mode = #tpu.pipeline_mode<synchronous>, transform_indices = @transform_2, window_bounds = array<i64: 1, 50>}, {pipeline_mode = #tpu.pipeline_mode<synchronous>, transform_indices = @transform_3, window_bounds = array<i64: 16, 50>}, {pipeline_mode = #tpu.pipeline_mode<synchronous>, transform_indices = @transform_4, window_bounds = array<i64: 1, 16>}, {transform_indices = @transform_5, window_bounds = array<i64: 4096, 128>}]} {
    %get3A = arith.constant 0 : index
    %get3A_0 = arith.constant 0 : index
    %get3A_1 = vector.load %arg4[%get3A, %get3A_0] : memref<16x50xf32, #tpu.memory_space<vmem>>, vector<16x50xf32>
    %get3A_2 = arith.constant 0 : index
    %get3A_3 = arith.constant 0 : index
    %get3A_4 = vector.load %arg2[%get3A_2, %get3A_3] : memref<50x128xf32, #tpu.memory_space<vmem>>, vector<50x128xf32>
    %dot_general3A = arith.constant dense<0.000000e+00> : vector<16x128xf32>
    %dot_general3A_5 = tpu.matmul %get3A_1, %get3A_4, %dot_general3A {dimension_numbers = #tpu.dot_dimension_numbers<[1], [0], [0], [1], [0, 0, 1, 1], [], []>, precision = #tpu.contract_precision<fp32>, transpose_lhs_hint = false} : vector<16x50xf32>, vector<50x128xf32>, vector<16x128xf32> -> vector<16x128xf32>
    %get3A_6 = arith.constant 0 : index
    %get3A_7 = arith.constant 0 : index
    %get3A_8 = vector.load %arg3[%get3A_6, %get3A_7] : memref<1x50xf32, #tpu.memory_space<vmem>>, vector<1x50xf32>
    %get3A_9 = arith.constant 0 : index
    %get3A_10 = arith.constant 0 : index
    %get3A_11 = vector.load %arg4[%get3A_9, %get3A_10] : memref<16x50xf32, #tpu.memory_space<vmem>>, vector<16x50xf32>
    %dot_general3A_12 = arith.constant dense<0.000000e+00> : vector<1x16xf32>
    %dot_general3A_13 = tpu.matmul %get3A_8, %get3A_11, %dot_general3A_12 {dimension_numbers = #tpu.dot_dimension_numbers<[1], [1], [0], [0], [0, 0, 1, 0], [], []>, precision = #tpu.contract_precision<fp32>, transpose_lhs_hint = false} : vector<1x50xf32>, vector<16x50xf32>, vector<1x16xf32> -> vector<1x16xf32>
    %get3A_14 = arith.constant 0 : index
    %get3A_15 = arith.constant 0 : index
    %get3A_16 = vector.load %arg5[%get3A_14, %get3A_15] : memref<1x16xf32, #tpu.memory_space<vmem>>, vector<1x16xf32>
    %add3A = arith.addf %dot_general3A_13, %get3A_16 : vector<1x16xf32>
    %transpose3A = tpu.transpose %dot_general3A_5, [1, 0] : vector<16x128xf32> -> vector<128x16xf32>
    %broadcast_in_dim3A = arith.constant 0.000000e+00 : f32
    %broadcast_in_dim3A_17 = vector.broadcast %broadcast_in_dim3A : f32 to vector<128x112xf32>
    %concatenate3A = tpu.concatenate %transpose3A, %broadcast_in_dim3A_17 in 1 : vector<128x16xf32>, vector<128x112xf32> -> vector<128x128xf32>
    %broadcast_in_dim3A_18 = arith.constant 0.000000e+00 : f32
    %broadcast_in_dim3A_19 = vector.broadcast %broadcast_in_dim3A_18 : f32 to vector<1x112xf32>
    %concatenate3A_20 = tpu.concatenate %add3A, %broadcast_in_dim3A_19 in 1 : vector<1x16xf32>, vector<1x112xf32> -> vector<1x128xf32>
    %get3A_21 = arith.constant 0 : index
    %get3A_22 = arith.constant 0 : index
    %get3A_23 = vector.load %arg1[%get3A_21, %get3A_22] : memref<4096x128xf32, #tpu.memory_space<vmem>>, vector<4096x128xf32>
    %dot_general3A_24 = arith.constant dense<0.000000e+00> : vector<4096x128xf32>
    %dot_general3A_25 = tpu.matmul %get3A_23, %concatenate3A, %dot_general3A_24 {dimension_numbers = #tpu.dot_dimension_numbers<[1], [0], [0], [1], [0, 0, 1, 1], [], []>, transpose_lhs_hint = false} : vector<4096x128xf32>, vector<128x128xf32>, vector<4096x128xf32> -> vector<4096x128xf32>
    %add3A_26 = vector.broadcast %concatenate3A_20 : vector<1x128xf32> to vector<4096x128xf32>
    %add3A_27 = arith.addf %dot_general3A_25, %add3A_26 : vector<4096x128xf32>
    %mul3A = arith.constant 5.000000e-03 : f32
    %mul3A_28 = vector.broadcast %mul3A : f32 to vector<4096x128xf32>
    %mul3A_29 = arith.mulf %add3A_27, %mul3A_28 : vector<4096x128xf32>
    %swap3A = arith.constant 0 : index
    %swap3A_30 = arith.constant 0 : index
    %swap3A_31 = vector.load %arg6[%swap3A, %swap3A_30] : memref<4096x128xf32, #tpu.memory_space<vmem>>, vector<4096x128xf32>
    tpu.vector_store %arg6[%swap3A, %swap3A_30], %mul3A_29 {strides = array<i32>} : memref<4096x128xf32, #tpu.memory_space<vmem>>, vector<4096x128xf32>,
    return
  }
  func.func @transform_0(%arg0: i32) -> (i32, i32) {
    %c0_i32 = arith.constant 0 : i32
    %c0_i32_0 = arith.constant 0 : i32
    return %arg0, %c0_i32 : i32, i32
  }
  func.func @transform_1(%arg0: i32) -> (i32, i32) {
    %c0_i32 = arith.constant 0 : i32
    %c0_i32_0 = arith.constant 0 : i32
    %c0_i32_1 = arith.constant 0 : i32
    return %c0_i32, %c0_i32_0 : i32, i32
  }
  func.func @transform_2(%arg0: i32) -> (i32, i32) {
    %c0_i32 = arith.constant 0 : i32
    %c0_i32_0 = arith.constant 0 : i32
    %c0_i32_1 = arith.constant 0 : i32
    return %c0_i32, %c0_i32_0 : i32, i32
  }
  func.func @transform_3(%arg0: i32) -> (i32, i32) {
    %c0_i32 = arith.constant 0 : i32
    %c0_i32_0 = arith.constant 0 : i32
    %c0_i32_1 = arith.constant 0 : i32
    return %c0_i32, %c0_i32_0 : i32, i32
  }
  func.func @transform_4(%arg0: i32) -> (i32, i32) {
    %c0_i32 = arith.constant 0 : i32
    %c0_i32_0 = arith.constant 0 : i32
    %c0_i32_1 = arith.constant 0 : i32
    return %c0_i32, %c0_i32_0 : i32, i32
  }
  func.func @transform_5(%arg0: i32) -> (i32, i32) {
    %c0_i32 = arith.constant 0 : i32
    %c0_i32_0 = arith.constant 0 : i32
    return %arg0, %c0_i32 : i32, i32
  }
}

</mosaic_0001>

<sc_bundles>
// kernel: kernel.4.cloned.1.call-start
scs
__scs_entry_jumppad:
0x0: {  	(pc) =	sbr.rel $0x88, $3  }
0x1: {  	(tag) =	ssettag $0x0;
	lr =	simm.s32 $0x1  }
0x2: {  	[smem:$0x3F9B] =	sst lr;
	_ =	strace $0xD0000000  }
0x3: {  	_ = 	snop  }
0x4: {  	_ = 	snop  }
0x5: {  	_ = 	snop  }
0x6: {  	_ = 	snop  }
0x7: {  	_ = 	snop  }
__scs_overlays_trampoline_lowered:
0x8: {  	[smem:$0x3FAA] =	sst s0  }
0x9: {  	[smem:$0x3FAB] =	sst s1  }
0xa: {  	[smem:$0x3FAC] =	sst s2  }
0xb: {  	[smem:$0x3FAD] =	sst s3  }
0xc: {  	[smem:$0x3FAE] =	sst s4  }
0xd: {  	[smem:$0x3FAF] =	sst s5  }
0xe: {  	[smem:$0x3FB0] =	sst s6  }
0xf: {  	[smem:$0x3FB1] =	sst s7  }
0x10: {  	[smem:$0x3FB2] =	sst s8  }
0x11: {  	[smem:$0x3FB3] =	sst s9;
	s0 =	simm.s32 @!p0 $0x0  }
0x12: {  	s1 =	sld [smem:$0x3F99];
	s0 =	simm.s32 @p0 $0x1  }
0x13: {  	[smem:$0x3FB4] =	sst s0;
	s0 =	simm.s32 @!p1 $0x0  }
0x14: {  	s2 =	sld [smem:$0x3F98];
	s0 =	simm.s32 @p1 $0x1  }
0x15: {  	[smem:$0x3FB5] =	sst s0;
	s0 =	simm.s32 @!p2 $0x0  }
0x16: {  	s3 =	sld [smem:$0x3FDB];
	s0 =	simm.s32 @p2 $0x1  }
0x17: {  	s4 =	simm.s32 $0x1BF5;
	[smem:$0x3FB7] =	sst s0  }
0x18: {  	s0 =	sld [smem:$0x3F9A];
	_ =	swait.ge [sflag:s4], $0x0  }
0x19: {  	s7 =	sld [smem:$0x3F9B]  }
0x1a: {  	s8 =	sadd.s32 $0xFFFFE003, lr  }
0x1b: {  	s9 =	sadd.s32 $0xFFFFFEF7, lr;
	s5 =	simm.s32 $0xFFFFFFFF;
	p2 =	slt.u32 s8, $0xFFFFF086  }
0x1c: {  	p1 =	slt.u32 s9, $0xF7A;
	s5 =	simm.s32 @!p2 $0x0  }
0x1d: {  	s5 =	simm.s32 @p1 $0x1;
	p0 =	seq.s32 s7, s2  }
0x1e: {  	s7 =	smul.u32 @!p0 $0xF7A, s2;
	p2 =	seq.s32 @!p0 s5, $0x0  }
0x1f: {  	s9 =	smul.u32 $0xF7A, s1;
	s8 =	simm.s32 @!p0 $0x1BF5;
	p2 =	por !p2, p0  }
0x20: {  	[sflag:s8] =	ssyncset.s32 @!p0 $0xFFFFF086;
	s6 =	sadd.s32 @!p0 s3, s7;
	s7 =	simm.s32 @!p0 $0x108  }
0x21: {  	s3 =	sadd.s32 s3, s9;
	s6 =	sadd.s32 @!p0 $0x88, s6;
	s7 =	simm.s32 @p2 $0x1082  }
0x22: {  	[simem:s7], [sflag:s8] =	dma.local @!p0 [hbm:s6], $0xF7A  }
0x23: {  	s9 =	sor.u32 $0xD0000000, s2;
	s6 =	simm.s32 $0x108;
	_ =	swait.ge @!p0 [sflag:s8], $0x0  }
0x24: {  	s3 =	sadd.s32 $0x88, s3;
	s6 =	simm.s32 @!p1 $0x1082;
	[sflag:s4] =	ssyncset.s32 $0xFFFFF086  }
0x25: {  	[simem:s6], [sflag:s4] =	dma.local [hbm:s3], $0xF7A  }
0x26: {  	[smem:$0x3F9B] =	sst s1;
	(tag) =	ssettag s2;
	_ =	strace s9  }
0x27: {  	s1 =	sld [smem:$0x3FAB]  }
0x28: {  	s2 =	sld [smem:$0x3FAC]  }
0x29: {  	s4 =	sld [smem:$0x3FAE]  }
0x2a: {  	p0 =	seq.s32 s5, $0x0;
	s5 =	sld [smem:$0x3FAF]  }
0x2b: {  	s6 =	sld [smem:$0x3FB0]  }
0x2c: {  	s7 =	sld [smem:$0x3FB1]  }
0x2d: {  	s3 =	simm.s32 $0x108;
	s8 =	sld [smem:$0x3FB2]  }
0x2e: {  	s3 =	simm.s32 @!p0 $0x1082;
	s9 =	sld [smem:$0x3FB3]  }
0x2f: {  	lr =	sadd.s32 s0, s3;
	s0 =	sld [smem:$0x3FAA]  }
0x30: {  	s3 =	sld [smem:$0x3FAD]  }
0x31: {  	[smem:$0x3FB6] =	sst s10  }
0x32: {  	s10 =	sld [smem:$0x3FB4];
	_ =	sdelay $0x3  }
0x33: {  	p0 =	seq.s32 s10, $0x1;
	s10 =	sld [smem:$0x3FB6];
	_ =	sdelay $0x3  }
0x34: {  	[smem:$0x3FB6] =	sst s10  }
0x35: {  	s10 =	sld [smem:$0x3FB5];
	_ =	sdelay $0x3  }
0x36: {  	p1 =	seq.s32 s10, $0x1;
	s10 =	sld [smem:$0x3FB6];
	_ =	sdelay $0x3  }
0x37: {  	[smem:$0x3FB6] =	sst s10  }
0x38: {  	s10 =	sld [smem:$0x3FB7]  }
0x39: {  	_ = 	snop;
	(pc) =	sbr.ind lr, $3  }
0x3a: {  	_ = 	snop  }
0x3b: {  	_ = 	snop  }
0x3c: {  	p2 =	seq.s32 s10, $0x1;
	s10 =	sld [smem:$0x3FB6]  }
0x3d: {  	_ =	shalt  }
0x3e: {  	_ =	shalt  }
0x3f: {  	_ =	shalt  }
0x40: {  	_ =	shalt  }
0x41: {  	_ =	shalt  }
0x42: {  	_ =	shalt  }
0x43: {  	_ =	shalt  }
0x44: {  	_ =	shalt  }
0x45: {  	_ =	shalt  }
0x46: {  	_ =	shalt  }
0x47: {  	_ =	shalt  }
0x48: {  	_ =	shalt  }
0x49: {  	_ =	shalt  }
0x4a: {  	_ =	shalt  }
0x4b: {  	_ =	shalt  }
0x4c: {  	_ =	shalt  }
0x4d: {  	_ =	shalt  }
0x4e: {  	_ =	shalt  }
0x4f: {  	_ =	shalt  }
0x50: {  	_ =	shalt  }
0x51: {  	_ =	shalt  }
0x52: {  	_ =	shalt  }
0x53: {  	_ =	shalt  }
0x54: {  	_ =	shalt  }
0x55: {  	_ =	shalt  }
0x56: {  	_ =	shalt  }
0x57: {  	_ =	shalt  }
0x58: {  	_ =	shalt  }
0x59: {  	_ =	shalt  }
0x5a: {  	_ =	shalt  }
0x5b: {  	_ =	shalt  }
0x5c: {  	_ =	shalt  }
0x5d: {  	_ =	shalt  }
0x5e: {  	_ =	shalt  }
0x5f: {  	_ =	shalt  }
0x60: {  	_ =	shalt  }
0x61: {  	_ =	shalt  }
0x62: {  	_ =	shalt  }
0x63: {  	_ =	shalt  }
0x64: {  	_ =	shalt  }
0x65: {  	_ =	shalt  }
0x66: {  	_ =	shalt  }
0x67: {  	_ =	shalt  }
0x68: {  	_ =	shalt  }
0x69: {  	_ =	shalt  }
0x6a: {  	_ =	shalt  }
0x6b: {  	_ =	shalt  }
0x6c: {  	_ =	shalt  }
0x6d: {  	_ =	shalt  }
0x6e: {  	_ =	shalt  }
0x6f: {  	_ =	shalt  }
0x70: {  	_ =	shalt  }
0x71: {  	_ =	shalt  }
0x72: {  	_ =	shalt  }
0x73: {  	_ =	shalt  }
0x74: {  	_ =	shalt  }
0x75: {  	_ =	shalt  }
0x76: {  	_ =	shalt  }
0x77: {  	_ =	shalt  }
0x78: {  	_ =	shalt  }
0x79: {  	_ =	shalt  }
0x7a: {  	_ =	shalt  }
0x7b: {  	_ =	shalt  }
0x7c: {  	_ =	shalt  }
0x7d: {  	_ =	shalt  }
0x7e: {  	_ =	shalt  }
0x7f: {  	_ =	shalt  }
0x80: {  	_ =	shalt  }
0x81: {  	_ =	shalt  }
0x82: {  	_ =	shalt  }
0x83: {  	_ =	shalt  }
0x84: {  	_ =	shalt  }
0x85: {  	_ =	shalt  }
0x86: {  	_ =	shalt  }
0x87: {  	_ =	shalt  }
.Lfunc_end0:
.L_simem_size_0:
called_computation_lowered:
.L_overlay_start_0:
0x88: {  	s2 =	sld [smem:$0x3FD9]  }
0x89: {  	s3 =	sld [smem:$0x3FFE];
	_ =	sdelay $0x1  }
0x8a: {  	s1 =	srdreg.scid  }
0x8b: {  	s0 =	sand.u32 $0x1, s1  }
0x8c: {  	s16 =	sshll.u32 s0, $0xA;
	s2 =	sadd.s32 s3, s2  }
0x8d: {  	s2 =	sadd.s32 s2, s16  }
0x8e: {  	[smem:$0x3FC2] =	sst s2  }
0x8f: {  	_ = 	snop  }
0x90: {  	(tm) =	ssettm $0x1  }
0x91: {  	s17 =	sld [smem:$0x3FFB];
	_ =	sdelay $0x3  }
0x92: {  	_ =	strace s17  }
0x93: {  	s2 =	sld [smem:$0x3FFC];
	_ =	sdelay $0x3  }
0x94: {  	_ =	strace s2  }
0x95: {  	s2 =	sld [smem:$0x3FFD];
	_ =	sdelay $0x3  }
0x96: {  	_ =	strace s2  }
0x97: {  	_ =	strace $0x8FFFFFFF  }
0x98: {  	s18 =	sld [smem:$0x3FDB];
	_ =	sdelay $0x1  }
0x99: {  	s19 =	simm.s32 $_scs_section_size  }
0x9a: {  	s4 =	simm.s32 $_size__tile_overlayer_lowered;
	s5 =	simm.s32 $_tile_overlayer_lowered  }
0x9b: {  	s22 =	simm.s32 $0x1BFF;
	s21 =	sshll.u32 s5, $0x1;
	s2 =	sadd.s32 s19, s18  }
0x9c: {  	s6 =	simm.s32 $0x0;
	s20 =	sshll.u32 s4, $0x1;
	s4 =	sadd.s32 s21, s2  }
0x9d: {  	[timem:s6], [sflag:s22] =	dma.local [hbm:s4], s20  }
0x9e: {  	_ =	swait.ge [sflag:s22], s20  }
0x9f: {  	s3 =	ssub.s32 $0x0, s20;
	[sflag:s22] =	ssyncset.done $0x0  }
0xa0: {  	[sflag:s22] =	ssyncadd.s32 s3;
	_ =	sdelay $0x1  }
0xa1: {  	s23 =	simm.s32 $0x1B8B  }
0xa2: {  	_ =	swait.ge [sflag:s23], $0x1  }
0xa3: {  	[sflag:s23] =	ssyncset.done $0x0  }
0xa4: {  	s25 =	simm.s32 $0x1B8E;
	s24 =	sld [smem:$0x3FFE];
	[sflag:s23] =	ssyncadd.s32 $0xFFFFFFFF  }
0xa5: {  	s26 =	simm.s32 $execute0_lowered;
	[smem:$0x3FD2] =	sst s25  }
0xa6: {  	s4 =	sshll.u32 s26, $0x1;
	_ =	strace $0x80000046;
	[dreg:$0x1] =	wrdreg $0xFFFFFFFF  }
0xa7: {  	s28 =	simm.s32 $_size_execute0_lowered;
	s2 =	sadd.s32 s2, s4;
	[dreg:$0x0] =	wrdreg $0x0  }
0xa8: {  	s4 =	sshll.u32 s28, $0x1;
	[dreg:$0x2] =	wrdreg s2  }
0xa9: {  	[dreg:$0x3] =	wrdreg s4  }
0xaa: {  	[dreg:$0x4] =	wrdreg $0xC0  }
0xab: {  	_ =	task [dreg:s6], $0x5FFFF  }
0xac: {  	[dreg:$0x1] =	wrdreg $0xFFFFFFFF  }
0xad: {  	[dreg:$0x0] =	wrdreg $0x60  }
0xae: {  	[dreg:$0x2] =	wrdreg s24  }
0xaf: {  	[dreg:$0x3] =	wrdreg $0x9  }
0xb0: {  	_ =	task.clear_ibuf [dreg:s6], $0x4FFFF;
	_ =	strace $0x90000046  }
0xb1: {  	s29 =	simm.s32 $0x9;
	_ =	strace $0x80000048  }
0xb2: {  	_ =	swait.ge [sflag:s29], $0x1  }
0xb3: {  	[sflag:s29] =	ssyncadd.s32 $0xFFFFFFFF  }
0xb4: {  	_ =	strace $0x90000048  }
0xb5: {  	_ =	sfence  }
0xb6: {  	s30 =	sld [smem:$0x0];
	_ =	sdelay $0x2  }
0xb7: {  	s31 =	sshll.u32 s1, $0xD;
	s1 =	sshrl.u32 s1, $0x2  }
0xb8: {  	s3 =	sand.u32 $0x4000, s31;
	s1 =	sadd.s32 s1, s30  }
0xb9: {  	s0 =	sor.u32 s3, s0;
	s1 =	sshll.u32 s1, $0x11  }
0xba: {  	s0 =	sor.u32 s1, s0  }
0xbb: {  	s0 =	sadd.s32 $0x8F2B, s0  }
0xbc: {  	[sflag:s0] =	ssyncadd.remote.s32 $0x1  }
0xbd: {  	_ =	sfence.sel $0xFFFF  }
0xbe: {  	[dreg:$0x0] =	wrdreg $0xFFFFFFFF;
	(pc) =	sbr.abs _section_cstart, $3  }
0xbf: {  	[dreg:$0x1] =	wrdreg $0xFFFFFFFF  }
0xc0: {  	_ =	task.clear_ibuf [dreg:s6], $0x2FFFF;
	_ =	strace $0x9FFFFFFF  }
0xc1: {  	(tm) =	ssettm $0x7FFFFFFF  }
tec
execute0_lowered:
.L_overlay_start_1:
0x0: {  	(tag) =	ssettag $0x1  }
0x1: {  	s1 =	srdreg.scid;
	s0 =	stileid.u32  }
0x2: {  	s5 =	rddreg [dreg:$0x0];
	s2 =	simm.s32 $0x0;
	s14 =	simm.s32 $0x3  }
0x3: {  	s15 =	simm.s32 $0xC80;
	s16 =	simm.s32 $0x1900;
	s17 =	simm.s32 $0xE100  }
0x4: {  	s18 =	simm.s32 $0x1;
	s19 =	simm.s32 $0x2;
	s20 =	simm.s32 $0x1A900  }
0x5: {  	s21 =	simm.s32 $0x4;
	s3 =	sand.u32 $0x1, s1;
	s30 =	sshll.u32 s0, $0x1  }
0x6: {  	s22 =	simm.s32 $0x0;
	[smem:$0x7FF] =	sst s2;
	s4 =	sor.u32 s3, s30  }
0x7: {  	s1 =	rddreg [dreg:$0x1];
	_ =	strace $0x80000047;
	s6 =	smul.u32 $0x6400, s4  }
0x8: {  	s31 =	ssub.s32 $0x2, s3;
	s3 =	sadd.s32 $0x19400, s5;
	s4 =	sshll.u32 s4, $0x8  }
0x9: {  	s7 =	sshrl.u32 s31, $0x1;
	s12 =	sadd.s32 s4, s5;
	s6 =	sshrl.u32 s6, $0x3  }
0xa: {  	s13 =	ssub.s32 s31, s7;
	s12 =	sadd.s32 $0x1A9400, s12;
	s11 =	sadd.s32 s6, s5  }
0xb: {  	s13 =	smax.u32 s13, $0x1;
	s4 =	sadd.s32 $0x400, s11;
	s5 =	sadd.s32 $0x590, s11  }
0xc: {  	s6 =	sadd.s32 $0x720, s11;
	s7 =	sadd.s32 $0x8B0, s11;
	s8 =	sadd.s32 $0xA40, s11  }
0xd: {  	s9 =	sadd.s32 $0xBD0, s11;
	s10 =	sadd.s32 $0xD60, s11;
	s11 =	sadd.s32 $0xEF0, s11  }
.LBB2_1:
0xe: {  	[tilespmem:s2], [sflag:$0x3] =	stream.linear.gather [hbm4b:s4+s2], $0xC80, $0x38;
	[tilespmem:$0x1B100] =	vst v63  }
0xf: {  	_ =	swait.ge [sflag:s14], $0xC80  }
0x10: {  	[sflag:s14] =	ssyncset.done $0x0  }
0x11: {  	[sflag:s14] =	ssyncadd.s32 $0xFFFFF380  }
0x12: {  	[tilespmem:s16], [sflag:$0x1] =	stream.indirect.gather [hbm4b:s3+s15], $0x10, s2, s15, $0xb8;
	[tilespmem:$0x1B100] =	vst v63  }
0x13: {  	_ = 	snop  }
0x14: {  	[tilespmem:s15], [sflag:$0x3] =	stream.linear.gather [hbm4b:s5+s2], $0xC80, $0x38;
	[tilespmem:$0x1B100] =	vst v63  }
0x15: {  	_ =	swait.ge [sflag:s14], $0xC80  }
0x16: {  	[sflag:s14] =	ssyncset.done $0x0  }
0x17: {  	[sflag:s14] =	ssyncadd.s32 $0xFFFFF380  }
0x18: {  	[tilespmem:s17], [sflag:$0x2] =	stream.indirect.gather [hbm4b:s3+s15], $0x10, s15, s15, $0xb8;
	[tilespmem:$0x1B100] =	vst v63  }
0x19: {  	_ =	swait.ge [sflag:s18], $0xC800  }
0x1a: {  	[sflag:s18] =	ssyncset.done $0x0  }
0x1b: {  	s23 =	simm.s32 $0x1A40;
	s24 =	simm.s32 $0x0;
	[sflag:s18] =	ssyncadd.s32 $0xFFFF3800  }
0x1c: {  	[tilespmem:s2], [sflag:$0x3] =	stream.linear.gather [hbm4b:s6+s2], $0xC80, $0x38;
	[tilespmem:$0x1B100] =	vst v63  }
.LBB2_2:
0x1d: {  	v0 =	vmov s23;
	_ =	sdelay $0x3  }
0x1e: {  	s25 =	simm.s32 $0x0  }
0x1f: {  	v2 =	vld.idx.msk [tilespmem:v0+s25+$0x100 ss:$0x1], $0xffff  }
0x20: {  	v4 =	vld.idx.msk [tilespmem:v0+s25+$0x110 ss:$0x1], $0xffff  }
0x21: {  	v1 =	vld.idx.msk [tilespmem:v0+s25+$0xC0 ss:$0x1], $0xffff  }
0x22: {  	v3 =	vld.idx.msk [tilespmem:v0+s25+$0xD0 ss:$0x1], $0xffff  }
0x23: {  	v5 =	vld.idx.msk [tilespmem:v0+s25+$0x80 ss:$0x1], $0xffff  }
0x24: {  	v6 =	vld.idx.msk [tilespmem:v0+s25+$0x90 ss:$0x1], $0xffff  }
0x25: {  	v7 =	vld.idx.msk [tilespmem:v0+s25+$0x40 ss:$0x1], $0xffff  }
0x26: {  	v8 =	vld.idx.msk [tilespmem:v0+s25+$0x50 ss:$0x1], $0xffff  }
0x27: {  	v9 =	vld.idx.msk [tilespmem:v0+s25+$0x0 ss:$0x1], $0xffff  }
0x28: {  	v10 =	vld.idx.msk [tilespmem:v0+s25+$0x10 ss:$0x1], $0xffff  }
0x29: {  	v11 =	vld.idx.msk [tilespmem:v0+s25+$0xFFFFFFC0 ss:$0x1], $0xffff  }
0x2a: {  	v12 =	vld.idx.msk [tilespmem:v0+s25+$0xFFFFFFD0 ss:$0x1], $0xffff  }
0x2b: {  	v13 =	vld.idx.msk [tilespmem:v0+s25+$0xFFFFFF80 ss:$0x1], $0xffff  }
0x2c: {  	v14 =	vld.idx.msk [tilespmem:v0+s25+$0xFFFFFF90 ss:$0x1], $0xffff  }
0x2d: {  	v15 =	vld.idx.msk [tilespmem:v0+s25+$0xFFFFFF40 ss:$0x1], $0xffff  }
0x2e: {  	v16 =	vld.idx.msk [tilespmem:v0+s25+$0xFFFFFF50 ss:$0x1], $0xffff  }
0x2f: {  	v21 =	vld.idx.msk [tilespmem:v0+s25+$0xFFFFFF00 ss:$0x1], $0xffff  }
0x30: {  	v22 =	vld.idx.msk [tilespmem:v0+s25+$0xFFFFFF10 ss:$0x1], $0xffff  }
0x31: {  	v23 =	vld.idx.msk [tilespmem:v0+s25+$0xFFFFFEC0 ss:$0x1], $0xffff  }
0x32: {  	v17 =	vimm.f32 $0.0e+00;
	v25 =	vld.idx.msk [tilespmem:v0+s25+$0xFFFFFED0 ss:$0x1], $0xffff  }
0x33: {  	s26 =	simm.s32 $0xA00;
	v20 =	vimm.f32 $0.0e+00;
	v18 =	vimm.f32 $0.0e+00;
	v19 =	vimm.f32 $0.0e+00;
	v24 =	vld.idx.msk [tilespmem:v0+s25+$0xFFFFFEE0 ss:$0x1], $0xffff  }
.LBB2_3:
0x34: {  	p0 =	sne.s32 s26, $0x2800;
	v26 =	vld.idx.msk [tilespmem:v0+s25+$0xFFFFFEF0 ss:$0x1], $0xffff  }
0x35: {  	v27 =	vld.idx.msk [tilespmem:v0+s25+$0xFFFFFF20 ss:$0x1], $0xffff  }
0x36: {  	v28 =	vld.idx.msk [tilespmem:v0+s25+$0xFFFFFF30 ss:$0x1], $0xffff  }
0x37: {  	v29 =	vld.idx.msk [tilespmem:v0+s25+$0xFFFFFF60 ss:$0x1], $0xffff  }
0x38: {  	v30 =	vld.idx.msk [tilespmem:v0+s25+$0xFFFFFF70 ss:$0x1], $0xffff  }
0x39: {  	v17 =	vadd.f32 v23, v17;
	v20 =	vadd.f32 v25, v20;
	v23 =	vld.idx.msk [tilespmem:v0+s25+$0xFFFFFFA0 ss:$0x1], $0xffff  }
0x3a: {  	v18 =	vadd.f32 v24, v18;
	v19 =	vadd.f32 v26, v19;
	v24 =	vld.idx.msk [tilespmem:v0+s25+$0xFFFFFFB0 ss:$0x1], $0xffff  }
0x3b: {  	v17 =	vadd.f32 v21, v17;
	v20 =	vadd.f32 v22, v20;
	v21 =	vld.idx.msk [tilespmem:v0+s25+$0xFFFFFFE0 ss:$0x1], $0xffff  }
0x3c: {  	v18 =	vadd.f32 v27, v18;
	v19 =	vadd.f32 v28, v19;
	v22 =	vld.idx.msk [tilespmem:v0+s25+$0xFFFFFFF0 ss:$0x1], $0xffff  }
0x3d: {  	v15 =	vadd.f32 v15, v17;
	v16 =	vadd.f32 v16, v20;
	v17 =	vld.idx.msk [tilespmem:v0+s25+$0x20 ss:$0x1], $0xffff  }
0x3e: {  	v18 =	vadd.f32 v29, v18;
	v19 =	vadd.f32 v30, v19;
	v20 =	vld.idx.msk [tilespmem:v0+s25+$0x30 ss:$0x1], $0xffff  }
0x3f: {  	v13 =	vadd.f32 v13, v15;
	v14 =	vadd.f32 v14, v16;
	v15 =	vld.idx.msk [tilespmem:v0+s25+$0x60 ss:$0x1], $0xffff  }
0x40: {  	v16 =	vadd.f32 v23, v18;
	v18 =	vadd.f32 v24, v19;
	v19 =	vld.idx.msk [tilespmem:v0+s25+$0x70 ss:$0x1], $0xffff  }
0x41: {  	v11 =	vadd.f32 v11, v13;
	v12 =	vadd.f32 v12, v14;
	v13 =	vld.idx.msk [tilespmem:v0+s25+$0xA0 ss:$0x1], $0xffff  }
0x42: {  	v14 =	vadd.f32 v21, v16;
	v16 =	vadd.f32 v22, v18;
	v18 =	vld.idx.msk [tilespmem:v0+s25+$0xB0 ss:$0x1], $0xffff  }
0x43: {  	v9 =	vadd.f32 v9, v11;
	v10 =	vadd.f32 v10, v12;
	v11 =	vld.idx.msk [tilespmem:v0+s25+$0xE0 ss:$0x1], $0xffff  }
0x44: {  	v12 =	vadd.f32 v17, v14;
	v14 =	vadd.f32 v20, v16;
	v16 =	vld.idx.msk [tilespmem:v0+s25+$0xF0 ss:$0x1], $0xffff  }
0x45: {  	v7 =	vadd.f32 v7, v9;
	v8 =	vadd.f32 v8, v10;
	v9 =	vld.idx.msk [tilespmem:v0+s25+$0x120 ss:$0x1], $0xffff  }
0x46: {  	v10 =	vadd.f32 v15, v12;
	v12 =	vadd.f32 v19, v14;
	v14 =	vld.idx.msk [tilespmem:v0+s25+$0x130 ss:$0x1], $0xffff;
	s25 =	sshra.s32 s26, $0x2  }
0x47: {  	v5 =	vadd.f32 v5, v7;
	v6 =	vadd.f32 v6, v8;
	v15 =	vld.idx.msk [tilespmem:v0+s25+$0x100 ss:$0x1], $0xffff  }
0x48: {  	v7 =	vadd.f32 v13, v10;
	v8 =	vadd.f32 v18, v12;
	v21 =	vld.idx.msk [tilespmem:v0+s25+$0x110 ss:$0x1], $0xffff  }
0x49: {  	v10 =	vadd.f32 v1, v5;
	v6 =	vadd.f32 v3, v6;
	v1 =	vld.idx.msk [tilespmem:v0+s25+$0xC0 ss:$0x1], $0xffff  }
0x4a: {  	v7 =	vadd.f32 v11, v7;
	v8 =	vadd.f32 v16, v8;
	v3 =	vld.idx.msk [tilespmem:v0+s25+$0xD0 ss:$0x1], $0xffff  }
0x4b: {  	v17 =	vadd.f32 v2, v10;
	v20 =	vadd.f32 v4, v6;
	v5 =	vld.idx.msk [tilespmem:v0+s25+$0x80 ss:$0x1], $0xffff  }
0x4c: {  	v18 =	vadd.f32 v9, v7;
	v19 =	vadd.f32 v14, v8;
	v6 =	vld.idx.msk [tilespmem:v0+s25+$0x90 ss:$0x1], $0xffff  }
0x4d: {  	v2 =	vmov v15;
	v7 =	vld.idx.msk [tilespmem:v0+s25+$0x40 ss:$0x1], $0xffff  }
0x4e: {  	v4 =	vmov v21;
	v8 =	vld.idx.msk [tilespmem:v0+s25+$0x50 ss:$0x1], $0xffff  }
0x4f: {  	v9 =	vld.idx.msk [tilespmem:v0+s25+$0x0 ss:$0x1], $0xffff  }
0x50: {  	v10 =	vld.idx.msk [tilespmem:v0+s25+$0x10 ss:$0x1], $0xffff  }
0x51: {  	v11 =	vld.idx.msk [tilespmem:v0+s25+$0xFFFFFFC0 ss:$0x1], $0xffff  }
0x52: {  	v12 =	vld.idx.msk [tilespmem:v0+s25+$0xFFFFFFD0 ss:$0x1], $0xffff  }
0x53: {  	v13 =	vld.idx.msk [tilespmem:v0+s25+$0xFFFFFF80 ss:$0x1], $0xffff  }
0x54: {  	v14 =	vld.idx.msk [tilespmem:v0+s25+$0xFFFFFF90 ss:$0x1], $0xffff  }
0x55: {  	v15 =	vld.idx.msk [tilespmem:v0+s25+$0xFFFFFF40 ss:$0x1], $0xffff  }
0x56: {  	v16 =	vld.idx.msk [tilespmem:v0+s25+$0xFFFFFF50 ss:$0x1], $0xffff  }
.Ltmp0:
0x57: {  	v21 =	vld.idx.msk [tilespmem:v0+s25+$0xFFFFFF00 ss:$0x1], $0xffff;
	(pc) =	sbr.rel @p0 .LBB2_3-.Ltmp0, $4  }
0x58: {  	v22 =	vld.idx.msk [tilespmem:v0+s25+$0xFFFFFF10 ss:$0x1], $0xffff  }
0x59: {  	v23 =	vld.idx.msk [tilespmem:v0+s25+$0xFFFFFEC0 ss:$0x1], $0xffff  }
0x5a: {  	v25 =	vld.idx.msk [tilespmem:v0+s25+$0xFFFFFED0 ss:$0x1], $0xffff  }
0x5b: {  	s26 =	sadd.s32 $0xA00, s26;
	v24 =	vld.idx.msk [tilespmem:v0+s25+$0xFFFFFEE0 ss:$0x1], $0xffff  }
0x5c: {  	_ =	sdelay $0x3  }
0x5d: {  	v26 =	vld.idx.msk [tilespmem:v0+s25+$0xFFFFFEF0 ss:$0x1], $0xffff  }
0x5e: {  	v27 =	vld.idx.msk [tilespmem:v0+s25+$0xFFFFFF20 ss:$0x1], $0xffff  }
0x5f: {  	v28 =	vld.idx.msk [tilespmem:v0+s25+$0xFFFFFF30 ss:$0x1], $0xffff  }
0x60: {  	v29 =	vld.idx.msk [tilespmem:v0+s25+$0xFFFFFF60 ss:$0x1], $0xffff  }
0x61: {  	v30 =	vld.idx.msk [tilespmem:v0+s25+$0xFFFFFF70 ss:$0x1], $0xffff;
	v17 =	vadd.f32 v23, v17;
	v20 =	vadd.f32 v25, v20  }
0x62: {  	v36 =	vld.idx.msk [tilespmem:v0+s25+$0xFFFFFFA0 ss:$0x1], $0xffff;
	v18 =	vadd.f32 v24, v18;
	v19 =	vadd.f32 v26, v19  }
0x63: {  	v37 =	vld.idx.msk [tilespmem:v0+s25+$0xFFFFFFB0 ss:$0x1], $0xffff;
	v17 =	vadd.f32 v21, v17;
	v20 =	vadd.f32 v22, v20  }
0x64: {  	v38 =	vld.idx.msk [tilespmem:v0+s25+$0xFFFFFFE0 ss:$0x1], $0xffff;
	v18 =	vadd.f32 v27, v18;
	v19 =	vadd.f32 v28, v19  }
0x65: {  	v39 =	vld.idx.msk [tilespmem:v0+s25+$0xFFFFFFF0 ss:$0x1], $0xffff;
	v15 =	vadd.f32 v15, v17;
	v16 =	vadd.f32 v16, v20  }
0x66: {  	v40 =	vld.idx.msk [tilespmem:v0+s25+$0x20 ss:$0x1], $0xffff;
	v18 =	vadd.f32 v29, v18;
	v19 =	vadd.f32 v30, v19  }
0x67: {  	v41 =	vld.idx.msk [tilespmem:v0+s25+$0x30 ss:$0x1], $0xffff;
	v13 =	vadd.f32 v13, v15;
	v14 =	vadd.f32 v14, v16  }
0x68: {  	v42 =	vld.idx.msk [tilespmem:v0+s25+$0x60 ss:$0x1], $0xffff;
	v43 =	vadd.f32 v36, v18;
	v44 =	vadd.f32 v37, v19  }
0x69: {  	v45 =	vld.idx.msk [tilespmem:v0+s25+$0x70 ss:$0x1], $0xffff;
	v11 =	vadd.f32 v11, v13;
	v12 =	vadd.f32 v12, v14  }
0x6a: {  	v46 =	vld.idx.msk [tilespmem:v0+s25+$0xA0 ss:$0x1], $0xffff;
	v47 =	vadd.f32 v38, v43;
	v48 =	vadd.f32 v39, v44  }
0x6b: {  	v49 =	vld.idx.msk [tilespmem:v0+s25+$0xB0 ss:$0x1], $0xffff;
	v9 =	vadd.f32 v9, v11;
	v10 =	vadd.f32 v10, v12  }
0x6c: {  	v50 =	vld.idx.msk [tilespmem:v0+s25+$0xE0 ss:$0x1], $0xffff;
	v51 =	vadd.f32 v40, v47;
	v52 =	vadd.f32 v41, v48  }
0x6d: {  	v53 =	vld.idx.msk [tilespmem:v0+s25+$0xF0 ss:$0x1], $0xffff;
	v7 =	vadd.f32 v7, v9;
	v8 =	vadd.f32 v8, v10  }
0x6e: {  	v54 =	vld.idx.msk [tilespmem:v0+s25+$0x120 ss:$0x1], $0xffff;
	v55 =	vadd.f32 v42, v51;
	v56 =	vadd.f32 v45, v52  }
0x6f: {  	v57 =	vld.idx.msk [tilespmem:v0+s25+$0x130 ss:$0x1], $0xffff;
	v5 =	vadd.f32 v5, v7;
	v6 =	vadd.f32 v6, v8  }
0x70: {  	v58 =	vadd.f32 v46, v55;
	v59 =	vadd.f32 v49, v56  }
0x71: {  	v1 =	vadd.f32 v1, v5;
	v3 =	vadd.f32 v3, v6  }
0x72: {  	v60 =	vadd.f32 v50, v58;
	v61 =	vadd.f32 v53, v59  }
0x73: {  	v1 =	vadd.f32 v2, v1;
	v62 =	vadd.f32 v4, v3  }
0x74: {  	s31 =	sshll.u32 s24, $0x4;
	s24 =	sadd.s32 $0x1, s24;
	v63 =	vadd.f32 v54, v60;
	v0 =	vadd.f32 v57, v61  }
0x75: {  	p0 =	sne.s32 s24, $0x10  }
.Ltmp1:
0x76: {  	v1 =	vadd.f32 v62, v1;
	v0 =	vadd.f32 v0, v63;
	(pc) =	sbr.rel @p0 .LBB2_2-.Ltmp1, $4  }
0x77: {  	_ = 	snop  }
0x78: {  	v0 =	vadd.f32 v0, v1  }
0x79: {  	s25 =	sand.u32 $0x3FFFFFF0, s31  }
0x7a: {  	s23 =	sadd.s32 $0xC80, s23;
	[tilespmem:s25+$0x1A900] =	vst v0  }
0x7b: {  	_ =	swait.ge [sflag:s14], $0xC80  }
0x7c: {  	[sflag:s14] =	ssyncset.done $0x0  }
0x7d: {  	s23 =	simm.s32 $0x0;
	[sflag:s14] =	ssyncadd.s32 $0xFFFFF380  }
0x7e: {  	[tilespmem:s16], [sflag:$0x1] =	stream.indirect.gather [hbm4b:s3+s15], $0x10, s23, s15, $0xb8;
	[tilespmem:$0x1B100] =	vst v63  }
0x7f: {  	_ =	swait.ge [sflag:s19], $0xC800  }
0x80: {  	[sflag:s19] =	ssyncset.done $0x0  }
0x81: {  	s24 =	simm.s32 $0xE240;
	[sflag:s19] =	ssyncadd.s32 $0xFFFF3800  }
0x82: {  	[tilespmem:s15], [sflag:$0x3] =	stream.linear.gather [hbm4b:s7+s23], $0xC80, $0x38;
	[tilespmem:$0x1B100] =	vst v63  }
.LBB2_6:
0x83: {  	v0 =	vmov s24;
	_ =	sdelay $0x3  }
0x84: {  	s25 =	simm.s32 $0x0  }
0x85: {  	v2 =	vld.idx.msk [tilespmem:v0+s25+$0x100 ss:$0x1], $0xffff  }
0x86: {  	v4 =	vld.idx.msk [tilespmem:v0+s25+$0x110 ss:$0x1], $0xffff  }
0x87: {  	v1 =	vld.idx.msk [tilespmem:v0+s25+$0xC0 ss:$0x1], $0xffff  }
0x88: {  	v3 =	vld.idx.msk [tilespmem:v0+s25+$0xD0 ss:$0x1], $0xffff  }
0x89: {  	v5 =	vld.idx.msk [tilespmem:v0+s25+$0x80 ss:$0x1], $0xffff  }
0x8a: {  	v6 =	vld.idx.msk [tilespmem:v0+s25+$0x90 ss:$0x1], $0xffff  }
0x8b: {  	v7 =	vld.idx.msk [tilespmem:v0+s25+$0x40 ss:$0x1], $0xffff  }
0x8c: {  	v8 =	vld.idx.msk [tilespmem:v0+s25+$0x50 ss:$0x1], $0xffff  }
0x8d: {  	v9 =	vld.idx.msk [tilespmem:v0+s25+$0x0 ss:$0x1], $0xffff  }
0x8e: {  	v10 =	vld.idx.msk [tilespmem:v0+s25+$0x10 ss:$0x1], $0xffff  }
0x8f: {  	v11 =	vld.idx.msk [tilespmem:v0+s25+$0xFFFFFFC0 ss:$0x1], $0xffff  }
0x90: {  	v12 =	vld.idx.msk [tilespmem:v0+s25+$0xFFFFFFD0 ss:$0x1], $0xffff  }
0x91: {  	v13 =	vld.idx.msk [tilespmem:v0+s25+$0xFFFFFF80 ss:$0x1], $0xffff  }
0x92: {  	v14 =	vld.idx.msk [tilespmem:v0+s25+$0xFFFFFF90 ss:$0x1], $0xffff  }
0x93: {  	v15 =	vld.idx.msk [tilespmem:v0+s25+$0xFFFFFF40 ss:$0x1], $0xffff  }
0x94: {  	v16 =	vld.idx.msk [tilespmem:v0+s25+$0xFFFFFF50 ss:$0x1], $0xffff  }
0x95: {  	v21 =	vld.idx.msk [tilespmem:v0+s25+$0xFFFFFF00 ss:$0x1], $0xffff  }
0x96: {  	v22 =	vld.idx.msk [tilespmem:v0+s25+$0xFFFFFF10 ss:$0x1], $0xffff  }
0x97: {  	v23 =	vld.idx.msk [tilespmem:v0+s25+$0xFFFFFEC0 ss:$0x1], $0xffff  }
0x98: {  	v17 =	vimm.f32 $0.0e+00;
	v25 =	vld.idx.msk [tilespmem:v0+s25+$0xFFFFFED0 ss:$0x1], $0xffff  }
0x99: {  	s26 =	simm.s32 $0xA00;
	v20 =	vimm.f32 $0.0e+00;
	v18 =	vimm.f32 $0.0e+00;
	v19 =	vimm.f32 $0.0e+00;
	v24 =	vld.idx.msk [tilespmem:v0+s25+$0xFFFFFEE0 ss:$0x1], $0xffff  }
.LBB2_7:
0x9a: {  	p0 =	sne.s32 s26, $0x2800;
	v26 =	vld.idx.msk [tilespmem:v0+s25+$0xFFFFFEF0 ss:$0x1], $0xffff  }
0x9b: {  	v27 =	vld.idx.msk [tilespmem:v0+s25+$0xFFFFFF20 ss:$0x1], $0xffff  }
0x9c: {  	v28 =	vld.idx.msk [tilespmem:v0+s25+$0xFFFFFF30 ss:$0x1], $0xffff  }
0x9d: {  	v29 =	vld.idx.msk [tilespmem:v0+s25+$0xFFFFFF60 ss:$0x1], $0xffff  }
0x9e: {  	v30 =	vld.idx.msk [tilespmem:v0+s25+$0xFFFFFF70 ss:$0x1], $0xffff  }
0x9f: {  	v17 =	vadd.f32 v23, v17;
	v20 =	vadd.f32 v25, v20;
	v23 =	vld.idx.msk [tilespmem:v0+s25+$0xFFFFFFA0 ss:$0x1], $0xffff  }
0xa0: {  	v18 =	vadd.f32 v24, v18;
	v19 =	vadd.f32 v26, v19;
	v24 =	vld.idx.msk [tilespmem:v0+s25+$0xFFFFFFB0 ss:$0x1], $0xffff  }
0xa1: {  	v17 =	vadd.f32 v21, v17;
	v20 =	vadd.f32 v22, v20;
	v21 =	vld.idx.msk [tilespmem:v0+s25+$0xFFFFFFE0 ss:$0x1], $0xffff  }
0xa2: {  	v18 =	vadd.f32 v27, v18;
	v19 =	vadd.f32 v28, v19;
	v22 =	vld.idx.msk [tilespmem:v0+s25+$0xFFFFFFF0 ss:$0x1], $0xffff  }
0xa3: {  	v15 =	vadd.f32 v15, v17;
	v16 =	vadd.f32 v16, v20;
	v17 =	vld.idx.msk [tilespmem:v0+s25+$0x20 ss:$0x1], $0xffff  }
0xa4: {  	v18 =	vadd.f32 v29, v18;
	v19 =	vadd.f32 v30, v19;
	v20 =	vld.idx.msk [tilespmem:v0+s25+$0x30 ss:$0x1], $0xffff  }
0xa5: {  	v13 =	vadd.f32 v13, v15;
	v14 =	vadd.f32 v14, v16;
	v15 =	vld.idx.msk [tilespmem:v0+s25+$0x60 ss:$0x1], $0xffff  }
0xa6: {  	v16 =	vadd.f32 v23, v18;
	v18 =	vadd.f32 v24, v19;
	v19 =	vld.idx.msk [tilespmem:v0+s25+$0x70 ss:$0x1], $0xffff  }
0xa7: {  	v11 =	vadd.f32 v11, v13;
	v12 =	vadd.f32 v12, v14;
	v13 =	vld.idx.msk [tilespmem:v0+s25+$0xA0 ss:$0x1], $0xffff  }
0xa8: {  	v14 =	vadd.f32 v21, v16;
	v16 =	vadd.f32 v22, v18;
	v18 =	vld.idx.msk [tilespmem:v0+s25+$0xB0 ss:$0x1], $0xffff  }
0xa9: {  	v9 =	vadd.f32 v9, v11;
	v10 =	vadd.f32 v10, v12;
	v11 =	vld.idx.msk [tilespmem:v0+s25+$0xE0 ss:$0x1], $0xffff  }
0xaa: {  	v12 =	vadd.f32 v17, v14;
	v14 =	vadd.f32 v20, v16;
	v16 =	vld.idx.msk [tilespmem:v0+s25+$0xF0 ss:$0x1], $0xffff  }
0xab: {  	v7 =	vadd.f32 v7, v9;
	v8 =	vadd.f32 v8, v10;
	v9 =	vld.idx.msk [tilespmem:v0+s25+$0x120 ss:$0x1], $0xffff  }
0xac: {  	v10 =	vadd.f32 v15, v12;
	v12 =	vadd.f32 v19, v14;
	v14 =	vld.idx.msk [tilespmem:v0+s25+$0x130 ss:$0x1], $0xffff;
	s25 =	sshra.s32 s26, $0x2  }
0xad: {  	v5 =	vadd.f32 v5, v7;
	v6 =	vadd.f32 v6, v8;
	v15 =	vld.idx.msk [tilespmem:v0+s25+$0x100 ss:$0x1], $0xffff  }
0xae: {  	v7 =	vadd.f32 v13, v10;
	v8 =	vadd.f32 v18, v12;
	v21 =	vld.idx.msk [tilespmem:v0+s25+$0x110 ss:$0x1], $0xffff  }
0xaf: {  	v10 =	vadd.f32 v1, v5;
	v6 =	vadd.f32 v3, v6;
	v1 =	vld.idx.msk [tilespmem:v0+s25+$0xC0 ss:$0x1], $0xffff  }
0xb0: {  	v7 =	vadd.f32 v11, v7;
	v8 =	vadd.f32 v16, v8;
	v3 =	vld.idx.msk [tilespmem:v0+s25+$0xD0 ss:$0x1], $0xffff  }
0xb1: {  	v17 =	vadd.f32 v2, v10;
	v20 =	vadd.f32 v4, v6;
	v5 =	vld.idx.msk [tilespmem:v0+s25+$0x80 ss:$0x1], $0xffff  }
0xb2: {  	v18 =	vadd.f32 v9, v7;
	v19 =	vadd.f32 v14, v8;
	v6 =	vld.idx.msk [tilespmem:v0+s25+$0x90 ss:$0x1], $0xffff  }
0xb3: {  	v2 =	vmov v15;
	v7 =	vld.idx.msk [tilespmem:v0+s25+$0x40 ss:$0x1], $0xffff  }
0xb4: {  	v4 =	vmov v21;
	v8 =	vld.idx.msk [tilespmem:v0+s25+$0x50 ss:$0x1], $0xffff  }
0xb5: {  	v9 =	vld.idx.msk [tilespmem:v0+s25+$0x0 ss:$0x1], $0xffff  }
0xb6: {  	v10 =	vld.idx.msk [tilespmem:v0+s25+$0x10 ss:$0x1], $0xffff  }
0xb7: {  	v11 =	vld.idx.msk [tilespmem:v0+s25+$0xFFFFFFC0 ss:$0x1], $0xffff  }
0xb8: {  	v12 =	vld.idx.msk [tilespmem:v0+s25+$0xFFFFFFD0 ss:$0x1], $0xffff  }
0xb9: {  	v13 =	vld.idx.msk [tilespmem:v0+s25+$0xFFFFFF80 ss:$0x1], $0xffff  }
0xba: {  	v14 =	vld.idx.msk [tilespmem:v0+s25+$0xFFFFFF90 ss:$0x1], $0xffff  }
0xbb: {  	v15 =	vld.idx.msk [tilespmem:v0+s25+$0xFFFFFF40 ss:$0x1], $0xffff  }
0xbc: {  	v16 =	vld.idx.msk [tilespmem:v0+s25+$0xFFFFFF50 ss:$0x1], $0xffff  }
.Ltmp2:
0xbd: {  	v21 =	vld.idx.msk [tilespmem:v0+s25+$0xFFFFFF00 ss:$0x1], $0xffff;
	(pc) =	sbr.rel @p0 .LBB2_7-.Ltmp2, $4  }
0xbe: {  	v22 =	vld.idx.msk [tilespmem:v0+s25+$0xFFFFFF10 ss:$0x1], $0xffff  }
0xbf: {  	v23 =	vld.idx.msk [tilespmem:v0+s25+$0xFFFFFEC0 ss:$0x1], $0xffff  }
0xc0: {  	v25 =	vld.idx.msk [tilespmem:v0+s25+$0xFFFFFED0 ss:$0x1], $0xffff  }
0xc1: {  	s26 =	sadd.s32 $0xA00, s26;
	v24 =	vld.idx.msk [tilespmem:v0+s25+$0xFFFFFEE0 ss:$0x1], $0xffff  }
0xc2: {  	_ =	sdelay $0x3  }
0xc3: {  	v26 =	vld.idx.msk [tilespmem:v0+s25+$0xFFFFFEF0 ss:$0x1], $0xffff  }
0xc4: {  	v27 =	vld.idx.msk [tilespmem:v0+s25+$0xFFFFFF20 ss:$0x1], $0xffff  }
0xc5: {  	v28 =	vld.idx.msk [tilespmem:v0+s25+$0xFFFFFF30 ss:$0x1], $0xffff  }
0xc6: {  	v29 =	vld.idx.msk [tilespmem:v0+s25+$0xFFFFFF60 ss:$0x1], $0xffff  }
0xc7: {  	v30 =	vld.idx.msk [tilespmem:v0+s25+$0xFFFFFF70 ss:$0x1], $0xffff;
	v17 =	vadd.f32 v23, v17;
	v20 =	vadd.f32 v25, v20  }
0xc8: {  	v36 =	vld.idx.msk [tilespmem:v0+s25+$0xFFFFFFA0 ss:$0x1], $0xffff;
	v18 =	vadd.f32 v24, v18;
	v19 =	vadd.f32 v26, v19  }
0xc9: {  	v37 =	vld.idx.msk [tilespmem:v0+s25+$0xFFFFFFB0 ss:$0x1], $0xffff;
	v17 =	vadd.f32 v21, v17;
	v20 =	vadd.f32 v22, v20  }
0xca: {  	v38 =	vld.idx.msk [tilespmem:v0+s25+$0xFFFFFFE0 ss:$0x1], $0xffff;
	v18 =	vadd.f32 v27, v18;
	v19 =	vadd.f32 v28, v19  }
0xcb: {  	v39 =	vld.idx.msk [tilespmem:v0+s25+$0xFFFFFFF0 ss:$0x1], $0xffff;
	v15 =	vadd.f32 v15, v17;
	v16 =	vadd.f32 v16, v20  }
0xcc: {  	v40 =	vld.idx.msk [tilespmem:v0+s25+$0x20 ss:$0x1], $0xffff;
	v18 =	vadd.f32 v29, v18;
	v19 =	vadd.f32 v30, v19  }
0xcd: {  	v41 =	vld.idx.msk [tilespmem:v0+s25+$0x30 ss:$0x1], $0xffff;
	v13 =	vadd.f32 v13, v15;
	v14 =	vadd.f32 v14, v16  }
0xce: {  	v42 =	vld.idx.msk [tilespmem:v0+s25+$0x60 ss:$0x1], $0xffff;
	v43 =	vadd.f32 v36, v18;
	v44 =	vadd.f32 v37, v19  }
0xcf: {  	v45 =	vld.idx.msk [tilespmem:v0+s25+$0x70 ss:$0x1], $0xffff;
	v11 =	vadd.f32 v11, v13;
	v12 =	vadd.f32 v12, v14  }
0xd0: {  	v46 =	vld.idx.msk [tilespmem:v0+s25+$0xA0 ss:$0x1], $0xffff;
	v47 =	vadd.f32 v38, v43;
	v48 =	vadd.f32 v39, v44  }
0xd1: {  	v49 =	vld.idx.msk [tilespmem:v0+s25+$0xB0 ss:$0x1], $0xffff;
	v9 =	vadd.f32 v9, v11;
	v10 =	vadd.f32 v10, v12  }
0xd2: {  	v50 =	vld.idx.msk [tilespmem:v0+s25+$0xE0 ss:$0x1], $0xffff;
	v51 =	vadd.f32 v40, v47;
	v52 =	vadd.f32 v41, v48  }
0xd3: {  	v53 =	vld.idx.msk [tilespmem:v0+s25+$0xF0 ss:$0x1], $0xffff;
	v7 =	vadd.f32 v7, v9;
	v8 =	vadd.f32 v8, v10  }
0xd4: {  	v54 =	vld.idx.msk [tilespmem:v0+s25+$0x120 ss:$0x1], $0xffff;
	v55 =	vadd.f32 v42, v51;
	v56 =	vadd.f32 v45, v52  }
0xd5: {  	v57 =	vld.idx.msk [tilespmem:v0+s25+$0x130 ss:$0x1], $0xffff;
	v5 =	vadd.f32 v5, v7;
	v6 =	vadd.f32 v6, v8  }
0xd6: {  	v58 =	vadd.f32 v46, v55;
	v59 =	vadd.f32 v49, v56  }
0xd7: {  	v1 =	vadd.f32 v1, v5;
	v3 =	vadd.f32 v3, v6  }
0xd8: {  	v60 =	vadd.f32 v50, v58;
	v61 =	vadd.f32 v53, v59  }
0xd9: {  	v1 =	vadd.f32 v2, v1;
	v62 =	vadd.f32 v4, v3  }
0xda: {  	s31 =	sshll.u32 s23, $0x4;
	s23 =	sadd.s32 $0x1, s23;
	v63 =	vadd.f32 v54, v60;
	v0 =	vadd.f32 v57, v61  }
0xdb: {  	p0 =	sne.s32 s23, $0x10  }
.Ltmp3:
0xdc: {  	v1 =	vadd.f32 v62, v1;
	v0 =	vadd.f32 v0, v63;
	(pc) =	sbr.rel @p0 .LBB2_6-.Ltmp3, $4  }
0xdd: {  	_ = 	snop  }
0xde: {  	v0 =	vadd.f32 v0, v1  }
0xdf: {  	s25 =	sand.u32 $0x3FFFFFF0, s31  }
0xe0: {  	s24 =	sadd.s32 $0xC80, s24;
	[tilespmem:s25+$0x1AA00] =	vst v0  }
0xe1: {  	_ =	swait.ge [sflag:s14], $0xC80  }
0xe2: {  	[sflag:s14] =	ssyncset.done $0x0  }
0xe3: {  	[sflag:s14] =	ssyncadd.s32 $0xFFFFF380  }
0xe4: {  	[tilespmem:s17], [sflag:$0x2] =	stream.indirect.gather [hbm4b:s3+s15], $0x10, s15, s15, $0xb8;
	[tilespmem:$0x1B100] =	vst v63  }
0xe5: {  	_ =	swait.ge [sflag:s18], $0xC800  }
0xe6: {  	[sflag:s18] =	ssyncset.done $0x0  }
0xe7: {  	s23 =	simm.s32 $0x0;
	s24 =	simm.s32 $0x1A40;
	[sflag:s18] =	ssyncadd.s32 $0xFFFF3800  }
0xe8: {  	[tilespmem:s23], [sflag:$0x3] =	stream.linear.gather [hbm4b:s8+s23], $0xC80, $0x38;
	[tilespmem:$0x1B100] =	vst v63  }
.LBB2_10:
0xe9: {  	v0 =	vmov s24;
	_ =	sdelay $0x3  }
0xea: {  	s25 =	simm.s32 $0x0  }
0xeb: {  	v2 =	vld.idx.msk [tilespmem:v0+s25+$0x100 ss:$0x1], $0xffff  }
0xec: {  	v4 =	vld.idx.msk [tilespmem:v0+s25+$0x110 ss:$0x1], $0xffff  }
0xed: {  	v1 =	vld.idx.msk [tilespmem:v0+s25+$0xC0 ss:$0x1], $0xffff  }
0xee: {  	v3 =	vld.idx.msk [tilespmem:v0+s25+$0xD0 ss:$0x1], $0xffff  }
0xef: {  	v5 =	vld.idx.msk [tilespmem:v0+s25+$0x80 ss:$0x1], $0xffff  }
0xf0: {  	v6 =	vld.idx.msk [tilespmem:v0+s25+$0x90 ss:$0x1], $0xffff  }
0xf1: {  	v7 =	vld.idx.msk [tilespmem:v0+s25+$0x40 ss:$0x1], $0xffff  }
0xf2: {  	v8 =	vld.idx.msk [tilespmem:v0+s25+$0x50 ss:$0x1], $0xffff  }
0xf3: {  	v9 =	vld.idx.msk [tilespmem:v0+s25+$0x0 ss:$0x1], $0xffff  }
0xf4: {  	v10 =	vld.idx.msk [tilespmem:v0+s25+$0x10 ss:$0x1], $0xffff  }
0xf5: {  	v11 =	vld.idx.msk [tilespmem:v0+s25+$0xFFFFFFC0 ss:$0x1], $0xffff  }
0xf6: {  	v12 =	vld.idx.msk [tilespmem:v0+s25+$0xFFFFFFD0 ss:$0x1], $0xffff  }
0xf7: {  	v13 =	vld.idx.msk [tilespmem:v0+s25+$0xFFFFFF80 ss:$0x1], $0xffff  }
0xf8: {  	v14 =	vld.idx.msk [tilespmem:v0+s25+$0xFFFFFF90 ss:$0x1], $0xffff  }
0xf9: {  	v15 =	vld.idx.msk [tilespmem:v0+s25+$0xFFFFFF40 ss:$0x1], $0xffff  }
0xfa: {  	v16 =	vld.idx.msk [tilespmem:v0+s25+$0xFFFFFF50 ss:$0x1], $0xffff  }
0xfb: {  	v21 =	vld.idx.msk [tilespmem:v0+s25+$0xFFFFFF00 ss:$0x1], $0xffff  }
0xfc: {  	v22 =	vld.idx.msk [tilespmem:v0+s25+$0xFFFFFF10 ss:$0x1], $0xffff  }
0xfd: {  	v23 =	vld.idx.msk [tilespmem:v0+s25+$0xFFFFFEC0 ss:$0x1], $0xffff  }
0xfe: {  	v17 =	vimm.f32 $0.0e+00;
	v25 =	vld.idx.msk [tilespmem:v0+s25+$0xFFFFFED0 ss:$0x1], $0xffff  }
0xff: {  	s26 =	simm.s32 $0xA00;
	v20 =	vimm.f32 $0.0e+00;
	v18 =	vimm.f32 $0.0e+00;
	v19 =	vimm.f32 $0.0e+00;
	v24 =	vld.idx.msk [tilespmem:v0+s25+$0xFFFFFEE0 ss:$0x1], $0xffff  }
.LBB2_11:
0x100: {  	p0 =	sne.s32 s26, $0x2800;
	v26 =	vld.idx.msk [tilespmem:v0+s25+$0xFFFFFEF0 ss:$0x1], $0xffff  }
0x101: {  	v27 =	vld.idx.msk [tilespmem:v0+s25+$0xFFFFFF20 ss:$0x1], $0xffff  }
0x102: {  	v28 =	vld.idx.msk [tilespmem:v0+s25+$0xFFFFFF30 ss:$0x1], $0xffff  }
0x103: {  	v29 =	vld.idx.msk [tilespmem:v0+s25+$0xFFFFFF60 ss:$0x1], $0xffff  }
0x104: {  	v30 =	vld.idx.msk [tilespmem:v0+s25+$0xFFFFFF70 ss:$0x1], $0xffff  }
0x105: {  	v17 =	vadd.f32 v23, v17;
	v20 =	vadd.f32 v25, v20;
	v23 =	vld.idx.msk [tilespmem:v0+s25+$0xFFFFFFA0 ss:$0x1], $0xffff  }
0x106: {  	v18 =	vadd.f32 v24, v18;
	v19 =	vadd.f32 v26, v19;
	v24 =	vld.idx.msk [tilespmem:v0+s25+$0xFFFFFFB0 ss:$0x1], $0xffff  }
0x107: {  	v17 =	vadd.f32 v21, v17;
	v20 =	vadd.f32 v22, v20;
	v21 =	vld.idx.msk [tilespmem:v0+s25+$0xFFFFFFE0 ss:$0x1], $0xffff  }
0x108: {  	v18 =	vadd.f32 v27, v18;
	v19 =	vadd.f32 v28, v19;
	v22 =	vld.idx.msk [tilespmem:v0+s25+$0xFFFFFFF0 ss:$0x1], $0xffff  }
0x109: {  	v15 =	vadd.f32 v15, v17;
	v16 =	vadd.f32 v16, v20;
	v17 =	vld.idx.msk [tilespmem:v0+s25+$0x20 ss:$0x1], $0xffff  }
0x10a: {  	v18 =	vadd.f32 v29, v18;
	v19 =	vadd.f32 v30, v19;
	v20 =	vld.idx.msk [tilespmem:v0+s25+$0x30 ss:$0x1], $0xffff  }
0x10b: {  	v13 =	vadd.f32 v13, v15;
	v14 =	vadd.f32 v14, v16;
	v15 =	vld.idx.msk [tilespmem:v0+s25+$0x60 ss:$0x1], $0xffff  }
0x10c: {  	v16 =	vadd.f32 v23, v18;
	v18 =	vadd.f32 v24, v19;
	v19 =	vld.idx.msk [tilespmem:v0+s25+$0x70 ss:$0x1], $0xffff  }
0x10d: {  	v11 =	vadd.f32 v11, v13;
	v12 =	vadd.f32 v12, v14;
	v13 =	vld.idx.msk [tilespmem:v0+s25+$0xA0 ss:$0x1], $0xffff  }
0x10e: {  	v14 =	vadd.f32 v21, v16;
	v16 =	vadd.f32 v22, v18;
	v18 =	vld.idx.msk [tilespmem:v0+s25+$0xB0 ss:$0x1], $0xffff  }
0x10f: {  	v9 =	vadd.f32 v9, v11;
	v10 =	vadd.f32 v10, v12;
	v11 =	vld.idx.msk [tilespmem:v0+s25+$0xE0 ss:$0x1], $0xffff  }
0x110: {  	v12 =	vadd.f32 v17, v14;
	v14 =	vadd.f32 v20, v16;
	v16 =	vld.idx.msk [tilespmem:v0+s25+$0xF0 ss:$0x1], $0xffff  }
0x111: {  	v7 =	vadd.f32 v7, v9;
	v8 =	vadd.f32 v8, v10;
	v9 =	vld.idx.msk [tilespmem:v0+s25+$0x120 ss:$0x1], $0xffff  }
0x112: {  	v10 =	vadd.f32 v15, v12;
	v12 =	vadd.f32 v19, v14;
	v14 =	vld.idx.msk [tilespmem:v0+s25+$0x130 ss:$0x1], $0xffff;
	s25 =	sshra.s32 s26, $0x2  }
0x113: {  	v5 =	vadd.f32 v5, v7;
	v6 =	vadd.f32 v6, v8;
	v15 =	vld.idx.msk [tilespmem:v0+s25+$0x100 ss:$0x1], $0xffff  }
0x114: {  	v7 =	vadd.f32 v13, v10;
	v8 =	vadd.f32 v18, v12;
	v21 =	vld.idx.msk [tilespmem:v0+s25+$0x110 ss:$0x1], $0xffff  }
0x115: {  	v10 =	vadd.f32 v1, v5;
	v6 =	vadd.f32 v3, v6;
	v1 =	vld.idx.msk [tilespmem:v0+s25+$0xC0 ss:$0x1], $0xffff  }
0x116: {  	v7 =	vadd.f32 v11, v7;
	v8 =	vadd.f32 v16, v8;
	v3 =	vld.idx.msk [tilespmem:v0+s25+$0xD0 ss:$0x1], $0xffff  }
0x117: {  	v17 =	vadd.f32 v2, v10;
	v20 =	vadd.f32 v4, v6;
	v5 =	vld.idx.msk [tilespmem:v0+s25+$0x80 ss:$0x1], $0xffff  }
0x118: {  	v18 =	vadd.f32 v9, v7;
	v19 =	vadd.f32 v14, v8;
	v6 =	vld.idx.msk [tilespmem:v0+s25+$0x90 ss:$0x1], $0xffff  }
0x119: {  	v2 =	vmov v15;
	v7 =	vld.idx.msk [tilespmem:v0+s25+$0x40 ss:$0x1], $0xffff  }
0x11a: {  	v4 =	vmov v21;
	v8 =	vld.idx.msk [tilespmem:v0+s25+$0x50 ss:$0x1], $0xffff  }
0x11b: {  	v9 =	vld.idx.msk [tilespmem:v0+s25+$0x0 ss:$0x1], $0xffff  }
0x11c: {  	v10 =	vld.idx.msk [tilespmem:v0+s25+$0x10 ss:$0x1], $0xffff  }
0x11d: {  	v11 =	vld.idx.msk [tilespmem:v0+s25+$0xFFFFFFC0 ss:$0x1], $0xffff  }
0x11e: {  	v12 =	vld.idx.msk [tilespmem:v0+s25+$0xFFFFFFD0 ss:$0x1], $0xffff  }
0x11f: {  	v13 =	vld.idx.msk [tilespmem:v0+s25+$0xFFFFFF80 ss:$0x1], $0xffff  }
0x120: {  	v14 =	vld.idx.msk [tilespmem:v0+s25+$0xFFFFFF90 ss:$0x1], $0xffff  }
0x121: {  	v15 =	vld.idx.msk [tilespmem:v0+s25+$0xFFFFFF40 ss:$0x1], $0xffff  }
0x122: {  	v16 =	vld.idx.msk [tilespmem:v0+s25+$0xFFFFFF50 ss:$0x1], $0xffff  }
.Ltmp4:
0x123: {  	v21 =	vld.idx.msk [tilespmem:v0+s25+$0xFFFFFF00 ss:$0x1], $0xffff;
	(pc) =	sbr.rel @p0 .LBB2_11-.Ltmp4, $4  }
0x124: {  	v22 =	vld.idx.msk [tilespmem:v0+s25+$0xFFFFFF10 ss:$0x1], $0xffff  }
0x125: {  	v23 =	vld.idx.msk [tilespmem:v0+s25+$0xFFFFFEC0 ss:$0x1], $0xffff  }
0x126: {  	v25 =	vld.idx.msk [tilespmem:v0+s25+$0xFFFFFED0 ss:$0x1], $0xffff  }
0x127: {  	s26 =	sadd.s32 $0xA00, s26;
	v24 =	vld.idx.msk [tilespmem:v0+s25+$0xFFFFFEE0 ss:$0x1], $0xffff  }
0x128: {  	_ =	sdelay $0x3  }
0x129: {  	v26 =	vld.idx.msk [tilespmem:v0+s25+$0xFFFFFEF0 ss:$0x1], $0xffff  }
0x12a: {  	v27 =	vld.idx.msk [tilespmem:v0+s25+$0xFFFFFF20 ss:$0x1], $0xffff  }
0x12b: {  	v28 =	vld.idx.msk [tilespmem:v0+s25+$0xFFFFFF30 ss:$0x1], $0xffff  }
0x12c: {  	v29 =	vld.idx.msk [tilespmem:v0+s25+$0xFFFFFF60 ss:$0x1], $0xffff  }
0x12d: {  	v30 =	vld.idx.msk [tilespmem:v0+s25+$0xFFFFFF70 ss:$0x1], $0xffff;
	v17 =	vadd.f32 v23, v17;
	v20 =	vadd.f32 v25, v20  }
0x12e: {  	v36 =	vld.idx.msk [tilespmem:v0+s25+$0xFFFFFFA0 ss:$0x1], $0xffff;
	v18 =	vadd.f32 v24, v18;
	v19 =	vadd.f32 v26, v19  }
0x12f: {  	v37 =	vld.idx.msk [tilespmem:v0+s25+$0xFFFFFFB0 ss:$0x1], $0xffff;
	v17 =	vadd.f32 v21, v17;
	v20 =	vadd.f32 v22, v20  }
0x130: {  	v38 =	vld.idx.msk [tilespmem:v0+s25+$0xFFFFFFE0 ss:$0x1], $0xffff;
	v18 =	vadd.f32 v27, v18;
	v19 =	vadd.f32 v28, v19  }
0x131: {  	v39 =	vld.idx.msk [tilespmem:v0+s25+$0xFFFFFFF0 ss:$0x1], $0xffff;
	v15 =	vadd.f32 v15, v17;
	v16 =	vadd.f32 v16, v20  }
0x132: {  	v40 =	vld.idx.msk [tilespmem:v0+s25+$0x20 ss:$0x1], $0xffff;
	v18 =	vadd.f32 v29, v18;
	v19 =	vadd.f32 v30, v19  }
0x133: {  	v41 =	vld.idx.msk [tilespmem:v0+s25+$0x30 ss:$0x1], $0xffff;
	v13 =	vadd.f32 v13, v15;
	v14 =	vadd.f32 v14, v16  }
0x134: {  	v42 =	vld.idx.msk [tilespmem:v0+s25+$0x60 ss:$0x1], $0xffff;
	v43 =	vadd.f32 v36, v18;
	v44 =	vadd.f32 v37, v19  }
0x135: {  	v45 =	vld.idx.msk [tilespmem:v0+s25+$0x70 ss:$0x1], $0xffff;
	v11 =	vadd.f32 v11, v13;
	v12 =	vadd.f32 v12, v14  }
0x136: {  	v46 =	vld.idx.msk [tilespmem:v0+s25+$0xA0 ss:$0x1], $0xffff;
	v47 =	vadd.f32 v38, v43;
	v48 =	vadd.f32 v39, v44  }
0x137: {  	v49 =	vld.idx.msk [tilespmem:v0+s25+$0xB0 ss:$0x1], $0xffff;
	v9 =	vadd.f32 v9, v11;
	v10 =	vadd.f32 v10, v12  }
0x138: {  	v50 =	vld.idx.msk [tilespmem:v0+s25+$0xE0 ss:$0x1], $0xffff;
	v51 =	vadd.f32 v40, v47;
	v52 =	vadd.f32 v41, v48  }
0x139: {  	v53 =	vld.idx.msk [tilespmem:v0+s25+$0xF0 ss:$0x1], $0xffff;
	v7 =	vadd.f32 v7, v9;
	v8 =	vadd.f32 v8, v10  }
0x13a: {  	v54 =	vld.idx.msk [tilespmem:v0+s25+$0x120 ss:$0x1], $0xffff;
	v55 =	vadd.f32 v42, v51;
	v56 =	vadd.f32 v45, v52  }
0x13b: {  	v57 =	vld.idx.msk [tilespmem:v0+s25+$0x130 ss:$0x1], $0xffff;
	v5 =	vadd.f32 v5, v7;
	v6 =	vadd.f32 v6, v8  }
0x13c: {  	v58 =	vadd.f32 v46, v55;
	v59 =	vadd.f32 v49, v56  }
0x13d: {  	v1 =	vadd.f32 v1, v5;
	v3 =	vadd.f32 v3, v6  }
0x13e: {  	v60 =	vadd.f32 v50, v58;
	v61 =	vadd.f32 v53, v59  }
0x13f: {  	v1 =	vadd.f32 v2, v1;
	v62 =	vadd.f32 v4, v3  }
0x140: {  	s31 =	sshll.u32 s23, $0x4;
	s23 =	sadd.s32 $0x1, s23;
	v63 =	vadd.f32 v54, v60;
	v0 =	vadd.f32 v57, v61  }
0x141: {  	p0 =	sne.s32 s23, $0x10  }
.Ltmp5:
0x142: {  	v1 =	vadd.f32 v62, v1;
	v0 =	vadd.f32 v0, v63;
	(pc) =	sbr.rel @p0 .LBB2_10-.Ltmp5, $4  }
0x143: {  	_ = 	snop  }
0x144: {  	v0 =	vadd.f32 v0, v1  }
0x145: {  	s25 =	sand.u32 $0x3FFFFFF0, s31  }
0x146: {  	s24 =	sadd.s32 $0xC80, s24;
	[tilespmem:s25+$0x1AB00] =	vst v0  }
0x147: {  	_ =	swait.ge [sflag:s14], $0xC80  }
0x148: {  	[sflag:s14] =	ssyncset.done $0x0  }
0x149: {  	s23 =	simm.s32 $0x0;
	[sflag:s14] =	ssyncadd.s32 $0xFFFFF380  }
0x14a: {  	[tilespmem:s16], [sflag:$0x1] =	stream.indirect.gather [hbm4b:s3+s15], $0x10, s23, s15, $0xb8;
	[tilespmem:$0x1B100] =	vst v63  }
0x14b: {  	_ =	swait.ge [sflag:s19], $0xC800  }
0x14c: {  	[sflag:s19] =	ssyncset.done $0x0  }
0x14d: {  	s24 =	simm.s32 $0xE240;
	[sflag:s19] =	ssyncadd.s32 $0xFFFF3800  }
0x14e: {  	[tilespmem:s15], [sflag:$0x3] =	stream.linear.gather [hbm4b:s9+s23], $0xC80, $0x38;
	[tilespmem:$0x1B100] =	vst v63  }
.LBB2_14:
0x14f: {  	v0 =	vmov s24;
	_ =	sdelay $0x3  }
0x150: {  	s25 =	simm.s32 $0x0  }
0x151: {  	v2 =	vld.idx.msk [tilespmem:v0+s25+$0x100 ss:$0x1], $0xffff  }
0x152: {  	v4 =	vld.idx.msk [tilespmem:v0+s25+$0x110 ss:$0x1], $0xffff  }
0x153: {  	v1 =	vld.idx.msk [tilespmem:v0+s25+$0xC0 ss:$0x1], $0xffff  }
0x154: {  	v3 =	vld.idx.msk [tilespmem:v0+s25+$0xD0 ss:$0x1], $0xffff  }
0x155: {  	v5 =	vld.idx.msk [tilespmem:v0+s25+$0x80 ss:$0x1], $0xffff  }
0x156: {  	v6 =	vld.idx.msk [tilespmem:v0+s25+$0x90 ss:$0x1], $0xffff  }
0x157: {  	v7 =	vld.idx.msk [tilespmem:v0+s25+$0x40 ss:$0x1], $0xffff  }
0x158: {  	v8 =	vld.idx.msk [tilespmem:v0+s25+$0x50 ss:$0x1], $0xffff  }
0x159: {  	v9 =	vld.idx.msk [tilespmem:v0+s25+$0x0 ss:$0x1], $0xffff  }
0x15a: {  	v10 =	vld.idx.msk [tilespmem:v0+s25+$0x10 ss:$0x1], $0xffff  }
0x15b: {  	v11 =	vld.idx.msk [tilespmem:v0+s25+$0xFFFFFFC0 ss:$0x1], $0xffff  }
0x15c: {  	v12 =	vld.idx.msk [tilespmem:v0+s25+$0xFFFFFFD0 ss:$0x1], $0xffff  }
0x15d: {  	v13 =	vld.idx.msk [tilespmem:v0+s25+$0xFFFFFF80 ss:$0x1], $0xffff  }
0x15e: {  	v14 =	vld.idx.msk [tilespmem:v0+s25+$0xFFFFFF90 ss:$0x1], $0xffff  }
0x15f: {  	v15 =	vld.idx.msk [tilespmem:v0+s25+$0xFFFFFF40 ss:$0x1], $0xffff  }
0x160: {  	v16 =	vld.idx.msk [tilespmem:v0+s25+$0xFFFFFF50 ss:$0x1], $0xffff  }
0x161: {  	v21 =	vld.idx.msk [tilespmem:v0+s25+$0xFFFFFF00 ss:$0x1], $0xffff  }
0x162: {  	v22 =	vld.idx.msk [tilespmem:v0+s25+$0xFFFFFF10 ss:$0x1], $0xffff  }
0x163: {  	v23 =	vld.idx.msk [tilespmem:v0+s25+$0xFFFFFEC0 ss:$0x1], $0xffff  }
0x164: {  	v17 =	vimm.f32 $0.0e+00;
	v25 =	vld.idx.msk [tilespmem:v0+s25+$0xFFFFFED0 ss:$0x1], $0xffff  }
0x165: {  	s26 =	simm.s32 $0xA00;
	v20 =	vimm.f32 $0.0e+00;
	v18 =	vimm.f32 $0.0e+00;
	v19 =	vimm.f32 $0.0e+00;
	v24 =	vld.idx.msk [tilespmem:v0+s25+$0xFFFFFEE0 ss:$0x1], $0xffff  }
.LBB2_15:
0x166: {  	p0 =	sne.s32 s26, $0x2800;
	v26 =	vld.idx.msk [tilespmem:v0+s25+$0xFFFFFEF0 ss:$0x1], $0xffff  }
0x167: {  	v27 =	vld.idx.msk [tilespmem:v0+s25+$0xFFFFFF20 ss:$0x1], $0xffff  }
0x168: {  	v28 =	vld.idx.msk [tilespmem:v0+s25+$0xFFFFFF30 ss:$0x1], $0xffff  }
0x169: {  	v29 =	vld.idx.msk [tilespmem:v0+s25+$0xFFFFFF60 ss:$0x1], $0xffff  }
0x16a: {  	v30 =	vld.idx.msk [tilespmem:v0+s25+$0xFFFFFF70 ss:$0x1], $0xffff  }
0x16b: {  	v17 =	vadd.f32 v23, v17;
	v20 =	vadd.f32 v25, v20;
	v23 =	vld.idx.msk [tilespmem:v0+s25+$0xFFFFFFA0 ss:$0x1], $0xffff  }
0x16c: {  	v18 =	vadd.f32 v24, v18;
	v19 =	vadd.f32 v26, v19;
	v24 =	vld.idx.msk [tilespmem:v0+s25+$0xFFFFFFB0 ss:$0x1], $0xffff  }
0x16d: {  	v17 =	vadd.f32 v21, v17;
	v20 =	vadd.f32 v22, v20;
	v21 =	vld.idx.msk [tilespmem:v0+s25+$0xFFFFFFE0 ss:$0x1], $0xffff  }
0x16e: {  	v18 =	vadd.f32 v27, v18;
	v19 =	vadd.f32 v28, v19;
	v22 =	vld.idx.msk [tilespmem:v0+s25+$0xFFFFFFF0 ss:$0x1], $0xffff  }
0x16f: {  	v15 =	vadd.f32 v15, v17;
	v16 =	vadd.f32 v16, v20;
	v17 =	vld.idx.msk [tilespmem:v0+s25+$0x20 ss:$0x1], $0xffff  }
0x170: {  	v18 =	vadd.f32 v29, v18;
	v19 =	vadd.f32 v30, v19;
	v20 =	vld.idx.msk [tilespmem:v0+s25+$0x30 ss:$0x1], $0xffff  }
0x171: {  	v13 =	vadd.f32 v13, v15;
	v14 =	vadd.f32 v14, v16;
	v15 =	vld.idx.msk [tilespmem:v0+s25+$0x60 ss:$0x1], $0xffff  }
0x172: {  	v16 =	vadd.f32 v23, v18;
	v18 =	vadd.f32 v24, v19;
	v19 =	vld.idx.msk [tilespmem:v0+s25+$0x70 ss:$0x1], $0xffff  }
0x173: {  	v11 =	vadd.f32 v11, v13;
	v12 =	vadd.f32 v12, v14;
	v13 =	vld.idx.msk [tilespmem:v0+s25+$0xA0 ss:$0x1], $0xffff  }
0x174: {  	v14 =	vadd.f32 v21, v16;
	v16 =	vadd.f32 v22, v18;
	v18 =	vld.idx.msk [tilespmem:v0+s25+$0xB0 ss:$0x1], $0xffff  }
0x175: {  	v9 =	vadd.f32 v9, v11;
	v10 =	vadd.f32 v10, v12;
	v11 =	vld.idx.msk [tilespmem:v0+s25+$0xE0 ss:$0x1], $0xffff  }
0x176: {  	v12 =	vadd.f32 v17, v14;
	v14 =	vadd.f32 v20, v16;
	v16 =	vld.idx.msk [tilespmem:v0+s25+$0xF0 ss:$0x1], $0xffff  }
0x177: {  	v7 =	vadd.f32 v7, v9;
	v8 =	vadd.f32 v8, v10;
	v9 =	vld.idx.msk [tilespmem:v0+s25+$0x120 ss:$0x1], $0xffff  }
0x178: {  	v10 =	vadd.f32 v15, v12;
	v12 =	vadd.f32 v19, v14;
	v14 =	vld.idx.msk [tilespmem:v0+s25+$0x130 ss:$0x1], $0xffff;
	s25 =	sshra.s32 s26, $0x2  }
0x179: {  	v5 =	vadd.f32 v5, v7;
	v6 =	vadd.f32 v6, v8;
	v15 =	vld.idx.msk [tilespmem:v0+s25+$0x100 ss:$0x1], $0xffff  }
0x17a: {  	v7 =	vadd.f32 v13, v10;
	v8 =	vadd.f32 v18, v12;
	v21 =	vld.idx.msk [tilespmem:v0+s25+$0x110 ss:$0x1], $0xffff  }
0x17b: {  	v10 =	vadd.f32 v1, v5;
	v6 =	vadd.f32 v3, v6;
	v1 =	vld.idx.msk [tilespmem:v0+s25+$0xC0 ss:$0x1], $0xffff  }
0x17c: {  	v7 =	vadd.f32 v11, v7;
	v8 =	vadd.f32 v16, v8;
	v3 =	vld.idx.msk [tilespmem:v0+s25+$0xD0 ss:$0x1], $0xffff  }
0x17d: {  	v17 =	vadd.f32 v2, v10;
	v20 =	vadd.f32 v4, v6;
	v5 =	vld.idx.msk [tilespmem:v0+s25+$0x80 ss:$0x1], $0xffff  }
0x17e: {  	v18 =	vadd.f32 v9, v7;
	v19 =	vadd.f32 v14, v8;
	v6 =	vld.idx.msk [tilespmem:v0+s25+$0x90 ss:$0x1], $0xffff  }
0x17f: {  	v2 =	vmov v15;
	v7 =	vld.idx.msk [tilespmem:v0+s25+$0x40 ss:$0x1], $0xffff  }
0x180: {  	v4 =	vmov v21;
	v8 =	vld.idx.msk [tilespmem:v0+s25+$0x50 ss:$0x1], $0xffff  }
0x181: {  	v9 =	vld.idx.msk [tilespmem:v0+s25+$0x0 ss:$0x1], $0xffff  }
0x182: {  	v10 =	vld.idx.msk [tilespmem:v0+s25+$0x10 ss:$0x1], $0xffff  }
0x183: {  	v11 =	vld.idx.msk [tilespmem:v0+s25+$0xFFFFFFC0 ss:$0x1], $0xffff  }
0x184: {  	v12 =	vld.idx.msk [tilespmem:v0+s25+$0xFFFFFFD0 ss:$0x1], $0xffff  }
0x185: {  	v13 =	vld.idx.msk [tilespmem:v0+s25+$0xFFFFFF80 ss:$0x1], $0xffff  }
0x186: {  	v14 =	vld.idx.msk [tilespmem:v0+s25+$0xFFFFFF90 ss:$0x1], $0xffff  }
0x187: {  	v15 =	vld.idx.msk [tilespmem:v0+s25+$0xFFFFFF40 ss:$0x1], $0xffff  }
0x188: {  	v16 =	vld.idx.msk [tilespmem:v0+s25+$0xFFFFFF50 ss:$0x1], $0xffff  }
.Ltmp6:
0x189: {  	v21 =	vld.idx.msk [tilespmem:v0+s25+$0xFFFFFF00 ss:$0x1], $0xffff;
	(pc) =	sbr.rel @p0 .LBB2_15-.Ltmp6, $4  }
0x18a: {  	v22 =	vld.idx.msk [tilespmem:v0+s25+$0xFFFFFF10 ss:$0x1], $0xffff  }
0x18b: {  	v23 =	vld.idx.msk [tilespmem:v0+s25+$0xFFFFFEC0 ss:$0x1], $0xffff  }
0x18c: {  	v25 =	vld.idx.msk [tilespmem:v0+s25+$0xFFFFFED0 ss:$0x1], $0xffff  }
0x18d: {  	s26 =	sadd.s32 $0xA00, s26;
	v24 =	vld.idx.msk [tilespmem:v0+s25+$0xFFFFFEE0 ss:$0x1], $0xffff  }
0x18e: {  	_ =	sdelay $0x3  }
0x18f: {  	v26 =	vld.idx.msk [tilespmem:v0+s25+$0xFFFFFEF0 ss:$0x1], $0xffff  }
0x190: {  	v27 =	vld.idx.msk [tilespmem:v0+s25+$0xFFFFFF20 ss:$0x1], $0xffff  }
0x191: {  	v28 =	vld.idx.msk [tilespmem:v0+s25+$0xFFFFFF30 ss:$0x1], $0xffff  }
0x192: {  	v29 =	vld.idx.msk [tilespmem:v0+s25+$0xFFFFFF60 ss:$0x1], $0xffff  }
0x193: {  	v30 =	vld.idx.msk [tilespmem:v0+s25+$0xFFFFFF70 ss:$0x1], $0xffff;
	v17 =	vadd.f32 v23, v17;
	v20 =	vadd.f32 v25, v20  }
0x194: {  	v36 =	vld.idx.msk [tilespmem:v0+s25+$0xFFFFFFA0 ss:$0x1], $0xffff;
	v18 =	vadd.f32 v24, v18;
	v19 =	vadd.f32 v26, v19  }
0x195: {  	v37 =	vld.idx.msk [tilespmem:v0+s25+$0xFFFFFFB0 ss:$0x1], $0xffff;
	v17 =	vadd.f32 v21, v17;
	v20 =	vadd.f32 v22, v20  }
0x196: {  	v38 =	vld.idx.msk [tilespmem:v0+s25+$0xFFFFFFE0 ss:$0x1], $0xffff;
	v18 =	vadd.f32 v27, v18;
	v19 =	vadd.f32 v28, v19  }
0x197: {  	v39 =	vld.idx.msk [tilespmem:v0+s25+$0xFFFFFFF0 ss:$0x1], $0xffff;
	v15 =	vadd.f32 v15, v17;
	v16 =	vadd.f32 v16, v20  }
0x198: {  	v40 =	vld.idx.msk [tilespmem:v0+s25+$0x20 ss:$0x1], $0xffff;
	v18 =	vadd.f32 v29, v18;
	v19 =	vadd.f32 v30, v19  }
0x199: {  	v41 =	vld.idx.msk [tilespmem:v0+s25+$0x30 ss:$0x1], $0xffff;
	v13 =	vadd.f32 v13, v15;
	v14 =	vadd.f32 v14, v16  }
0x19a: {  	v42 =	vld.idx.msk [tilespmem:v0+s25+$0x60 ss:$0x1], $0xffff;
	v43 =	vadd.f32 v36, v18;
	v44 =	vadd.f32 v37, v19  }
0x19b: {  	v45 =	vld.idx.msk [tilespmem:v0+s25+$0x70 ss:$0x1], $0xffff;
	v11 =	vadd.f32 v11, v13;
	v12 =	vadd.f32 v12, v14  }
0x19c: {  	v46 =	vld.idx.msk [tilespmem:v0+s25+$0xA0 ss:$0x1], $0xffff;
	v47 =	vadd.f32 v38, v43;
	v48 =	vadd.f32 v39, v44  }
0x19d: {  	v49 =	vld.idx.msk [tilespmem:v0+s25+$0xB0 ss:$0x1], $0xffff;
	v9 =	vadd.f32 v9, v11;
	v10 =	vadd.f32 v10, v12  }
0x19e: {  	v50 =	vld.idx.msk [tilespmem:v0+s25+$0xE0 ss:$0x1], $0xffff;
	v51 =	vadd.f32 v40, v47;
	v52 =	vadd.f32 v41, v48  }
0x19f: {  	v53 =	vld.idx.msk [tilespmem:v0+s25+$0xF0 ss:$0x1], $0xffff;
	v7 =	vadd.f32 v7, v9;
	v8 =	vadd.f32 v8, v10  }
0x1a0: {  	v54 =	vld.idx.msk [tilespmem:v0+s25+$0x120 ss:$0x1], $0xffff;
	v55 =	vadd.f32 v42, v51;
	v56 =	vadd.f32 v45, v52  }
0x1a1: {  	v57 =	vld.idx.msk [tilespmem:v0+s25+$0x130 ss:$0x1], $0xffff;
	v5 =	vadd.f32 v5, v7;
	v6 =	vadd.f32 v6, v8  }
0x1a2: {  	v58 =	vadd.f32 v46, v55;
	v59 =	vadd.f32 v49, v56  }
0x1a3: {  	v1 =	vadd.f32 v1, v5;
	v3 =	vadd.f32 v3, v6  }
0x1a4: {  	v60 =	vadd.f32 v50, v58;
	v61 =	vadd.f32 v53, v59  }
0x1a5: {  	v1 =	vadd.f32 v2, v1;
	v62 =	vadd.f32 v4, v3  }
0x1a6: {  	s31 =	sshll.u32 s23, $0x4;
	s23 =	sadd.s32 $0x1, s23;
	v63 =	vadd.f32 v54, v60;
	v0 =	vadd.f32 v57, v61  }
0x1a7: {  	p0 =	sne.s32 s23, $0x10  }
.Ltmp7:
0x1a8: {  	v1 =	vadd.f32 v62, v1;
	v0 =	vadd.f32 v0, v63;
	(pc) =	sbr.rel @p0 .LBB2_14-.Ltmp7, $4  }
0x1a9: {  	_ = 	snop  }
0x1aa: {  	v0 =	vadd.f32 v0, v1  }
0x1ab: {  	s25 =	sand.u32 $0x3FFFFFF0, s31  }
0x1ac: {  	s24 =	sadd.s32 $0xC80, s24;
	[tilespmem:s25+$0x1AC00] =	vst v0  }
0x1ad: {  	_ =	swait.ge [sflag:s14], $0xC80  }
0x1ae: {  	[sflag:s14] =	ssyncset.done $0x0  }
0x1af: {  	[sflag:s14] =	ssyncadd.s32 $0xFFFFF380  }
0x1b0: {  	[tilespmem:s17], [sflag:$0x2] =	stream.indirect.gather [hbm4b:s3+s15], $0x10, s15, s15, $0xb8;
	[tilespmem:$0x1B100] =	vst v63  }
0x1b1: {  	_ =	swait.ge [sflag:s18], $0xC800  }
0x1b2: {  	[sflag:s18] =	ssyncset.done $0x0  }
0x1b3: {  	s23 =	simm.s32 $0x0;
	s24 =	simm.s32 $0x1A40;
	[sflag:s18] =	ssyncadd.s32 $0xFFFF3800  }
0x1b4: {  	[tilespmem:s23], [sflag:$0x3] =	stream.linear.gather [hbm4b:s10+s23], $0xC80, $0x38;
	[tilespmem:$0x1B100] =	vst v63  }
.LBB2_18:
0x1b5: {  	v0 =	vmov s24;
	_ =	sdelay $0x3  }
0x1b6: {  	s25 =	simm.s32 $0x0  }
0x1b7: {  	v2 =	vld.idx.msk [tilespmem:v0+s25+$0x100 ss:$0x1], $0xffff  }
0x1b8: {  	v4 =	vld.idx.msk [tilespmem:v0+s25+$0x110 ss:$0x1], $0xffff  }
0x1b9: {  	v1 =	vld.idx.msk [tilespmem:v0+s25+$0xC0 ss:$0x1], $0xffff  }
0x1ba: {  	v3 =	vld.idx.msk [tilespmem:v0+s25+$0xD0 ss:$0x1], $0xffff  }
0x1bb: {  	v5 =	vld.idx.msk [tilespmem:v0+s25+$0x80 ss:$0x1], $0xffff  }
0x1bc: {  	v6 =	vld.idx.msk [tilespmem:v0+s25+$0x90 ss:$0x1], $0xffff  }
0x1bd: {  	v7 =	vld.idx.msk [tilespmem:v0+s25+$0x40 ss:$0x1], $0xffff  }
0x1be: {  	v8 =	vld.idx.msk [tilespmem:v0+s25+$0x50 ss:$0x1], $0xffff  }
0x1bf: {  	v9 =	vld.idx.msk [tilespmem:v0+s25+$0x0 ss:$0x1], $0xffff  }
0x1c0: {  	v10 =	vld.idx.msk [tilespmem:v0+s25+$0x10 ss:$0x1], $0xffff  }
0x1c1: {  	v11 =	vld.idx.msk [tilespmem:v0+s25+$0xFFFFFFC0 ss:$0x1], $0xffff  }
0x1c2: {  	v12 =	vld.idx.msk [tilespmem:v0+s25+$0xFFFFFFD0 ss:$0x1], $0xffff  }
0x1c3: {  	v13 =	vld.idx.msk [tilespmem:v0+s25+$0xFFFFFF80 ss:$0x1], $0xffff  }
0x1c4: {  	v14 =	vld.idx.msk [tilespmem:v0+s25+$0xFFFFFF90 ss:$0x1], $0xffff  }
0x1c5: {  	v15 =	vld.idx.msk [tilespmem:v0+s25+$0xFFFFFF40 ss:$0x1], $0xffff  }
0x1c6: {  	v16 =	vld.idx.msk [tilespmem:v0+s25+$0xFFFFFF50 ss:$0x1], $0xffff  }
0x1c7: {  	v21 =	vld.idx.msk [tilespmem:v0+s25+$0xFFFFFF00 ss:$0x1], $0xffff  }
0x1c8: {  	v22 =	vld.idx.msk [tilespmem:v0+s25+$0xFFFFFF10 ss:$0x1], $0xffff  }
0x1c9: {  	v23 =	vld.idx.msk [tilespmem:v0+s25+$0xFFFFFEC0 ss:$0x1], $0xffff  }
0x1ca: {  	v17 =	vimm.f32 $0.0e+00;
	v25 =	vld.idx.msk [tilespmem:v0+s25+$0xFFFFFED0 ss:$0x1], $0xffff  }
0x1cb: {  	s26 =	simm.s32 $0xA00;
	v20 =	vimm.f32 $0.0e+00;
	v18 =	vimm.f32 $0.0e+00;
	v19 =	vimm.f32 $0.0e+00;
	v24 =	vld.idx.msk [tilespmem:v0+s25+$0xFFFFFEE0 ss:$0x1], $0xffff  }
.LBB2_19:
0x1cc: {  	p0 =	sne.s32 s26, $0x2800;
	v26 =	vld.idx.msk [tilespmem:v0+s25+$0xFFFFFEF0 ss:$0x1], $0xffff  }
0x1cd: {  	v27 =	vld.idx.msk [tilespmem:v0+s25+$0xFFFFFF20 ss:$0x1], $0xffff  }
0x1ce: {  	v28 =	vld.idx.msk [tilespmem:v0+s25+$0xFFFFFF30 ss:$0x1], $0xffff  }
0x1cf: {  	v29 =	vld.idx.msk [tilespmem:v0+s25+$0xFFFFFF60 ss:$0x1], $0xffff  }
0x1d0: {  	v30 =	vld.idx.msk [tilespmem:v0+s25+$0xFFFFFF70 ss:$0x1], $0xffff  }
0x1d1: {  	v17 =	vadd.f32 v23, v17;
	v20 =	vadd.f32 v25, v20;
	v23 =	vld.idx.msk [tilespmem:v0+s25+$0xFFFFFFA0 ss:$0x1], $0xffff  }
0x1d2: {  	v18 =	vadd.f32 v24, v18;
	v19 =	vadd.f32 v26, v19;
	v24 =	vld.idx.msk [tilespmem:v0+s25+$0xFFFFFFB0 ss:$0x1], $0xffff  }
0x1d3: {  	v17 =	vadd.f32 v21, v17;
	v20 =	vadd.f32 v22, v20;
	v21 =	vld.idx.msk [tilespmem:v0+s25+$0xFFFFFFE0 ss:$0x1], $0xffff  }
0x1d4: {  	v18 =	vadd.f32 v27, v18;
	v19 =	vadd.f32 v28, v19;
	v22 =	vld.idx.msk [tilespmem:v0+s25+$0xFFFFFFF0 ss:$0x1], $0xffff  }
0x1d5: {  	v15 =	vadd.f32 v15, v17;
	v16 =	vadd.f32 v16, v20;
	v17 =	vld.idx.msk [tilespmem:v0+s25+$0x20 ss:$0x1], $0xffff  }
0x1d6: {  	v18 =	vadd.f32 v29, v18;
	v19 =	vadd.f32 v30, v19;
	v20 =	vld.idx.msk [tilespmem:v0+s25+$0x30 ss:$0x1], $0xffff  }
0x1d7: {  	v13 =	vadd.f32 v13, v15;
	v14 =	vadd.f32 v14, v16;
	v15 =	vld.idx.msk [tilespmem:v0+s25+$0x60 ss:$0x1], $0xffff  }
0x1d8: {  	v16 =	vadd.f32 v23, v18;
	v18 =	vadd.f32 v24, v19;
	v19 =	vld.idx.msk [tilespmem:v0+s25+$0x70 ss:$0x1], $0xffff  }
0x1d9: {  	v11 =	vadd.f32 v11, v13;
	v12 =	vadd.f32 v12, v14;
	v13 =	vld.idx.msk [tilespmem:v0+s25+$0xA0 ss:$0x1], $0xffff  }
0x1da: {  	v14 =	vadd.f32 v21, v16;
	v16 =	vadd.f32 v22, v18;
	v18 =	vld.idx.msk [tilespmem:v0+s25+$0xB0 ss:$0x1], $0xffff  }
0x1db: {  	v9 =	vadd.f32 v9, v11;
	v10 =	vadd.f32 v10, v12;
	v11 =	vld.idx.msk [tilespmem:v0+s25+$0xE0 ss:$0x1], $0xffff  }
0x1dc: {  	v12 =	vadd.f32 v17, v14;
	v14 =	vadd.f32 v20, v16;
	v16 =	vld.idx.msk [tilespmem:v0+s25+$0xF0 ss:$0x1], $0xffff  }
0x1dd: {  	v7 =	vadd.f32 v7, v9;
	v8 =	vadd.f32 v8, v10;
	v9 =	vld.idx.msk [tilespmem:v0+s25+$0x120 ss:$0x1], $0xffff  }
0x1de: {  	v10 =	vadd.f32 v15, v12;
	v12 =	vadd.f32 v19, v14;
	v14 =	vld.idx.msk [tilespmem:v0+s25+$0x130 ss:$0x1], $0xffff;
	s25 =	sshra.s32 s26, $0x2  }
0x1df: {  	v5 =	vadd.f32 v5, v7;
	v6 =	vadd.f32 v6, v8;
	v15 =	vld.idx.msk [tilespmem:v0+s25+$0x100 ss:$0x1], $0xffff  }
0x1e0: {  	v7 =	vadd.f32 v13, v10;
	v8 =	vadd.f32 v18, v12;
	v21 =	vld.idx.msk [tilespmem:v0+s25+$0x110 ss:$0x1], $0xffff  }
0x1e1: {  	v10 =	vadd.f32 v1, v5;
	v6 =	vadd.f32 v3, v6;
	v1 =	vld.idx.msk [tilespmem:v0+s25+$0xC0 ss:$0x1], $0xffff  }
0x1e2: {  	v7 =	vadd.f32 v11, v7;
	v8 =	vadd.f32 v16, v8;
	v3 =	vld.idx.msk [tilespmem:v0+s25+$0xD0 ss:$0x1], $0xffff  }
0x1e3: {  	v17 =	vadd.f32 v2, v10;
	v20 =	vadd.f32 v4, v6;
	v5 =	vld.idx.msk [tilespmem:v0+s25+$0x80 ss:$0x1], $0xffff  }
0x1e4: {  	v18 =	vadd.f32 v9, v7;
	v19 =	vadd.f32 v14, v8;
	v6 =	vld.idx.msk [tilespmem:v0+s25+$0x90 ss:$0x1], $0xffff  }
0x1e5: {  	v2 =	vmov v15;
	v7 =	vld.idx.msk [tilespmem:v0+s25+$0x40 ss:$0x1], $0xffff  }
0x1e6: {  	v4 =	vmov v21;
	v8 =	vld.idx.msk [tilespmem:v0+s25+$0x50 ss:$0x1], $0xffff  }
0x1e7: {  	v9 =	vld.idx.msk [tilespmem:v0+s25+$0x0 ss:$0x1], $0xffff  }
0x1e8: {  	v10 =	vld.idx.msk [tilespmem:v0+s25+$0x10 ss:$0x1], $0xffff  }
0x1e9: {  	v11 =	vld.idx.msk [tilespmem:v0+s25+$0xFFFFFFC0 ss:$0x1], $0xffff  }
0x1ea: {  	v12 =	vld.idx.msk [tilespmem:v0+s25+$0xFFFFFFD0 ss:$0x1], $0xffff  }
0x1eb: {  	v13 =	vld.idx.msk [tilespmem:v0+s25+$0xFFFFFF80 ss:$0x1], $0xffff  }
0x1ec: {  	v14 =	vld.idx.msk [tilespmem:v0+s25+$0xFFFFFF90 ss:$0x1], $0xffff  }
0x1ed: {  	v15 =	vld.idx.msk [tilespmem:v0+s25+$0xFFFFFF40 ss:$0x1], $0xffff  }
0x1ee: {  	v16 =	vld.idx.msk [tilespmem:v0+s25+$0xFFFFFF50 ss:$0x1], $0xffff  }
.Ltmp8:
0x1ef: {  	v21 =	vld.idx.msk [tilespmem:v0+s25+$0xFFFFFF00 ss:$0x1], $0xffff;
	(pc) =	sbr.rel @p0 .LBB2_19-.Ltmp8, $4  }
0x1f0: {  	v22 =	vld.idx.msk [tilespmem:v0+s25+$0xFFFFFF10 ss:$0x1], $0xffff  }
0x1f1: {  	v23 =	vld.idx.msk [tilespmem:v0+s25+$0xFFFFFEC0 ss:$0x1], $0xffff  }
0x1f2: {  	v25 =	vld.idx.msk [tilespmem:v0+s25+$0xFFFFFED0 ss:$0x1], $0xffff  }
0x1f3: {  	s26 =	sadd.s32 $0xA00, s26;
	v24 =	vld.idx.msk [tilespmem:v0+s25+$0xFFFFFEE0 ss:$0x1], $0xffff  }
0x1f4: {  	_ =	sdelay $0x3  }
0x1f5: {  	v26 =	vld.idx.msk [tilespmem:v0+s25+$0xFFFFFEF0 ss:$0x1], $0xffff  }
0x1f6: {  	v27 =	vld.idx.msk [tilespmem:v0+s25+$0xFFFFFF20 ss:$0x1], $0xffff  }
0x1f7: {  	v28 =	vld.idx.msk [tilespmem:v0+s25+$0xFFFFFF30 ss:$0x1], $0xffff  }
0x1f8: {  	v29 =	vld.idx.msk [tilespmem:v0+s25+$0xFFFFFF60 ss:$0x1], $0xffff  }
0x1f9: {  	v30 =	vld.idx.msk [tilespmem:v0+s25+$0xFFFFFF70 ss:$0x1], $0xffff;
	v17 =	vadd.f32 v23, v17;
	v20 =	vadd.f32 v25, v20  }
0x1fa: {  	v36 =	vld.idx.msk [tilespmem:v0+s25+$0xFFFFFFA0 ss:$0x1], $0xffff;
	v18 =	vadd.f32 v24, v18;
	v19 =	vadd.f32 v26, v19  }
0x1fb: {  	v37 =	vld.idx.msk [tilespmem:v0+s25+$0xFFFFFFB0 ss:$0x1], $0xffff;
	v17 =	vadd.f32 v21, v17;
	v20 =	vadd.f32 v22, v20  }
0x1fc: {  	v38 =	vld.idx.msk [tilespmem:v0+s25+$0xFFFFFFE0 ss:$0x1], $0xffff;
	v18 =	vadd.f32 v27, v18;
	v19 =	vadd.f32 v28, v19  }
0x1fd: {  	v39 =	vld.idx.msk [tilespmem:v0+s25+$0xFFFFFFF0 ss:$0x1], $0xffff;
	v15 =	vadd.f32 v15, v17;
	v16 =	vadd.f32 v16, v20  }
0x1fe: {  	v40 =	vld.idx.msk [tilespmem:v0+s25+$0x20 ss:$0x1], $0xffff;
	v18 =	vadd.f32 v29, v18;
	v19 =	vadd.f32 v30, v19  }
0x1ff: {  	v41 =	vld.idx.msk [tilespmem:v0+s25+$0x30 ss:$0x1], $0xffff;
	v13 =	vadd.f32 v13, v15;
	v14 =	vadd.f32 v14, v16  }
0x200: {  	v42 =	vld.idx.msk [tilespmem:v0+s25+$0x60 ss:$0x1], $0xffff;
	v43 =	vadd.f32 v36, v18;
	v44 =	vadd.f32 v37, v19  }
0x201: {  	v45 =	vld.idx.msk [tilespmem:v0+s25+$0x70 ss:$0x1], $0xffff;
	v11 =	vadd.f32 v11, v13;
	v12 =	vadd.f32 v12, v14  }
0x202: {  	v46 =	vld.idx.msk [tilespmem:v0+s25+$0xA0 ss:$0x1], $0xffff;
	v47 =	vadd.f32 v38, v43;
	v48 =	vadd.f32 v39, v44  }
0x203: {  	v49 =	vld.idx.msk [tilespmem:v0+s25+$0xB0 ss:$0x1], $0xffff;
	v9 =	vadd.f32 v9, v11;
	v10 =	vadd.f32 v10, v12  }
0x204: {  	v50 =	vld.idx.msk [tilespmem:v0+s25+$0xE0 ss:$0x1], $0xffff;
	v51 =	vadd.f32 v40, v47;
	v52 =	vadd.f32 v41, v48  }
0x205: {  	v53 =	vld.idx.msk [tilespmem:v0+s25+$0xF0 ss:$0x1], $0xffff;
	v7 =	vadd.f32 v7, v9;
	v8 =	vadd.f32 v8, v10  }
0x206: {  	v54 =	vld.idx.msk [tilespmem:v0+s25+$0x120 ss:$0x1], $0xffff;
	v55 =	vadd.f32 v42, v51;
	v56 =	vadd.f32 v45, v52  }
0x207: {  	v57 =	vld.idx.msk [tilespmem:v0+s25+$0x130 ss:$0x1], $0xffff;
	v5 =	vadd.f32 v5, v7;
	v6 =	vadd.f32 v6, v8  }
0x208: {  	v58 =	vadd.f32 v46, v55;
	v59 =	vadd.f32 v49, v56  }
0x209: {  	v1 =	vadd.f32 v1, v5;
	v3 =	vadd.f32 v3, v6  }
0x20a: {  	v60 =	vadd.f32 v50, v58;
	v61 =	vadd.f32 v53, v59  }
0x20b: {  	v1 =	vadd.f32 v2, v1;
	v62 =	vadd.f32 v4, v3  }
0x20c: {  	s31 =	sshll.u32 s23, $0x4;
	s23 =	sadd.s32 $0x1, s23;
	v63 =	vadd.f32 v54, v60;
	v0 =	vadd.f32 v57, v61  }
0x20d: {  	p0 =	sne.s32 s23, $0x10  }
.Ltmp9:
0x20e: {  	v1 =	vadd.f32 v62, v1;
	v0 =	vadd.f32 v0, v63;
	(pc) =	sbr.rel @p0 .LBB2_18-.Ltmp9, $4  }
0x20f: {  	_ = 	snop  }
0x210: {  	v0 =	vadd.f32 v0, v1  }
0x211: {  	s25 =	sand.u32 $0x3FFFFFF0, s31  }
0x212: {  	s24 =	sadd.s32 $0xC80, s24;
	[tilespmem:s25+$0x1AD00] =	vst v0  }
0x213: {  	_ =	swait.ge [sflag:s14], $0xC80  }
0x214: {  	[sflag:s14] =	ssyncset.done $0x0  }
0x215: {  	s23 =	simm.s32 $0x0;
	[sflag:s14] =	ssyncadd.s32 $0xFFFFF380  }
0x216: {  	[tilespmem:s16], [sflag:$0x1] =	stream.indirect.gather [hbm4b:s3+s15], $0x10, s23, s15, $0xb8;
	[tilespmem:$0x1B100] =	vst v63  }
0x217: {  	_ =	swait.ge [sflag:s19], $0xC800  }
0x218: {  	[sflag:s19] =	ssyncset.done $0x0  }
0x219: {  	s24 =	simm.s32 $0xE240;
	[sflag:s19] =	ssyncadd.s32 $0xFFFF3800  }
0x21a: {  	[tilespmem:s15], [sflag:$0x3] =	stream.linear.gather [hbm4b:s11+s23], $0xC80, $0x38;
	[tilespmem:$0x1B100] =	vst v63  }
.LBB2_22:
0x21b: {  	v0 =	vmov s24;
	_ =	sdelay $0x3  }
0x21c: {  	s25 =	simm.s32 $0x0  }
0x21d: {  	v2 =	vld.idx.msk [tilespmem:v0+s25+$0x100 ss:$0x1], $0xffff  }
0x21e: {  	v4 =	vld.idx.msk [tilespmem:v0+s25+$0x110 ss:$0x1], $0xffff  }
0x21f: {  	v1 =	vld.idx.msk [tilespmem:v0+s25+$0xC0 ss:$0x1], $0xffff  }
0x220: {  	v3 =	vld.idx.msk [tilespmem:v0+s25+$0xD0 ss:$0x1], $0xffff  }
0x221: {  	v5 =	vld.idx.msk [tilespmem:v0+s25+$0x80 ss:$0x1], $0xffff  }
0x222: {  	v6 =	vld.idx.msk [tilespmem:v0+s25+$0x90 ss:$0x1], $0xffff  }
0x223: {  	v7 =	vld.idx.msk [tilespmem:v0+s25+$0x40 ss:$0x1], $0xffff  }
0x224: {  	v8 =	vld.idx.msk [tilespmem:v0+s25+$0x50 ss:$0x1], $0xffff  }
0x225: {  	v9 =	vld.idx.msk [tilespmem:v0+s25+$0x0 ss:$0x1], $0xffff  }
0x226: {  	v10 =	vld.idx.msk [tilespmem:v0+s25+$0x10 ss:$0x1], $0xffff  }
0x227: {  	v11 =	vld.idx.msk [tilespmem:v0+s25+$0xFFFFFFC0 ss:$0x1], $0xffff  }
0x228: {  	v12 =	vld.idx.msk [tilespmem:v0+s25+$0xFFFFFFD0 ss:$0x1], $0xffff  }
0x229: {  	v13 =	vld.idx.msk [tilespmem:v0+s25+$0xFFFFFF80 ss:$0x1], $0xffff  }
0x22a: {  	v14 =	vld.idx.msk [tilespmem:v0+s25+$0xFFFFFF90 ss:$0x1], $0xffff  }
0x22b: {  	v15 =	vld.idx.msk [tilespmem:v0+s25+$0xFFFFFF40 ss:$0x1], $0xffff  }
0x22c: {  	v16 =	vld.idx.msk [tilespmem:v0+s25+$0xFFFFFF50 ss:$0x1], $0xffff  }
0x22d: {  	v21 =	vld.idx.msk [tilespmem:v0+s25+$0xFFFFFF00 ss:$0x1], $0xffff  }
0x22e: {  	v22 =	vld.idx.msk [tilespmem:v0+s25+$0xFFFFFF10 ss:$0x1], $0xffff  }
0x22f: {  	v23 =	vld.idx.msk [tilespmem:v0+s25+$0xFFFFFEC0 ss:$0x1], $0xffff  }
0x230: {  	v17 =	vimm.f32 $0.0e+00;
	v25 =	vld.idx.msk [tilespmem:v0+s25+$0xFFFFFED0 ss:$0x1], $0xffff  }
0x231: {  	s26 =	simm.s32 $0xA00;
	v20 =	vimm.f32 $0.0e+00;
	v18 =	vimm.f32 $0.0e+00;
	v19 =	vimm.f32 $0.0e+00;
	v24 =	vld.idx.msk [tilespmem:v0+s25+$0xFFFFFEE0 ss:$0x1], $0xffff  }
.LBB2_23:
0x232: {  	p0 =	sne.s32 s26, $0x2800;
	v26 =	vld.idx.msk [tilespmem:v0+s25+$0xFFFFFEF0 ss:$0x1], $0xffff  }
0x233: {  	v27 =	vld.idx.msk [tilespmem:v0+s25+$0xFFFFFF20 ss:$0x1], $0xffff  }
0x234: {  	v28 =	vld.idx.msk [tilespmem:v0+s25+$0xFFFFFF30 ss:$0x1], $0xffff  }
0x235: {  	v29 =	vld.idx.msk [tilespmem:v0+s25+$0xFFFFFF60 ss:$0x1], $0xffff  }
0x236: {  	v30 =	vld.idx.msk [tilespmem:v0+s25+$0xFFFFFF70 ss:$0x1], $0xffff  }
0x237: {  	v17 =	vadd.f32 v23, v17;
	v20 =	vadd.f32 v25, v20;
	v23 =	vld.idx.msk [tilespmem:v0+s25+$0xFFFFFFA0 ss:$0x1], $0xffff  }
0x238: {  	v18 =	vadd.f32 v24, v18;
	v19 =	vadd.f32 v26, v19;
	v24 =	vld.idx.msk [tilespmem:v0+s25+$0xFFFFFFB0 ss:$0x1], $0xffff  }
0x239: {  	v17 =	vadd.f32 v21, v17;
	v20 =	vadd.f32 v22, v20;
	v21 =	vld.idx.msk [tilespmem:v0+s25+$0xFFFFFFE0 ss:$0x1], $0xffff  }
0x23a: {  	v18 =	vadd.f32 v27, v18;
	v19 =	vadd.f32 v28, v19;
	v22 =	vld.idx.msk [tilespmem:v0+s25+$0xFFFFFFF0 ss:$0x1], $0xffff  }
0x23b: {  	v15 =	vadd.f32 v15, v17;
	v16 =	vadd.f32 v16, v20;
	v17 =	vld.idx.msk [tilespmem:v0+s25+$0x20 ss:$0x1], $0xffff  }
0x23c: {  	v18 =	vadd.f32 v29, v18;
	v19 =	vadd.f32 v30, v19;
	v20 =	vld.idx.msk [tilespmem:v0+s25+$0x30 ss:$0x1], $0xffff  }
0x23d: {  	v13 =	vadd.f32 v13, v15;
	v14 =	vadd.f32 v14, v16;
	v15 =	vld.idx.msk [tilespmem:v0+s25+$0x60 ss:$0x1], $0xffff  }
0x23e: {  	v16 =	vadd.f32 v23, v18;
	v18 =	vadd.f32 v24, v19;
	v19 =	vld.idx.msk [tilespmem:v0+s25+$0x70 ss:$0x1], $0xffff  }
0x23f: {  	v11 =	vadd.f32 v11, v13;
	v12 =	vadd.f32 v12, v14;
	v13 =	vld.idx.msk [tilespmem:v0+s25+$0xA0 ss:$0x1], $0xffff  }
0x240: {  	v14 =	vadd.f32 v21, v16;
	v16 =	vadd.f32 v22, v18;
	v18 =	vld.idx.msk [tilespmem:v0+s25+$0xB0 ss:$0x1], $0xffff  }
0x241: {  	v9 =	vadd.f32 v9, v11;
	v10 =	vadd.f32 v10, v12;
	v11 =	vld.idx.msk [tilespmem:v0+s25+$0xE0 ss:$0x1], $0xffff  }
0x242: {  	v12 =	vadd.f32 v17, v14;
	v14 =	vadd.f32 v20, v16;
	v16 =	vld.idx.msk [tilespmem:v0+s25+$0xF0 ss:$0x1], $0xffff  }
0x243: {  	v7 =	vadd.f32 v7, v9;
	v8 =	vadd.f32 v8, v10;
	v9 =	vld.idx.msk [tilespmem:v0+s25+$0x120 ss:$0x1], $0xffff  }
0x244: {  	v10 =	vadd.f32 v15, v12;
	v12 =	vadd.f32 v19, v14;
	v14 =	vld.idx.msk [tilespmem:v0+s25+$0x130 ss:$0x1], $0xffff;
	s25 =	sshra.s32 s26, $0x2  }
0x245: {  	v5 =	vadd.f32 v5, v7;
	v6 =	vadd.f32 v6, v8;
	v15 =	vld.idx.msk [tilespmem:v0+s25+$0x100 ss:$0x1], $0xffff  }
0x246: {  	v7 =	vadd.f32 v13, v10;
	v8 =	vadd.f32 v18, v12;
	v21 =	vld.idx.msk [tilespmem:v0+s25+$0x110 ss:$0x1], $0xffff  }
0x247: {  	v10 =	vadd.f32 v1, v5;
	v6 =	vadd.f32 v3, v6;
	v1 =	vld.idx.msk [tilespmem:v0+s25+$0xC0 ss:$0x1], $0xffff  }
0x248: {  	v7 =	vadd.f32 v11, v7;
	v8 =	vadd.f32 v16, v8;
	v3 =	vld.idx.msk [tilespmem:v0+s25+$0xD0 ss:$0x1], $0xffff  }
0x249: {  	v17 =	vadd.f32 v2, v10;
	v20 =	vadd.f32 v4, v6;
	v5 =	vld.idx.msk [tilespmem:v0+s25+$0x80 ss:$0x1], $0xffff  }
0x24a: {  	v18 =	vadd.f32 v9, v7;
	v19 =	vadd.f32 v14, v8;
	v6 =	vld.idx.msk [tilespmem:v0+s25+$0x90 ss:$0x1], $0xffff  }
0x24b: {  	v2 =	vmov v15;
	v7 =	vld.idx.msk [tilespmem:v0+s25+$0x40 ss:$0x1], $0xffff  }
0x24c: {  	v4 =	vmov v21;
	v8 =	vld.idx.msk [tilespmem:v0+s25+$0x50 ss:$0x1], $0xffff  }
0x24d: {  	v9 =	vld.idx.msk [tilespmem:v0+s25+$0x0 ss:$0x1], $0xffff  }
0x24e: {  	v10 =	vld.idx.msk [tilespmem:v0+s25+$0x10 ss:$0x1], $0xffff  }
0x24f: {  	v11 =	vld.idx.msk [tilespmem:v0+s25+$0xFFFFFFC0 ss:$0x1], $0xffff  }
0x250: {  	v12 =	vld.idx.msk [tilespmem:v0+s25+$0xFFFFFFD0 ss:$0x1], $0xffff  }
0x251: {  	v13 =	vld.idx.msk [tilespmem:v0+s25+$0xFFFFFF80 ss:$0x1], $0xffff  }
0x252: {  	v14 =	vld.idx.msk [tilespmem:v0+s25+$0xFFFFFF90 ss:$0x1], $0xffff  }
0x253: {  	v15 =	vld.idx.msk [tilespmem:v0+s25+$0xFFFFFF40 ss:$0x1], $0xffff  }
0x254: {  	v16 =	vld.idx.msk [tilespmem:v0+s25+$0xFFFFFF50 ss:$0x1], $0xffff  }
.Ltmp10:
0x255: {  	v21 =	vld.idx.msk [tilespmem:v0+s25+$0xFFFFFF00 ss:$0x1], $0xffff;
	(pc) =	sbr.rel @p0 .LBB2_23-.Ltmp10, $4  }
0x256: {  	v22 =	vld.idx.msk [tilespmem:v0+s25+$0xFFFFFF10 ss:$0x1], $0xffff  }
0x257: {  	v23 =	vld.idx.msk [tilespmem:v0+s25+$0xFFFFFEC0 ss:$0x1], $0xffff  }
0x258: {  	v25 =	vld.idx.msk [tilespmem:v0+s25+$0xFFFFFED0 ss:$0x1], $0xffff  }
0x259: {  	s26 =	sadd.s32 $0xA00, s26;
	v24 =	vld.idx.msk [tilespmem:v0+s25+$0xFFFFFEE0 ss:$0x1], $0xffff  }
0x25a: {  	_ =	sdelay $0x3  }
0x25b: {  	v26 =	vld.idx.msk [tilespmem:v0+s25+$0xFFFFFEF0 ss:$0x1], $0xffff  }
0x25c: {  	v27 =	vld.idx.msk [tilespmem:v0+s25+$0xFFFFFF20 ss:$0x1], $0xffff  }
0x25d: {  	v28 =	vld.idx.msk [tilespmem:v0+s25+$0xFFFFFF30 ss:$0x1], $0xffff  }
0x25e: {  	v29 =	vld.idx.msk [tilespmem:v0+s25+$0xFFFFFF60 ss:$0x1], $0xffff  }
0x25f: {  	v30 =	vld.idx.msk [tilespmem:v0+s25+$0xFFFFFF70 ss:$0x1], $0xffff;
	v17 =	vadd.f32 v23, v17;
	v20 =	vadd.f32 v25, v20  }
0x260: {  	v36 =	vld.idx.msk [tilespmem:v0+s25+$0xFFFFFFA0 ss:$0x1], $0xffff;
	v18 =	vadd.f32 v24, v18;
	v19 =	vadd.f32 v26, v19  }
0x261: {  	v37 =	vld.idx.msk [tilespmem:v0+s25+$0xFFFFFFB0 ss:$0x1], $0xffff;
	v17 =	vadd.f32 v21, v17;
	v20 =	vadd.f32 v22, v20  }
0x262: {  	v38 =	vld.idx.msk [tilespmem:v0+s25+$0xFFFFFFE0 ss:$0x1], $0xffff;
	v18 =	vadd.f32 v27, v18;
	v19 =	vadd.f32 v28, v19  }
0x263: {  	v39 =	vld.idx.msk [tilespmem:v0+s25+$0xFFFFFFF0 ss:$0x1], $0xffff;
	v15 =	vadd.f32 v15, v17;
	v16 =	vadd.f32 v16, v20  }
0x264: {  	v40 =	vld.idx.msk [tilespmem:v0+s25+$0x20 ss:$0x1], $0xffff;
	v18 =	vadd.f32 v29, v18;
	v19 =	vadd.f32 v30, v19  }
0x265: {  	v41 =	vld.idx.msk [tilespmem:v0+s25+$0x30 ss:$0x1], $0xffff;
	v13 =	vadd.f32 v13, v15;
	v14 =	vadd.f32 v14, v16  }
0x266: {  	v42 =	vld.idx.msk [tilespmem:v0+s25+$0x60 ss:$0x1], $0xffff;
	v43 =	vadd.f32 v36, v18;
	v44 =	vadd.f32 v37, v19  }
0x267: {  	v45 =	vld.idx.msk [tilespmem:v0+s25+$0x70 ss:$0x1], $0xffff;
	v11 =	vadd.f32 v11, v13;
	v12 =	vadd.f32 v12, v14  }
0x268: {  	v46 =	vld.idx.msk [tilespmem:v0+s25+$0xA0 ss:$0x1], $0xffff;
	v47 =	vadd.f32 v38, v43;
	v48 =	vadd.f32 v39, v44  }
0x269: {  	v49 =	vld.idx.msk [tilespmem:v0+s25+$0xB0 ss:$0x1], $0xffff;
	v9 =	vadd.f32 v9, v11;
	v10 =	vadd.f32 v10, v12  }
0x26a: {  	v50 =	vld.idx.msk [tilespmem:v0+s25+$0xE0 ss:$0x1], $0xffff;
	v51 =	vadd.f32 v40, v47;
	v52 =	vadd.f32 v41, v48  }
0x26b: {  	v53 =	vld.idx.msk [tilespmem:v0+s25+$0xF0 ss:$0x1], $0xffff;
	v7 =	vadd.f32 v7, v9;
	v8 =	vadd.f32 v8, v10  }
0x26c: {  	v54 =	vld.idx.msk [tilespmem:v0+s25+$0x120 ss:$0x1], $0xffff;
	v55 =	vadd.f32 v42, v51;
	v56 =	vadd.f32 v45, v52  }
0x26d: {  	v57 =	vld.idx.msk [tilespmem:v0+s25+$0x130 ss:$0x1], $0xffff;
	v5 =	vadd.f32 v5, v7;
	v6 =	vadd.f32 v6, v8  }
0x26e: {  	v58 =	vadd.f32 v46, v55;
	v59 =	vadd.f32 v49, v56  }
0x26f: {  	v1 =	vadd.f32 v1, v5;
	v3 =	vadd.f32 v3, v6  }
0x270: {  	v60 =	vadd.f32 v50, v58;
	v61 =	vadd.f32 v53, v59  }
0x271: {  	v1 =	vadd.f32 v2, v1;
	v62 =	vadd.f32 v4, v3  }
0x272: {  	s31 =	sshll.u32 s23, $0x4;
	s23 =	sadd.s32 $0x1, s23;
	v63 =	vadd.f32 v54, v60;
	v0 =	vadd.f32 v57, v61  }
0x273: {  	p0 =	sne.s32 s23, $0x10  }
.Ltmp11:
0x274: {  	v1 =	vadd.f32 v62, v1;
	v0 =	vadd.f32 v0, v63;
	(pc) =	sbr.rel @p0 .LBB2_22-.Ltmp11, $4  }
0x275: {  	_ = 	snop  }
0x276: {  	v0 =	vadd.f32 v0, v1  }
0x277: {  	s25 =	sand.u32 $0x3FFFFFF0, s31  }
0x278: {  	s24 =	sadd.s32 $0xC80, s24;
	[tilespmem:s25+$0x1AE00] =	vst v0  }
0x279: {  	_ =	swait.ge [sflag:s14], $0xC80  }
0x27a: {  	[sflag:s14] =	ssyncset.done $0x0  }
0x27b: {  	[sflag:s14] =	ssyncadd.s32 $0xFFFFF380  }
0x27c: {  	[tilespmem:s17], [sflag:$0x2] =	stream.indirect.gather [hbm4b:s3+s15], $0x10, s15, s15, $0xb8;
	[tilespmem:$0x1B100] =	vst v63  }
0x27d: {  	_ =	swait.ge [sflag:s18], $0xC800  }
0x27e: {  	[sflag:s18] =	ssyncset.done $0x0  }
0x27f: {  	s23 =	simm.s32 $0x0;
	s24 =	simm.s32 $0x1A40;
	[sflag:s18] =	ssyncadd.s32 $0xFFFF3800  }
.LBB2_26:
0x280: {  	v0 =	vmov s24;
	_ =	sdelay $0x3  }
0x281: {  	s25 =	simm.s32 $0x0  }
0x282: {  	v2 =	vld.idx.msk [tilespmem:v0+s25+$0x100 ss:$0x1], $0xffff  }
0x283: {  	v4 =	vld.idx.msk [tilespmem:v0+s25+$0x110 ss:$0x1], $0xffff  }
0x284: {  	v1 =	vld.idx.msk [tilespmem:v0+s25+$0xC0 ss:$0x1], $0xffff  }
0x285: {  	v3 =	vld.idx.msk [tilespmem:v0+s25+$0xD0 ss:$0x1], $0xffff  }
0x286: {  	v5 =	vld.idx.msk [tilespmem:v0+s25+$0x80 ss:$0x1], $0xffff  }
0x287: {  	v6 =	vld.idx.msk [tilespmem:v0+s25+$0x90 ss:$0x1], $0xffff  }
0x288: {  	v7 =	vld.idx.msk [tilespmem:v0+s25+$0x40 ss:$0x1], $0xffff  }
0x289: {  	v8 =	vld.idx.msk [tilespmem:v0+s25+$0x50 ss:$0x1], $0xffff  }
0x28a: {  	v9 =	vld.idx.msk [tilespmem:v0+s25+$0x0 ss:$0x1], $0xffff  }
0x28b: {  	v10 =	vld.idx.msk [tilespmem:v0+s25+$0x10 ss:$0x1], $0xffff  }
0x28c: {  	v11 =	vld.idx.msk [tilespmem:v0+s25+$0xFFFFFFC0 ss:$0x1], $0xffff  }
0x28d: {  	v12 =	vld.idx.msk [tilespmem:v0+s25+$0xFFFFFFD0 ss:$0x1], $0xffff  }
0x28e: {  	v13 =	vld.idx.msk [tilespmem:v0+s25+$0xFFFFFF80 ss:$0x1], $0xffff  }
0x28f: {  	v14 =	vld.idx.msk [tilespmem:v0+s25+$0xFFFFFF90 ss:$0x1], $0xffff  }
0x290: {  	v15 =	vld.idx.msk [tilespmem:v0+s25+$0xFFFFFF40 ss:$0x1], $0xffff  }
0x291: {  	v16 =	vld.idx.msk [tilespmem:v0+s25+$0xFFFFFF50 ss:$0x1], $0xffff  }
0x292: {  	v21 =	vld.idx.msk [tilespmem:v0+s25+$0xFFFFFF00 ss:$0x1], $0xffff  }
0x293: {  	v22 =	vld.idx.msk [tilespmem:v0+s25+$0xFFFFFF10 ss:$0x1], $0xffff  }
0x294: {  	v23 =	vld.idx.msk [tilespmem:v0+s25+$0xFFFFFEC0 ss:$0x1], $0xffff  }
0x295: {  	v17 =	vimm.f32 $0.0e+00;
	v25 =	vld.idx.msk [tilespmem:v0+s25+$0xFFFFFED0 ss:$0x1], $0xffff  }
0x296: {  	s26 =	simm.s32 $0xA00;
	v20 =	vimm.f32 $0.0e+00;
	v18 =	vimm.f32 $0.0e+00;
	v19 =	vimm.f32 $0.0e+00;
	v24 =	vld.idx.msk [tilespmem:v0+s25+$0xFFFFFEE0 ss:$0x1], $0xffff  }
.LBB2_27:
0x297: {  	p0 =	sne.s32 s26, $0x2800;
	v26 =	vld.idx.msk [tilespmem:v0+s25+$0xFFFFFEF0 ss:$0x1], $0xffff  }
0x298: {  	v27 =	vld.idx.msk [tilespmem:v0+s25+$0xFFFFFF20 ss:$0x1], $0xffff  }
0x299: {  	v28 =	vld.idx.msk [tilespmem:v0+s25+$0xFFFFFF30 ss:$0x1], $0xffff  }
0x29a: {  	v29 =	vld.idx.msk [tilespmem:v0+s25+$0xFFFFFF60 ss:$0x1], $0xffff  }
0x29b: {  	v30 =	vld.idx.msk [tilespmem:v0+s25+$0xFFFFFF70 ss:$0x1], $0xffff  }
0x29c: {  	v17 =	vadd.f32 v23, v17;
	v20 =	vadd.f32 v25, v20;
	v23 =	vld.idx.msk [tilespmem:v0+s25+$0xFFFFFFA0 ss:$0x1], $0xffff  }
0x29d: {  	v18 =	vadd.f32 v24, v18;
	v19 =	vadd.f32 v26, v19;
	v24 =	vld.idx.msk [tilespmem:v0+s25+$0xFFFFFFB0 ss:$0x1], $0xffff  }
0x29e: {  	v17 =	vadd.f32 v21, v17;
	v20 =	vadd.f32 v22, v20;
	v21 =	vld.idx.msk [tilespmem:v0+s25+$0xFFFFFFE0 ss:$0x1], $0xffff  }
0x29f: {  	v18 =	vadd.f32 v27, v18;
	v19 =	vadd.f32 v28, v19;
	v22 =	vld.idx.msk [tilespmem:v0+s25+$0xFFFFFFF0 ss:$0x1], $0xffff  }
0x2a0: {  	v15 =	vadd.f32 v15, v17;
	v16 =	vadd.f32 v16, v20;
	v17 =	vld.idx.msk [tilespmem:v0+s25+$0x20 ss:$0x1], $0xffff  }
0x2a1: {  	v18 =	vadd.f32 v29, v18;
	v19 =	vadd.f32 v30, v19;
	v20 =	vld.idx.msk [tilespmem:v0+s25+$0x30 ss:$0x1], $0xffff  }
0x2a2: {  	v13 =	vadd.f32 v13, v15;
	v14 =	vadd.f32 v14, v16;
	v15 =	vld.idx.msk [tilespmem:v0+s25+$0x60 ss:$0x1], $0xffff  }
0x2a3: {  	v16 =	vadd.f32 v23, v18;
	v18 =	vadd.f32 v24, v19;
	v19 =	vld.idx.msk [tilespmem:v0+s25+$0x70 ss:$0x1], $0xffff  }
0x2a4: {  	v11 =	vadd.f32 v11, v13;
	v12 =	vadd.f32 v12, v14;
	v13 =	vld.idx.msk [tilespmem:v0+s25+$0xA0 ss:$0x1], $0xffff  }
0x2a5: {  	v14 =	vadd.f32 v21, v16;
	v16 =	vadd.f32 v22, v18;
	v18 =	vld.idx.msk [tilespmem:v0+s25+$0xB0 ss:$0x1], $0xffff  }
0x2a6: {  	v9 =	vadd.f32 v9, v11;
	v10 =	vadd.f32 v10, v12;
	v11 =	vld.idx.msk [tilespmem:v0+s25+$0xE0 ss:$0x1], $0xffff  }
0x2a7: {  	v12 =	vadd.f32 v17, v14;
	v14 =	vadd.f32 v20, v16;
	v16 =	vld.idx.msk [tilespmem:v0+s25+$0xF0 ss:$0x1], $0xffff  }
0x2a8: {  	v7 =	vadd.f32 v7, v9;
	v8 =	vadd.f32 v8, v10;
	v9 =	vld.idx.msk [tilespmem:v0+s25+$0x120 ss:$0x1], $0xffff  }
0x2a9: {  	v10 =	vadd.f32 v15, v12;
	v12 =	vadd.f32 v19, v14;
	v14 =	vld.idx.msk [tilespmem:v0+s25+$0x130 ss:$0x1], $0xffff;
	s25 =	sshra.s32 s26, $0x2  }
0x2aa: {  	v5 =	vadd.f32 v5, v7;
	v6 =	vadd.f32 v6, v8;
	v15 =	vld.idx.msk [tilespmem:v0+s25+$0x100 ss:$0x1], $0xffff  }
0x2ab: {  	v7 =	vadd.f32 v13, v10;
	v8 =	vadd.f32 v18, v12;
	v21 =	vld.idx.msk [tilespmem:v0+s25+$0x110 ss:$0x1], $0xffff  }
0x2ac: {  	v10 =	vadd.f32 v1, v5;
	v6 =	vadd.f32 v3, v6;
	v1 =	vld.idx.msk [tilespmem:v0+s25+$0xC0 ss:$0x1], $0xffff  }
0x2ad: {  	v7 =	vadd.f32 v11, v7;
	v8 =	vadd.f32 v16, v8;
	v3 =	vld.idx.msk [tilespmem:v0+s25+$0xD0 ss:$0x1], $0xffff  }
0x2ae: {  	v17 =	vadd.f32 v2, v10;
	v20 =	vadd.f32 v4, v6;
	v5 =	vld.idx.msk [tilespmem:v0+s25+$0x80 ss:$0x1], $0xffff  }
0x2af: {  	v18 =	vadd.f32 v9, v7;
	v19 =	vadd.f32 v14, v8;
	v6 =	vld.idx.msk [tilespmem:v0+s25+$0x90 ss:$0x1], $0xffff  }
0x2b0: {  	v2 =	vmov v15;
	v7 =	vld.idx.msk [tilespmem:v0+s25+$0x40 ss:$0x1], $0xffff  }
0x2b1: {  	v4 =	vmov v21;
	v8 =	vld.idx.msk [tilespmem:v0+s25+$0x50 ss:$0x1], $0xffff  }
0x2b2: {  	v9 =	vld.idx.msk [tilespmem:v0+s25+$0x0 ss:$0x1], $0xffff  }
0x2b3: {  	v10 =	vld.idx.msk [tilespmem:v0+s25+$0x10 ss:$0x1], $0xffff  }
0x2b4: {  	v11 =	vld.idx.msk [tilespmem:v0+s25+$0xFFFFFFC0 ss:$0x1], $0xffff  }
0x2b5: {  	v12 =	vld.idx.msk [tilespmem:v0+s25+$0xFFFFFFD0 ss:$0x1], $0xffff  }
0x2b6: {  	v13 =	vld.idx.msk [tilespmem:v0+s25+$0xFFFFFF80 ss:$0x1], $0xffff  }
0x2b7: {  	v14 =	vld.idx.msk [tilespmem:v0+s25+$0xFFFFFF90 ss:$0x1], $0xffff  }
0x2b8: {  	v15 =	vld.idx.msk [tilespmem:v0+s25+$0xFFFFFF40 ss:$0x1], $0xffff  }
0x2b9: {  	v16 =	vld.idx.msk [tilespmem:v0+s25+$0xFFFFFF50 ss:$0x1], $0xffff  }
.Ltmp12:
0x2ba: {  	v21 =	vld.idx.msk [tilespmem:v0+s25+$0xFFFFFF00 ss:$0x1], $0xffff;
	(pc) =	sbr.rel @p0 .LBB2_27-.Ltmp12, $4  }
0x2bb: {  	v22 =	vld.idx.msk [tilespmem:v0+s25+$0xFFFFFF10 ss:$0x1], $0xffff  }
0x2bc: {  	v23 =	vld.idx.msk [tilespmem:v0+s25+$0xFFFFFEC0 ss:$0x1], $0xffff  }
0x2bd: {  	v25 =	vld.idx.msk [tilespmem:v0+s25+$0xFFFFFED0 ss:$0x1], $0xffff  }
0x2be: {  	s26 =	sadd.s32 $0xA00, s26;
	v24 =	vld.idx.msk [tilespmem:v0+s25+$0xFFFFFEE0 ss:$0x1], $0xffff  }
0x2bf: {  	_ =	sdelay $0x3  }
0x2c0: {  	v26 =	vld.idx.msk [tilespmem:v0+s25+$0xFFFFFEF0 ss:$0x1], $0xffff  }
0x2c1: {  	v27 =	vld.idx.msk [tilespmem:v0+s25+$0xFFFFFF20 ss:$0x1], $0xffff  }
0x2c2: {  	v28 =	vld.idx.msk [tilespmem:v0+s25+$0xFFFFFF30 ss:$0x1], $0xffff  }
0x2c3: {  	v29 =	vld.idx.msk [tilespmem:v0+s25+$0xFFFFFF60 ss:$0x1], $0xffff  }
0x2c4: {  	v30 =	vld.idx.msk [tilespmem:v0+s25+$0xFFFFFF70 ss:$0x1], $0xffff;
	v17 =	vadd.f32 v23, v17;
	v20 =	vadd.f32 v25, v20  }
0x2c5: {  	v36 =	vld.idx.msk [tilespmem:v0+s25+$0xFFFFFFA0 ss:$0x1], $0xffff;
	v18 =	vadd.f32 v24, v18;
	v19 =	vadd.f32 v26, v19  }
0x2c6: {  	v37 =	vld.idx.msk [tilespmem:v0+s25+$0xFFFFFFB0 ss:$0x1], $0xffff;
	v17 =	vadd.f32 v21, v17;
	v20 =	vadd.f32 v22, v20  }
0x2c7: {  	v38 =	vld.idx.msk [tilespmem:v0+s25+$0xFFFFFFE0 ss:$0x1], $0xffff;
	v18 =	vadd.f32 v27, v18;
	v19 =	vadd.f32 v28, v19  }
0x2c8: {  	v39 =	vld.idx.msk [tilespmem:v0+s25+$0xFFFFFFF0 ss:$0x1], $0xffff;
	v15 =	vadd.f32 v15, v17;
	v16 =	vadd.f32 v16, v20  }
0x2c9: {  	v40 =	vld.idx.msk [tilespmem:v0+s25+$0x20 ss:$0x1], $0xffff;
	v18 =	vadd.f32 v29, v18;
	v19 =	vadd.f32 v30, v19  }
0x2ca: {  	v41 =	vld.idx.msk [tilespmem:v0+s25+$0x30 ss:$0x1], $0xffff;
	v13 =	vadd.f32 v13, v15;
	v14 =	vadd.f32 v14, v16  }
0x2cb: {  	v42 =	vld.idx.msk [tilespmem:v0+s25+$0x60 ss:$0x1], $0xffff;
	v43 =	vadd.f32 v36, v18;
	v44 =	vadd.f32 v37, v19  }
0x2cc: {  	v45 =	vld.idx.msk [tilespmem:v0+s25+$0x70 ss:$0x1], $0xffff;
	v11 =	vadd.f32 v11, v13;
	v12 =	vadd.f32 v12, v14  }
0x2cd: {  	v46 =	vld.idx.msk [tilespmem:v0+s25+$0xA0 ss:$0x1], $0xffff;
	v47 =	vadd.f32 v38, v43;
	v48 =	vadd.f32 v39, v44  }
0x2ce: {  	v49 =	vld.idx.msk [tilespmem:v0+s25+$0xB0 ss:$0x1], $0xffff;
	v9 =	vadd.f32 v9, v11;
	v10 =	vadd.f32 v10, v12  }
0x2cf: {  	v50 =	vld.idx.msk [tilespmem:v0+s25+$0xE0 ss:$0x1], $0xffff;
	v51 =	vadd.f32 v40, v47;
	v52 =	vadd.f32 v41, v48  }
0x2d0: {  	v53 =	vld.idx.msk [tilespmem:v0+s25+$0xF0 ss:$0x1], $0xffff;
	v7 =	vadd.f32 v7, v9;
	v8 =	vadd.f32 v8, v10  }
0x2d1: {  	v54 =	vld.idx.msk [tilespmem:v0+s25+$0x120 ss:$0x1], $0xffff;
	v55 =	vadd.f32 v42, v51;
	v56 =	vadd.f32 v45, v52  }
0x2d2: {  	v57 =	vld.idx.msk [tilespmem:v0+s25+$0x130 ss:$0x1], $0xffff;
	v5 =	vadd.f32 v5, v7;
	v6 =	vadd.f32 v6, v8  }
0x2d3: {  	v58 =	vadd.f32 v46, v55;
	v59 =	vadd.f32 v49, v56  }
0x2d4: {  	v1 =	vadd.f32 v1, v5;
	v3 =	vadd.f32 v3, v6  }
0x2d5: {  	v60 =	vadd.f32 v50, v58;
	v61 =	vadd.f32 v53, v59  }
0x2d6: {  	v1 =	vadd.f32 v2, v1;
	v62 =	vadd.f32 v4, v3  }
0x2d7: {  	s31 =	sshll.u32 s23, $0x4;
	s23 =	sadd.s32 $0x1, s23;
	v63 =	vadd.f32 v54, v60;
	v0 =	vadd.f32 v57, v61  }
0x2d8: {  	p0 =	sne.s32 s23, $0x10  }
.Ltmp13:
0x2d9: {  	v1 =	vadd.f32 v62, v1;
	v0 =	vadd.f32 v0, v63;
	(pc) =	sbr.rel @p0 .LBB2_26-.Ltmp13, $4  }
0x2da: {  	_ = 	snop  }
0x2db: {  	v0 =	vadd.f32 v0, v1  }
0x2dc: {  	s25 =	sand.u32 $0x3FFFFFF0, s31  }
0x2dd: {  	s24 =	sadd.s32 $0xC80, s24;
	[tilespmem:s25+$0x1AF00] =	vst v0  }
0x2de: {  	_ =	swait.ge [sflag:s19], $0xC800  }
0x2df: {  	[sflag:s19] =	ssyncset.done $0x0  }
0x2e0: {  	s23 =	simm.s32 $0x0;
	s24 =	simm.s32 $0xE240;
	[sflag:s19] =	ssyncadd.s32 $0xFFFF3800  }
.LBB2_30:
0x2e1: {  	v0 =	vmov s24;
	_ =	sdelay $0x3  }
0x2e2: {  	s25 =	simm.s32 $0x0  }
0x2e3: {  	v2 =	vld.idx.msk [tilespmem:v0+s25+$0x100 ss:$0x1], $0xffff  }
0x2e4: {  	v4 =	vld.idx.msk [tilespmem:v0+s25+$0x110 ss:$0x1], $0xffff  }
0x2e5: {  	v1 =	vld.idx.msk [tilespmem:v0+s25+$0xC0 ss:$0x1], $0xffff  }
0x2e6: {  	v3 =	vld.idx.msk [tilespmem:v0+s25+$0xD0 ss:$0x1], $0xffff  }
0x2e7: {  	v5 =	vld.idx.msk [tilespmem:v0+s25+$0x80 ss:$0x1], $0xffff  }
0x2e8: {  	v6 =	vld.idx.msk [tilespmem:v0+s25+$0x90 ss:$0x1], $0xffff  }
0x2e9: {  	v7 =	vld.idx.msk [tilespmem:v0+s25+$0x40 ss:$0x1], $0xffff  }
0x2ea: {  	v8 =	vld.idx.msk [tilespmem:v0+s25+$0x50 ss:$0x1], $0xffff  }
0x2eb: {  	v9 =	vld.idx.msk [tilespmem:v0+s25+$0x0 ss:$0x1], $0xffff  }
0x2ec: {  	v10 =	vld.idx.msk [tilespmem:v0+s25+$0x10 ss:$0x1], $0xffff  }
0x2ed: {  	v11 =	vld.idx.msk [tilespmem:v0+s25+$0xFFFFFFC0 ss:$0x1], $0xffff  }
0x2ee: {  	v12 =	vld.idx.msk [tilespmem:v0+s25+$0xFFFFFFD0 ss:$0x1], $0xffff  }
0x2ef: {  	v13 =	vld.idx.msk [tilespmem:v0+s25+$0xFFFFFF80 ss:$0x1], $0xffff  }
0x2f0: {  	v14 =	vld.idx.msk [tilespmem:v0+s25+$0xFFFFFF90 ss:$0x1], $0xffff  }
0x2f1: {  	v15 =	vld.idx.msk [tilespmem:v0+s25+$0xFFFFFF40 ss:$0x1], $0xffff  }
0x2f2: {  	v16 =	vld.idx.msk [tilespmem:v0+s25+$0xFFFFFF50 ss:$0x1], $0xffff  }
0x2f3: {  	v21 =	vld.idx.msk [tilespmem:v0+s25+$0xFFFFFF00 ss:$0x1], $0xffff  }
0x2f4: {  	v22 =	vld.idx.msk [tilespmem:v0+s25+$0xFFFFFF10 ss:$0x1], $0xffff  }
0x2f5: {  	v23 =	vld.idx.msk [tilespmem:v0+s25+$0xFFFFFEC0 ss:$0x1], $0xffff  }
0x2f6: {  	v17 =	vimm.f32 $0.0e+00;
	v25 =	vld.idx.msk [tilespmem:v0+s25+$0xFFFFFED0 ss:$0x1], $0xffff  }
0x2f7: {  	s26 =	simm.s32 $0xA00;
	v20 =	vimm.f32 $0.0e+00;
	v18 =	vimm.f32 $0.0e+00;
	v19 =	vimm.f32 $0.0e+00;
	v24 =	vld.idx.msk [tilespmem:v0+s25+$0xFFFFFEE0 ss:$0x1], $0xffff  }
.LBB2_31:
0x2f8: {  	p0 =	sne.s32 s26, $0x2800;
	v26 =	vld.idx.msk [tilespmem:v0+s25+$0xFFFFFEF0 ss:$0x1], $0xffff  }
0x2f9: {  	v27 =	vld.idx.msk [tilespmem:v0+s25+$0xFFFFFF20 ss:$0x1], $0xffff  }
0x2fa: {  	v28 =	vld.idx.msk [tilespmem:v0+s25+$0xFFFFFF30 ss:$0x1], $0xffff  }
0x2fb: {  	v29 =	vld.idx.msk [tilespmem:v0+s25+$0xFFFFFF60 ss:$0x1], $0xffff  }
0x2fc: {  	v30 =	vld.idx.msk [tilespmem:v0+s25+$0xFFFFFF70 ss:$0x1], $0xffff  }
0x2fd: {  	v17 =	vadd.f32 v23, v17;
	v20 =	vadd.f32 v25, v20;
	v23 =	vld.idx.msk [tilespmem:v0+s25+$0xFFFFFFA0 ss:$0x1], $0xffff  }
0x2fe: {  	v18 =	vadd.f32 v24, v18;
	v19 =	vadd.f32 v26, v19;
	v24 =	vld.idx.msk [tilespmem:v0+s25+$0xFFFFFFB0 ss:$0x1], $0xffff  }
0x2ff: {  	v17 =	vadd.f32 v21, v17;
	v20 =	vadd.f32 v22, v20;
	v21 =	vld.idx.msk [tilespmem:v0+s25+$0xFFFFFFE0 ss:$0x1], $0xffff  }
0x300: {  	v18 =	vadd.f32 v27, v18;
	v19 =	vadd.f32 v28, v19;
	v22 =	vld.idx.msk [tilespmem:v0+s25+$0xFFFFFFF0 ss:$0x1], $0xffff  }
0x301: {  	v15 =	vadd.f32 v15, v17;
	v16 =	vadd.f32 v16, v20;
	v17 =	vld.idx.msk [tilespmem:v0+s25+$0x20 ss:$0x1], $0xffff  }
0x302: {  	v18 =	vadd.f32 v29, v18;
	v19 =	vadd.f32 v30, v19;
	v20 =	vld.idx.msk [tilespmem:v0+s25+$0x30 ss:$0x1], $0xffff  }
0x303: {  	v13 =	vadd.f32 v13, v15;
	v14 =	vadd.f32 v14, v16;
	v15 =	vld.idx.msk [tilespmem:v0+s25+$0x60 ss:$0x1], $0xffff  }
0x304: {  	v16 =	vadd.f32 v23, v18;
	v18 =	vadd.f32 v24, v19;
	v19 =	vld.idx.msk [tilespmem:v0+s25+$0x70 ss:$0x1], $0xffff  }
0x305: {  	v11 =	vadd.f32 v11, v13;
	v12 =	vadd.f32 v12, v14;
	v13 =	vld.idx.msk [tilespmem:v0+s25+$0xA0 ss:$0x1], $0xffff  }
0x306: {  	v14 =	vadd.f32 v21, v16;
	v16 =	vadd.f32 v22, v18;
	v18 =	vld.idx.msk [tilespmem:v0+s25+$0xB0 ss:$0x1], $0xffff  }
0x307: {  	v9 =	vadd.f32 v9, v11;
	v10 =	vadd.f32 v10, v12;
	v11 =	vld.idx.msk [tilespmem:v0+s25+$0xE0 ss:$0x1], $0xffff  }
0x308: {  	v12 =	vadd.f32 v17, v14;
	v14 =	vadd.f32 v20, v16;
	v16 =	vld.idx.msk [tilespmem:v0+s25+$0xF0 ss:$0x1], $0xffff  }
0x309: {  	v7 =	vadd.f32 v7, v9;
	v8 =	vadd.f32 v8, v10;
	v9 =	vld.idx.msk [tilespmem:v0+s25+$0x120 ss:$0x1], $0xffff  }
0x30a: {  	v10 =	vadd.f32 v15, v12;
	v12 =	vadd.f32 v19, v14;
	v14 =	vld.idx.msk [tilespmem:v0+s25+$0x130 ss:$0x1], $0xffff;
	s25 =	sshra.s32 s26, $0x2  }
0x30b: {  	v5 =	vadd.f32 v5, v7;
	v6 =	vadd.f32 v6, v8;
	v15 =	vld.idx.msk [tilespmem:v0+s25+$0x100 ss:$0x1], $0xffff  }
0x30c: {  	v7 =	vadd.f32 v13, v10;
	v8 =	vadd.f32 v18, v12;
	v21 =	vld.idx.msk [tilespmem:v0+s25+$0x110 ss:$0x1], $0xffff  }
0x30d: {  	v10 =	vadd.f32 v1, v5;
	v6 =	vadd.f32 v3, v6;
	v1 =	vld.idx.msk [tilespmem:v0+s25+$0xC0 ss:$0x1], $0xffff  }
0x30e: {  	v7 =	vadd.f32 v11, v7;
	v8 =	vadd.f32 v16, v8;
	v3 =	vld.idx.msk [tilespmem:v0+s25+$0xD0 ss:$0x1], $0xffff  }
0x30f: {  	v17 =	vadd.f32 v2, v10;
	v20 =	vadd.f32 v4, v6;
	v5 =	vld.idx.msk [tilespmem:v0+s25+$0x80 ss:$0x1], $0xffff  }
0x310: {  	v18 =	vadd.f32 v9, v7;
	v19 =	vadd.f32 v14, v8;
	v6 =	vld.idx.msk [tilespmem:v0+s25+$0x90 ss:$0x1], $0xffff  }
0x311: {  	v2 =	vmov v15;
	v7 =	vld.idx.msk [tilespmem:v0+s25+$0x40 ss:$0x1], $0xffff  }
0x312: {  	v4 =	vmov v21;
	v8 =	vld.idx.msk [tilespmem:v0+s25+$0x50 ss:$0x1], $0xffff  }
0x313: {  	v9 =	vld.idx.msk [tilespmem:v0+s25+$0x0 ss:$0x1], $0xffff  }
0x314: {  	v10 =	vld.idx.msk [tilespmem:v0+s25+$0x10 ss:$0x1], $0xffff  }
0x315: {  	v11 =	vld.idx.msk [tilespmem:v0+s25+$0xFFFFFFC0 ss:$0x1], $0xffff  }
0x316: {  	v12 =	vld.idx.msk [tilespmem:v0+s25+$0xFFFFFFD0 ss:$0x1], $0xffff  }
0x317: {  	v13 =	vld.idx.msk [tilespmem:v0+s25+$0xFFFFFF80 ss:$0x1], $0xffff  }
0x318: {  	v14 =	vld.idx.msk [tilespmem:v0+s25+$0xFFFFFF90 ss:$0x1], $0xffff  }
0x319: {  	v15 =	vld.idx.msk [tilespmem:v0+s25+$0xFFFFFF40 ss:$0x1], $0xffff  }
0x31a: {  	v16 =	vld.idx.msk [tilespmem:v0+s25+$0xFFFFFF50 ss:$0x1], $0xffff  }
.Ltmp14:
0x31b: {  	v21 =	vld.idx.msk [tilespmem:v0+s25+$0xFFFFFF00 ss:$0x1], $0xffff;
	(pc) =	sbr.rel @p0 .LBB2_31-.Ltmp14, $4  }
0x31c: {  	v22 =	vld.idx.msk [tilespmem:v0+s25+$0xFFFFFF10 ss:$0x1], $0xffff  }
0x31d: {  	v23 =	vld.idx.msk [tilespmem:v0+s25+$0xFFFFFEC0 ss:$0x1], $0xffff  }
0x31e: {  	v25 =	vld.idx.msk [tilespmem:v0+s25+$0xFFFFFED0 ss:$0x1], $0xffff  }
0x31f: {  	s26 =	sadd.s32 $0xA00, s26;
	v24 =	vld.idx.msk [tilespmem:v0+s25+$0xFFFFFEE0 ss:$0x1], $0xffff  }
0x320: {  	_ =	sdelay $0x3  }
0x321: {  	v26 =	vld.idx.msk [tilespmem:v0+s25+$0xFFFFFEF0 ss:$0x1], $0xffff  }
0x322: {  	v27 =	vld.idx.msk [tilespmem:v0+s25+$0xFFFFFF20 ss:$0x1], $0xffff  }
0x323: {  	v28 =	vld.idx.msk [tilespmem:v0+s25+$0xFFFFFF30 ss:$0x1], $0xffff  }
0x324: {  	v29 =	vld.idx.msk [tilespmem:v0+s25+$0xFFFFFF60 ss:$0x1], $0xffff  }
0x325: {  	v30 =	vld.idx.msk [tilespmem:v0+s25+$0xFFFFFF70 ss:$0x1], $0xffff;
	v17 =	vadd.f32 v23, v17;
	v20 =	vadd.f32 v25, v20  }
0x326: {  	v36 =	vld.idx.msk [tilespmem:v0+s25+$0xFFFFFFA0 ss:$0x1], $0xffff;
	v18 =	vadd.f32 v24, v18;
	v19 =	vadd.f32 v26, v19  }
0x327: {  	v37 =	vld.idx.msk [tilespmem:v0+s25+$0xFFFFFFB0 ss:$0x1], $0xffff;
	v17 =	vadd.f32 v21, v17;
	v20 =	vadd.f32 v22, v20  }
0x328: {  	v38 =	vld.idx.msk [tilespmem:v0+s25+$0xFFFFFFE0 ss:$0x1], $0xffff;
	v18 =	vadd.f32 v27, v18;
	v19 =	vadd.f32 v28, v19  }
0x329: {  	v39 =	vld.idx.msk [tilespmem:v0+s25+$0xFFFFFFF0 ss:$0x1], $0xffff;
	v15 =	vadd.f32 v15, v17;
	v16 =	vadd.f32 v16, v20  }
0x32a: {  	v40 =	vld.idx.msk [tilespmem:v0+s25+$0x20 ss:$0x1], $0xffff;
	v18 =	vadd.f32 v29, v18;
	v19 =	vadd.f32 v30, v19  }
0x32b: {  	v41 =	vld.idx.msk [tilespmem:v0+s25+$0x30 ss:$0x1], $0xffff;
	v13 =	vadd.f32 v13, v15;
	v14 =	vadd.f32 v14, v16  }
0x32c: {  	v42 =	vld.idx.msk [tilespmem:v0+s25+$0x60 ss:$0x1], $0xffff;
	v43 =	vadd.f32 v36, v18;
	v44 =	vadd.f32 v37, v19  }
0x32d: {  	v45 =	vld.idx.msk [tilespmem:v0+s25+$0x70 ss:$0x1], $0xffff;
	v11 =	vadd.f32 v11, v13;
	v12 =	vadd.f32 v12, v14  }
0x32e: {  	v46 =	vld.idx.msk [tilespmem:v0+s25+$0xA0 ss:$0x1], $0xffff;
	v47 =	vadd.f32 v38, v43;
	v48 =	vadd.f32 v39, v44  }
0x32f: {  	v49 =	vld.idx.msk [tilespmem:v0+s25+$0xB0 ss:$0x1], $0xffff;
	v9 =	vadd.f32 v9, v11;
	v10 =	vadd.f32 v10, v12  }
0x330: {  	v50 =	vld.idx.msk [tilespmem:v0+s25+$0xE0 ss:$0x1], $0xffff;
	v51 =	vadd.f32 v40, v47;
	v52 =	vadd.f32 v41, v48  }
0x331: {  	v53 =	vld.idx.msk [tilespmem:v0+s25+$0xF0 ss:$0x1], $0xffff;
	v7 =	vadd.f32 v7, v9;
	v8 =	vadd.f32 v8, v10  }
0x332: {  	v54 =	vld.idx.msk [tilespmem:v0+s25+$0x120 ss:$0x1], $0xffff;
	v55 =	vadd.f32 v42, v51;
	v56 =	vadd.f32 v45, v52  }
0x333: {  	v57 =	vld.idx.msk [tilespmem:v0+s25+$0x130 ss:$0x1], $0xffff;
	v5 =	vadd.f32 v5, v7;
	v6 =	vadd.f32 v6, v8  }
0x334: {  	v58 =	vadd.f32 v46, v55;
	v59 =	vadd.f32 v49, v56  }
0x335: {  	v1 =	vadd.f32 v1, v5;
	v3 =	vadd.f32 v3, v6  }
0x336: {  	v60 =	vadd.f32 v50, v58;
	v61 =	vadd.f32 v53, v59  }
0x337: {  	v1 =	vadd.f32 v2, v1;
	v62 =	vadd.f32 v4, v3  }
0x338: {  	s31 =	sshll.u32 s23, $0x4;
	s23 =	sadd.s32 $0x1, s23;
	v63 =	vadd.f32 v54, v60;
	v0 =	vadd.f32 v57, v61  }
0x339: {  	p0 =	sne.s32 s23, $0x10  }
.Ltmp15:
0x33a: {  	v1 =	vadd.f32 v62, v1;
	v0 =	vadd.f32 v0, v63;
	(pc) =	sbr.rel @p0 .LBB2_30-.Ltmp15, $4  }
0x33b: {  	_ = 	snop  }
0x33c: {  	v0 =	vadd.f32 v0, v1  }
0x33d: {  	s25 =	sand.u32 $0x3FFFFFF0, s31  }
0x33e: {  	s24 =	sadd.s32 $0xC80, s24;
	[tilespmem:s25+$0x1B000] =	vst v0  }
0x33f: {  	s22 =	sadd.s32 $0x1, s22  }
0x340: {  	p0 =	sne.s32 s22, s13  }
.Ltmp16:
0x341: {  	_ = 	snop;
	(pc) =	sbr.rel @p0 .LBB2_1-.Ltmp16, $4  }
0x342: {  	[hbm4b:s12+s2] =	stream.linear.scatter [tilespmem:s20], [sflag:$0x4], $0x800, $0x38;
	[tilespmem:$0x1B100] =	vst v63  }
0x343: {  	_ =	swait.ge [sflag:s21], $0x800  }
0x344: {  	[sflag:s21] =	ssyncset.done $0x0  }
0x345: {  	[sflag:s21] =	ssyncadd.s32 $0xFFFFF800  }
0x346: {  	_ =	sfence.sel $0x180000  }
0x347: {  	[bflag:$0x0] =	sbarrier.arrive $0xFFFF  }
0x348: {  	p0 =	sne.s32 s0, $0x0;
	_ =	strace $0x90000047  }
0x349: {  	s0 =	sadd.s32 @!p0 $0x100000, s1;
	[bflag:$0x2] =	sbarrier.arrive $0xFFFF  }
0x34a: {  	[sflag:s0] =	ssyncadd.tile.s32 @!p0 $0x1;
	_ =	shalt  }
.Lfunc_end2:
_tile_overlayer_lowered:
.L_overlay_start_2:
0x34b: {  	(tag) =	ssettag $0x2  }
0x34c: {  	s0 =	rddreg [dreg:$0x0];
	s2 =	stileid.u32  }
0x34d: {  	s1 =	rddreg [dreg:$0x1];
	p0 =	sne.s32 s2, $0x0  }
0x34e: {  	s3 =	rddreg [dreg:$0x2];
	[bflag:$0x3] =	sbarrier.arrive $0xFFFF;
	s2 =	simm.s32 @!p0 $0x1C04  }
0x34f: {  	[timem:s3], [sflag:s2] =	dma.local @!p0 [hbm:s0], s1  }
0x350: {  	s0 =	simm.s32 @!p0 $0x4  }
0x351: {  	_ =	swait.ge @!p0 [sflag:s0], s1  }
0x352: {  	s1 =	ssub.s32 @!p0 $0x0, s1;
	[sflag:s0] =	ssyncset.done @!p0 $0x0  }
0x353: {  	[sflag:s0] =	ssyncadd.s32 @!p0 s1  }
0x354: {  	[bflag:$0x3] =	sbarrier.arrive $0xFFFF  }
0x355: {  	_ =	shalt  }

</sc_bundles>
